<compile_context>
chip_gen: v7x
topology: tpu7x:2x2x1
jax: 0.10.2.dev20260603
libtpu: 0.0.44.dev20260713+nightly
codegen_flags: <defaults>
</compile_context>

<pallas_src>
import functools

import jax
import jax.numpy as jnp
from jax import lax
from jax.experimental import pallas as pl
from jax.experimental.pallas import tpu as pltpu
from jax.experimental.pallas import tpu_sc as plsc

N_NODES = 10000
N_PAD = 10240
N_EDGES = 320000
D = 128
L = 16

NC = 2
NS = 16
NW = NC * NS

EPT = N_EDGES // NW
C = 40
NK = EPT // C
ROWS_PER_SUB = N_PAD // NS
OUT_CHUNK = 32

_mesh = plsc.VectorSubcoreMesh(core_axis_name="c", subcore_axis_name="s")


@functools.partial(
    pl.kernel,
    out_type=jax.ShapeDtypeStruct((NC, N_PAD, D), jnp.float32),
    mesh=_mesh,
    scratch_types=[
        pltpu.VMEM_SHARED((N_PAD, D), jnp.float32),
        pltpu.VMEM((EPT,), jnp.int32),
        pltpu.VMEM((C,), jnp.int32),
        pltpu.VMEM((C,), jnp.int32),
        pltpu.VMEM((C,), jnp.int32),
        pltpu.VMEM((C, D), jnp.float32),
        pltpu.VMEM((C, D), jnp.float32),
        pltpu.VMEM((C, D), jnp.float32),
        pltpu.VMEM((C, D), jnp.float32),
        pltpu.VMEM((C, D), jnp.float32),
        pltpu.VMEM((C, D), jnp.float32),
        pltpu.VMEM((OUT_CHUNK, D), jnp.float32),
        pltpu.SemaphoreType.DMA,
        pltpu.SemaphoreType.DMA,
        pltpu.SemaphoreType.DMA,
        pltpu.SemaphoreType.DMA,
        pltpu.SemaphoreType.DMA,
        pltpu.SemaphoreType.DMA,
        pltpu.SemaphoreType.DMA,
        pltpu.SemaphoreType.DMA,
        pltpu.SemaphoreType.DMA,
        pltpu.SemaphoreType.DMA,
        pltpu.SemaphoreType.DMA,
        pltpu.SemaphoreType.DMA,
    ],
)
def _sc_scatter(node_hbm, eidx_hbm, edge_hbm, out_hbm,
                acc, didx, si0, si1, si2, eb0, eb1, eb2, rw0, rw1, rw2, obuf,
                smi0, smi1, smi2, sme0, sme1, sme2,
                smg0, smg1, smg2, sms0, sms1, sms2):
    c = lax.axis_index("c")
    s = lax.axis_index("s")
    wid = s * NC + c
    sidx = (si0, si1, si2)
    ebuf = (eb0, eb1, eb2)
    rows = (rw0, rw1, rw2)
    sem_i = (smi0, smi1, smi2)
    sem_e = (sme0, sme1, sme2)
    sem_g = (smg0, smg1, smg2)
    sem_s = (sms0, sms1, sms2)

    didx_cp = pltpu.make_async_copy(
        eidx_hbm.at[pl.ds(N_EDGES + wid * EPT, EPT)], didx, sms0)
    didx_cp.start()

    zeros = jnp.zeros((L,), jnp.float32)

    def _zrow(i, _):
        for jj in range(D // L):
            obuf[i, pl.ds(jj * L, L)] = zeros
        return 0

    lax.fori_loop(0, OUT_CHUNK, _zrow, 0)
    zcps = [pltpu.make_async_copy(
        obuf, acc.at[pl.ds(s * ROWS_PER_SUB + p * OUT_CHUNK, OUT_CHUNK), :],
        smi0) for p in range(ROWS_PER_SUB // OUT_CHUNK)]
    for cp in zcps:
        cp.start()
    for cp in zcps:
        cp.wait()
    didx_cp.wait()
    plsc.subcore_barrier()

    def _idx_cp(t, m):
        return pltpu.make_async_copy(
            eidx_hbm.at[pl.ds(wid * EPT + t * C, C)], sidx[m], sem_i[m])

    def _edge_cp(t, m):
        return pltpu.make_async_copy(
            edge_hbm.at[pl.ds(wid * EPT + t * C, C), :], ebuf[m], sem_e[m])

    def _gather_cp(m):
        return pltpu.make_async_copy(
            node_hbm.at[sidx[m]], rows[m], sem_g[m])

    def _scatter_cp(t, m):
        return pltpu.make_async_copy(
            ebuf[m], acc.at[didx.at[pl.ds(t * C, C)]], sem_s[m])

    def _compute(m):
        eb, rb = ebuf[m], rows[m]

        def _row(i, _):
            i0 = i * 4
            for r in range(4):
                for jj in range(D // L):
                    sl = pl.ds(jj * L, L)
                    eb[i0 + r, sl] = jnp.maximum(rb[i0 + r, sl] + eb[i0 + r, sl], 0.0)
            return 0

        lax.fori_loop(0, C // 4, _row, 0)

    def _body(t, m, first):
        m1 = (m + 1) % 3
        m2 = (m + 2) % 3
        @pl.when(t < NK - 1)
        def _():
            _idx_cp(t + 1, m1).wait()
            _edge_cp(t + 1, m1).start()
            _gather_cp(m1).start()

        @pl.when(t < NK - 2)
        def _():
            _idx_cp(t + 2, m2).start()

        _edge_cp(t, m).wait()
        _gather_cp(m).wait()
        _compute(m)
        if not first:
            _scatter_cp(t - 1, m2).wait()
        _scatter_cp(t, m).start(add=True)

    pltpu.sync_copy(eidx_hbm.at[pl.ds(wid * EPT, C)], sidx[0])
    _edge_cp(0, 0).start()
    _gather_cp(0).start()
    _idx_cp(1, 1).start()
    _body(0, 0, True)

    def _trio(k, _):
        for j in range(3):
            t = 1 + 3 * k + j
            _body(t, (1 + j) % 3, False)
        return 0

    lax.fori_loop(0, (NK - 1) // 3, _trio, 0)
    _scatter_cp(NK - 1, (NK - 1) % 3).wait()

    plsc.subcore_barrier()
    r0 = s * ROWS_PER_SUB
    pltpu.sync_copy(acc.at[pl.ds(r0, ROWS_PER_SUB), :],
                    out_hbm.at[c, pl.ds(r0, ROWS_PER_SUB), :])


def _combine_body(eps_ref, x_ref, p0_ref, p1_ref, o_ref):
    o_ref[...] = ((1.0 + eps_ref[0]) * x_ref[...]
                  + p0_ref[0, ...] + p1_ref[0, ...])


_ROWS_BLK = 2000


def _combine(eps, x, partials):
    blk = pl.BlockSpec((_ROWS_BLK, D), lambda i: (i, 0))
    pblk0 = pl.BlockSpec((1, _ROWS_BLK, D), lambda i: (0, i, 0))
    pblk1 = pl.BlockSpec((1, _ROWS_BLK, D), lambda i: (1, i, 0))
    return pl.pallas_call(
        _combine_body,
        out_shape=jax.ShapeDtypeStruct((N_NODES, D), jnp.float32),
        grid=(N_NODES // _ROWS_BLK,),
        in_specs=[pl.BlockSpec(memory_space=pltpu.SMEM), blk, pblk0, pblk1],
        out_specs=blk,
    )(eps, x, partials, partials)


def kernel(node_feat, edge_index, edge_feat, eps):
    eidx = edge_index.astype(jnp.int32).reshape(-1)
    partials = _sc_scatter(node_feat, eidx, edge_feat)
    return _combine(eps, node_feat, partials)

# --- scband reference (transcript-rebuilt; emitter-appended) ---
"""Pipeline reference for scband-gine-layer-42691974922448 (READ-ONLY COPY).

The authoritative reference and input builder live on the scoring server;
editing this copy changes nothing except your own understanding.
"""

import jax, jax.numpy as jnp
import numpy as np

N_NODES = 10000
N_EDGES = 320000
D_FEAT = 128


def setup_inputs(seed: int = 0) -> dict:
    key = jax.random.key(seed)
    k1, k2, k3 = jax.random.split(key, 3)
    node_feat = jax.random.normal(k1, (N_NODES, D_FEAT), dtype=jnp.float32)
    edge_index = jax.random.randint(k2, (2, N_EDGES), 0, N_NODES, dtype=jnp.int32).astype(jnp.int64)
    edge_feat = jax.random.normal(k3, (N_EDGES, D_FEAT), dtype=jnp.float32)
    # buffer: eps = FloatTensor([init_eps]) with init_eps=0, learn_eps=False
    eps = jnp.zeros((1,), dtype=jnp.float32)
    return {"node_feat": node_feat, "edge_index": edge_index, "edge_feat": edge_feat, "eps": eps}


def reference(node_feat, edge_index, edge_feat, eps):
    # GINE message passing with edge_dim=None and apply_func=None:
    #   m_e = relu(x[src_e] + edge_feat_e)
    #   neigh_v = sum_{e: dst_e = v} m_e
    #   out = (1 + eps) * x + neigh
    src = edge_index[0]
    dst = edge_index[1]
    m = jax.nn.relu(jnp.take(node_feat, src, axis=0) + edge_feat)
    neigh = jax.ops.segment_sum(m, dst, num_segments=node_feat.shape[0])
    rst = (1.0 + eps) * node_feat + neigh
    return rst

if __name__ == "__main__":
    import jax
    _d = setup_inputs()
    print(jax.jit(kernel)(*tuple(_d.values())))

</pallas_src>

<mosaic_0001>
#map = affine_map<(d0, d1) -> (0, 0)>
#map1 = affine_map<(d0, d1) -> (0)>
#map2 = affine_map<(d0, d1) -> (0, 0, 0)>
module attributes {stable_mosaic.version = 14 : i64} {
  func.func @_sc_scatter(%arg0: i32, %arg1: i32, %arg2: memref<10000x128xf32, #tpu.memory_space<hbm>>, %arg3: memref<640000xi32, #tpu.memory_space<hbm>>, %arg4: memref<320000x128xf32, #tpu.memory_space<hbm>>, %arg5: memref<2x10240x128xf32, #tpu.memory_space<hbm>>, %arg6: memref<10240x128xf32, #tpu.memory_space<vmem_shared>>, %arg7: memref<10000xi32, #tpu.memory_space<vmem>>, %arg8: memref<40xi32, #tpu.memory_space<vmem>>, %arg9: memref<40xi32, #tpu.memory_space<vmem>>, %arg10: memref<40xi32, #tpu.memory_space<vmem>>, %arg11: memref<40x128xf32, #tpu.memory_space<vmem>>, %arg12: memref<40x128xf32, #tpu.memory_space<vmem>>, %arg13: memref<40x128xf32, #tpu.memory_space<vmem>>, %arg14: memref<40x128xf32, #tpu.memory_space<vmem>>, %arg15: memref<40x128xf32, #tpu.memory_space<vmem>>, %arg16: memref<40x128xf32, #tpu.memory_space<vmem>>, %arg17: memref<32x128xf32, #tpu.memory_space<vmem>>, %arg18: memref<!tpu.dma_semaphore, #tpu.memory_space<semaphore_mem>>, %arg19: memref<!tpu.dma_semaphore, #tpu.memory_space<semaphore_mem>>, %arg20: memref<!tpu.dma_semaphore, #tpu.memory_space<semaphore_mem>>, %arg21: memref<!tpu.dma_semaphore, #tpu.memory_space<semaphore_mem>>, %arg22: memref<!tpu.dma_semaphore, #tpu.memory_space<semaphore_mem>>, %arg23: memref<!tpu.dma_semaphore, #tpu.memory_space<semaphore_mem>>, %arg24: memref<!tpu.dma_semaphore, #tpu.memory_space<semaphore_mem>>, %arg25: memref<!tpu.dma_semaphore, #tpu.memory_space<semaphore_mem>>, %arg26: memref<!tpu.dma_semaphore, #tpu.memory_space<semaphore_mem>>, %arg27: memref<!tpu.dma_semaphore, #tpu.memory_space<semaphore_mem>>, %arg28: memref<!tpu.dma_semaphore, #tpu.memory_space<semaphore_mem>>, %arg29: memref<!tpu.dma_semaphore, #tpu.memory_space<semaphore_mem>>) attributes {dimension_semantics = [#tpu.dimension_semantics<core_parallel>, #tpu.dimension_semantics<subcore_parallel>], iteration_bounds = array<i64: 2, 16>, scalar_prefetch = 0 : i64, scratch_operands = 24 : i64, tpu.core_type = #tpu.core_type<sc_vector_subcore>, window_params = [{transform_indices = #map}, {transform_indices = #map1}, {transform_indices = #map}, {transform_indices = #map2}]} {
    %mul3A = arith.constant 2 : i32
    %mul3A_0 = arith.muli %arg1, %mul3A : i32
    %add3A = arith.addi %mul3A_0, %arg0 : i32
    %mul3A_1 = arith.constant 10000 : i32
    %mul3A_2 = arith.muli %add3A, %mul3A_1 : i32
    %add3A_3 = arith.constant 320000 : i32
    %add3A_4 = arith.addi %add3A_3, %mul3A_2 : i32
    %dma_start3A = tpu.memref_slice %arg3[%add3A_4] : memref<640000xi32, #tpu.memory_space<hbm>> -> memref<10000xi32, #tpu.memory_space<hbm>>
    %dma_start3A_5 = tpu.memref_slice %arg3[%add3A_4] : memref<640000xi32, #tpu.memory_space<hbm>> -> memref<10000xi32, #tpu.memory_space<hbm>>
    tpu.enqueue_dma source(%dma_start3A_5 : memref<10000xi32, #tpu.memory_space<hbm>>) target(%arg7 : memref<10000xi32, #tpu.memory_space<vmem>>) target_semaphore(%arg27 : memref<!tpu.dma_semaphore, #tpu.memory_space<semaphore_mem>>)
    %broadcast_in_dim3A = arith.constant 0.000000e+00 : f32
    %broadcast_in_dim3A_6 = vector.broadcast %broadcast_in_dim3A : f32 to vector<16xf32>
    %scan3A = arith.constant 0 : i32
    %scan3A_7 = arith.constant 0 : i32
    %scan3A_8 = arith.constant 32 : i32
    %scan3A_9 = arith.addi %scan3A_7, %scan3A_8 : i32
    %scan3A_10 = arith.constant 1 : i32
    %scan3A_11 = scf.for %scan3A_334 = %scan3A_7 to %scan3A_9 step %scan3A_10 iter_args(%scan3A_335 = %scan3A) -> (i32)  : i32 {
      %swap3A = arith.index_cast %scan3A_334 : i32 to index
      %swap3A_336 = arith.constant 0 : index
      %swap3A_337 = tpu.vector_load %arg17[%swap3A, %swap3A_336] {strides = array<i32>} : memref<32x128xf32, #tpu.memory_space<vmem>>, vector<1x16xf32>,
      %swap3A_338 = vector.shape_cast %swap3A_337 : vector<1x16xf32> to vector<16xf32>
      %swap3A_339 = vector.shape_cast %broadcast_in_dim3A_6 : vector<16xf32> to vector<1x16xf32>
      tpu.vector_store %arg17[%swap3A, %swap3A_336], %swap3A_339 {strides = array<i32>} : memref<32x128xf32, #tpu.memory_space<vmem>>, vector<1x16xf32>,
      %swap3A_340 = arith.index_cast %scan3A_334 : i32 to index
      %swap3A_341 = arith.constant 16 : index
      %swap3A_342 = tpu.vector_load %arg17[%swap3A_340, %swap3A_341] {strides = array<i32>} : memref<32x128xf32, #tpu.memory_space<vmem>>, vector<1x16xf32>,
      %swap3A_343 = vector.shape_cast %swap3A_342 : vector<1x16xf32> to vector<16xf32>
      %swap3A_344 = vector.shape_cast %broadcast_in_dim3A_6 : vector<16xf32> to vector<1x16xf32>
      tpu.vector_store %arg17[%swap3A_340, %swap3A_341], %swap3A_344 {strides = array<i32>} : memref<32x128xf32, #tpu.memory_space<vmem>>, vector<1x16xf32>,
      %swap3A_345 = arith.index_cast %scan3A_334 : i32 to index
      %swap3A_346 = arith.constant 32 : index
      %swap3A_347 = tpu.vector_load %arg17[%swap3A_345, %swap3A_346] {strides = array<i32>} : memref<32x128xf32, #tpu.memory_space<vmem>>, vector<1x16xf32>,
      %swap3A_348 = vector.shape_cast %swap3A_347 : vector<1x16xf32> to vector<16xf32>
      %swap3A_349 = vector.shape_cast %broadcast_in_dim3A_6 : vector<16xf32> to vector<1x16xf32>
      tpu.vector_store %arg17[%swap3A_345, %swap3A_346], %swap3A_349 {strides = array<i32>} : memref<32x128xf32, #tpu.memory_space<vmem>>, vector<1x16xf32>,
      %swap3A_350 = arith.index_cast %scan3A_334 : i32 to index
      %swap3A_351 = arith.constant 48 : index
      %swap3A_352 = tpu.vector_load %arg17[%swap3A_350, %swap3A_351] {strides = array<i32>} : memref<32x128xf32, #tpu.memory_space<vmem>>, vector<1x16xf32>,
      %swap3A_353 = vector.shape_cast %swap3A_352 : vector<1x16xf32> to vector<16xf32>
      %swap3A_354 = vector.shape_cast %broadcast_in_dim3A_6 : vector<16xf32> to vector<1x16xf32>
      tpu.vector_store %arg17[%swap3A_350, %swap3A_351], %swap3A_354 {strides = array<i32>} : memref<32x128xf32, #tpu.memory_space<vmem>>, vector<1x16xf32>,
      %swap3A_355 = arith.index_cast %scan3A_334 : i32 to index
      %swap3A_356 = arith.constant 64 : index
      %swap3A_357 = tpu.vector_load %arg17[%swap3A_355, %swap3A_356] {strides = array<i32>} : memref<32x128xf32, #tpu.memory_space<vmem>>, vector<1x16xf32>,
      %swap3A_358 = vector.shape_cast %swap3A_357 : vector<1x16xf32> to vector<16xf32>
      %swap3A_359 = vector.shape_cast %broadcast_in_dim3A_6 : vector<16xf32> to vector<1x16xf32>
      tpu.vector_store %arg17[%swap3A_355, %swap3A_356], %swap3A_359 {strides = array<i32>} : memref<32x128xf32, #tpu.memory_space<vmem>>, vector<1x16xf32>,
      %swap3A_360 = arith.index_cast %scan3A_334 : i32 to index
      %swap3A_361 = arith.constant 80 : index
      %swap3A_362 = tpu.vector_load %arg17[%swap3A_360, %swap3A_361] {strides = array<i32>} : memref<32x128xf32, #tpu.memory_space<vmem>>, vector<1x16xf32>,
      %swap3A_363 = vector.shape_cast %swap3A_362 : vector<1x16xf32> to vector<16xf32>
      %swap3A_364 = vector.shape_cast %broadcast_in_dim3A_6 : vector<16xf32> to vector<1x16xf32>
      tpu.vector_store %arg17[%swap3A_360, %swap3A_361], %swap3A_364 {strides = array<i32>} : memref<32x128xf32, #tpu.memory_space<vmem>>, vector<1x16xf32>,
      %swap3A_365 = arith.index_cast %scan3A_334 : i32 to index
      %swap3A_366 = arith.constant 96 : index
      %swap3A_367 = tpu.vector_load %arg17[%swap3A_365, %swap3A_366] {strides = array<i32>} : memref<32x128xf32, #tpu.memory_space<vmem>>, vector<1x16xf32>,
      %swap3A_368 = vector.shape_cast %swap3A_367 : vector<1x16xf32> to vector<16xf32>
      %swap3A_369 = vector.shape_cast %broadcast_in_dim3A_6 : vector<16xf32> to vector<1x16xf32>
      tpu.vector_store %arg17[%swap3A_365, %swap3A_366], %swap3A_369 {strides = array<i32>} : memref<32x128xf32, #tpu.memory_space<vmem>>, vector<1x16xf32>,
      %swap3A_370 = arith.index_cast %scan3A_334 : i32 to index
      %swap3A_371 = arith.constant 112 : index
      %swap3A_372 = tpu.vector_load %arg17[%swap3A_370, %swap3A_371] {strides = array<i32>} : memref<32x128xf32, #tpu.memory_space<vmem>>, vector<1x16xf32>,
      %swap3A_373 = vector.shape_cast %swap3A_372 : vector<1x16xf32> to vector<16xf32>
      %swap3A_374 = vector.shape_cast %broadcast_in_dim3A_6 : vector<16xf32> to vector<1x16xf32>
      tpu.vector_store %arg17[%swap3A_370, %swap3A_371], %swap3A_374 {strides = array<i32>} : memref<32x128xf32, #tpu.memory_space<vmem>>, vector<1x16xf32>,
      %scan3A_375 = arith.constant 0 : i32
      scf.yield %scan3A_375 : i32
    }
    %scan3A_12 = arith.constant 32 : i32
    %mul3A_13 = arith.constant 640 : i32
    %mul3A_14 = arith.muli %arg1, %mul3A_13 : i32
    %add3A_15 = arith.constant 0 : i32
    %add3A_16 = arith.addi %mul3A_14, %add3A_15 : i32
    %mul3A_17 = arith.constant 640 : i32
    %mul3A_18 = arith.muli %arg1, %mul3A_17 : i32
    %add3A_19 = arith.constant 32 : i32
    %add3A_20 = arith.addi %mul3A_18, %add3A_19 : i32
    %mul3A_21 = arith.constant 640 : i32
    %mul3A_22 = arith.muli %arg1, %mul3A_21 : i32
    %add3A_23 = arith.constant 64 : i32
    %add3A_24 = arith.addi %mul3A_22, %add3A_23 : i32
    %mul3A_25 = arith.constant 640 : i32
    %mul3A_26 = arith.muli %arg1, %mul3A_25 : i32
    %add3A_27 = arith.constant 96 : i32
    %add3A_28 = arith.addi %mul3A_26, %add3A_27 : i32
    %mul3A_29 = arith.constant 640 : i32
    %mul3A_30 = arith.muli %arg1, %mul3A_29 : i32
    %add3A_31 = arith.constant 128 : i32
    %add3A_32 = arith.addi %mul3A_30, %add3A_31 : i32
    %mul3A_33 = arith.constant 640 : i32
    %mul3A_34 = arith.muli %arg1, %mul3A_33 : i32
    %add3A_35 = arith.constant 160 : i32
    %add3A_36 = arith.addi %mul3A_34, %add3A_35 : i32
    %mul3A_37 = arith.constant 640 : i32
    %mul3A_38 = arith.muli %arg1, %mul3A_37 : i32
    %add3A_39 = arith.constant 192 : i32
    %add3A_40 = arith.addi %mul3A_38, %add3A_39 : i32
    %mul3A_41 = arith.constant 640 : i32
    %mul3A_42 = arith.muli %arg1, %mul3A_41 : i32
    %add3A_43 = arith.constant 224 : i32
    %add3A_44 = arith.addi %mul3A_42, %add3A_43 : i32
    %mul3A_45 = arith.constant 640 : i32
    %mul3A_46 = arith.muli %arg1, %mul3A_45 : i32
    %add3A_47 = arith.constant 256 : i32
    %add3A_48 = arith.addi %mul3A_46, %add3A_47 : i32
    %mul3A_49 = arith.constant 640 : i32
    %mul3A_50 = arith.muli %arg1, %mul3A_49 : i32
    %add3A_51 = arith.constant 288 : i32
    %add3A_52 = arith.addi %mul3A_50, %add3A_51 : i32
    %mul3A_53 = arith.constant 640 : i32
    %mul3A_54 = arith.muli %arg1, %mul3A_53 : i32
    %add3A_55 = arith.constant 320 : i32
    %add3A_56 = arith.addi %mul3A_54, %add3A_55 : i32
    %mul3A_57 = arith.constant 640 : i32
    %mul3A_58 = arith.muli %arg1, %mul3A_57 : i32
    %add3A_59 = arith.constant 352 : i32
    %add3A_60 = arith.addi %mul3A_58, %add3A_59 : i32
    %mul3A_61 = arith.constant 640 : i32
    %mul3A_62 = arith.muli %arg1, %mul3A_61 : i32
    %add3A_63 = arith.constant 384 : i32
    %add3A_64 = arith.addi %mul3A_62, %add3A_63 : i32
    %mul3A_65 = arith.constant 640 : i32
    %mul3A_66 = arith.muli %arg1, %mul3A_65 : i32
    %add3A_67 = arith.constant 416 : i32
    %add3A_68 = arith.addi %mul3A_66, %add3A_67 : i32
    %mul3A_69 = arith.constant 640 : i32
    %mul3A_70 = arith.muli %arg1, %mul3A_69 : i32
    %add3A_71 = arith.constant 448 : i32
    %add3A_72 = arith.addi %mul3A_70, %add3A_71 : i32
    %mul3A_73 = arith.constant 640 : i32
    %mul3A_74 = arith.muli %arg1, %mul3A_73 : i32
    %add3A_75 = arith.constant 480 : i32
    %add3A_76 = arith.addi %mul3A_74, %add3A_75 : i32
    %mul3A_77 = arith.constant 640 : i32
    %mul3A_78 = arith.muli %arg1, %mul3A_77 : i32
    %add3A_79 = arith.constant 512 : i32
    %add3A_80 = arith.addi %mul3A_78, %add3A_79 : i32
    %mul3A_81 = arith.constant 640 : i32
    %mul3A_82 = arith.muli %arg1, %mul3A_81 : i32
    %add3A_83 = arith.constant 544 : i32
    %add3A_84 = arith.addi %mul3A_82, %add3A_83 : i32
    %mul3A_85 = arith.constant 640 : i32
    %mul3A_86 = arith.muli %arg1, %mul3A_85 : i32
    %add3A_87 = arith.constant 576 : i32
    %add3A_88 = arith.addi %mul3A_86, %add3A_87 : i32
    %mul3A_89 = arith.constant 640 : i32
    %mul3A_90 = arith.muli %arg1, %mul3A_89 : i32
    %add3A_91 = arith.constant 608 : i32
    %add3A_92 = arith.addi %mul3A_90, %add3A_91 : i32
    %dma_start3A_93 = arith.constant 0 : i32
    %dma_start3A_94 = tpu.memref_slice %arg6[%add3A_16, %dma_start3A_93] : memref<10240x128xf32, #tpu.memory_space<vmem_shared>> -> memref<32x128xf32, #tpu.memory_space<vmem_shared>>
    %dma_start3A_95 = arith.constant 0 : i32
    %dma_start3A_96 = tpu.memref_slice %arg6[%add3A_16, %dma_start3A_95] : memref<10240x128xf32, #tpu.memory_space<vmem_shared>> -> memref<32x128xf32, #tpu.memory_space<vmem_shared>>
    tpu.enqueue_dma source(%arg17 : memref<32x128xf32, #tpu.memory_space<vmem>>) target(%dma_start3A_96 : memref<32x128xf32, #tpu.memory_space<vmem_shared>>) target_semaphore(%arg18 : memref<!tpu.dma_semaphore, #tpu.memory_space<semaphore_mem>>)
    %dma_start3A_97 = arith.constant 0 : i32
    %dma_start3A_98 = tpu.memref_slice %arg6[%add3A_20, %dma_start3A_97] : memref<10240x128xf32, #tpu.memory_space<vmem_shared>> -> memref<32x128xf32, #tpu.memory_space<vmem_shared>>
    %dma_start3A_99 = arith.constant 0 : i32
    %dma_start3A_100 = tpu.memref_slice %arg6[%add3A_20, %dma_start3A_99] : memref<10240x128xf32, #tpu.memory_space<vmem_shared>> -> memref<32x128xf32, #tpu.memory_space<vmem_shared>>
    tpu.enqueue_dma source(%arg17 : memref<32x128xf32, #tpu.memory_space<vmem>>) target(%dma_start3A_100 : memref<32x128xf32, #tpu.memory_space<vmem_shared>>) target_semaphore(%arg18 : memref<!tpu.dma_semaphore, #tpu.memory_space<semaphore_mem>>)
    %dma_start3A_101 = arith.constant 0 : i32
    %dma_start3A_102 = tpu.memref_slice %arg6[%add3A_24, %dma_start3A_101] : memref<10240x128xf32, #tpu.memory_space<vmem_shared>> -> memref<32x128xf32, #tpu.memory_space<vmem_shared>>
    %dma_start3A_103 = arith.constant 0 : i32
    %dma_start3A_104 = tpu.memref_slice %arg6[%add3A_24, %dma_start3A_103] : memref<10240x128xf32, #tpu.memory_space<vmem_shared>> -> memref<32x128xf32, #tpu.memory_space<vmem_shared>>
    tpu.enqueue_dma source(%arg17 : memref<32x128xf32, #tpu.memory_space<vmem>>) target(%dma_start3A_104 : memref<32x128xf32, #tpu.memory_space<vmem_shared>>) target_semaphore(%arg18 : memref<!tpu.dma_semaphore, #tpu.memory_space<semaphore_mem>>)
    %dma_start3A_105 = arith.constant 0 : i32
    %dma_start3A_106 = tpu.memref_slice %arg6[%add3A_28, %dma_start3A_105] : memref<10240x128xf32, #tpu.memory_space<vmem_shared>> -> memref<32x128xf32, #tpu.memory_space<vmem_shared>>
    %dma_start3A_107 = arith.constant 0 : i32
    %dma_start3A_108 = tpu.memref_slice %arg6[%add3A_28, %dma_start3A_107] : memref<10240x128xf32, #tpu.memory_space<vmem_shared>> -> memref<32x128xf32, #tpu.memory_space<vmem_shared>>
    tpu.enqueue_dma source(%arg17 : memref<32x128xf32, #tpu.memory_space<vmem>>) target(%dma_start3A_108 : memref<32x128xf32, #tpu.memory_space<vmem_shared>>) target_semaphore(%arg18 : memref<!tpu.dma_semaphore, #tpu.memory_space<semaphore_mem>>)
    %dma_start3A_109 = arith.constant 0 : i32
    %dma_start3A_110 = tpu.memref_slice %arg6[%add3A_32, %dma_start3A_109] : memref<10240x128xf32, #tpu.memory_space<vmem_shared>> -> memref<32x128xf32, #tpu.memory_space<vmem_shared>>
    %dma_start3A_111 = arith.constant 0 : i32
    %dma_start3A_112 = tpu.memref_slice %arg6[%add3A_32, %dma_start3A_111] : memref<10240x128xf32, #tpu.memory_space<vmem_shared>> -> memref<32x128xf32, #tpu.memory_space<vmem_shared>>
    tpu.enqueue_dma source(%arg17 : memref<32x128xf32, #tpu.memory_space<vmem>>) target(%dma_start3A_112 : memref<32x128xf32, #tpu.memory_space<vmem_shared>>) target_semaphore(%arg18 : memref<!tpu.dma_semaphore, #tpu.memory_space<semaphore_mem>>)
    %dma_start3A_113 = arith.constant 0 : i32
    %dma_start3A_114 = tpu.memref_slice %arg6[%add3A_36, %dma_start3A_113] : memref<10240x128xf32, #tpu.memory_space<vmem_shared>> -> memref<32x128xf32, #tpu.memory_space<vmem_shared>>
    %dma_start3A_115 = arith.constant 0 : i32
    %dma_start3A_116 = tpu.memref_slice %arg6[%add3A_36, %dma_start3A_115] : memref<10240x128xf32, #tpu.memory_space<vmem_shared>> -> memref<32x128xf32, #tpu.memory_space<vmem_shared>>
    tpu.enqueue_dma source(%arg17 : memref<32x128xf32, #tpu.memory_space<vmem>>) target(%dma_start3A_116 : memref<32x128xf32, #tpu.memory_space<vmem_shared>>) target_semaphore(%arg18 : memref<!tpu.dma_semaphore, #tpu.memory_space<semaphore_mem>>)
    %dma_start3A_117 = arith.constant 0 : i32
    %dma_start3A_118 = tpu.memref_slice %arg6[%add3A_40, %dma_start3A_117] : memref<10240x128xf32, #tpu.memory_space<vmem_shared>> -> memref<32x128xf32, #tpu.memory_space<vmem_shared>>
    %dma_start3A_119 = arith.constant 0 : i32
    %dma_start3A_120 = tpu.memref_slice %arg6[%add3A_40, %dma_start3A_119] : memref<10240x128xf32, #tpu.memory_space<vmem_shared>> -> memref<32x128xf32, #tpu.memory_space<vmem_shared>>
    tpu.enqueue_dma source(%arg17 : memref<32x128xf32, #tpu.memory_space<vmem>>) target(%dma_start3A_120 : memref<32x128xf32, #tpu.memory_space<vmem_shared>>) target_semaphore(%arg18 : memref<!tpu.dma_semaphore, #tpu.memory_space<semaphore_mem>>)
    %dma_start3A_121 = arith.constant 0 : i32
    %dma_start3A_122 = tpu.memref_slice %arg6[%add3A_44, %dma_start3A_121] : memref<10240x128xf32, #tpu.memory_space<vmem_shared>> -> memref<32x128xf32, #tpu.memory_space<vmem_shared>>
    %dma_start3A_123 = arith.constant 0 : i32
    %dma_start3A_124 = tpu.memref_slice %arg6[%add3A_44, %dma_start3A_123] : memref<10240x128xf32, #tpu.memory_space<vmem_shared>> -> memref<32x128xf32, #tpu.memory_space<vmem_shared>>
    tpu.enqueue_dma source(%arg17 : memref<32x128xf32, #tpu.memory_space<vmem>>) target(%dma_start3A_124 : memref<32x128xf32, #tpu.memory_space<vmem_shared>>) target_semaphore(%arg18 : memref<!tpu.dma_semaphore, #tpu.memory_space<semaphore_mem>>)
    %dma_start3A_125 = arith.constant 0 : i32
    %dma_start3A_126 = tpu.memref_slice %arg6[%add3A_48, %dma_start3A_125] : memref<10240x128xf32, #tpu.memory_space<vmem_shared>> -> memref<32x128xf32, #tpu.memory_space<vmem_shared>>
    %dma_start3A_127 = arith.constant 0 : i32
    %dma_start3A_128 = tpu.memref_slice %arg6[%add3A_48, %dma_start3A_127] : memref<10240x128xf32, #tpu.memory_space<vmem_shared>> -> memref<32x128xf32, #tpu.memory_space<vmem_shared>>
    tpu.enqueue_dma source(%arg17 : memref<32x128xf32, #tpu.memory_space<vmem>>) target(%dma_start3A_128 : memref<32x128xf32, #tpu.memory_space<vmem_shared>>) target_semaphore(%arg18 : memref<!tpu.dma_semaphore, #tpu.memory_space<semaphore_mem>>)
    %dma_start3A_129 = arith.constant 0 : i32
    %dma_start3A_130 = tpu.memref_slice %arg6[%add3A_52, %dma_start3A_129] : memref<10240x128xf32, #tpu.memory_space<vmem_shared>> -> memref<32x128xf32, #tpu.memory_space<vmem_shared>>
    %dma_start3A_131 = arith.constant 0 : i32
    %dma_start3A_132 = tpu.memref_slice %arg6[%add3A_52, %dma_start3A_131] : memref<10240x128xf32, #tpu.memory_space<vmem_shared>> -> memref<32x128xf32, #tpu.memory_space<vmem_shared>>
    tpu.enqueue_dma source(%arg17 : memref<32x128xf32, #tpu.memory_space<vmem>>) target(%dma_start3A_132 : memref<32x128xf32, #tpu.memory_space<vmem_shared>>) target_semaphore(%arg18 : memref<!tpu.dma_semaphore, #tpu.memory_space<semaphore_mem>>)
    %dma_start3A_133 = arith.constant 0 : i32
    %dma_start3A_134 = tpu.memref_slice %arg6[%add3A_56, %dma_start3A_133] : memref<10240x128xf32, #tpu.memory_space<vmem_shared>> -> memref<32x128xf32, #tpu.memory_space<vmem_shared>>
    %dma_start3A_135 = arith.constant 0 : i32
    %dma_start3A_136 = tpu.memref_slice %arg6[%add3A_56, %dma_start3A_135] : memref<10240x128xf32, #tpu.memory_space<vmem_shared>> -> memref<32x128xf32, #tpu.memory_space<vmem_shared>>
    tpu.enqueue_dma source(%arg17 : memref<32x128xf32, #tpu.memory_space<vmem>>) target(%dma_start3A_136 : memref<32x128xf32, #tpu.memory_space<vmem_shared>>) target_semaphore(%arg18 : memref<!tpu.dma_semaphore, #tpu.memory_space<semaphore_mem>>)
    %dma_start3A_137 = arith.constant 0 : i32
    %dma_start3A_138 = tpu.memref_slice %arg6[%add3A_60, %dma_start3A_137] : memref<10240x128xf32, #tpu.memory_space<vmem_shared>> -> memref<32x128xf32, #tpu.memory_space<vmem_shared>>
    %dma_start3A_139 = arith.constant 0 : i32
    %dma_start3A_140 = tpu.memref_slice %arg6[%add3A_60, %dma_start3A_139] : memref<10240x128xf32, #tpu.memory_space<vmem_shared>> -> memref<32x128xf32, #tpu.memory_space<vmem_shared>>
    tpu.enqueue_dma source(%arg17 : memref<32x128xf32, #tpu.memory_space<vmem>>) target(%dma_start3A_140 : memref<32x128xf32, #tpu.memory_space<vmem_shared>>) target_semaphore(%arg18 : memref<!tpu.dma_semaphore, #tpu.memory_space<semaphore_mem>>)
    %dma_start3A_141 = arith.constant 0 : i32
    %dma_start3A_142 = tpu.memref_slice %arg6[%add3A_64, %dma_start3A_141] : memref<10240x128xf32, #tpu.memory_space<vmem_shared>> -> memref<32x128xf32, #tpu.memory_space<vmem_shared>>
    %dma_start3A_143 = arith.constant 0 : i32
    %dma_start3A_144 = tpu.memref_slice %arg6[%add3A_64, %dma_start3A_143] : memref<10240x128xf32, #tpu.memory_space<vmem_shared>> -> memref<32x128xf32, #tpu.memory_space<vmem_shared>>
    tpu.enqueue_dma source(%arg17 : memref<32x128xf32, #tpu.memory_space<vmem>>) target(%dma_start3A_144 : memref<32x128xf32, #tpu.memory_space<vmem_shared>>) target_semaphore(%arg18 : memref<!tpu.dma_semaphore, #tpu.memory_space<semaphore_mem>>)
    %dma_start3A_145 = arith.constant 0 : i32
    %dma_start3A_146 = tpu.memref_slice %arg6[%add3A_68, %dma_start3A_145] : memref<10240x128xf32, #tpu.memory_space<vmem_shared>> -> memref<32x128xf32, #tpu.memory_space<vmem_shared>>
    %dma_start3A_147 = arith.constant 0 : i32
    %dma_start3A_148 = tpu.memref_slice %arg6[%add3A_68, %dma_start3A_147] : memref<10240x128xf32, #tpu.memory_space<vmem_shared>> -> memref<32x128xf32, #tpu.memory_space<vmem_shared>>
    tpu.enqueue_dma source(%arg17 : memref<32x128xf32, #tpu.memory_space<vmem>>) target(%dma_start3A_148 : memref<32x128xf32, #tpu.memory_space<vmem_shared>>) target_semaphore(%arg18 : memref<!tpu.dma_semaphore, #tpu.memory_space<semaphore_mem>>)
    %dma_start3A_149 = arith.constant 0 : i32
    %dma_start3A_150 = tpu.memref_slice %arg6[%add3A_72, %dma_start3A_149] : memref<10240x128xf32, #tpu.memory_space<vmem_shared>> -> memref<32x128xf32, #tpu.memory_space<vmem_shared>>
    %dma_start3A_151 = arith.constant 0 : i32
    %dma_start3A_152 = tpu.memref_slice %arg6[%add3A_72, %dma_start3A_151] : memref<10240x128xf32, #tpu.memory_space<vmem_shared>> -> memref<32x128xf32, #tpu.memory_space<vmem_shared>>
    tpu.enqueue_dma source(%arg17 : memref<32x128xf32, #tpu.memory_space<vmem>>) target(%dma_start3A_152 : memref<32x128xf32, #tpu.memory_space<vmem_shared>>) target_semaphore(%arg18 : memref<!tpu.dma_semaphore, #tpu.memory_space<semaphore_mem>>)
    %dma_start3A_153 = arith.constant 0 : i32
    %dma_start3A_154 = tpu.memref_slice %arg6[%add3A_76, %dma_start3A_153] : memref<10240x128xf32, #tpu.memory_space<vmem_shared>> -> memref<32x128xf32, #tpu.memory_space<vmem_shared>>
    %dma_start3A_155 = arith.constant 0 : i32
    %dma_start3A_156 = tpu.memref_slice %arg6[%add3A_76, %dma_start3A_155] : memref<10240x128xf32, #tpu.memory_space<vmem_shared>> -> memref<32x128xf32, #tpu.memory_space<vmem_shared>>
    tpu.enqueue_dma source(%arg17 : memref<32x128xf32, #tpu.memory_space<vmem>>) target(%dma_start3A_156 : memref<32x128xf32, #tpu.memory_space<vmem_shared>>) target_semaphore(%arg18 : memref<!tpu.dma_semaphore, #tpu.memory_space<semaphore_mem>>)
    %dma_start3A_157 = arith.constant 0 : i32
    %dma_start3A_158 = tpu.memref_slice %arg6[%add3A_80, %dma_start3A_157] : memref<10240x128xf32, #tpu.memory_space<vmem_shared>> -> memref<32x128xf32, #tpu.memory_space<vmem_shared>>
    %dma_start3A_159 = arith.constant 0 : i32
    %dma_start3A_160 = tpu.memref_slice %arg6[%add3A_80, %dma_start3A_159] : memref<10240x128xf32, #tpu.memory_space<vmem_shared>> -> memref<32x128xf32, #tpu.memory_space<vmem_shared>>
    tpu.enqueue_dma source(%arg17 : memref<32x128xf32, #tpu.memory_space<vmem>>) target(%dma_start3A_160 : memref<32x128xf32, #tpu.memory_space<vmem_shared>>) target_semaphore(%arg18 : memref<!tpu.dma_semaphore, #tpu.memory_space<semaphore_mem>>)
    %dma_start3A_161 = arith.constant 0 : i32
    %dma_start3A_162 = tpu.memref_slice %arg6[%add3A_84, %dma_start3A_161] : memref<10240x128xf32, #tpu.memory_space<vmem_shared>> -> memref<32x128xf32, #tpu.memory_space<vmem_shared>>
    %dma_start3A_163 = arith.constant 0 : i32
    %dma_start3A_164 = tpu.memref_slice %arg6[%add3A_84, %dma_start3A_163] : memref<10240x128xf32, #tpu.memory_space<vmem_shared>> -> memref<32x128xf32, #tpu.memory_space<vmem_shared>>
    tpu.enqueue_dma source(%arg17 : memref<32x128xf32, #tpu.memory_space<vmem>>) target(%dma_start3A_164 : memref<32x128xf32, #tpu.memory_space<vmem_shared>>) target_semaphore(%arg18 : memref<!tpu.dma_semaphore, #tpu.memory_space<semaphore_mem>>)
    %dma_start3A_165 = arith.constant 0 : i32
    %dma_start3A_166 = tpu.memref_slice %arg6[%add3A_88, %dma_start3A_165] : memref<10240x128xf32, #tpu.memory_space<vmem_shared>> -> memref<32x128xf32, #tpu.memory_space<vmem_shared>>
    %dma_start3A_167 = arith.constant 0 : i32
    %dma_start3A_168 = tpu.memref_slice %arg6[%add3A_88, %dma_start3A_167] : memref<10240x128xf32, #tpu.memory_space<vmem_shared>> -> memref<32x128xf32, #tpu.memory_space<vmem_shared>>
    tpu.enqueue_dma source(%arg17 : memref<32x128xf32, #tpu.memory_space<vmem>>) target(%dma_start3A_168 : memref<32x128xf32, #tpu.memory_space<vmem_shared>>) target_semaphore(%arg18 : memref<!tpu.dma_semaphore, #tpu.memory_space<semaphore_mem>>)
    %dma_start3A_169 = arith.constant 0 : i32
    %dma_start3A_170 = tpu.memref_slice %arg6[%add3A_92, %dma_start3A_169] : memref<10240x128xf32, #tpu.memory_space<vmem_shared>> -> memref<32x128xf32, #tpu.memory_space<vmem_shared>>
    %dma_start3A_171 = arith.constant 0 : i32
    %dma_start3A_172 = tpu.memref_slice %arg6[%add3A_92, %dma_start3A_171] : memref<10240x128xf32, #tpu.memory_space<vmem_shared>> -> memref<32x128xf32, #tpu.memory_space<vmem_shared>>
    tpu.enqueue_dma source(%arg17 : memref<32x128xf32, #tpu.memory_space<vmem>>) target(%dma_start3A_172 : memref<32x128xf32, #tpu.memory_space<vmem_shared>>) target_semaphore(%arg18 : memref<!tpu.dma_semaphore, #tpu.memory_space<semaphore_mem>>)
    %dma_wait3A = arith.constant 0 : i32
    %dma_wait3A_173 = tpu.memref_slice %arg6[%add3A_16, %dma_wait3A] : memref<10240x128xf32, #tpu.memory_space<vmem_shared>> -> memref<32x128xf32, #tpu.memory_space<vmem_shared>>
    %dma_wait3A_174 = arith.constant 0 : i32
    %dma_wait3A_175 = tpu.memref_slice %arg6[%add3A_16, %dma_wait3A_174] : memref<10240x128xf32, #tpu.memory_space<vmem_shared>> -> memref<32x128xf32, #tpu.memory_space<vmem_shared>>
    tpu.wait_dma2 semaphore(%arg18 : memref<!tpu.dma_semaphore, #tpu.memory_space<semaphore_mem>>) src(%arg17 : memref<32x128xf32, #tpu.memory_space<vmem>>) dst(%dma_wait3A_175 : memref<32x128xf32, #tpu.memory_space<vmem_shared>>)
    %dma_wait3A_176 = arith.constant 0 : i32
    %dma_wait3A_177 = tpu.memref_slice %arg6[%add3A_20, %dma_wait3A_176] : memref<10240x128xf32, #tpu.memory_space<vmem_shared>> -> memref<32x128xf32, #tpu.memory_space<vmem_shared>>
    %dma_wait3A_178 = arith.constant 0 : i32
    %dma_wait3A_179 = tpu.memref_slice %arg6[%add3A_20, %dma_wait3A_178] : memref<10240x128xf32, #tpu.memory_space<vmem_shared>> -> memref<32x128xf32, #tpu.memory_space<vmem_shared>>
    tpu.wait_dma2 semaphore(%arg18 : memref<!tpu.dma_semaphore, #tpu.memory_space<semaphore_mem>>) src(%arg17 : memref<32x128xf32, #tpu.memory_space<vmem>>) dst(%dma_wait3A_179 : memref<32x128xf32, #tpu.memory_space<vmem_shared>>)
    %dma_wait3A_180 = arith.constant 0 : i32
    %dma_wait3A_181 = tpu.memref_slice %arg6[%add3A_24, %dma_wait3A_180] : memref<10240x128xf32, #tpu.memory_space<vmem_shared>> -> memref<32x128xf32, #tpu.memory_space<vmem_shared>>
    %dma_wait3A_182 = arith.constant 0 : i32
    %dma_wait3A_183 = tpu.memref_slice %arg6[%add3A_24, %dma_wait3A_182] : memref<10240x128xf32, #tpu.memory_space<vmem_shared>> -> memref<32x128xf32, #tpu.memory_space<vmem_shared>>
    tpu.wait_dma2 semaphore(%arg18 : memref<!tpu.dma_semaphore, #tpu.memory_space<semaphore_mem>>) src(%arg17 : memref<32x128xf32, #tpu.memory_space<vmem>>) dst(%dma_wait3A_183 : memref<32x128xf32, #tpu.memory_space<vmem_shared>>)
    %dma_wait3A_184 = arith.constant 0 : i32
    %dma_wait3A_185 = tpu.memref_slice %arg6[%add3A_28, %dma_wait3A_184] : memref<10240x128xf32, #tpu.memory_space<vmem_shared>> -> memref<32x128xf32, #tpu.memory_space<vmem_shared>>
    %dma_wait3A_186 = arith.constant 0 : i32
    %dma_wait3A_187 = tpu.memref_slice %arg6[%add3A_28, %dma_wait3A_186] : memref<10240x128xf32, #tpu.memory_space<vmem_shared>> -> memref<32x128xf32, #tpu.memory_space<vmem_shared>>
    tpu.wait_dma2 semaphore(%arg18 : memref<!tpu.dma_semaphore, #tpu.memory_space<semaphore_mem>>) src(%arg17 : memref<32x128xf32, #tpu.memory_space<vmem>>) dst(%dma_wait3A_187 : memref<32x128xf32, #tpu.memory_space<vmem_shared>>)
    %dma_wait3A_188 = arith.constant 0 : i32
    %dma_wait3A_189 = tpu.memref_slice %arg6[%add3A_32, %dma_wait3A_188] : memref<10240x128xf32, #tpu.memory_space<vmem_shared>> -> memref<32x128xf32, #tpu.memory_space<vmem_shared>>
    %dma_wait3A_190 = arith.constant 0 : i32
    %dma_wait3A_191 = tpu.memref_slice %arg6[%add3A_32, %dma_wait3A_190] : memref<10240x128xf32, #tpu.memory_space<vmem_shared>> -> memref<32x128xf32, #tpu.memory_space<vmem_shared>>
    tpu.wait_dma2 semaphore(%arg18 : memref<!tpu.dma_semaphore, #tpu.memory_space<semaphore_mem>>) src(%arg17 : memref<32x128xf32, #tpu.memory_space<vmem>>) dst(%dma_wait3A_191 : memref<32x128xf32, #tpu.memory_space<vmem_shared>>)
    %dma_wait3A_192 = arith.constant 0 : i32
    %dma_wait3A_193 = tpu.memref_slice %arg6[%add3A_36, %dma_wait3A_192] : memref<10240x128xf32, #tpu.memory_space<vmem_shared>> -> memref<32x128xf32, #tpu.memory_space<vmem_shared>>
    %dma_wait3A_194 = arith.constant 0 : i32
    %dma_wait3A_195 = tpu.memref_slice %arg6[%add3A_36, %dma_wait3A_194] : memref<10240x128xf32, #tpu.memory_space<vmem_shared>> -> memref<32x128xf32, #tpu.memory_space<vmem_shared>>
    tpu.wait_dma2 semaphore(%arg18 : memref<!tpu.dma_semaphore, #tpu.memory_space<semaphore_mem>>) src(%arg17 : memref<32x128xf32, #tpu.memory_space<vmem>>) dst(%dma_wait3A_195 : memref<32x128xf32, #tpu.memory_space<vmem_shared>>)
    %dma_wait3A_196 = arith.constant 0 : i32
    %dma_wait3A_197 = tpu.memref_slice %arg6[%add3A_40, %dma_wait3A_196] : memref<10240x128xf32, #tpu.memory_space<vmem_shared>> -> memref<32x128xf32, #tpu.memory_space<vmem_shared>>
    %dma_wait3A_198 = arith.constant 0 : i32
    %dma_wait3A_199 = tpu.memref_slice %arg6[%add3A_40, %dma_wait3A_198] : memref<10240x128xf32, #tpu.memory_space<vmem_shared>> -> memref<32x128xf32, #tpu.memory_space<vmem_shared>>
    tpu.wait_dma2 semaphore(%arg18 : memref<!tpu.dma_semaphore, #tpu.memory_space<semaphore_mem>>) src(%arg17 : memref<32x128xf32, #tpu.memory_space<vmem>>) dst(%dma_wait3A_199 : memref<32x128xf32, #tpu.memory_space<vmem_shared>>)
    %dma_wait3A_200 = arith.constant 0 : i32
    %dma_wait3A_201 = tpu.memref_slice %arg6[%add3A_44, %dma_wait3A_200] : memref<10240x128xf32, #tpu.memory_space<vmem_shared>> -> memref<32x128xf32, #tpu.memory_space<vmem_shared>>
    %dma_wait3A_202 = arith.constant 0 : i32
    %dma_wait3A_203 = tpu.memref_slice %arg6[%add3A_44, %dma_wait3A_202] : memref<10240x128xf32, #tpu.memory_space<vmem_shared>> -> memref<32x128xf32, #tpu.memory_space<vmem_shared>>
    tpu.wait_dma2 semaphore(%arg18 : memref<!tpu.dma_semaphore, #tpu.memory_space<semaphore_mem>>) src(%arg17 : memref<32x128xf32, #tpu.memory_space<vmem>>) dst(%dma_wait3A_203 : memref<32x128xf32, #tpu.memory_space<vmem_shared>>)
    %dma_wait3A_204 = arith.constant 0 : i32
    %dma_wait3A_205 = tpu.memref_slice %arg6[%add3A_48, %dma_wait3A_204] : memref<10240x128xf32, #tpu.memory_space<vmem_shared>> -> memref<32x128xf32, #tpu.memory_space<vmem_shared>>
    %dma_wait3A_206 = arith.constant 0 : i32
    %dma_wait3A_207 = tpu.memref_slice %arg6[%add3A_48, %dma_wait3A_206] : memref<10240x128xf32, #tpu.memory_space<vmem_shared>> -> memref<32x128xf32, #tpu.memory_space<vmem_shared>>
    tpu.wait_dma2 semaphore(%arg18 : memref<!tpu.dma_semaphore, #tpu.memory_space<semaphore_mem>>) src(%arg17 : memref<32x128xf32, #tpu.memory_space<vmem>>) dst(%dma_wait3A_207 : memref<32x128xf32, #tpu.memory_space<vmem_shared>>)
    %dma_wait3A_208 = arith.constant 0 : i32
    %dma_wait3A_209 = tpu.memref_slice %arg6[%add3A_52, %dma_wait3A_208] : memref<10240x128xf32, #tpu.memory_space<vmem_shared>> -> memref<32x128xf32, #tpu.memory_space<vmem_shared>>
    %dma_wait3A_210 = arith.constant 0 : i32
    %dma_wait3A_211 = tpu.memref_slice %arg6[%add3A_52, %dma_wait3A_210] : memref<10240x128xf32, #tpu.memory_space<vmem_shared>> -> memref<32x128xf32, #tpu.memory_space<vmem_shared>>
    tpu.wait_dma2 semaphore(%arg18 : memref<!tpu.dma_semaphore, #tpu.memory_space<semaphore_mem>>) src(%arg17 : memref<32x128xf32, #tpu.memory_space<vmem>>) dst(%dma_wait3A_211 : memref<32x128xf32, #tpu.memory_space<vmem_shared>>)
    %dma_wait3A_212 = arith.constant 0 : i32
    %dma_wait3A_213 = tpu.memref_slice %arg6[%add3A_56, %dma_wait3A_212] : memref<10240x128xf32, #tpu.memory_space<vmem_shared>> -> memref<32x128xf32, #tpu.memory_space<vmem_shared>>
    %dma_wait3A_214 = arith.constant 0 : i32
    %dma_wait3A_215 = tpu.memref_slice %arg6[%add3A_56, %dma_wait3A_214] : memref<10240x128xf32, #tpu.memory_space<vmem_shared>> -> memref<32x128xf32, #tpu.memory_space<vmem_shared>>
    tpu.wait_dma2 semaphore(%arg18 : memref<!tpu.dma_semaphore, #tpu.memory_space<semaphore_mem>>) src(%arg17 : memref<32x128xf32, #tpu.memory_space<vmem>>) dst(%dma_wait3A_215 : memref<32x128xf32, #tpu.memory_space<vmem_shared>>)
    %dma_wait3A_216 = arith.constant 0 : i32
    %dma_wait3A_217 = tpu.memref_slice %arg6[%add3A_60, %dma_wait3A_216] : memref<10240x128xf32, #tpu.memory_space<vmem_shared>> -> memref<32x128xf32, #tpu.memory_space<vmem_shared>>
    %dma_wait3A_218 = arith.constant 0 : i32
    %dma_wait3A_219 = tpu.memref_slice %arg6[%add3A_60, %dma_wait3A_218] : memref<10240x128xf32, #tpu.memory_space<vmem_shared>> -> memref<32x128xf32, #tpu.memory_space<vmem_shared>>
    tpu.wait_dma2 semaphore(%arg18 : memref<!tpu.dma_semaphore, #tpu.memory_space<semaphore_mem>>) src(%arg17 : memref<32x128xf32, #tpu.memory_space<vmem>>) dst(%dma_wait3A_219 : memref<32x128xf32, #tpu.memory_space<vmem_shared>>)
    %dma_wait3A_220 = arith.constant 0 : i32
    %dma_wait3A_221 = tpu.memref_slice %arg6[%add3A_64, %dma_wait3A_220] : memref<10240x128xf32, #tpu.memory_space<vmem_shared>> -> memref<32x128xf32, #tpu.memory_space<vmem_shared>>
    %dma_wait3A_222 = arith.constant 0 : i32
    %dma_wait3A_223 = tpu.memref_slice %arg6[%add3A_64, %dma_wait3A_222] : memref<10240x128xf32, #tpu.memory_space<vmem_shared>> -> memref<32x128xf32, #tpu.memory_space<vmem_shared>>
    tpu.wait_dma2 semaphore(%arg18 : memref<!tpu.dma_semaphore, #tpu.memory_space<semaphore_mem>>) src(%arg17 : memref<32x128xf32, #tpu.memory_space<vmem>>) dst(%dma_wait3A_223 : memref<32x128xf32, #tpu.memory_space<vmem_shared>>)
    %dma_wait3A_224 = arith.constant 0 : i32
    %dma_wait3A_225 = tpu.memref_slice %arg6[%add3A_68, %dma_wait3A_224] : memref<10240x128xf32, #tpu.memory_space<vmem_shared>> -> memref<32x128xf32, #tpu.memory_space<vmem_shared>>
    %dma_wait3A_226 = arith.constant 0 : i32
    %dma_wait3A_227 = tpu.memref_slice %arg6[%add3A_68, %dma_wait3A_226] : memref<10240x128xf32, #tpu.memory_space<vmem_shared>> -> memref<32x128xf32, #tpu.memory_space<vmem_shared>>
    tpu.wait_dma2 semaphore(%arg18 : memref<!tpu.dma_semaphore, #tpu.memory_space<semaphore_mem>>) src(%arg17 : memref<32x128xf32, #tpu.memory_space<vmem>>) dst(%dma_wait3A_227 : memref<32x128xf32, #tpu.memory_space<vmem_shared>>)
    %dma_wait3A_228 = arith.constant 0 : i32
    %dma_wait3A_229 = tpu.memref_slice %arg6[%add3A_72, %dma_wait3A_228] : memref<10240x128xf32, #tpu.memory_space<vmem_shared>> -> memref<32x128xf32, #tpu.memory_space<vmem_shared>>
    %dma_wait3A_230 = arith.constant 0 : i32
    %dma_wait3A_231 = tpu.memref_slice %arg6[%add3A_72, %dma_wait3A_230] : memref<10240x128xf32, #tpu.memory_space<vmem_shared>> -> memref<32x128xf32, #tpu.memory_space<vmem_shared>>
    tpu.wait_dma2 semaphore(%arg18 : memref<!tpu.dma_semaphore, #tpu.memory_space<semaphore_mem>>) src(%arg17 : memref<32x128xf32, #tpu.memory_space<vmem>>) dst(%dma_wait3A_231 : memref<32x128xf32, #tpu.memory_space<vmem_shared>>)
    %dma_wait3A_232 = arith.constant 0 : i32
    %dma_wait3A_233 = tpu.memref_slice %arg6[%add3A_76, %dma_wait3A_232] : memref<10240x128xf32, #tpu.memory_space<vmem_shared>> -> memref<32x128xf32, #tpu.memory_space<vmem_shared>>
    %dma_wait3A_234 = arith.constant 0 : i32
    %dma_wait3A_235 = tpu.memref_slice %arg6[%add3A_76, %dma_wait3A_234] : memref<10240x128xf32, #tpu.memory_space<vmem_shared>> -> memref<32x128xf32, #tpu.memory_space<vmem_shared>>
    tpu.wait_dma2 semaphore(%arg18 : memref<!tpu.dma_semaphore, #tpu.memory_space<semaphore_mem>>) src(%arg17 : memref<32x128xf32, #tpu.memory_space<vmem>>) dst(%dma_wait3A_235 : memref<32x128xf32, #tpu.memory_space<vmem_shared>>)
    %dma_wait3A_236 = arith.constant 0 : i32
    %dma_wait3A_237 = tpu.memref_slice %arg6[%add3A_80, %dma_wait3A_236] : memref<10240x128xf32, #tpu.memory_space<vmem_shared>> -> memref<32x128xf32, #tpu.memory_space<vmem_shared>>
    %dma_wait3A_238 = arith.constant 0 : i32
    %dma_wait3A_239 = tpu.memref_slice %arg6[%add3A_80, %dma_wait3A_238] : memref<10240x128xf32, #tpu.memory_space<vmem_shared>> -> memref<32x128xf32, #tpu.memory_space<vmem_shared>>
    tpu.wait_dma2 semaphore(%arg18 : memref<!tpu.dma_semaphore, #tpu.memory_space<semaphore_mem>>) src(%arg17 : memref<32x128xf32, #tpu.memory_space<vmem>>) dst(%dma_wait3A_239 : memref<32x128xf32, #tpu.memory_space<vmem_shared>>)
    %dma_wait3A_240 = arith.constant 0 : i32
    %dma_wait3A_241 = tpu.memref_slice %arg6[%add3A_84, %dma_wait3A_240] : memref<10240x128xf32, #tpu.memory_space<vmem_shared>> -> memref<32x128xf32, #tpu.memory_space<vmem_shared>>
    %dma_wait3A_242 = arith.constant 0 : i32
    %dma_wait3A_243 = tpu.memref_slice %arg6[%add3A_84, %dma_wait3A_242] : memref<10240x128xf32, #tpu.memory_space<vmem_shared>> -> memref<32x128xf32, #tpu.memory_space<vmem_shared>>
    tpu.wait_dma2 semaphore(%arg18 : memref<!tpu.dma_semaphore, #tpu.memory_space<semaphore_mem>>) src(%arg17 : memref<32x128xf32, #tpu.memory_space<vmem>>) dst(%dma_wait3A_243 : memref<32x128xf32, #tpu.memory_space<vmem_shared>>)
    %dma_wait3A_244 = arith.constant 0 : i32
    %dma_wait3A_245 = tpu.memref_slice %arg6[%add3A_88, %dma_wait3A_244] : memref<10240x128xf32, #tpu.memory_space<vmem_shared>> -> memref<32x128xf32, #tpu.memory_space<vmem_shared>>
    %dma_wait3A_246 = arith.constant 0 : i32
    %dma_wait3A_247 = tpu.memref_slice %arg6[%add3A_88, %dma_wait3A_246] : memref<10240x128xf32, #tpu.memory_space<vmem_shared>> -> memref<32x128xf32, #tpu.memory_space<vmem_shared>>
    tpu.wait_dma2 semaphore(%arg18 : memref<!tpu.dma_semaphore, #tpu.memory_space<semaphore_mem>>) src(%arg17 : memref<32x128xf32, #tpu.memory_space<vmem>>) dst(%dma_wait3A_247 : memref<32x128xf32, #tpu.memory_space<vmem_shared>>)
    %dma_wait3A_248 = arith.constant 0 : i32
    %dma_wait3A_249 = tpu.memref_slice %arg6[%add3A_92, %dma_wait3A_248] : memref<10240x128xf32, #tpu.memory_space<vmem_shared>> -> memref<32x128xf32, #tpu.memory_space<vmem_shared>>
    %dma_wait3A_250 = arith.constant 0 : i32
    %dma_wait3A_251 = tpu.memref_slice %arg6[%add3A_92, %dma_wait3A_250] : memref<10240x128xf32, #tpu.memory_space<vmem_shared>> -> memref<32x128xf32, #tpu.memory_space<vmem_shared>>
    tpu.wait_dma2 semaphore(%arg18 : memref<!tpu.dma_semaphore, #tpu.memory_space<semaphore_mem>>) src(%arg17 : memref<32x128xf32, #tpu.memory_space<vmem>>) dst(%dma_wait3A_251 : memref<32x128xf32, #tpu.memory_space<vmem_shared>>)
    %dma_wait3A_252 = tpu.memref_slice %arg3[%add3A_4] : memref<640000xi32, #tpu.memory_space<hbm>> -> memref<10000xi32, #tpu.memory_space<hbm>>
    %dma_wait3A_253 = tpu.memref_slice %arg3[%add3A_4] : memref<640000xi32, #tpu.memory_space<hbm>> -> memref<10000xi32, #tpu.memory_space<hbm>>
    tpu.wait_dma2 semaphore(%arg27 : memref<!tpu.dma_semaphore, #tpu.memory_space<semaphore_mem>>) src(%dma_wait3A_253 : memref<10000xi32, #tpu.memory_space<hbm>>) dst(%arg7 : memref<10000xi32, #tpu.memory_space<vmem>>)
    %barrier3A = arith.constant 0 : index
    tpu.barrier barrier_id(%barrier3A)
    %mul3A_254 = arith.constant 10000 : i32
    %mul3A_255 = arith.muli %add3A, %mul3A_254 : i32
    "tpu.region"() ({
      %run_scoped3A = tpu.sem_alloc : memref<!tpu.dma_semaphore, #tpu.memory_space<semaphore_mem>>
      %dma_start3A_334 = tpu.memref_slice %arg3[%mul3A_255] : memref<640000xi32, #tpu.memory_space<hbm>> -> memref<40xi32, #tpu.memory_space<hbm>>
      %dma_start3A_335 = tpu.memref_slice %arg3[%mul3A_255] : memref<640000xi32, #tpu.memory_space<hbm>> -> memref<40xi32, #tpu.memory_space<hbm>>
      tpu.enqueue_dma source(%dma_start3A_335 : memref<40xi32, #tpu.memory_space<hbm>>) target(%arg8 : memref<40xi32, #tpu.memory_space<vmem>>) target_semaphore(%run_scoped3A : memref<!tpu.dma_semaphore, #tpu.memory_space<semaphore_mem>>)
      %dma_wait3A_336 = tpu.memref_slice %arg3[%mul3A_255] : memref<640000xi32, #tpu.memory_space<hbm>> -> memref<40xi32, #tpu.memory_space<hbm>>
      %dma_wait3A_337 = tpu.memref_slice %arg3[%mul3A_255] : memref<640000xi32, #tpu.memory_space<hbm>> -> memref<40xi32, #tpu.memory_space<hbm>>
      tpu.wait_dma2 semaphore(%run_scoped3A : memref<!tpu.dma_semaphore, #tpu.memory_space<semaphore_mem>>) src(%dma_wait3A_337 : memref<40xi32, #tpu.memory_space<hbm>>) dst(%arg8 : memref<40xi32, #tpu.memory_space<vmem>>)
      tpu.yield
    }) : () -> ()
    %mul3A_256 = arith.constant 10000 : i32
    %mul3A_257 = arith.muli %add3A, %mul3A_256 : i32
    %add3A_258 = arith.constant 0 : i32
    %add3A_259 = arith.addi %mul3A_257, %add3A_258 : i32
    %dma_start3A_260 = arith.constant 0 : i32
    %dma_start3A_261 = tpu.memref_slice %arg4[%add3A_259, %dma_start3A_260] : memref<320000x128xf32, #tpu.memory_space<hbm>> -> memref<40x128xf32, #tpu.memory_space<hbm>>
    %dma_start3A_262 = arith.constant 0 : i32
    %dma_start3A_263 = tpu.memref_slice %arg4[%add3A_259, %dma_start3A_262] : memref<320000x128xf32, #tpu.memory_space<hbm>> -> memref<40x128xf32, #tpu.memory_space<hbm>>
    tpu.enqueue_dma source(%dma_start3A_263 : memref<40x128xf32, #tpu.memory_space<hbm>>) target(%arg11 : memref<40x128xf32, #tpu.memory_space<vmem>>) target_semaphore(%arg21 : memref<!tpu.dma_semaphore, #tpu.memory_space<semaphore_mem>>)
    %dma_start3A_264 = arith.constant 0 : i32
    %dma_start3A_265 = arith.constant 0 : i32
    %dma_start3A_266 = tpu.memref_slice %arg2[%dma_start3A_264, %dma_start3A_265] : memref<10000x128xf32, #tpu.memory_space<hbm>> -> memref<10000x128xf32, #tpu.memory_space<hbm>>
    tpu.enqueue_indirect_dma source(%dma_start3A_266 : memref<10000x128xf32, #tpu.memory_space<hbm>>) target(%arg14 : memref<40x128xf32, #tpu.memory_space<vmem>>) offsets(%arg8 : memref<40xi32, #tpu.memory_space<vmem>>) semaphore(%arg24 : memref<!tpu.dma_semaphore, #tpu.memory_space<semaphore_mem>>)
    %mul3A_267 = arith.constant 10000 : i32
    %mul3A_268 = arith.muli %add3A, %mul3A_267 : i32
    %add3A_269 = arith.constant 40 : i32
    %add3A_270 = arith.addi %mul3A_268, %add3A_269 : i32
    %dma_start3A_271 = tpu.memref_slice %arg3[%add3A_270] : memref<640000xi32, #tpu.memory_space<hbm>> -> memref<40xi32, #tpu.memory_space<hbm>>
    %dma_start3A_272 = tpu.memref_slice %arg3[%add3A_270] : memref<640000xi32, #tpu.memory_space<hbm>> -> memref<40xi32, #tpu.memory_space<hbm>>
    tpu.enqueue_dma source(%dma_start3A_272 : memref<40xi32, #tpu.memory_space<hbm>>) target(%arg9 : memref<40xi32, #tpu.memory_space<vmem>>) target_semaphore(%arg19 : memref<!tpu.dma_semaphore, #tpu.memory_space<semaphore_mem>>)
    %mul3A_273 = arith.constant 10000 : i32
    %mul3A_274 = arith.muli %add3A, %mul3A_273 : i32
    %add3A_275 = arith.constant 40 : i32
    %add3A_276 = arith.addi %mul3A_274, %add3A_275 : i32
    %dma_wait3A_277 = tpu.memref_slice %arg3[%add3A_276] : memref<640000xi32, #tpu.memory_space<hbm>> -> memref<40xi32, #tpu.memory_space<hbm>>
    %dma_wait3A_278 = tpu.memref_slice %arg3[%add3A_276] : memref<640000xi32, #tpu.memory_space<hbm>> -> memref<40xi32, #tpu.memory_space<hbm>>
    tpu.wait_dma2 semaphore(%arg19 : memref<!tpu.dma_semaphore, #tpu.memory_space<semaphore_mem>>) src(%dma_wait3A_278 : memref<40xi32, #tpu.memory_space<hbm>>) dst(%arg9 : memref<40xi32, #tpu.memory_space<vmem>>)
    %mul3A_279 = arith.constant 10000 : i32
    %mul3A_280 = arith.muli %add3A, %mul3A_279 : i32
    %add3A_281 = arith.constant 40 : i32
    %add3A_282 = arith.addi %mul3A_280, %add3A_281 : i32
    %dma_start3A_283 = arith.constant 0 : i32
    %dma_start3A_284 = tpu.memref_slice %arg4[%add3A_282, %dma_start3A_283] : memref<320000x128xf32, #tpu.memory_space<hbm>> -> memref<40x128xf32, #tpu.memory_space<hbm>>
    %dma_start3A_285 = arith.constant 0 : i32
    %dma_start3A_286 = tpu.memref_slice %arg4[%add3A_282, %dma_start3A_285] : memref<320000x128xf32, #tpu.memory_space<hbm>> -> memref<40x128xf32, #tpu.memory_space<hbm>>
    tpu.enqueue_dma source(%dma_start3A_286 : memref<40x128xf32, #tpu.memory_space<hbm>>) target(%arg12 : memref<40x128xf32, #tpu.memory_space<vmem>>) target_semaphore(%arg22 : memref<!tpu.dma_semaphore, #tpu.memory_space<semaphore_mem>>)
    %dma_start3A_287 = arith.constant 0 : i32
    %dma_start3A_288 = arith.constant 0 : i32
    %dma_start3A_289 = tpu.memref_slice %arg2[%dma_start3A_287, %dma_start3A_288] : memref<10000x128xf32, #tpu.memory_space<hbm>> -> memref<10000x128xf32, #tpu.memory_space<hbm>>
    tpu.enqueue_indirect_dma source(%dma_start3A_289 : memref<10000x128xf32, #tpu.memory_space<hbm>>) target(%arg15 : memref<40x128xf32, #tpu.memory_space<vmem>>) offsets(%arg9 : memref<40xi32, #tpu.memory_space<vmem>>) semaphore(%arg25 : memref<!tpu.dma_semaphore, #tpu.memory_space<semaphore_mem>>)
    %mul3A_290 = arith.constant 10000 : i32
    %mul3A_291 = arith.muli %add3A, %mul3A_290 : i32
    %add3A_292 = arith.constant 80 : i32
    %add3A_293 = arith.addi %mul3A_291, %add3A_292 : i32
    %dma_start3A_294 = tpu.memref_slice %arg3[%add3A_293] : memref<640000xi32, #tpu.memory_space<hbm>> -> memref<40xi32, #tpu.memory_space<hbm>>
    %dma_start3A_295 = tpu.memref_slice %arg3[%add3A_293] : memref<640000xi32, #tpu.memory_space<hbm>> -> memref<40xi32, #tpu.memory_space<hbm>>
    tpu.enqueue_dma source(%dma_start3A_295 : memref<40xi32, #tpu.memory_space<hbm>>) target(%arg10 : memref<40xi32, #tpu.memory_space<vmem>>) target_semaphore(%arg20 : memref<!tpu.dma_semaphore, #tpu.memory_space<semaphore_mem>>)
    %mul3A_296 = arith.constant 10000 : i32
    %mul3A_297 = arith.muli %add3A, %mul3A_296 : i32
    %add3A_298 = arith.constant 0 : i32
    %add3A_299 = arith.addi %mul3A_297, %add3A_298 : i32
    %dma_wait3A_300 = arith.constant 0 : i32
    %dma_wait3A_301 = tpu.memref_slice %arg4[%add3A_299, %dma_wait3A_300] : memref<320000x128xf32, #tpu.memory_space<hbm>> -> memref<40x128xf32, #tpu.memory_space<hbm>>
    %dma_wait3A_302 = arith.constant 0 : i32
    %dma_wait3A_303 = tpu.memref_slice %arg4[%add3A_299, %dma_wait3A_302] : memref<320000x128xf32, #tpu.memory_space<hbm>> -> memref<40x128xf32, #tpu.memory_space<hbm>>
    tpu.wait_dma2 semaphore(%arg21 : memref<!tpu.dma_semaphore, #tpu.memory_space<semaphore_mem>>) src(%dma_wait3A_303 : memref<40x128xf32, #tpu.memory_space<hbm>>) dst(%arg11 : memref<40x128xf32, #tpu.memory_space<vmem>>)
    %dma_wait3A_304 = arith.constant 0 : i32
    %dma_wait3A_305 = arith.constant 0 : i32
    %dma_wait3A_306 = tpu.memref_slice %arg2[%dma_wait3A_304, %dma_wait3A_305] : memref<10000x128xf32, #tpu.memory_space<hbm>> -> memref<10000x128xf32, #tpu.memory_space<hbm>>
    tpu.wait_indirect_dma semaphore(%arg24 : memref<!tpu.dma_semaphore, #tpu.memory_space<semaphore_mem>>) src(%dma_wait3A_306 : memref<10000x128xf32, #tpu.memory_space<hbm>>) dst(%arg14 : memref<40x128xf32, #tpu.memory_space<vmem>>)
    %scan3A_307 = arith.constant 0 : i32
    %scan3A_308 = arith.constant 0 : i32
    %scan3A_309 = arith.constant 10 : i32
    %scan3A_310 = arith.addi %scan3A_308, %scan3A_309 : i32
    %scan3A_311 = arith.constant 1 : i32
    %scan3A_312 = scf.for %scan3A_334 = %scan3A_308 to %scan3A_310 step %scan3A_311 iter_args(%scan3A_335 = %scan3A_307) -> (i32)  : i32 {
      %mul3A_336 = arith.constant 4 : i32
      %mul3A_337 = arith.muli %scan3A_334, %mul3A_336 : i32
      %add3A_338 = arith.constant 0 : i32
      %add3A_339 = arith.addi %mul3A_337, %add3A_338 : i32
      %get3A = arith.index_cast %add3A_339 : i32 to index
      %get3A_340 = arith.constant 0 : index
      %get3A_341 = tpu.vector_load %arg14[%get3A, %get3A_340] {strides = array<i32>} : memref<40x128xf32, #tpu.memory_space<vmem>>, vector<1x16xf32>,
      %get3A_342 = vector.shape_cast %get3A_341 : vector<1x16xf32> to vector<16xf32>
      %add3A_343 = arith.constant 0 : i32
      %add3A_344 = arith.addi %mul3A_337, %add3A_343 : i32
      %get3A_345 = arith.index_cast %add3A_344 : i32 to index
      %get3A_346 = arith.constant 0 : index
      %get3A_347 = tpu.vector_load %arg11[%get3A_345, %get3A_346] {strides = array<i32>} : memref<40x128xf32, #tpu.memory_space<vmem>>, vector<1x16xf32>,
      %get3A_348 = vector.shape_cast %get3A_347 : vector<1x16xf32> to vector<16xf32>
      %add3A_349 = arith.addf %get3A_342, %get3A_348 : vector<16xf32>
      %max3A = arith.constant 0.000000e+00 : f32
      %max3A_350 = vector.broadcast %max3A : f32 to vector<16xf32>
      %max3A_351 = arith.maximumf %add3A_349, %max3A_350 : vector<16xf32>
      %add3A_352 = arith.constant 0 : i32
      %add3A_353 = arith.addi %mul3A_337, %add3A_352 : i32
      %swap3A = arith.index_cast %add3A_353 : i32 to index
      %swap3A_354 = arith.constant 0 : index
      %swap3A_355 = tpu.vector_load %arg11[%swap3A, %swap3A_354] {strides = array<i32>} : memref<40x128xf32, #tpu.memory_space<vmem>>, vector<1x16xf32>,
      %swap3A_356 = vector.shape_cast %swap3A_355 : vector<1x16xf32> to vector<16xf32>
      %swap3A_357 = vector.shape_cast %max3A_351 : vector<16xf32> to vector<1x16xf32>
      tpu.vector_store %arg11[%swap3A, %swap3A_354], %swap3A_357 {strides = array<i32>} : memref<40x128xf32, #tpu.memory_space<vmem>>, vector<1x16xf32>,
      %add3A_358 = arith.constant 0 : i32
      %add3A_359 = arith.addi %mul3A_337, %add3A_358 : i32
      %get3A_360 = arith.index_cast %add3A_359 : i32 to index
      %get3A_361 = arith.constant 16 : index
      %get3A_362 = tpu.vector_load %arg14[%get3A_360, %get3A_361] {strides = array<i32>} : memref<40x128xf32, #tpu.memory_space<vmem>>, vector<1x16xf32>,
      %get3A_363 = vector.shape_cast %get3A_362 : vector<1x16xf32> to vector<16xf32>
      %add3A_364 = arith.constant 0 : i32
      %add3A_365 = arith.addi %mul3A_337, %add3A_364 : i32
      %get3A_366 = arith.index_cast %add3A_365 : i32 to index
      %get3A_367 = arith.constant 16 : index
      %get3A_368 = tpu.vector_load %arg11[%get3A_366, %get3A_367] {strides = array<i32>} : memref<40x128xf32, #tpu.memory_space<vmem>>, vector<1x16xf32>,
      %get3A_369 = vector.shape_cast %get3A_368 : vector<1x16xf32> to vector<16xf32>
      %add3A_370 = arith.addf %get3A_363, %get3A_369 : vector<16xf32>
      %max3A_371 = arith.constant 0.000000e+00 : f32
      %max3A_372 = vector.broadcast %max3A_371 : f32 to vector<16xf32>
      %max3A_373 = arith.maximumf %add3A_370, %max3A_372 : vector<16xf32>
      %add3A_374 = arith.constant 0 : i32
      %add3A_375 = arith.addi %mul3A_337, %add3A_374 : i32
      %swap3A_376 = arith.index_cast %add3A_375 : i32 to index
      %swap3A_377 = arith.constant 16 : index
      %swap3A_378 = tpu.vector_load %arg11[%swap3A_376, %swap3A_377] {strides = array<i32>} : memref<40x128xf32, #tpu.memory_space<vmem>>, vector<1x16xf32>,
      %swap3A_379 = vector.shape_cast %swap3A_378 : vector<1x16xf32> to vector<16xf32>
      %swap3A_380 = vector.shape_cast %max3A_373 : vector<16xf32> to vector<1x16xf32>
      tpu.vector_store %arg11[%swap3A_376, %swap3A_377], %swap3A_380 {strides = array<i32>} : memref<40x128xf32, #tpu.memory_space<vmem>>, vector<1x16xf32>,
      %add3A_381 = arith.constant 0 : i32
      %add3A_382 = arith.addi %mul3A_337, %add3A_381 : i32
      %get3A_383 = arith.index_cast %add3A_382 : i32 to index
      %get3A_384 = arith.constant 32 : index
      %get3A_385 = tpu.vector_load %arg14[%get3A_383, %get3A_384] {strides = array<i32>} : memref<40x128xf32, #tpu.memory_space<vmem>>, vector<1x16xf32>,
      %get3A_386 = vector.shape_cast %get3A_385 : vector<1x16xf32> to vector<16xf32>
      %add3A_387 = arith.constant 0 : i32
      %add3A_388 = arith.addi %mul3A_337, %add3A_387 : i32
      %get3A_389 = arith.index_cast %add3A_388 : i32 to index
      %get3A_390 = arith.constant 32 : index
      %get3A_391 = tpu.vector_load %arg11[%get3A_389, %get3A_390] {strides = array<i32>} : memref<40x128xf32, #tpu.memory_space<vmem>>, vector<1x16xf32>,
      %get3A_392 = vector.shape_cast %get3A_391 : vector<1x16xf32> to vector<16xf32>
      %add3A_393 = arith.addf %get3A_386, %get3A_392 : vector<16xf32>
      %max3A_394 = arith.constant 0.000000e+00 : f32
      %max3A_395 = vector.broadcast %max3A_394 : f32 to vector<16xf32>
      %max3A_396 = arith.maximumf %add3A_393, %max3A_395 : vector<16xf32>
      %add3A_397 = arith.constant 0 : i32
      %add3A_398 = arith.addi %mul3A_337, %add3A_397 : i32
      %swap3A_399 = arith.index_cast %add3A_398 : i32 to index
      %swap3A_400 = arith.constant 32 : index
      %swap3A_401 = tpu.vector_load %arg11[%swap3A_399, %swap3A_400] {strides = array<i32>} : memref<40x128xf32, #tpu.memory_space<vmem>>, vector<1x16xf32>,
      %swap3A_402 = vector.shape_cast %swap3A_401 : vector<1x16xf32> to vector<16xf32>
      %swap3A_403 = vector.shape_cast %max3A_396 : vector<16xf32> to vector<1x16xf32>
      tpu.vector_store %arg11[%swap3A_399, %swap3A_400], %swap3A_403 {strides = array<i32>} : memref<40x128xf32, #tpu.memory_space<vmem>>, vector<1x16xf32>,
      %add3A_404 = arith.constant 0 : i32
      %add3A_405 = arith.addi %mul3A_337, %add3A_404 : i32
      %get3A_406 = arith.index_cast %add3A_405 : i32 to index
      %get3A_407 = arith.constant 48 : index
      %get3A_408 = tpu.vector_load %arg14[%get3A_406, %get3A_407] {strides = array<i32>} : memref<40x128xf32, #tpu.memory_space<vmem>>, vector<1x16xf32>,
      %get3A_409 = vector.shape_cast %get3A_408 : vector<1x16xf32> to vector<16xf32>
      %add3A_410 = arith.constant 0 : i32
      %add3A_411 = arith.addi %mul3A_337, %add3A_410 : i32
      %get3A_412 = arith.index_cast %add3A_411 : i32 to index
      %get3A_413 = arith.constant 48 : index
      %get3A_414 = tpu.vector_load %arg11[%get3A_412, %get3A_413] {strides = array<i32>} : memref<40x128xf32, #tpu.memory_space<vmem>>, vector<1x16xf32>,
      %get3A_415 = vector.shape_cast %get3A_414 : vector<1x16xf32> to vector<16xf32>
      %add3A_416 = arith.addf %get3A_409, %get3A_415 : vector<16xf32>
      %max3A_417 = arith.constant 0.000000e+00 : f32
      %max3A_418 = vector.broadcast %max3A_417 : f32 to vector<16xf32>
      %max3A_419 = arith.maximumf %add3A_416, %max3A_418 : vector<16xf32>
      %add3A_420 = arith.constant 0 : i32
      %add3A_421 = arith.addi %mul3A_337, %add3A_420 : i32
      %swap3A_422 = arith.index_cast %add3A_421 : i32 to index
      %swap3A_423 = arith.constant 48 : index
      %swap3A_424 = tpu.vector_load %arg11[%swap3A_422, %swap3A_423] {strides = array<i32>} : memref<40x128xf32, #tpu.memory_space<vmem>>, vector<1x16xf32>,
      %swap3A_425 = vector.shape_cast %swap3A_424 : vector<1x16xf32> to vector<16xf32>
      %swap3A_426 = vector.shape_cast %max3A_419 : vector<16xf32> to vector<1x16xf32>
      tpu.vector_store %arg11[%swap3A_422, %swap3A_423], %swap3A_426 {strides = array<i32>} : memref<40x128xf32, #tpu.memory_space<vmem>>, vector<1x16xf32>,
      %add3A_427 = arith.constant 0 : i32
      %add3A_428 = arith.addi %mul3A_337, %add3A_427 : i32
      %get3A_429 = arith.index_cast %add3A_428 : i32 to index
      %get3A_430 = arith.constant 64 : index
      %get3A_431 = tpu.vector_load %arg14[%get3A_429, %get3A_430] {strides = array<i32>} : memref<40x128xf32, #tpu.memory_space<vmem>>, vector<1x16xf32>,
      %get3A_432 = vector.shape_cast %get3A_431 : vector<1x16xf32> to vector<16xf32>
      %add3A_433 = arith.constant 0 : i32
      %add3A_434 = arith.addi %mul3A_337, %add3A_433 : i32
      %get3A_435 = arith.index_cast %add3A_434 : i32 to index
      %get3A_436 = arith.constant 64 : index
      %get3A_437 = tpu.vector_load %arg11[%get3A_435, %get3A_436] {strides = array<i32>} : memref<40x128xf32, #tpu.memory_space<vmem>>, vector<1x16xf32>,
      %get3A_438 = vector.shape_cast %get3A_437 : vector<1x16xf32> to vector<16xf32>
      %add3A_439 = arith.addf %get3A_432, %get3A_438 : vector<16xf32>
      %max3A_440 = arith.constant 0.000000e+00 : f32
      %max3A_441 = vector.broadcast %max3A_440 : f32 to vector<16xf32>
      %max3A_442 = arith.maximumf %add3A_439, %max3A_441 : vector<16xf32>
      %add3A_443 = arith.constant 0 : i32
      %add3A_444 = arith.addi %mul3A_337, %add3A_443 : i32
      %swap3A_445 = arith.index_cast %add3A_444 : i32 to index
      %swap3A_446 = arith.constant 64 : index
      %swap3A_447 = tpu.vector_load %arg11[%swap3A_445, %swap3A_446] {strides = array<i32>} : memref<40x128xf32, #tpu.memory_space<vmem>>, vector<1x16xf32>,
      %swap3A_448 = vector.shape_cast %swap3A_447 : vector<1x16xf32> to vector<16xf32>
      %swap3A_449 = vector.shape_cast %max3A_442 : vector<16xf32> to vector<1x16xf32>
      tpu.vector_store %arg11[%swap3A_445, %swap3A_446], %swap3A_449 {strides = array<i32>} : memref<40x128xf32, #tpu.memory_space<vmem>>, vector<1x16xf32>,
      %add3A_450 = arith.constant 0 : i32
      %add3A_451 = arith.addi %mul3A_337, %add3A_450 : i32
      %get3A_452 = arith.index_cast %add3A_451 : i32 to index
      %get3A_453 = arith.constant 80 : index
      %get3A_454 = tpu.vector_load %arg14[%get3A_452, %get3A_453] {strides = array<i32>} : memref<40x128xf32, #tpu.memory_space<vmem>>, vector<1x16xf32>,
      %get3A_455 = vector.shape_cast %get3A_454 : vector<1x16xf32> to vector<16xf32>
      %add3A_456 = arith.constant 0 : i32
      %add3A_457 = arith.addi %mul3A_337, %add3A_456 : i32
      %get3A_458 = arith.index_cast %add3A_457 : i32 to index
      %get3A_459 = arith.constant 80 : index
      %get3A_460 = tpu.vector_load %arg11[%get3A_458, %get3A_459] {strides = array<i32>} : memref<40x128xf32, #tpu.memory_space<vmem>>, vector<1x16xf32>,
      %get3A_461 = vector.shape_cast %get3A_460 : vector<1x16xf32> to vector<16xf32>
      %add3A_462 = arith.addf %get3A_455, %get3A_461 : vector<16xf32>
      %max3A_463 = arith.constant 0.000000e+00 : f32
      %max3A_464 = vector.broadcast %max3A_463 : f32 to vector<16xf32>
      %max3A_465 = arith.maximumf %add3A_462, %max3A_464 : vector<16xf32>
      %add3A_466 = arith.constant 0 : i32
      %add3A_467 = arith.addi %mul3A_337, %add3A_466 : i32
      %swap3A_468 = arith.index_cast %add3A_467 : i32 to index
      %swap3A_469 = arith.constant 80 : index
      %swap3A_470 = tpu.vector_load %arg11[%swap3A_468, %swap3A_469] {strides = array<i32>} : memref<40x128xf32, #tpu.memory_space<vmem>>, vector<1x16xf32>,
      %swap3A_471 = vector.shape_cast %swap3A_470 : vector<1x16xf32> to vector<16xf32>
      %swap3A_472 = vector.shape_cast %max3A_465 : vector<16xf32> to vector<1x16xf32>
      tpu.vector_store %arg11[%swap3A_468, %swap3A_469], %swap3A_472 {strides = array<i32>} : memref<40x128xf32, #tpu.memory_space<vmem>>, vector<1x16xf32>,
      %add3A_473 = arith.constant 0 : i32
      %add3A_474 = arith.addi %mul3A_337, %add3A_473 : i32
      %get3A_475 = arith.index_cast %add3A_474 : i32 to index
      %get3A_476 = arith.constant 96 : index
      %get3A_477 = tpu.vector_load %arg14[%get3A_475, %get3A_476] {strides = array<i32>} : memref<40x128xf32, #tpu.memory_space<vmem>>, vector<1x16xf32>,
      %get3A_478 = vector.shape_cast %get3A_477 : vector<1x16xf32> to vector<16xf32>
      %add3A_479 = arith.constant 0 : i32
      %add3A_480 = arith.addi %mul3A_337, %add3A_479 : i32
      %get3A_481 = arith.index_cast %add3A_480 : i32 to index
      %get3A_482 = arith.constant 96 : index
      %get3A_483 = tpu.vector_load %arg11[%get3A_481, %get3A_482] {strides = array<i32>} : memref<40x128xf32, #tpu.memory_space<vmem>>, vector<1x16xf32>,
      %get3A_484 = vector.shape_cast %get3A_483 : vector<1x16xf32> to vector<16xf32>
      %add3A_485 = arith.addf %get3A_478, %get3A_484 : vector<16xf32>
      %max3A_486 = arith.constant 0.000000e+00 : f32
      %max3A_487 = vector.broadcast %max3A_486 : f32 to vector<16xf32>
      %max3A_488 = arith.maximumf %add3A_485, %max3A_487 : vector<16xf32>
      %add3A_489 = arith.constant 0 : i32
      %add3A_490 = arith.addi %mul3A_337, %add3A_489 : i32
      %swap3A_491 = arith.index_cast %add3A_490 : i32 to index
      %swap3A_492 = arith.constant 96 : index
      %swap3A_493 = tpu.vector_load %arg11[%swap3A_491, %swap3A_492] {strides = array<i32>} : memref<40x128xf32, #tpu.memory_space<vmem>>, vector<1x16xf32>,
      %swap3A_494 = vector.shape_cast %swap3A_493 : vector<1x16xf32> to vector<16xf32>
      %swap3A_495 = vector.shape_cast %max3A_488 : vector<16xf32> to vector<1x16xf32>
      tpu.vector_store %arg11[%swap3A_491, %swap3A_492], %swap3A_495 {strides = array<i32>} : memref<40x128xf32, #tpu.memory_space<vmem>>, vector<1x16xf32>,
      %add3A_496 = arith.constant 0 : i32
      %add3A_497 = arith.addi %mul3A_337, %add3A_496 : i32
      %get3A_498 = arith.index_cast %add3A_497 : i32 to index
      %get3A_499 = arith.constant 112 : index
      %get3A_500 = tpu.vector_load %arg14[%get3A_498, %get3A_499] {strides = array<i32>} : memref<40x128xf32, #tpu.memory_space<vmem>>, vector<1x16xf32>,
      %get3A_501 = vector.shape_cast %get3A_500 : vector<1x16xf32> to vector<16xf32>
      %add3A_502 = arith.constant 0 : i32
      %add3A_503 = arith.addi %mul3A_337, %add3A_502 : i32
      %get3A_504 = arith.index_cast %add3A_503 : i32 to index
      %get3A_505 = arith.constant 112 : index
      %get3A_506 = tpu.vector_load %arg11[%get3A_504, %get3A_505] {strides = array<i32>} : memref<40x128xf32, #tpu.memory_space<vmem>>, vector<1x16xf32>,
      %get3A_507 = vector.shape_cast %get3A_506 : vector<1x16xf32> to vector<16xf32>
      %add3A_508 = arith.addf %get3A_501, %get3A_507 : vector<16xf32>
      %max3A_509 = arith.constant 0.000000e+00 : f32
      %max3A_510 = vector.broadcast %max3A_509 : f32 to vector<16xf32>
      %max3A_511 = arith.maximumf %add3A_508, %max3A_510 : vector<16xf32>
      %add3A_512 = arith.constant 0 : i32
      %add3A_513 = arith.addi %mul3A_337, %add3A_512 : i32
      %swap3A_514 = arith.index_cast %add3A_513 : i32 to index
      %swap3A_515 = arith.constant 112 : index
      %swap3A_516 = tpu.vector_load %arg11[%swap3A_514, %swap3A_515] {strides = array<i32>} : memref<40x128xf32, #tpu.memory_space<vmem>>, vector<1x16xf32>,
      %swap3A_517 = vector.shape_cast %swap3A_516 : vector<1x16xf32> to vector<16xf32>
      %swap3A_518 = vector.shape_cast %max3A_511 : vector<16xf32> to vector<1x16xf32>
      tpu.vector_store %arg11[%swap3A_514, %swap3A_515], %swap3A_518 {strides = array<i32>} : memref<40x128xf32, #tpu.memory_space<vmem>>, vector<1x16xf32>,
      %add3A_519 = arith.constant 1 : i32
      %add3A_520 = arith.addi %mul3A_337, %add3A_519 : i32
      %get3A_521 = arith.index_cast %add3A_520 : i32 to index
      %get3A_522 = arith.constant 0 : index
      %get3A_523 = tpu.vector_load %arg14[%get3A_521, %get3A_522] {strides = array<i32>} : memref<40x128xf32, #tpu.memory_space<vmem>>, vector<1x16xf32>,
      %get3A_524 = vector.shape_cast %get3A_523 : vector<1x16xf32> to vector<16xf32>
      %add3A_525 = arith.constant 1 : i32
      %add3A_526 = arith.addi %mul3A_337, %add3A_525 : i32
      %get3A_527 = arith.index_cast %add3A_526 : i32 to index
      %get3A_528 = arith.constant 0 : index
      %get3A_529 = tpu.vector_load %arg11[%get3A_527, %get3A_528] {strides = array<i32>} : memref<40x128xf32, #tpu.memory_space<vmem>>, vector<1x16xf32>,
      %get3A_530 = vector.shape_cast %get3A_529 : vector<1x16xf32> to vector<16xf32>
      %add3A_531 = arith.addf %get3A_524, %get3A_530 : vector<16xf32>
      %max3A_532 = arith.constant 0.000000e+00 : f32
      %max3A_533 = vector.broadcast %max3A_532 : f32 to vector<16xf32>
      %max3A_534 = arith.maximumf %add3A_531, %max3A_533 : vector<16xf32>
      %add3A_535 = arith.constant 1 : i32
      %add3A_536 = arith.addi %mul3A_337, %add3A_535 : i32
      %swap3A_537 = arith.index_cast %add3A_536 : i32 to index
      %swap3A_538 = arith.constant 0 : index
      %swap3A_539 = tpu.vector_load %arg11[%swap3A_537, %swap3A_538] {strides = array<i32>} : memref<40x128xf32, #tpu.memory_space<vmem>>, vector<1x16xf32>,
      %swap3A_540 = vector.shape_cast %swap3A_539 : vector<1x16xf32> to vector<16xf32>
      %swap3A_541 = vector.shape_cast %max3A_534 : vector<16xf32> to vector<1x16xf32>
      tpu.vector_store %arg11[%swap3A_537, %swap3A_538], %swap3A_541 {strides = array<i32>} : memref<40x128xf32, #tpu.memory_space<vmem>>, vector<1x16xf32>,
      %add3A_542 = arith.constant 1 : i32
      %add3A_543 = arith.addi %mul3A_337, %add3A_542 : i32
      %get3A_544 = arith.index_cast %add3A_543 : i32 to index
      %get3A_545 = arith.constant 16 : index
      %get3A_546 = tpu.vector_load %arg14[%get3A_544, %get3A_545] {strides = array<i32>} : memref<40x128xf32, #tpu.memory_space<vmem>>, vector<1x16xf32>,
      %get3A_547 = vector.shape_cast %get3A_546 : vector<1x16xf32> to vector<16xf32>
      %add3A_548 = arith.constant 1 : i32
      %add3A_549 = arith.addi %mul3A_337, %add3A_548 : i32
      %get3A_550 = arith.index_cast %add3A_549 : i32 to index
      %get3A_551 = arith.constant 16 : index
      %get3A_552 = tpu.vector_load %arg11[%get3A_550, %get3A_551] {strides = array<i32>} : memref<40x128xf32, #tpu.memory_space<vmem>>, vector<1x16xf32>,
      %get3A_553 = vector.shape_cast %get3A_552 : vector<1x16xf32> to vector<16xf32>
      %add3A_554 = arith.addf %get3A_547, %get3A_553 : vector<16xf32>
      %max3A_555 = arith.constant 0.000000e+00 : f32
      %max3A_556 = vector.broadcast %max3A_555 : f32 to vector<16xf32>
      %max3A_557 = arith.maximumf %add3A_554, %max3A_556 : vector<16xf32>
      %add3A_558 = arith.constant 1 : i32
      %add3A_559 = arith.addi %mul3A_337, %add3A_558 : i32
      %swap3A_560 = arith.index_cast %add3A_559 : i32 to index
      %swap3A_561 = arith.constant 16 : index
      %swap3A_562 = tpu.vector_load %arg11[%swap3A_560, %swap3A_561] {strides = array<i32>} : memref<40x128xf32, #tpu.memory_space<vmem>>, vector<1x16xf32>,
      %swap3A_563 = vector.shape_cast %swap3A_562 : vector<1x16xf32> to vector<16xf32>
      %swap3A_564 = vector.shape_cast %max3A_557 : vector<16xf32> to vector<1x16xf32>
      tpu.vector_store %arg11[%swap3A_560, %swap3A_561], %swap3A_564 {strides = array<i32>} : memref<40x128xf32, #tpu.memory_space<vmem>>, vector<1x16xf32>,
      %add3A_565 = arith.constant 1 : i32
      %add3A_566 = arith.addi %mul3A_337, %add3A_565 : i32
      %get3A_567 = arith.index_cast %add3A_566 : i32 to index
      %get3A_568 = arith.constant 32 : index
      %get3A_569 = tpu.vector_load %arg14[%get3A_567, %get3A_568] {strides = array<i32>} : memref<40x128xf32, #tpu.memory_space<vmem>>, vector<1x16xf32>,
      %get3A_570 = vector.shape_cast %get3A_569 : vector<1x16xf32> to vector<16xf32>
      %add3A_571 = arith.constant 1 : i32
      %add3A_572 = arith.addi %mul3A_337, %add3A_571 : i32
      %get3A_573 = arith.index_cast %add3A_572 : i32 to index
      %get3A_574 = arith.constant 32 : index
      %get3A_575 = tpu.vector_load %arg11[%get3A_573, %get3A_574] {strides = array<i32>} : memref<40x128xf32, #tpu.memory_space<vmem>>, vector<1x16xf32>,
      %get3A_576 = vector.shape_cast %get3A_575 : vector<1x16xf32> to vector<16xf32>
      %add3A_577 = arith.addf %get3A_570, %get3A_576 : vector<16xf32>
      %max3A_578 = arith.constant 0.000000e+00 : f32
      %max3A_579 = vector.broadcast %max3A_578 : f32 to vector<16xf32>
      %max3A_580 = arith.maximumf %add3A_577, %max3A_579 : vector<16xf32>
      %add3A_581 = arith.constant 1 : i32
      %add3A_582 = arith.addi %mul3A_337, %add3A_581 : i32
      %swap3A_583 = arith.index_cast %add3A_582 : i32 to index
      %swap3A_584 = arith.constant 32 : index
      %swap3A_585 = tpu.vector_load %arg11[%swap3A_583, %swap3A_584] {strides = array<i32>} : memref<40x128xf32, #tpu.memory_space<vmem>>, vector<1x16xf32>,
      %swap3A_586 = vector.shape_cast %swap3A_585 : vector<1x16xf32> to vector<16xf32>
      %swap3A_587 = vector.shape_cast %max3A_580 : vector<16xf32> to vector<1x16xf32>
      tpu.vector_store %arg11[%swap3A_583, %swap3A_584], %swap3A_587 {strides = array<i32>} : memref<40x128xf32, #tpu.memory_space<vmem>>, vector<1x16xf32>,
      %add3A_588 = arith.constant 1 : i32
      %add3A_589 = arith.addi %mul3A_337, %add3A_588 : i32
      %get3A_590 = arith.index_cast %add3A_589 : i32 to index
      %get3A_591 = arith.constant 48 : index
      %get3A_592 = tpu.vector_load %arg14[%get3A_590, %get3A_591] {strides = array<i32>} : memref<40x128xf32, #tpu.memory_space<vmem>>, vector<1x16xf32>,
      %get3A_593 = vector.shape_cast %get3A_592 : vector<1x16xf32> to vector<16xf32>
      %add3A_594 = arith.constant 1 : i32
      %add3A_595 = arith.addi %mul3A_337, %add3A_594 : i32
      %get3A_596 = arith.index_cast %add3A_595 : i32 to index
      %get3A_597 = arith.constant 48 : index
      %get3A_598 = tpu.vector_load %arg11[%get3A_596, %get3A_597] {strides = array<i32>} : memref<40x128xf32, #tpu.memory_space<vmem>>, vector<1x16xf32>,
      %get3A_599 = vector.shape_cast %get3A_598 : vector<1x16xf32> to vector<16xf32>
      %add3A_600 = arith.addf %get3A_593, %get3A_599 : vector<16xf32>
      %max3A_601 = arith.constant 0.000000e+00 : f32
      %max3A_602 = vector.broadcast %max3A_601 : f32 to vector<16xf32>
      %max3A_603 = arith.maximumf %add3A_600, %max3A_602 : vector<16xf32>
      %add3A_604 = arith.constant 1 : i32
      %add3A_605 = arith.addi %mul3A_337, %add3A_604 : i32
      %swap3A_606 = arith.index_cast %add3A_605 : i32 to index
      %swap3A_607 = arith.constant 48 : index
      %swap3A_608 = tpu.vector_load %arg11[%swap3A_606, %swap3A_607] {strides = array<i32>} : memref<40x128xf32, #tpu.memory_space<vmem>>, vector<1x16xf32>,
      %swap3A_609 = vector.shape_cast %swap3A_608 : vector<1x16xf32> to vector<16xf32>
      %swap3A_610 = vector.shape_cast %max3A_603 : vector<16xf32> to vector<1x16xf32>
      tpu.vector_store %arg11[%swap3A_606, %swap3A_607], %swap3A_610 {strides = array<i32>} : memref<40x128xf32, #tpu.memory_space<vmem>>, vector<1x16xf32>,
      %add3A_611 = arith.constant 1 : i32
      %add3A_612 = arith.addi %mul3A_337, %add3A_611 : i32
      %get3A_613 = arith.index_cast %add3A_612 : i32 to index
      %get3A_614 = arith.constant 64 : index
      %get3A_615 = tpu.vector_load %arg14[%get3A_613, %get3A_614] {strides = array<i32>} : memref<40x128xf32, #tpu.memory_space<vmem>>, vector<1x16xf32>,
      %get3A_616 = vector.shape_cast %get3A_615 : vector<1x16xf32> to vector<16xf32>
      %add3A_617 = arith.constant 1 : i32
      %add3A_618 = arith.addi %mul3A_337, %add3A_617 : i32
      %get3A_619 = arith.index_cast %add3A_618 : i32 to index
      %get3A_620 = arith.constant 64 : index
      %get3A_621 = tpu.vector_load %arg11[%get3A_619, %get3A_620] {strides = array<i32>} : memref<40x128xf32, #tpu.memory_space<vmem>>, vector<1x16xf32>,
      %get3A_622 = vector.shape_cast %get3A_621 : vector<1x16xf32> to vector<16xf32>
      %add3A_623 = arith.addf %get3A_616, %get3A_622 : vector<16xf32>
      %max3A_624 = arith.constant 0.000000e+00 : f32
      %max3A_625 = vector.broadcast %max3A_624 : f32 to vector<16xf32>
      %max3A_626 = arith.maximumf %add3A_623, %max3A_625 : vector<16xf32>
      %add3A_627 = arith.constant 1 : i32
      %add3A_628 = arith.addi %mul3A_337, %add3A_627 : i32
      %swap3A_629 = arith.index_cast %add3A_628 : i32 to index
      %swap3A_630 = arith.constant 64 : index
      %swap3A_631 = tpu.vector_load %arg11[%swap3A_629, %swap3A_630] {strides = array<i32>} : memref<40x128xf32, #tpu.memory_space<vmem>>, vector<1x16xf32>,
      %swap3A_632 = vector.shape_cast %swap3A_631 : vector<1x16xf32> to vector<16xf32>
      %swap3A_633 = vector.shape_cast %max3A_626 : vector<16xf32> to vector<1x16xf32>
      tpu.vector_store %arg11[%swap3A_629, %swap3A_630], %swap3A_633 {strides = array<i32>} : memref<40x128xf32, #tpu.memory_space<vmem>>, vector<1x16xf32>,
      %add3A_634 = arith.constant 1 : i32
      %add3A_635 = arith.addi %mul3A_337, %add3A_634 : i32
      %get3A_636 = arith.index_cast %add3A_635 : i32 to index
      %get3A_637 = arith.constant 80 : index
      %get3A_638 = tpu.vector_load %arg14[%get3A_636, %get3A_637] {strides = array<i32>} : memref<40x128xf32, #tpu.memory_space<vmem>>, vector<1x16xf32>,
      %get3A_639 = vector.shape_cast %get3A_638 : vector<1x16xf32> to vector<16xf32>
      %add3A_640 = arith.constant 1 : i32
      %add3A_641 = arith.addi %mul3A_337, %add3A_640 : i32
      %get3A_642 = arith.index_cast %add3A_641 : i32 to index
      %get3A_643 = arith.constant 80 : index
      %get3A_644 = tpu.vector_load %arg11[%get3A_642, %get3A_643] {strides = array<i32>} : memref<40x128xf32, #tpu.memory_space<vmem>>, vector<1x16xf32>,
      %get3A_645 = vector.shape_cast %get3A_644 : vector<1x16xf32> to vector<16xf32>
      %add3A_646 = arith.addf %get3A_639, %get3A_645 : vector<16xf32>
      %max3A_647 = arith.constant 0.000000e+00 : f32
      %max3A_648 = vector.broadcast %max3A_647 : f32 to vector<16xf32>
      %max3A_649 = arith.maximumf %add3A_646, %max3A_648 : vector<16xf32>
      %add3A_650 = arith.constant 1 : i32
      %add3A_651 = arith.addi %mul3A_337, %add3A_650 : i32
      %swap3A_652 = arith.index_cast %add3A_651 : i32 to index
      %swap3A_653 = arith.constant 80 : index
      %swap3A_654 = tpu.vector_load %arg11[%swap3A_652, %swap3A_653] {strides = array<i32>} : memref<40x128xf32, #tpu.memory_space<vmem>>, vector<1x16xf32>,
      %swap3A_655 = vector.shape_cast %swap3A_654 : vector<1x16xf32> to vector<16xf32>
      %swap3A_656 = vector.shape_cast %max3A_649 : vector<16xf32> to vector<1x16xf32>
      tpu.vector_store %arg11[%swap3A_652, %swap3A_653], %swap3A_656 {strides = array<i32>} : memref<40x128xf32, #tpu.memory_space<vmem>>, vector<1x16xf32>,
      %add3A_657 = arith.constant 1 : i32
      %add3A_658 = arith.addi %mul3A_337, %add3A_657 : i32
      %get3A_659 = arith.index_cast %add3A_658 : i32 to index
      %get3A_660 = arith.constant 96 : index
      %get3A_661 = tpu.vector_load %arg14[%get3A_659, %get3A_660] {strides = array<i32>} : memref<40x128xf32, #tpu.memory_space<vmem>>, vector<1x16xf32>,
      %get3A_662 = vector.shape_cast %get3A_661 : vector<1x16xf32> to vector<16xf32>
      %add3A_663 = arith.constant 1 : i32
      %add3A_664 = arith.addi %mul3A_337, %add3A_663 : i32
      %get3A_665 = arith.index_cast %add3A_664 : i32 to index
      %get3A_666 = arith.constant 96 : index
      %get3A_667 = tpu.vector_load %arg11[%get3A_665, %get3A_666] {strides = array<i32>} : memref<40x128xf32, #tpu.memory_space<vmem>>, vector<1x16xf32>,
      %get3A_668 = vector.shape_cast %get3A_667 : vector<1x16xf32> to vector<16xf32>
      %add3A_669 = arith.addf %get3A_662, %get3A_668 : vector<16xf32>
      %max3A_670 = arith.constant 0.000000e+00 : f32
      %max3A_671 = vector.broadcast %max3A_670 : f32 to vector<16xf32>
      %max3A_672 = arith.maximumf %add3A_669, %max3A_671 : vector<16xf32>
      %add3A_673 = arith.constant 1 : i32
      %add3A_674 = arith.addi %mul3A_337, %add3A_673 : i32
      %swap3A_675 = arith.index_cast %add3A_674 : i32 to index
      %swap3A_676 = arith.constant 96 : index
      %swap3A_677 = tpu.vector_load %arg11[%swap3A_675, %swap3A_676] {strides = array<i32>} : memref<40x128xf32, #tpu.memory_space<vmem>>, vector<1x16xf32>,
      %swap3A_678 = vector.shape_cast %swap3A_677 : vector<1x16xf32> to vector<16xf32>
      %swap3A_679 = vector.shape_cast %max3A_672 : vector<16xf32> to vector<1x16xf32>
      tpu.vector_store %arg11[%swap3A_675, %swap3A_676], %swap3A_679 {strides = array<i32>} : memref<40x128xf32, #tpu.memory_space<vmem>>, vector<1x16xf32>,
      %add3A_680 = arith.constant 1 : i32
      %add3A_681 = arith.addi %mul3A_337, %add3A_680 : i32
      %get3A_682 = arith.index_cast %add3A_681 : i32 to index
      %get3A_683 = arith.constant 112 : index
      %get3A_684 = tpu.vector_load %arg14[%get3A_682, %get3A_683] {strides = array<i32>} : memref<40x128xf32, #tpu.memory_space<vmem>>, vector<1x16xf32>,
      %get3A_685 = vector.shape_cast %get3A_684 : vector<1x16xf32> to vector<16xf32>
      %add3A_686 = arith.constant 1 : i32
      %add3A_687 = arith.addi %mul3A_337, %add3A_686 : i32
      %get3A_688 = arith.index_cast %add3A_687 : i32 to index
      %get3A_689 = arith.constant 112 : index
      %get3A_690 = tpu.vector_load %arg11[%get3A_688, %get3A_689] {strides = array<i32>} : memref<40x128xf32, #tpu.memory_space<vmem>>, vector<1x16xf32>,
      %get3A_691 = vector.shape_cast %get3A_690 : vector<1x16xf32> to vector<16xf32>
      %add3A_692 = arith.addf %get3A_685, %get3A_691 : vector<16xf32>
      %max3A_693 = arith.constant 0.000000e+00 : f32
      %max3A_694 = vector.broadcast %max3A_693 : f32 to vector<16xf32>
      %max3A_695 = arith.maximumf %add3A_692, %max3A_694 : vector<16xf32>
      %add3A_696 = arith.constant 1 : i32
      %add3A_697 = arith.addi %mul3A_337, %add3A_696 : i32
      %swap3A_698 = arith.index_cast %add3A_697 : i32 to index
      %swap3A_699 = arith.constant 112 : index
      %swap3A_700 = tpu.vector_load %arg11[%swap3A_698, %swap3A_699] {strides = array<i32>} : memref<40x128xf32, #tpu.memory_space<vmem>>, vector<1x16xf32>,
      %swap3A_701 = vector.shape_cast %swap3A_700 : vector<1x16xf32> to vector<16xf32>
      %swap3A_702 = vector.shape_cast %max3A_695 : vector<16xf32> to vector<1x16xf32>
      tpu.vector_store %arg11[%swap3A_698, %swap3A_699], %swap3A_702 {strides = array<i32>} : memref<40x128xf32, #tpu.memory_space<vmem>>, vector<1x16xf32>,
      %add3A_703 = arith.constant 2 : i32
      %add3A_704 = arith.addi %mul3A_337, %add3A_703 : i32
      %get3A_705 = arith.index_cast %add3A_704 : i32 to index
      %get3A_706 = arith.constant 0 : index
      %get3A_707 = tpu.vector_load %arg14[%get3A_705, %get3A_706] {strides = array<i32>} : memref<40x128xf32, #tpu.memory_space<vmem>>, vector<1x16xf32>,
      %get3A_708 = vector.shape_cast %get3A_707 : vector<1x16xf32> to vector<16xf32>
      %add3A_709 = arith.constant 2 : i32
      %add3A_710 = arith.addi %mul3A_337, %add3A_709 : i32
      %get3A_711 = arith.index_cast %add3A_710 : i32 to index
      %get3A_712 = arith.constant 0 : index
      %get3A_713 = tpu.vector_load %arg11[%get3A_711, %get3A_712] {strides = array<i32>} : memref<40x128xf32, #tpu.memory_space<vmem>>, vector<1x16xf32>,
      %get3A_714 = vector.shape_cast %get3A_713 : vector<1x16xf32> to vector<16xf32>
      %add3A_715 = arith.addf %get3A_708, %get3A_714 : vector<16xf32>
      %max3A_716 = arith.constant 0.000000e+00 : f32
      %max3A_717 = vector.broadcast %max3A_716 : f32 to vector<16xf32>
      %max3A_718 = arith.maximumf %add3A_715, %max3A_717 : vector<16xf32>
      %add3A_719 = arith.constant 2 : i32
      %add3A_720 = arith.addi %mul3A_337, %add3A_719 : i32
      %swap3A_721 = arith.index_cast %add3A_720 : i32 to index
      %swap3A_722 = arith.constant 0 : index
      %swap3A_723 = tpu.vector_load %arg11[%swap3A_721, %swap3A_722] {strides = array<i32>} : memref<40x128xf32, #tpu.memory_space<vmem>>, vector<1x16xf32>,
      %swap3A_724 = vector.shape_cast %swap3A_723 : vector<1x16xf32> to vector<16xf32>
      %swap3A_725 = vector.shape_cast %max3A_718 : vector<16xf32> to vector<1x16xf32>
      tpu.vector_store %arg11[%swap3A_721, %swap3A_722], %swap3A_725 {strides = array<i32>} : memref<40x128xf32, #tpu.memory_space<vmem>>, vector<1x16xf32>,
      %add3A_726 = arith.constant 2 : i32
      %add3A_727 = arith.addi %mul3A_337, %add3A_726 : i32
      %get3A_728 = arith.index_cast %add3A_727 : i32 to index
      %get3A_729 = arith.constant 16 : index
      %get3A_730 = tpu.vector_load %arg14[%get3A_728, %get3A_729] {strides = array<i32>} : memref<40x128xf32, #tpu.memory_space<vmem>>, vector<1x16xf32>,
      %get3A_731 = vector.shape_cast %get3A_730 : vector<1x16xf32> to vector<16xf32>
      %add3A_732 = arith.constant 2 : i32
      %add3A_733 = arith.addi %mul3A_337, %add3A_732 : i32
      %get3A_734 = arith.index_cast %add3A_733 : i32 to index
      %get3A_735 = arith.constant 16 : index
      %get3A_736 = tpu.vector_load %arg11[%get3A_734, %get3A_735] {strides = array<i32>} : memref<40x128xf32, #tpu.memory_space<vmem>>, vector<1x16xf32>,
      %get3A_737 = vector.shape_cast %get3A_736 : vector<1x16xf32> to vector<16xf32>
      %add3A_738 = arith.addf %get3A_731, %get3A_737 : vector<16xf32>
      %max3A_739 = arith.constant 0.000000e+00 : f32
      %max3A_740 = vector.broadcast %max3A_739 : f32 to vector<16xf32>
      %max3A_741 = arith.maximumf %add3A_738, %max3A_740 : vector<16xf32>
      %add3A_742 = arith.constant 2 : i32
      %add3A_743 = arith.addi %mul3A_337, %add3A_742 : i32
      %swap3A_744 = arith.index_cast %add3A_743 : i32 to index
      %swap3A_745 = arith.constant 16 : index
      %swap3A_746 = tpu.vector_load %arg11[%swap3A_744, %swap3A_745] {strides = array<i32>} : memref<40x128xf32, #tpu.memory_space<vmem>>, vector<1x16xf32>,
      %swap3A_747 = vector.shape_cast %swap3A_746 : vector<1x16xf32> to vector<16xf32>
      %swap3A_748 = vector.shape_cast %max3A_741 : vector<16xf32> to vector<1x16xf32>
      tpu.vector_store %arg11[%swap3A_744, %swap3A_745], %swap3A_748 {strides = array<i32>} : memref<40x128xf32, #tpu.memory_space<vmem>>, vector<1x16xf32>,
      %add3A_749 = arith.constant 2 : i32
      %add3A_750 = arith.addi %mul3A_337, %add3A_749 : i32
      %get3A_751 = arith.index_cast %add3A_750 : i32 to index
      %get3A_752 = arith.constant 32 : index
      %get3A_753 = tpu.vector_load %arg14[%get3A_751, %get3A_752] {strides = array<i32>} : memref<40x128xf32, #tpu.memory_space<vmem>>, vector<1x16xf32>,
      %get3A_754 = vector.shape_cast %get3A_753 : vector<1x16xf32> to vector<16xf32>
      %add3A_755 = arith.constant 2 : i32
      %add3A_756 = arith.addi %mul3A_337, %add3A_755 : i32
      %get3A_757 = arith.index_cast %add3A_756 : i32 to index
      %get3A_758 = arith.constant 32 : index
      %get3A_759 = tpu.vector_load %arg11[%get3A_757, %get3A_758] {strides = array<i32>} : memref<40x128xf32, #tpu.memory_space<vmem>>, vector<1x16xf32>,
      %get3A_760 = vector.shape_cast %get3A_759 : vector<1x16xf32> to vector<16xf32>
      %add3A_761 = arith.addf %get3A_754, %get3A_760 : vector<16xf32>
      %max3A_762 = arith.constant 0.000000e+00 : f32
      %max3A_763 = vector.broadcast %max3A_762 : f32 to vector<16xf32>
      %max3A_764 = arith.maximumf %add3A_761, %max3A_763 : vector<16xf32>
      %add3A_765 = arith.constant 2 : i32
      %add3A_766 = arith.addi %mul3A_337, %add3A_765 : i32
      %swap3A_767 = arith.index_cast %add3A_766 : i32 to index
      %swap3A_768 = arith.constant 32 : index
      %swap3A_769 = tpu.vector_load %arg11[%swap3A_767, %swap3A_768] {strides = array<i32>} : memref<40x128xf32, #tpu.memory_space<vmem>>, vector<1x16xf32>,
      %swap3A_770 = vector.shape_cast %swap3A_769 : vector<1x16xf32> to vector<16xf32>
      %swap3A_771 = vector.shape_cast %max3A_764 : vector<16xf32> to vector<1x16xf32>
      tpu.vector_store %arg11[%swap3A_767, %swap3A_768], %swap3A_771 {strides = array<i32>} : memref<40x128xf32, #tpu.memory_space<vmem>>, vector<1x16xf32>,
      %add3A_772 = arith.constant 2 : i32
      %add3A_773 = arith.addi %mul3A_337, %add3A_772 : i32
      %get3A_774 = arith.index_cast %add3A_773 : i32 to index
      %get3A_775 = arith.constant 48 : index
      %get3A_776 = tpu.vector_load %arg14[%get3A_774, %get3A_775] {strides = array<i32>} : memref<40x128xf32, #tpu.memory_space<vmem>>, vector<1x16xf32>,
      %get3A_777 = vector.shape_cast %get3A_776 : vector<1x16xf32> to vector<16xf32>
      %add3A_778 = arith.constant 2 : i32
      %add3A_779 = arith.addi %mul3A_337, %add3A_778 : i32
      %get3A_780 = arith.index_cast %add3A_779 : i32 to index
      %get3A_781 = arith.constant 48 : index
      %get3A_782 = tpu.vector_load %arg11[%get3A_780, %get3A_781] {strides = array<i32>} : memref<40x128xf32, #tpu.memory_space<vmem>>, vector<1x16xf32>,
      %get3A_783 = vector.shape_cast %get3A_782 : vector<1x16xf32> to vector<16xf32>
      %add3A_784 = arith.addf %get3A_777, %get3A_783 : vector<16xf32>
      %max3A_785 = arith.constant 0.000000e+00 : f32
      %max3A_786 = vector.broadcast %max3A_785 : f32 to vector<16xf32>
      %max3A_787 = arith.maximumf %add3A_784, %max3A_786 : vector<16xf32>
      %add3A_788 = arith.constant 2 : i32
      %add3A_789 = arith.addi %mul3A_337, %add3A_788 : i32
      %swap3A_790 = arith.index_cast %add3A_789 : i32 to index
      %swap3A_791 = arith.constant 48 : index
      %swap3A_792 = tpu.vector_load %arg11[%swap3A_790, %swap3A_791] {strides = array<i32>} : memref<40x128xf32, #tpu.memory_space<vmem>>, vector<1x16xf32>,
      %swap3A_793 = vector.shape_cast %swap3A_792 : vector<1x16xf32> to vector<16xf32>
      %swap3A_794 = vector.shape_cast %max3A_787 : vector<16xf32> to vector<1x16xf32>
      tpu.vector_store %arg11[%swap3A_790, %swap3A_791], %swap3A_794 {strides = array<i32>} : memref<40x128xf32, #tpu.memory_space<vmem>>, vector<1x16xf32>,
      %add3A_795 = arith.constant 2 : i32
      %add3A_796 = arith.addi %mul3A_337, %add3A_795 : i32
      %get3A_797 = arith.index_cast %add3A_796 : i32 to index
      %get3A_798 = arith.constant 64 : index
      %get3A_799 = tpu.vector_load %arg14[%get3A_797, %get3A_798] {strides = array<i32>} : memref<40x128xf32, #tpu.memory_space<vmem>>, vector<1x16xf32>,
      %get3A_800 = vector.shape_cast %get3A_799 : vector<1x16xf32> to vector<16xf32>
      %add3A_801 = arith.constant 2 : i32
      %add3A_802 = arith.addi %mul3A_337, %add3A_801 : i32
      %get3A_803 = arith.index_cast %add3A_802 : i32 to index
      %get3A_804 = arith.constant 64 : index
      %get3A_805 = tpu.vector_load %arg11[%get3A_803, %get3A_804] {strides = array<i32>} : memref<40x128xf32, #tpu.memory_space<vmem>>, vector<1x16xf32>,
      %get3A_806 = vector.shape_cast %get3A_805 : vector<1x16xf32> to vector<16xf32>
      %add3A_807 = arith.addf %get3A_800, %get3A_806 : vector<16xf32>
      %max3A_808 = arith.constant 0.000000e+00 : f32
      %max3A_809 = vector.broadcast %max3A_808 : f32 to vector<16xf32>
      %max3A_810 = arith.maximumf %add3A_807, %max3A_809 : vector<16xf32>
      %add3A_811 = arith.constant 2 : i32
      %add3A_812 = arith.addi %mul3A_337, %add3A_811 : i32
      %swap3A_813 = arith.index_cast %add3A_812 : i32 to index
      %swap3A_814 = arith.constant 64 : index
      %swap3A_815 = tpu.vector_load %arg11[%swap3A_813, %swap3A_814] {strides = array<i32>} : memref<40x128xf32, #tpu.memory_space<vmem>>, vector<1x16xf32>,
      %swap3A_816 = vector.shape_cast %swap3A_815 : vector<1x16xf32> to vector<16xf32>
      %swap3A_817 = vector.shape_cast %max3A_810 : vector<16xf32> to vector<1x16xf32>
      tpu.vector_store %arg11[%swap3A_813, %swap3A_814], %swap3A_817 {strides = array<i32>} : memref<40x128xf32, #tpu.memory_space<vmem>>, vector<1x16xf32>,
      %add3A_818 = arith.constant 2 : i32
      %add3A_819 = arith.addi %mul3A_337, %add3A_818 : i32
      %get3A_820 = arith.index_cast %add3A_819 : i32 to index
      %get3A_821 = arith.constant 80 : index
      %get3A_822 = tpu.vector_load %arg14[%get3A_820, %get3A_821] {strides = array<i32>} : memref<40x128xf32, #tpu.memory_space<vmem>>, vector<1x16xf32>,
      %get3A_823 = vector.shape_cast %get3A_822 : vector<1x16xf32> to vector<16xf32>
      %add3A_824 = arith.constant 2 : i32
      %add3A_825 = arith.addi %mul3A_337, %add3A_824 : i32
      %get3A_826 = arith.index_cast %add3A_825 : i32 to index
      %get3A_827 = arith.constant 80 : index
      %get3A_828 = tpu.vector_load %arg11[%get3A_826, %get3A_827] {strides = array<i32>} : memref<40x128xf32, #tpu.memory_space<vmem>>, vector<1x16xf32>,
      %get3A_829 = vector.shape_cast %get3A_828 : vector<1x16xf32> to vector<16xf32>
      %add3A_830 = arith.addf %get3A_823, %get3A_829 : vector<16xf32>
      %max3A_831 = arith.constant 0.000000e+00 : f32
      %max3A_832 = vector.broadcast %max3A_831 : f32 to vector<16xf32>
      %max3A_833 = arith.maximumf %add3A_830, %max3A_832 : vector<16xf32>
      %add3A_834 = arith.constant 2 : i32
      %add3A_835 = arith.addi %mul3A_337, %add3A_834 : i32
      %swap3A_836 = arith.index_cast %add3A_835 : i32 to index
      %swap3A_837 = arith.constant 80 : index
      %swap3A_838 = tpu.vector_load %arg11[%swap3A_836, %swap3A_837] {strides = array<i32>} : memref<40x128xf32, #tpu.memory_space<vmem>>, vector<1x16xf32>,
      %swap3A_839 = vector.shape_cast %swap3A_838 : vector<1x16xf32> to vector<16xf32>
      %swap3A_840 = vector.shape_cast %max3A_833 : vector<16xf32> to vector<1x16xf32>
      tpu.vector_store %arg11[%swap3A_836, %swap3A_837], %swap3A_840 {strides = array<i32>} : memref<40x128xf32, #tpu.memory_space<vmem>>, vector<1x16xf32>,
      %add3A_841 = arith.constant 2 : i32
      %add3A_842 = arith.addi %mul3A_337, %add3A_841 : i32
      %get3A_843 = arith.index_cast %add3A_842 : i32 to index
      %get3A_844 = arith.constant 96 : index
      %get3A_845 = tpu.vector_load %arg14[%get3A_843, %get3A_844] {strides = array<i32>} : memref<40x128xf32, #tpu.memory_space<vmem>>, vector<1x16xf32>,
      %get3A_846 = vector.shape_cast %get3A_845 : vector<1x16xf32> to vector<16xf32>
      %add3A_847 = arith.constant 2 : i32
      %add3A_848 = arith.addi %mul3A_337, %add3A_847 : i32
      %get3A_849 = arith.index_cast %add3A_848 : i32 to index
      %get3A_850 = arith.constant 96 : index
      %get3A_851 = tpu.vector_load %arg11[%get3A_849, %get3A_850] {strides = array<i32>} : memref<40x128xf32, #tpu.memory_space<vmem>>, vector<1x16xf32>,
      %get3A_852 = vector.shape_cast %get3A_851 : vector<1x16xf32> to vector<16xf32>
      %add3A_853 = arith.addf %get3A_846, %get3A_852 : vector<16xf32>
      %max3A_854 = arith.constant 0.000000e+00 : f32
      %max3A_855 = vector.broadcast %max3A_854 : f32 to vector<16xf32>
      %max3A_856 = arith.maximumf %add3A_853, %max3A_855 : vector<16xf32>
      %add3A_857 = arith.constant 2 : i32
      %add3A_858 = arith.addi %mul3A_337, %add3A_857 : i32
      %swap3A_859 = arith.index_cast %add3A_858 : i32 to index
      %swap3A_860 = arith.constant 96 : index
      %swap3A_861 = tpu.vector_load %arg11[%swap3A_859, %swap3A_860] {strides = array<i32>} : memref<40x128xf32, #tpu.memory_space<vmem>>, vector<1x16xf32>,
      %swap3A_862 = vector.shape_cast %swap3A_861 : vector<1x16xf32> to vector<16xf32>
      %swap3A_863 = vector.shape_cast %max3A_856 : vector<16xf32> to vector<1x16xf32>
      tpu.vector_store %arg11[%swap3A_859, %swap3A_860], %swap3A_863 {strides = array<i32>} : memref<40x128xf32, #tpu.memory_space<vmem>>, vector<1x16xf32>,
      %add3A_864 = arith.constant 2 : i32
      %add3A_865 = arith.addi %mul3A_337, %add3A_864 : i32
      %get3A_866 = arith.index_cast %add3A_865 : i32 to index
      %get3A_867 = arith.constant 112 : index
      %get3A_868 = tpu.vector_load %arg14[%get3A_866, %get3A_867] {strides = array<i32>} : memref<40x128xf32, #tpu.memory_space<vmem>>, vector<1x16xf32>,
      %get3A_869 = vector.shape_cast %get3A_868 : vector<1x16xf32> to vector<16xf32>
      %add3A_870 = arith.constant 2 : i32
      %add3A_871 = arith.addi %mul3A_337, %add3A_870 : i32
      %get3A_872 = arith.index_cast %add3A_871 : i32 to index
      %get3A_873 = arith.constant 112 : index
      %get3A_874 = tpu.vector_load %arg11[%get3A_872, %get3A_873] {strides = array<i32>} : memref<40x128xf32, #tpu.memory_space<vmem>>, vector<1x16xf32>,
      %get3A_875 = vector.shape_cast %get3A_874 : vector<1x16xf32> to vector<16xf32>
      %add3A_876 = arith.addf %get3A_869, %get3A_875 : vector<16xf32>
      %max3A_877 = arith.constant 0.000000e+00 : f32
      %max3A_878 = vector.broadcast %max3A_877 : f32 to vector<16xf32>
      %max3A_879 = arith.maximumf %add3A_876, %max3A_878 : vector<16xf32>
      %add3A_880 = arith.constant 2 : i32
      %add3A_881 = arith.addi %mul3A_337, %add3A_880 : i32
      %swap3A_882 = arith.index_cast %add3A_881 : i32 to index
      %swap3A_883 = arith.constant 112 : index
      %swap3A_884 = tpu.vector_load %arg11[%swap3A_882, %swap3A_883] {strides = array<i32>} : memref<40x128xf32, #tpu.memory_space<vmem>>, vector<1x16xf32>,
      %swap3A_885 = vector.shape_cast %swap3A_884 : vector<1x16xf32> to vector<16xf32>
      %swap3A_886 = vector.shape_cast %max3A_879 : vector<16xf32> to vector<1x16xf32>
      tpu.vector_store %arg11[%swap3A_882, %swap3A_883], %swap3A_886 {strides = array<i32>} : memref<40x128xf32, #tpu.memory_space<vmem>>, vector<1x16xf32>,
      %add3A_887 = arith.constant 3 : i32
      %add3A_888 = arith.addi %mul3A_337, %add3A_887 : i32
      %get3A_889 = arith.index_cast %add3A_888 : i32 to index
      %get3A_890 = arith.constant 0 : index
      %get3A_891 = tpu.vector_load %arg14[%get3A_889, %get3A_890] {strides = array<i32>} : memref<40x128xf32, #tpu.memory_space<vmem>>, vector<1x16xf32>,
      %get3A_892 = vector.shape_cast %get3A_891 : vector<1x16xf32> to vector<16xf32>
      %add3A_893 = arith.constant 3 : i32
      %add3A_894 = arith.addi %mul3A_337, %add3A_893 : i32
      %get3A_895 = arith.index_cast %add3A_894 : i32 to index
      %get3A_896 = arith.constant 0 : index
      %get3A_897 = tpu.vector_load %arg11[%get3A_895, %get3A_896] {strides = array<i32>} : memref<40x128xf32, #tpu.memory_space<vmem>>, vector<1x16xf32>,
      %get3A_898 = vector.shape_cast %get3A_897 : vector<1x16xf32> to vector<16xf32>
      %add3A_899 = arith.addf %get3A_892, %get3A_898 : vector<16xf32>
      %max3A_900 = arith.constant 0.000000e+00 : f32
      %max3A_901 = vector.broadcast %max3A_900 : f32 to vector<16xf32>
      %max3A_902 = arith.maximumf %add3A_899, %max3A_901 : vector<16xf32>
      %add3A_903 = arith.constant 3 : i32
      %add3A_904 = arith.addi %mul3A_337, %add3A_903 : i32
      %swap3A_905 = arith.index_cast %add3A_904 : i32 to index
      %swap3A_906 = arith.constant 0 : index
      %swap3A_907 = tpu.vector_load %arg11[%swap3A_905, %swap3A_906] {strides = array<i32>} : memref<40x128xf32, #tpu.memory_space<vmem>>, vector<1x16xf32>,
      %swap3A_908 = vector.shape_cast %swap3A_907 : vector<1x16xf32> to vector<16xf32>
      %swap3A_909 = vector.shape_cast %max3A_902 : vector<16xf32> to vector<1x16xf32>
      tpu.vector_store %arg11[%swap3A_905, %swap3A_906], %swap3A_909 {strides = array<i32>} : memref<40x128xf32, #tpu.memory_space<vmem>>, vector<1x16xf32>,
      %add3A_910 = arith.constant 3 : i32
      %add3A_911 = arith.addi %mul3A_337, %add3A_910 : i32
      %get3A_912 = arith.index_cast %add3A_911 : i32 to index
      %get3A_913 = arith.constant 16 : index
      %get3A_914 = tpu.vector_load %arg14[%get3A_912, %get3A_913] {strides = array<i32>} : memref<40x128xf32, #tpu.memory_space<vmem>>, vector<1x16xf32>,
      %get3A_915 = vector.shape_cast %get3A_914 : vector<1x16xf32> to vector<16xf32>
      %add3A_916 = arith.constant 3 : i32
      %add3A_917 = arith.addi %mul3A_337, %add3A_916 : i32
      %get3A_918 = arith.index_cast %add3A_917 : i32 to index
      %get3A_919 = arith.constant 16 : index
      %get3A_920 = tpu.vector_load %arg11[%get3A_918, %get3A_919] {strides = array<i32>} : memref<40x128xf32, #tpu.memory_space<vmem>>, vector<1x16xf32>,
      %get3A_921 = vector.shape_cast %get3A_920 : vector<1x16xf32> to vector<16xf32>
      %add3A_922 = arith.addf %get3A_915, %get3A_921 : vector<16xf32>
      %max3A_923 = arith.constant 0.000000e+00 : f32
      %max3A_924 = vector.broadcast %max3A_923 : f32 to vector<16xf32>
      %max3A_925 = arith.maximumf %add3A_922, %max3A_924 : vector<16xf32>
      %add3A_926 = arith.constant 3 : i32
      %add3A_927 = arith.addi %mul3A_337, %add3A_926 : i32
      %swap3A_928 = arith.index_cast %add3A_927 : i32 to index
      %swap3A_929 = arith.constant 16 : index
      %swap3A_930 = tpu.vector_load %arg11[%swap3A_928, %swap3A_929] {strides = array<i32>} : memref<40x128xf32, #tpu.memory_space<vmem>>, vector<1x16xf32>,
      %swap3A_931 = vector.shape_cast %swap3A_930 : vector<1x16xf32> to vector<16xf32>
      %swap3A_932 = vector.shape_cast %max3A_925 : vector<16xf32> to vector<1x16xf32>
      tpu.vector_store %arg11[%swap3A_928, %swap3A_929], %swap3A_932 {strides = array<i32>} : memref<40x128xf32, #tpu.memory_space<vmem>>, vector<1x16xf32>,
      %add3A_933 = arith.constant 3 : i32
      %add3A_934 = arith.addi %mul3A_337, %add3A_933 : i32
      %get3A_935 = arith.index_cast %add3A_934 : i32 to index
      %get3A_936 = arith.constant 32 : index
      %get3A_937 = tpu.vector_load %arg14[%get3A_935, %get3A_936] {strides = array<i32>} : memref<40x128xf32, #tpu.memory_space<vmem>>, vector<1x16xf32>,
      %get3A_938 = vector.shape_cast %get3A_937 : vector<1x16xf32> to vector<16xf32>
      %add3A_939 = arith.constant 3 : i32
      %add3A_940 = arith.addi %mul3A_337, %add3A_939 : i32
      %get3A_941 = arith.index_cast %add3A_940 : i32 to index
      %get3A_942 = arith.constant 32 : index
      %get3A_943 = tpu.vector_load %arg11[%get3A_941, %get3A_942] {strides = array<i32>} : memref<40x128xf32, #tpu.memory_space<vmem>>, vector<1x16xf32>,
      %get3A_944 = vector.shape_cast %get3A_943 : vector<1x16xf32> to vector<16xf32>
      %add3A_945 = arith.addf %get3A_938, %get3A_944 : vector<16xf32>
      %max3A_946 = arith.constant 0.000000e+00 : f32
      %max3A_947 = vector.broadcast %max3A_946 : f32 to vector<16xf32>
      %max3A_948 = arith.maximumf %add3A_945, %max3A_947 : vector<16xf32>
      %add3A_949 = arith.constant 3 : i32
      %add3A_950 = arith.addi %mul3A_337, %add3A_949 : i32
      %swap3A_951 = arith.index_cast %add3A_950 : i32 to index
      %swap3A_952 = arith.constant 32 : index
      %swap3A_953 = tpu.vector_load %arg11[%swap3A_951, %swap3A_952] {strides = array<i32>} : memref<40x128xf32, #tpu.memory_space<vmem>>, vector<1x16xf32>,
      %swap3A_954 = vector.shape_cast %swap3A_953 : vector<1x16xf32> to vector<16xf32>
      %swap3A_955 = vector.shape_cast %max3A_948 : vector<16xf32> to vector<1x16xf32>
      tpu.vector_store %arg11[%swap3A_951, %swap3A_952], %swap3A_955 {strides = array<i32>} : memref<40x128xf32, #tpu.memory_space<vmem>>, vector<1x16xf32>,
      %add3A_956 = arith.constant 3 : i32
      %add3A_957 = arith.addi %mul3A_337, %add3A_956 : i32
      %get3A_958 = arith.index_cast %add3A_957 : i32 to index
      %get3A_959 = arith.constant 48 : index
      %get3A_960 = tpu.vector_load %arg14[%get3A_958, %get3A_959] {strides = array<i32>} : memref<40x128xf32, #tpu.memory_space<vmem>>, vector<1x16xf32>,
      %get3A_961 = vector.shape_cast %get3A_960 : vector<1x16xf32> to vector<16xf32>
      %add3A_962 = arith.constant 3 : i32
      %add3A_963 = arith.addi %mul3A_337, %add3A_962 : i32
      %get3A_964 = arith.index_cast %add3A_963 : i32 to index
      %get3A_965 = arith.constant 48 : index
      %get3A_966 = tpu.vector_load %arg11[%get3A_964, %get3A_965] {strides = array<i32>} : memref<40x128xf32, #tpu.memory_space<vmem>>, vector<1x16xf32>,
      %get3A_967 = vector.shape_cast %get3A_966 : vector<1x16xf32> to vector<16xf32>
      %add3A_968 = arith.addf %get3A_961, %get3A_967 : vector<16xf32>
      %max3A_969 = arith.constant 0.000000e+00 : f32
      %max3A_970 = vector.broadcast %max3A_969 : f32 to vector<16xf32>
      %max3A_971 = arith.maximumf %add3A_968, %max3A_970 : vector<16xf32>
      %add3A_972 = arith.constant 3 : i32
      %add3A_973 = arith.addi %mul3A_337, %add3A_972 : i32
      %swap3A_974 = arith.index_cast %add3A_973 : i32 to index
      %swap3A_975 = arith.constant 48 : index
      %swap3A_976 = tpu.vector_load %arg11[%swap3A_974, %swap3A_975] {strides = array<i32>} : memref<40x128xf32, #tpu.memory_space<vmem>>, vector<1x16xf32>,
      %swap3A_977 = vector.shape_cast %swap3A_976 : vector<1x16xf32> to vector<16xf32>
      %swap3A_978 = vector.shape_cast %max3A_971 : vector<16xf32> to vector<1x16xf32>
      tpu.vector_store %arg11[%swap3A_974, %swap3A_975], %swap3A_978 {strides = array<i32>} : memref<40x128xf32, #tpu.memory_space<vmem>>, vector<1x16xf32>,
      %add3A_979 = arith.constant 3 : i32
      %add3A_980 = arith.addi %mul3A_337, %add3A_979 : i32
      %get3A_981 = arith.index_cast %add3A_980 : i32 to index
      %get3A_982 = arith.constant 64 : index
      %get3A_983 = tpu.vector_load %arg14[%get3A_981, %get3A_982] {strides = array<i32>} : memref<40x128xf32, #tpu.memory_space<vmem>>, vector<1x16xf32>,
      %get3A_984 = vector.shape_cast %get3A_983 : vector<1x16xf32> to vector<16xf32>
      %add3A_985 = arith.constant 3 : i32
      %add3A_986 = arith.addi %mul3A_337, %add3A_985 : i32
      %get3A_987 = arith.index_cast %add3A_986 : i32 to index
      %get3A_988 = arith.constant 64 : index
      %get3A_989 = tpu.vector_load %arg11[%get3A_987, %get3A_988] {strides = array<i32>} : memref<40x128xf32, #tpu.memory_space<vmem>>, vector<1x16xf32>,
      %get3A_990 = vector.shape_cast %get3A_989 : vector<1x16xf32> to vector<16xf32>
      %add3A_991 = arith.addf %get3A_984, %get3A_990 : vector<16xf32>
      %max3A_992 = arith.constant 0.000000e+00 : f32
      %max3A_993 = vector.broadcast %max3A_992 : f32 to vector<16xf32>
      %max3A_994 = arith.maximumf %add3A_991, %max3A_993 : vector<16xf32>
      %add3A_995 = arith.constant 3 : i32
      %add3A_996 = arith.addi %mul3A_337, %add3A_995 : i32
      %swap3A_997 = arith.index_cast %add3A_996 : i32 to index
      %swap3A_998 = arith.constant 64 : index
      %swap3A_999 = tpu.vector_load %arg11[%swap3A_997, %swap3A_998] {strides = array<i32>} : memref<40x128xf32, #tpu.memory_space<vmem>>, vector<1x16xf32>,
      %swap3A_1000 = vector.shape_cast %swap3A_999 : vector<1x16xf32> to vector<16xf32>
      %swap3A_1001 = vector.shape_cast %max3A_994 : vector<16xf32> to vector<1x16xf32>
      tpu.vector_store %arg11[%swap3A_997, %swap3A_998], %swap3A_1001 {strides = array<i32>} : memref<40x128xf32, #tpu.memory_space<vmem>>, vector<1x16xf32>,
      %add3A_1002 = arith.constant 3 : i32
      %add3A_1003 = arith.addi %mul3A_337, %add3A_1002 : i32
      %get3A_1004 = arith.index_cast %add3A_1003 : i32 to index
      %get3A_1005 = arith.constant 80 : index
      %get3A_1006 = tpu.vector_load %arg14[%get3A_1004, %get3A_1005] {strides = array<i32>} : memref<40x128xf32, #tpu.memory_space<vmem>>, vector<1x16xf32>,
      %get3A_1007 = vector.shape_cast %get3A_1006 : vector<1x16xf32> to vector<16xf32>
      %add3A_1008 = arith.constant 3 : i32
      %add3A_1009 = arith.addi %mul3A_337, %add3A_1008 : i32
      %get3A_1010 = arith.index_cast %add3A_1009 : i32 to index
      %get3A_1011 = arith.constant 80 : index
      %get3A_1012 = tpu.vector_load %arg11[%get3A_1010, %get3A_1011] {strides = array<i32>} : memref<40x128xf32, #tpu.memory_space<vmem>>, vector<1x16xf32>,
      %get3A_1013 = vector.shape_cast %get3A_1012 : vector<1x16xf32> to vector<16xf32>
      %add3A_1014 = arith.addf %get3A_1007, %get3A_1013 : vector<16xf32>
      %max3A_1015 = arith.constant 0.000000e+00 : f32
      %max3A_1016 = vector.broadcast %max3A_1015 : f32 to vector<16xf32>
      %max3A_1017 = arith.maximumf %add3A_1014, %max3A_1016 : vector<16xf32>
      %add3A_1018 = arith.constant 3 : i32
      %add3A_1019 = arith.addi %mul3A_337, %add3A_1018 : i32
      %swap3A_1020 = arith.index_cast %add3A_1019 : i32 to index
      %swap3A_1021 = arith.constant 80 : index
      %swap3A_1022 = tpu.vector_load %arg11[%swap3A_1020, %swap3A_1021] {strides = array<i32>} : memref<40x128xf32, #tpu.memory_space<vmem>>, vector<1x16xf32>,
      %swap3A_1023 = vector.shape_cast %swap3A_1022 : vector<1x16xf32> to vector<16xf32>
      %swap3A_1024 = vector.shape_cast %max3A_1017 : vector<16xf32> to vector<1x16xf32>
      tpu.vector_store %arg11[%swap3A_1020, %swap3A_1021], %swap3A_1024 {strides = array<i32>} : memref<40x128xf32, #tpu.memory_space<vmem>>, vector<1x16xf32>,
      %add3A_1025 = arith.constant 3 : i32
      %add3A_1026 = arith.addi %mul3A_337, %add3A_1025 : i32
      %get3A_1027 = arith.index_cast %add3A_1026 : i32 to index
      %get3A_1028 = arith.constant 96 : index
      %get3A_1029 = tpu.vector_load %arg14[%get3A_1027, %get3A_1028] {strides = array<i32>} : memref<40x128xf32, #tpu.memory_space<vmem>>, vector<1x16xf32>,
      %get3A_1030 = vector.shape_cast %get3A_1029 : vector<1x16xf32> to vector<16xf32>
      %add3A_1031 = arith.constant 3 : i32
      %add3A_1032 = arith.addi %mul3A_337, %add3A_1031 : i32
      %get3A_1033 = arith.index_cast %add3A_1032 : i32 to index
      %get3A_1034 = arith.constant 96 : index
      %get3A_1035 = tpu.vector_load %arg11[%get3A_1033, %get3A_1034] {strides = array<i32>} : memref<40x128xf32, #tpu.memory_space<vmem>>, vector<1x16xf32>,
      %get3A_1036 = vector.shape_cast %get3A_1035 : vector<1x16xf32> to vector<16xf32>
      %add3A_1037 = arith.addf %get3A_1030, %get3A_1036 : vector<16xf32>
      %max3A_1038 = arith.constant 0.000000e+00 : f32
      %max3A_1039 = vector.broadcast %max3A_1038 : f32 to vector<16xf32>
      %max3A_1040 = arith.maximumf %add3A_1037, %max3A_1039 : vector<16xf32>
      %add3A_1041 = arith.constant 3 : i32
      %add3A_1042 = arith.addi %mul3A_337, %add3A_1041 : i32
      %swap3A_1043 = arith.index_cast %add3A_1042 : i32 to index
      %swap3A_1044 = arith.constant 96 : index
      %swap3A_1045 = tpu.vector_load %arg11[%swap3A_1043, %swap3A_1044] {strides = array<i32>} : memref<40x128xf32, #tpu.memory_space<vmem>>, vector<1x16xf32>,
      %swap3A_1046 = vector.shape_cast %swap3A_1045 : vector<1x16xf32> to vector<16xf32>
      %swap3A_1047 = vector.shape_cast %max3A_1040 : vector<16xf32> to vector<1x16xf32>
      tpu.vector_store %arg11[%swap3A_1043, %swap3A_1044], %swap3A_1047 {strides = array<i32>} : memref<40x128xf32, #tpu.memory_space<vmem>>, vector<1x16xf32>,
      %add3A_1048 = arith.constant 3 : i32
      %add3A_1049 = arith.addi %mul3A_337, %add3A_1048 : i32
      %get3A_1050 = arith.index_cast %add3A_1049 : i32 to index
      %get3A_1051 = arith.constant 112 : index
      %get3A_1052 = tpu.vector_load %arg14[%get3A_1050, %get3A_1051] {strides = array<i32>} : memref<40x128xf32, #tpu.memory_space<vmem>>, vector<1x16xf32>,
      %get3A_1053 = vector.shape_cast %get3A_1052 : vector<1x16xf32> to vector<16xf32>
      %add3A_1054 = arith.constant 3 : i32
      %add3A_1055 = arith.addi %mul3A_337, %add3A_1054 : i32
      %get3A_1056 = arith.index_cast %add3A_1055 : i32 to index
      %get3A_1057 = arith.constant 112 : index
      %get3A_1058 = tpu.vector_load %arg11[%get3A_1056, %get3A_1057] {strides = array<i32>} : memref<40x128xf32, #tpu.memory_space<vmem>>, vector<1x16xf32>,
      %get3A_1059 = vector.shape_cast %get3A_1058 : vector<1x16xf32> to vector<16xf32>
      %add3A_1060 = arith.addf %get3A_1053, %get3A_1059 : vector<16xf32>
      %max3A_1061 = arith.constant 0.000000e+00 : f32
      %max3A_1062 = vector.broadcast %max3A_1061 : f32 to vector<16xf32>
      %max3A_1063 = arith.maximumf %add3A_1060, %max3A_1062 : vector<16xf32>
      %add3A_1064 = arith.constant 3 : i32
      %add3A_1065 = arith.addi %mul3A_337, %add3A_1064 : i32
      %swap3A_1066 = arith.index_cast %add3A_1065 : i32 to index
      %swap3A_1067 = arith.constant 112 : index
      %swap3A_1068 = tpu.vector_load %arg11[%swap3A_1066, %swap3A_1067] {strides = array<i32>} : memref<40x128xf32, #tpu.memory_space<vmem>>, vector<1x16xf32>,
      %swap3A_1069 = vector.shape_cast %swap3A_1068 : vector<1x16xf32> to vector<16xf32>
      %swap3A_1070 = vector.shape_cast %max3A_1063 : vector<16xf32> to vector<1x16xf32>
      tpu.vector_store %arg11[%swap3A_1066, %swap3A_1067], %swap3A_1070 {strides = array<i32>} : memref<40x128xf32, #tpu.memory_space<vmem>>, vector<1x16xf32>,
      %scan3A_1071 = arith.constant 0 : i32
      scf.yield %scan3A_1071 : i32
    }
    %scan3A_313 = arith.constant 10 : i32
    %dma_start3A_314 = arith.constant 0 : i32
    %dma_start3A_315 = tpu.memref_slice %arg7[%dma_start3A_314] : memref<10000xi32, #tpu.memory_space<vmem>> -> memref<40xi32, #tpu.memory_space<vmem>>
    %dma_start3A_316 = arith.constant 0 : i32
    %dma_start3A_317 = arith.constant 0 : i32
    %dma_start3A_318 = tpu.memref_slice %arg6[%dma_start3A_316, %dma_start3A_317] : memref<10240x128xf32, #tpu.memory_space<vmem_shared>> -> memref<10240x128xf32, #tpu.memory_space<vmem_shared>>
    tpu.enqueue_indirect_dma source(%arg11 : memref<40x128xf32, #tpu.memory_space<vmem>>) target(%dma_start3A_318 : memref<10240x128xf32, #tpu.memory_space<vmem_shared>>) offsets(%dma_start3A_315 : memref<40xi32, #tpu.memory_space<vmem>>) semaphore(%arg27 : memref<!tpu.dma_semaphore, #tpu.memory_space<semaphore_mem>>) {add = true}
    %scan3A_319 = arith.constant 0 : i32
    %scan3A_320 = arith.constant 0 : i32
    %scan3A_321 = arith.constant 83 : i32
    %scan3A_322 = arith.addi %scan3A_320, %scan3A_321 : i32
    %scan3A_323 = arith.constant 1 : i32
    %scan3A_324 = scf.for %scan3A_334 = %scan3A_320 to %scan3A_322 step %scan3A_323 iter_args(%scan3A_335 = %scan3A_319) -> (i32)  : i32 {
      %mul3A_336 = arith.constant 3 : i32
      %mul3A_337 = arith.muli %mul3A_336, %scan3A_334 : i32
      %add3A_338 = arith.constant 1 : i32
      %add3A_339 = arith.addi %add3A_338, %mul3A_337 : i32
      %add3A_340 = arith.constant 0 : i32
      %add3A_341 = arith.addi %add3A_339, %add3A_340 : i32
      %lt3A = arith.constant 249 : i32
      %lt3A_342 = arith.cmpi slt, %add3A_341, %lt3A : i32
      %convert_element_type3A = arith.extui %lt3A_342 : i1 to i32
      %cond3A = arith.constant 0 : i32
      %cond3A_343 = arith.cmpi ne, %convert_element_type3A, %cond3A : i32
      scf.if %cond3A_343 {
        %add3A_480 = arith.constant 1 : i32
        %add3A_481 = arith.addi %add3A_341, %add3A_480 : i32
        %mul3A_482 = arith.constant 10000 : i32
        %mul3A_483 = arith.muli %add3A, %mul3A_482 : i32
        %mul3A_484 = arith.constant 40 : i32
        %mul3A_485 = arith.muli %add3A_481, %mul3A_484 : i32
        %add3A_486 = arith.addi %mul3A_483, %mul3A_485 : i32
        %dma_wait3A_487 = tpu.memref_slice %arg3[%add3A_486] : memref<640000xi32, #tpu.memory_space<hbm>> -> memref<40xi32, #tpu.memory_space<hbm>>
        %dma_wait3A_488 = tpu.memref_slice %arg3[%add3A_486] : memref<640000xi32, #tpu.memory_space<hbm>> -> memref<40xi32, #tpu.memory_space<hbm>>
        tpu.wait_dma2 semaphore(%arg20 : memref<!tpu.dma_semaphore, #tpu.memory_space<semaphore_mem>>) src(%dma_wait3A_488 : memref<40xi32, #tpu.memory_space<hbm>>) dst(%arg10 : memref<40xi32, #tpu.memory_space<vmem>>)
        %add3A_489 = arith.constant 1 : i32
        %add3A_490 = arith.addi %add3A_341, %add3A_489 : i32
        %mul3A_491 = arith.constant 10000 : i32
        %mul3A_492 = arith.muli %add3A, %mul3A_491 : i32
        %mul3A_493 = arith.constant 40 : i32
        %mul3A_494 = arith.muli %add3A_490, %mul3A_493 : i32
        %add3A_495 = arith.addi %mul3A_492, %mul3A_494 : i32
        %dma_start3A_496 = arith.constant 0 : i32
        %dma_start3A_497 = tpu.memref_slice %arg4[%add3A_495, %dma_start3A_496] : memref<320000x128xf32, #tpu.memory_space<hbm>> -> memref<40x128xf32, #tpu.memory_space<hbm>>
        %dma_start3A_498 = arith.constant 0 : i32
        %dma_start3A_499 = tpu.memref_slice %arg4[%add3A_495, %dma_start3A_498] : memref<320000x128xf32, #tpu.memory_space<hbm>> -> memref<40x128xf32, #tpu.memory_space<hbm>>
        tpu.enqueue_dma source(%dma_start3A_499 : memref<40x128xf32, #tpu.memory_space<hbm>>) target(%arg13 : memref<40x128xf32, #tpu.memory_space<vmem>>) target_semaphore(%arg23 : memref<!tpu.dma_semaphore, #tpu.memory_space<semaphore_mem>>)
        %dma_start3A_500 = arith.constant 0 : i32
        %dma_start3A_501 = arith.constant 0 : i32
        %dma_start3A_502 = tpu.memref_slice %arg2[%dma_start3A_500, %dma_start3A_501] : memref<10000x128xf32, #tpu.memory_space<hbm>> -> memref<10000x128xf32, #tpu.memory_space<hbm>>
        tpu.enqueue_indirect_dma source(%dma_start3A_502 : memref<10000x128xf32, #tpu.memory_space<hbm>>) target(%arg16 : memref<40x128xf32, #tpu.memory_space<vmem>>) offsets(%arg10 : memref<40xi32, #tpu.memory_space<vmem>>) semaphore(%arg26 : memref<!tpu.dma_semaphore, #tpu.memory_space<semaphore_mem>>)
      } else {
      }
      %lt3A_344 = arith.constant 248 : i32
      %lt3A_345 = arith.cmpi slt, %add3A_341, %lt3A_344 : i32
      %convert_element_type3A_346 = arith.extui %lt3A_345 : i1 to i32
      %cond3A_347 = arith.constant 0 : i32
      %cond3A_348 = arith.cmpi ne, %convert_element_type3A_346, %cond3A_347 : i32
      scf.if %cond3A_348 {
        %add3A_480 = arith.constant 2 : i32
        %add3A_481 = arith.addi %add3A_341, %add3A_480 : i32
        %mul3A_482 = arith.constant 10000 : i32
        %mul3A_483 = arith.muli %add3A, %mul3A_482 : i32
        %mul3A_484 = arith.constant 40 : i32
        %mul3A_485 = arith.muli %add3A_481, %mul3A_484 : i32
        %add3A_486 = arith.addi %mul3A_483, %mul3A_485 : i32
        %dma_start3A_487 = tpu.memref_slice %arg3[%add3A_486] : memref<640000xi32, #tpu.memory_space<hbm>> -> memref<40xi32, #tpu.memory_space<hbm>>
        %dma_start3A_488 = tpu.memref_slice %arg3[%add3A_486] : memref<640000xi32, #tpu.memory_space<hbm>> -> memref<40xi32, #tpu.memory_space<hbm>>
        tpu.enqueue_dma source(%dma_start3A_488 : memref<40xi32, #tpu.memory_space<hbm>>) target(%arg8 : memref<40xi32, #tpu.memory_space<vmem>>) target_semaphore(%arg18 : memref<!tpu.dma_semaphore, #tpu.memory_space<semaphore_mem>>)
      } else {
      }
      %mul3A_349 = arith.constant 10000 : i32
      %mul3A_350 = arith.muli %add3A, %mul3A_349 : i32
      %mul3A_351 = arith.constant 40 : i32
      %mul3A_352 = arith.muli %add3A_341, %mul3A_351 : i32
      %add3A_353 = arith.addi %mul3A_350, %mul3A_352 : i32
      %dma_wait3A_354 = arith.constant 0 : i32
      %dma_wait3A_355 = tpu.memref_slice %arg4[%add3A_353, %dma_wait3A_354] : memref<320000x128xf32, #tpu.memory_space<hbm>> -> memref<40x128xf32, #tpu.memory_space<hbm>>
      %dma_wait3A_356 = arith.constant 0 : i32
      %dma_wait3A_357 = tpu.memref_slice %arg4[%add3A_353, %dma_wait3A_356] : memref<320000x128xf32, #tpu.memory_space<hbm>> -> memref<40x128xf32, #tpu.memory_space<hbm>>
      tpu.wait_dma2 semaphore(%arg22 : memref<!tpu.dma_semaphore, #tpu.memory_space<semaphore_mem>>) src(%dma_wait3A_357 : memref<40x128xf32, #tpu.memory_space<hbm>>) dst(%arg12 : memref<40x128xf32, #tpu.memory_space<vmem>>)
      %dma_wait3A_358 = arith.constant 0 : i32
      %dma_wait3A_359 = arith.constant 0 : i32
      %dma_wait3A_360 = tpu.memref_slice %arg2[%dma_wait3A_358, %dma_wait3A_359] : memref<10000x128xf32, #tpu.memory_space<hbm>> -> memref<10000x128xf32, #tpu.memory_space<hbm>>
      tpu.wait_indirect_dma semaphore(%arg25 : memref<!tpu.dma_semaphore, #tpu.memory_space<semaphore_mem>>) src(%dma_wait3A_360 : memref<10000x128xf32, #tpu.memory_space<hbm>>) dst(%arg15 : memref<40x128xf32, #tpu.memory_space<vmem>>)
      %scan3A_361 = arith.constant 0 : i32
      %scan3A_362 = arith.constant 0 : i32
      %scan3A_363 = arith.constant 10 : i32
      %scan3A_364 = arith.addi %scan3A_362, %scan3A_363 : i32
      %scan3A_365 = arith.constant 1 : i32
      %scan3A_366 = scf.for %scan3A_480 = %scan3A_362 to %scan3A_364 step %scan3A_365 iter_args(%scan3A_481 = %scan3A_361) -> (i32)  : i32 {
        %mul3A_482 = arith.constant 4 : i32
        %mul3A_483 = arith.muli %scan3A_480, %mul3A_482 : i32
        %add3A_484 = arith.constant 0 : i32
        %add3A_485 = arith.addi %mul3A_483, %add3A_484 : i32
        %get3A = arith.index_cast %add3A_485 : i32 to index
        %get3A_486 = arith.constant 0 : index
        %get3A_487 = tpu.vector_load %arg15[%get3A, %get3A_486] {strides = array<i32>} : memref<40x128xf32, #tpu.memory_space<vmem>>, vector<1x16xf32>,
        %get3A_488 = vector.shape_cast %get3A_487 : vector<1x16xf32> to vector<16xf32>
        %add3A_489 = arith.constant 0 : i32
        %add3A_490 = arith.addi %mul3A_483, %add3A_489 : i32
        %get3A_491 = arith.index_cast %add3A_490 : i32 to index
        %get3A_492 = arith.constant 0 : index
        %get3A_493 = tpu.vector_load %arg12[%get3A_491, %get3A_492] {strides = array<i32>} : memref<40x128xf32, #tpu.memory_space<vmem>>, vector<1x16xf32>,
        %get3A_494 = vector.shape_cast %get3A_493 : vector<1x16xf32> to vector<16xf32>
        %add3A_495 = arith.addf %get3A_488, %get3A_494 : vector<16xf32>
        %max3A = arith.constant 0.000000e+00 : f32
        %max3A_496 = vector.broadcast %max3A : f32 to vector<16xf32>
        %max3A_497 = arith.maximumf %add3A_495, %max3A_496 : vector<16xf32>
        %add3A_498 = arith.constant 0 : i32
        %add3A_499 = arith.addi %mul3A_483, %add3A_498 : i32
        %swap3A = arith.index_cast %add3A_499 : i32 to index
        %swap3A_500 = arith.constant 0 : index
        %swap3A_501 = tpu.vector_load %arg12[%swap3A, %swap3A_500] {strides = array<i32>} : memref<40x128xf32, #tpu.memory_space<vmem>>, vector<1x16xf32>,
        %swap3A_502 = vector.shape_cast %swap3A_501 : vector<1x16xf32> to vector<16xf32>
        %swap3A_503 = vector.shape_cast %max3A_497 : vector<16xf32> to vector<1x16xf32>
        tpu.vector_store %arg12[%swap3A, %swap3A_500], %swap3A_503 {strides = array<i32>} : memref<40x128xf32, #tpu.memory_space<vmem>>, vector<1x16xf32>,
        %add3A_504 = arith.constant 0 : i32
        %add3A_505 = arith.addi %mul3A_483, %add3A_504 : i32
        %get3A_506 = arith.index_cast %add3A_505 : i32 to index
        %get3A_507 = arith.constant 16 : index
        %get3A_508 = tpu.vector_load %arg15[%get3A_506, %get3A_507] {strides = array<i32>} : memref<40x128xf32, #tpu.memory_space<vmem>>, vector<1x16xf32>,
        %get3A_509 = vector.shape_cast %get3A_508 : vector<1x16xf32> to vector<16xf32>
        %add3A_510 = arith.constant 0 : i32
        %add3A_511 = arith.addi %mul3A_483, %add3A_510 : i32
        %get3A_512 = arith.index_cast %add3A_511 : i32 to index
        %get3A_513 = arith.constant 16 : index
        %get3A_514 = tpu.vector_load %arg12[%get3A_512, %get3A_513] {strides = array<i32>} : memref<40x128xf32, #tpu.memory_space<vmem>>, vector<1x16xf32>,
        %get3A_515 = vector.shape_cast %get3A_514 : vector<1x16xf32> to vector<16xf32>
        %add3A_516 = arith.addf %get3A_509, %get3A_515 : vector<16xf32>
        %max3A_517 = arith.constant 0.000000e+00 : f32
        %max3A_518 = vector.broadcast %max3A_517 : f32 to vector<16xf32>
        %max3A_519 = arith.maximumf %add3A_516, %max3A_518 : vector<16xf32>
        %add3A_520 = arith.constant 0 : i32
        %add3A_521 = arith.addi %mul3A_483, %add3A_520 : i32
        %swap3A_522 = arith.index_cast %add3A_521 : i32 to index
        %swap3A_523 = arith.constant 16 : index
        %swap3A_524 = tpu.vector_load %arg12[%swap3A_522, %swap3A_523] {strides = array<i32>} : memref<40x128xf32, #tpu.memory_space<vmem>>, vector<1x16xf32>,
        %swap3A_525 = vector.shape_cast %swap3A_524 : vector<1x16xf32> to vector<16xf32>
        %swap3A_526 = vector.shape_cast %max3A_519 : vector<16xf32> to vector<1x16xf32>
        tpu.vector_store %arg12[%swap3A_522, %swap3A_523], %swap3A_526 {strides = array<i32>} : memref<40x128xf32, #tpu.memory_space<vmem>>, vector<1x16xf32>,
        %add3A_527 = arith.constant 0 : i32
        %add3A_528 = arith.addi %mul3A_483, %add3A_527 : i32
        %get3A_529 = arith.index_cast %add3A_528 : i32 to index
        %get3A_530 = arith.constant 32 : index
        %get3A_531 = tpu.vector_load %arg15[%get3A_529, %get3A_530] {strides = array<i32>} : memref<40x128xf32, #tpu.memory_space<vmem>>, vector<1x16xf32>,
        %get3A_532 = vector.shape_cast %get3A_531 : vector<1x16xf32> to vector<16xf32>
        %add3A_533 = arith.constant 0 : i32
        %add3A_534 = arith.addi %mul3A_483, %add3A_533 : i32
        %get3A_535 = arith.index_cast %add3A_534 : i32 to index
        %get3A_536 = arith.constant 32 : index
        %get3A_537 = tpu.vector_load %arg12[%get3A_535, %get3A_536] {strides = array<i32>} : memref<40x128xf32, #tpu.memory_space<vmem>>, vector<1x16xf32>,
        %get3A_538 = vector.shape_cast %get3A_537 : vector<1x16xf32> to vector<16xf32>
        %add3A_539 = arith.addf %get3A_532, %get3A_538 : vector<16xf32>
        %max3A_540 = arith.constant 0.000000e+00 : f32
        %max3A_541 = vector.broadcast %max3A_540 : f32 to vector<16xf32>
        %max3A_542 = arith.maximumf %add3A_539, %max3A_541 : vector<16xf32>
        %add3A_543 = arith.constant 0 : i32
        %add3A_544 = arith.addi %mul3A_483, %add3A_543 : i32
        %swap3A_545 = arith.index_cast %add3A_544 : i32 to index
        %swap3A_546 = arith.constant 32 : index
        %swap3A_547 = tpu.vector_load %arg12[%swap3A_545, %swap3A_546] {strides = array<i32>} : memref<40x128xf32, #tpu.memory_space<vmem>>, vector<1x16xf32>,
        %swap3A_548 = vector.shape_cast %swap3A_547 : vector<1x16xf32> to vector<16xf32>
        %swap3A_549 = vector.shape_cast %max3A_542 : vector<16xf32> to vector<1x16xf32>
        tpu.vector_store %arg12[%swap3A_545, %swap3A_546], %swap3A_549 {strides = array<i32>} : memref<40x128xf32, #tpu.memory_space<vmem>>, vector<1x16xf32>,
        %add3A_550 = arith.constant 0 : i32
        %add3A_551 = arith.addi %mul3A_483, %add3A_550 : i32
        %get3A_552 = arith.index_cast %add3A_551 : i32 to index
        %get3A_553 = arith.constant 48 : index
        %get3A_554 = tpu.vector_load %arg15[%get3A_552, %get3A_553] {strides = array<i32>} : memref<40x128xf32, #tpu.memory_space<vmem>>, vector<1x16xf32>,
        %get3A_555 = vector.shape_cast %get3A_554 : vector<1x16xf32> to vector<16xf32>
        %add3A_556 = arith.constant 0 : i32
        %add3A_557 = arith.addi %mul3A_483, %add3A_556 : i32
        %get3A_558 = arith.index_cast %add3A_557 : i32 to index
        %get3A_559 = arith.constant 48 : index
        %get3A_560 = tpu.vector_load %arg12[%get3A_558, %get3A_559] {strides = array<i32>} : memref<40x128xf32, #tpu.memory_space<vmem>>, vector<1x16xf32>,
        %get3A_561 = vector.shape_cast %get3A_560 : vector<1x16xf32> to vector<16xf32>
        %add3A_562 = arith.addf %get3A_555, %get3A_561 : vector<16xf32>
        %max3A_563 = arith.constant 0.000000e+00 : f32
        %max3A_564 = vector.broadcast %max3A_563 : f32 to vector<16xf32>
        %max3A_565 = arith.maximumf %add3A_562, %max3A_564 : vector<16xf32>
        %add3A_566 = arith.constant 0 : i32
        %add3A_567 = arith.addi %mul3A_483, %add3A_566 : i32
        %swap3A_568 = arith.index_cast %add3A_567 : i32 to index
        %swap3A_569 = arith.constant 48 : index
        %swap3A_570 = tpu.vector_load %arg12[%swap3A_568, %swap3A_569] {strides = array<i32>} : memref<40x128xf32, #tpu.memory_space<vmem>>, vector<1x16xf32>,
        %swap3A_571 = vector.shape_cast %swap3A_570 : vector<1x16xf32> to vector<16xf32>
        %swap3A_572 = vector.shape_cast %max3A_565 : vector<16xf32> to vector<1x16xf32>
        tpu.vector_store %arg12[%swap3A_568, %swap3A_569], %swap3A_572 {strides = array<i32>} : memref<40x128xf32, #tpu.memory_space<vmem>>, vector<1x16xf32>,
        %add3A_573 = arith.constant 0 : i32
        %add3A_574 = arith.addi %mul3A_483, %add3A_573 : i32
        %get3A_575 = arith.index_cast %add3A_574 : i32 to index
        %get3A_576 = arith.constant 64 : index
        %get3A_577 = tpu.vector_load %arg15[%get3A_575, %get3A_576] {strides = array<i32>} : memref<40x128xf32, #tpu.memory_space<vmem>>, vector<1x16xf32>,
        %get3A_578 = vector.shape_cast %get3A_577 : vector<1x16xf32> to vector<16xf32>
        %add3A_579 = arith.constant 0 : i32
        %add3A_580 = arith.addi %mul3A_483, %add3A_579 : i32
        %get3A_581 = arith.index_cast %add3A_580 : i32 to index
        %get3A_582 = arith.constant 64 : index
        %get3A_583 = tpu.vector_load %arg12[%get3A_581, %get3A_582] {strides = array<i32>} : memref<40x128xf32, #tpu.memory_space<vmem>>, vector<1x16xf32>,
        %get3A_584 = vector.shape_cast %get3A_583 : vector<1x16xf32> to vector<16xf32>
        %add3A_585 = arith.addf %get3A_578, %get3A_584 : vector<16xf32>
        %max3A_586 = arith.constant 0.000000e+00 : f32
        %max3A_587 = vector.broadcast %max3A_586 : f32 to vector<16xf32>
        %max3A_588 = arith.maximumf %add3A_585, %max3A_587 : vector<16xf32>
        %add3A_589 = arith.constant 0 : i32
        %add3A_590 = arith.addi %mul3A_483, %add3A_589 : i32
        %swap3A_591 = arith.index_cast %add3A_590 : i32 to index
        %swap3A_592 = arith.constant 64 : index
        %swap3A_593 = tpu.vector_load %arg12[%swap3A_591, %swap3A_592] {strides = array<i32>} : memref<40x128xf32, #tpu.memory_space<vmem>>, vector<1x16xf32>,
        %swap3A_594 = vector.shape_cast %swap3A_593 : vector<1x16xf32> to vector<16xf32>
        %swap3A_595 = vector.shape_cast %max3A_588 : vector<16xf32> to vector<1x16xf32>
        tpu.vector_store %arg12[%swap3A_591, %swap3A_592], %swap3A_595 {strides = array<i32>} : memref<40x128xf32, #tpu.memory_space<vmem>>, vector<1x16xf32>,
        %add3A_596 = arith.constant 0 : i32
        %add3A_597 = arith.addi %mul3A_483, %add3A_596 : i32
        %get3A_598 = arith.index_cast %add3A_597 : i32 to index
        %get3A_599 = arith.constant 80 : index
        %get3A_600 = tpu.vector_load %arg15[%get3A_598, %get3A_599] {strides = array<i32>} : memref<40x128xf32, #tpu.memory_space<vmem>>, vector<1x16xf32>,
        %get3A_601 = vector.shape_cast %get3A_600 : vector<1x16xf32> to vector<16xf32>
        %add3A_602 = arith.constant 0 : i32
        %add3A_603 = arith.addi %mul3A_483, %add3A_602 : i32
        %get3A_604 = arith.index_cast %add3A_603 : i32 to index
        %get3A_605 = arith.constant 80 : index
        %get3A_606 = tpu.vector_load %arg12[%get3A_604, %get3A_605] {strides = array<i32>} : memref<40x128xf32, #tpu.memory_space<vmem>>, vector<1x16xf32>,
        %get3A_607 = vector.shape_cast %get3A_606 : vector<1x16xf32> to vector<16xf32>
        %add3A_608 = arith.addf %get3A_601, %get3A_607 : vector<16xf32>
        %max3A_609 = arith.constant 0.000000e+00 : f32
        %max3A_610 = vector.broadcast %max3A_609 : f32 to vector<16xf32>
        %max3A_611 = arith.maximumf %add3A_608, %max3A_610 : vector<16xf32>
        %add3A_612 = arith.constant 0 : i32
        %add3A_613 = arith.addi %mul3A_483, %add3A_612 : i32
        %swap3A_614 = arith.index_cast %add3A_613 : i32 to index
        %swap3A_615 = arith.constant 80 : index
        %swap3A_616 = tpu.vector_load %arg12[%swap3A_614, %swap3A_615] {strides = array<i32>} : memref<40x128xf32, #tpu.memory_space<vmem>>, vector<1x16xf32>,
        %swap3A_617 = vector.shape_cast %swap3A_616 : vector<1x16xf32> to vector<16xf32>
        %swap3A_618 = vector.shape_cast %max3A_611 : vector<16xf32> to vector<1x16xf32>
        tpu.vector_store %arg12[%swap3A_614, %swap3A_615], %swap3A_618 {strides = array<i32>} : memref<40x128xf32, #tpu.memory_space<vmem>>, vector<1x16xf32>,
        %add3A_619 = arith.constant 0 : i32
        %add3A_620 = arith.addi %mul3A_483, %add3A_619 : i32
        %get3A_621 = arith.index_cast %add3A_620 : i32 to index
        %get3A_622 = arith.constant 96 : index
        %get3A_623 = tpu.vector_load %arg15[%get3A_621, %get3A_622] {strides = array<i32>} : memref<40x128xf32, #tpu.memory_space<vmem>>, vector<1x16xf32>,
        %get3A_624 = vector.shape_cast %get3A_623 : vector<1x16xf32> to vector<16xf32>
        %add3A_625 = arith.constant 0 : i32
        %add3A_626 = arith.addi %mul3A_483, %add3A_625 : i32
        %get3A_627 = arith.index_cast %add3A_626 : i32 to index
        %get3A_628 = arith.constant 96 : index
        %get3A_629 = tpu.vector_load %arg12[%get3A_627, %get3A_628] {strides = array<i32>} : memref<40x128xf32, #tpu.memory_space<vmem>>, vector<1x16xf32>,
        %get3A_630 = vector.shape_cast %get3A_629 : vector<1x16xf32> to vector<16xf32>
        %add3A_631 = arith.addf %get3A_624, %get3A_630 : vector<16xf32>
        %max3A_632 = arith.constant 0.000000e+00 : f32
        %max3A_633 = vector.broadcast %max3A_632 : f32 to vector<16xf32>
        %max3A_634 = arith.maximumf %add3A_631, %max3A_633 : vector<16xf32>
        %add3A_635 = arith.constant 0 : i32
        %add3A_636 = arith.addi %mul3A_483, %add3A_635 : i32
        %swap3A_637 = arith.index_cast %add3A_636 : i32 to index
        %swap3A_638 = arith.constant 96 : index
        %swap3A_639 = tpu.vector_load %arg12[%swap3A_637, %swap3A_638] {strides = array<i32>} : memref<40x128xf32, #tpu.memory_space<vmem>>, vector<1x16xf32>,
        %swap3A_640 = vector.shape_cast %swap3A_639 : vector<1x16xf32> to vector<16xf32>
        %swap3A_641 = vector.shape_cast %max3A_634 : vector<16xf32> to vector<1x16xf32>
        tpu.vector_store %arg12[%swap3A_637, %swap3A_638], %swap3A_641 {strides = array<i32>} : memref<40x128xf32, #tpu.memory_space<vmem>>, vector<1x16xf32>,
        %add3A_642 = arith.constant 0 : i32
        %add3A_643 = arith.addi %mul3A_483, %add3A_642 : i32
        %get3A_644 = arith.index_cast %add3A_643 : i32 to index
        %get3A_645 = arith.constant 112 : index
        %get3A_646 = tpu.vector_load %arg15[%get3A_644, %get3A_645] {strides = array<i32>} : memref<40x128xf32, #tpu.memory_space<vmem>>, vector<1x16xf32>,
        %get3A_647 = vector.shape_cast %get3A_646 : vector<1x16xf32> to vector<16xf32>
        %add3A_648 = arith.constant 0 : i32
        %add3A_649 = arith.addi %mul3A_483, %add3A_648 : i32
        %get3A_650 = arith.index_cast %add3A_649 : i32 to index
        %get3A_651 = arith.constant 112 : index
        %get3A_652 = tpu.vector_load %arg12[%get3A_650, %get3A_651] {strides = array<i32>} : memref<40x128xf32, #tpu.memory_space<vmem>>, vector<1x16xf32>,
        %get3A_653 = vector.shape_cast %get3A_652 : vector<1x16xf32> to vector<16xf32>
        %add3A_654 = arith.addf %get3A_647, %get3A_653 : vector<16xf32>
        %max3A_655 = arith.constant 0.000000e+00 : f32
        %max3A_656 = vector.broadcast %max3A_655 : f32 to vector<16xf32>
        %max3A_657 = arith.maximumf %add3A_654, %max3A_656 : vector<16xf32>
        %add3A_658 = arith.constant 0 : i32
        %add3A_659 = arith.addi %mul3A_483, %add3A_658 : i32
        %swap3A_660 = arith.index_cast %add3A_659 : i32 to index
        %swap3A_661 = arith.constant 112 : index
        %swap3A_662 = tpu.vector_load %arg12[%swap3A_660, %swap3A_661] {strides = array<i32>} : memref<40x128xf32, #tpu.memory_space<vmem>>, vector<1x16xf32>,
        %swap3A_663 = vector.shape_cast %swap3A_662 : vector<1x16xf32> to vector<16xf32>
        %swap3A_664 = vector.shape_cast %max3A_657 : vector<16xf32> to vector<1x16xf32>
        tpu.vector_store %arg12[%swap3A_660, %swap3A_661], %swap3A_664 {strides = array<i32>} : memref<40x128xf32, #tpu.memory_space<vmem>>, vector<1x16xf32>,
        %add3A_665 = arith.constant 1 : i32
        %add3A_666 = arith.addi %mul3A_483, %add3A_665 : i32
        %get3A_667 = arith.index_cast %add3A_666 : i32 to index
        %get3A_668 = arith.constant 0 : index
        %get3A_669 = tpu.vector_load %arg15[%get3A_667, %get3A_668] {strides = array<i32>} : memref<40x128xf32, #tpu.memory_space<vmem>>, vector<1x16xf32>,
        %get3A_670 = vector.shape_cast %get3A_669 : vector<1x16xf32> to vector<16xf32>
        %add3A_671 = arith.constant 1 : i32
        %add3A_672 = arith.addi %mul3A_483, %add3A_671 : i32
        %get3A_673 = arith.index_cast %add3A_672 : i32 to index
        %get3A_674 = arith.constant 0 : index
        %get3A_675 = tpu.vector_load %arg12[%get3A_673, %get3A_674] {strides = array<i32>} : memref<40x128xf32, #tpu.memory_space<vmem>>, vector<1x16xf32>,
        %get3A_676 = vector.shape_cast %get3A_675 : vector<1x16xf32> to vector<16xf32>
        %add3A_677 = arith.addf %get3A_670, %get3A_676 : vector<16xf32>
        %max3A_678 = arith.constant 0.000000e+00 : f32
        %max3A_679 = vector.broadcast %max3A_678 : f32 to vector<16xf32>
        %max3A_680 = arith.maximumf %add3A_677, %max3A_679 : vector<16xf32>
        %add3A_681 = arith.constant 1 : i32
        %add3A_682 = arith.addi %mul3A_483, %add3A_681 : i32
        %swap3A_683 = arith.index_cast %add3A_682 : i32 to index
        %swap3A_684 = arith.constant 0 : index
        %swap3A_685 = tpu.vector_load %arg12[%swap3A_683, %swap3A_684] {strides = array<i32>} : memref<40x128xf32, #tpu.memory_space<vmem>>, vector<1x16xf32>,
        %swap3A_686 = vector.shape_cast %swap3A_685 : vector<1x16xf32> to vector<16xf32>
        %swap3A_687 = vector.shape_cast %max3A_680 : vector<16xf32> to vector<1x16xf32>
        tpu.vector_store %arg12[%swap3A_683, %swap3A_684], %swap3A_687 {strides = array<i32>} : memref<40x128xf32, #tpu.memory_space<vmem>>, vector<1x16xf32>,
        %add3A_688 = arith.constant 1 : i32
        %add3A_689 = arith.addi %mul3A_483, %add3A_688 : i32
        %get3A_690 = arith.index_cast %add3A_689 : i32 to index
        %get3A_691 = arith.constant 16 : index
        %get3A_692 = tpu.vector_load %arg15[%get3A_690, %get3A_691] {strides = array<i32>} : memref<40x128xf32, #tpu.memory_space<vmem>>, vector<1x16xf32>,
        %get3A_693 = vector.shape_cast %get3A_692 : vector<1x16xf32> to vector<16xf32>
        %add3A_694 = arith.constant 1 : i32
        %add3A_695 = arith.addi %mul3A_483, %add3A_694 : i32
        %get3A_696 = arith.index_cast %add3A_695 : i32 to index
        %get3A_697 = arith.constant 16 : index
        %get3A_698 = tpu.vector_load %arg12[%get3A_696, %get3A_697] {strides = array<i32>} : memref<40x128xf32, #tpu.memory_space<vmem>>, vector<1x16xf32>,
        %get3A_699 = vector.shape_cast %get3A_698 : vector<1x16xf32> to vector<16xf32>
        %add3A_700 = arith.addf %get3A_693, %get3A_699 : vector<16xf32>
        %max3A_701 = arith.constant 0.000000e+00 : f32
        %max3A_702 = vector.broadcast %max3A_701 : f32 to vector<16xf32>
        %max3A_703 = arith.maximumf %add3A_700, %max3A_702 : vector<16xf32>
        %add3A_704 = arith.constant 1 : i32
        %add3A_705 = arith.addi %mul3A_483, %add3A_704 : i32
        %swap3A_706 = arith.index_cast %add3A_705 : i32 to index
        %swap3A_707 = arith.constant 16 : index
        %swap3A_708 = tpu.vector_load %arg12[%swap3A_706, %swap3A_707] {strides = array<i32>} : memref<40x128xf32, #tpu.memory_space<vmem>>, vector<1x16xf32>,
        %swap3A_709 = vector.shape_cast %swap3A_708 : vector<1x16xf32> to vector<16xf32>
        %swap3A_710 = vector.shape_cast %max3A_703 : vector<16xf32> to vector<1x16xf32>
        tpu.vector_store %arg12[%swap3A_706, %swap3A_707], %swap3A_710 {strides = array<i32>} : memref<40x128xf32, #tpu.memory_space<vmem>>, vector<1x16xf32>,
        %add3A_711 = arith.constant 1 : i32
        %add3A_712 = arith.addi %mul3A_483, %add3A_711 : i32
        %get3A_713 = arith.index_cast %add3A_712 : i32 to index
        %get3A_714 = arith.constant 32 : index
        %get3A_715 = tpu.vector_load %arg15[%get3A_713, %get3A_714] {strides = array<i32>} : memref<40x128xf32, #tpu.memory_space<vmem>>, vector<1x16xf32>,
        %get3A_716 = vector.shape_cast %get3A_715 : vector<1x16xf32> to vector<16xf32>
        %add3A_717 = arith.constant 1 : i32
        %add3A_718 = arith.addi %mul3A_483, %add3A_717 : i32
        %get3A_719 = arith.index_cast %add3A_718 : i32 to index
        %get3A_720 = arith.constant 32 : index
        %get3A_721 = tpu.vector_load %arg12[%get3A_719, %get3A_720] {strides = array<i32>} : memref<40x128xf32, #tpu.memory_space<vmem>>, vector<1x16xf32>,
        %get3A_722 = vector.shape_cast %get3A_721 : vector<1x16xf32> to vector<16xf32>
        %add3A_723 = arith.addf %get3A_716, %get3A_722 : vector<16xf32>
        %max3A_724 = arith.constant 0.000000e+00 : f32
        %max3A_725 = vector.broadcast %max3A_724 : f32 to vector<16xf32>
        %max3A_726 = arith.maximumf %add3A_723, %max3A_725 : vector<16xf32>
        %add3A_727 = arith.constant 1 : i32
        %add3A_728 = arith.addi %mul3A_483, %add3A_727 : i32
        %swap3A_729 = arith.index_cast %add3A_728 : i32 to index
        %swap3A_730 = arith.constant 32 : index
        %swap3A_731 = tpu.vector_load %arg12[%swap3A_729, %swap3A_730] {strides = array<i32>} : memref<40x128xf32, #tpu.memory_space<vmem>>, vector<1x16xf32>,
        %swap3A_732 = vector.shape_cast %swap3A_731 : vector<1x16xf32> to vector<16xf32>
        %swap3A_733 = vector.shape_cast %max3A_726 : vector<16xf32> to vector<1x16xf32>
        tpu.vector_store %arg12[%swap3A_729, %swap3A_730], %swap3A_733 {strides = array<i32>} : memref<40x128xf32, #tpu.memory_space<vmem>>, vector<1x16xf32>,
        %add3A_734 = arith.constant 1 : i32
        %add3A_735 = arith.addi %mul3A_483, %add3A_734 : i32
        %get3A_736 = arith.index_cast %add3A_735 : i32 to index
        %get3A_737 = arith.constant 48 : index
        %get3A_738 = tpu.vector_load %arg15[%get3A_736, %get3A_737] {strides = array<i32>} : memref<40x128xf32, #tpu.memory_space<vmem>>, vector<1x16xf32>,
        %get3A_739 = vector.shape_cast %get3A_738 : vector<1x16xf32> to vector<16xf32>
        %add3A_740 = arith.constant 1 : i32
        %add3A_741 = arith.addi %mul3A_483, %add3A_740 : i32
        %get3A_742 = arith.index_cast %add3A_741 : i32 to index
        %get3A_743 = arith.constant 48 : index
        %get3A_744 = tpu.vector_load %arg12[%get3A_742, %get3A_743] {strides = array<i32>} : memref<40x128xf32, #tpu.memory_space<vmem>>, vector<1x16xf32>,
        %get3A_745 = vector.shape_cast %get3A_744 : vector<1x16xf32> to vector<16xf32>
        %add3A_746 = arith.addf %get3A_739, %get3A_745 : vector<16xf32>
        %max3A_747 = arith.constant 0.000000e+00 : f32
        %max3A_748 = vector.broadcast %max3A_747 : f32 to vector<16xf32>
        %max3A_749 = arith.maximumf %add3A_746, %max3A_748 : vector<16xf32>
        %add3A_750 = arith.constant 1 : i32
        %add3A_751 = arith.addi %mul3A_483, %add3A_750 : i32
        %swap3A_752 = arith.index_cast %add3A_751 : i32 to index
        %swap3A_753 = arith.constant 48 : index
        %swap3A_754 = tpu.vector_load %arg12[%swap3A_752, %swap3A_753] {strides = array<i32>} : memref<40x128xf32, #tpu.memory_space<vmem>>, vector<1x16xf32>,
        %swap3A_755 = vector.shape_cast %swap3A_754 : vector<1x16xf32> to vector<16xf32>
        %swap3A_756 = vector.shape_cast %max3A_749 : vector<16xf32> to vector<1x16xf32>
        tpu.vector_store %arg12[%swap3A_752, %swap3A_753], %swap3A_756 {strides = array<i32>} : memref<40x128xf32, #tpu.memory_space<vmem>>, vector<1x16xf32>,
        %add3A_757 = arith.constant 1 : i32
        %add3A_758 = arith.addi %mul3A_483, %add3A_757 : i32
        %get3A_759 = arith.index_cast %add3A_758 : i32 to index
        %get3A_760 = arith.constant 64 : index
        %get3A_761 = tpu.vector_load %arg15[%get3A_759, %get3A_760] {strides = array<i32>} : memref<40x128xf32, #tpu.memory_space<vmem>>, vector<1x16xf32>,
        %get3A_762 = vector.shape_cast %get3A_761 : vector<1x16xf32> to vector<16xf32>
        %add3A_763 = arith.constant 1 : i32
        %add3A_764 = arith.addi %mul3A_483, %add3A_763 : i32
        %get3A_765 = arith.index_cast %add3A_764 : i32 to index
        %get3A_766 = arith.constant 64 : index
        %get3A_767 = tpu.vector_load %arg12[%get3A_765, %get3A_766] {strides = array<i32>} : memref<40x128xf32, #tpu.memory_space<vmem>>, vector<1x16xf32>,
        %get3A_768 = vector.shape_cast %get3A_767 : vector<1x16xf32> to vector<16xf32>
        %add3A_769 = arith.addf %get3A_762, %get3A_768 : vector<16xf32>
        %max3A_770 = arith.constant 0.000000e+00 : f32
        %max3A_771 = vector.broadcast %max3A_770 : f32 to vector<16xf32>
        %max3A_772 = arith.maximumf %add3A_769, %max3A_771 : vector<16xf32>
        %add3A_773 = arith.constant 1 : i32
        %add3A_774 = arith.addi %mul3A_483, %add3A_773 : i32
        %swap3A_775 = arith.index_cast %add3A_774 : i32 to index
        %swap3A_776 = arith.constant 64 : index
        %swap3A_777 = tpu.vector_load %arg12[%swap3A_775, %swap3A_776] {strides = array<i32>} : memref<40x128xf32, #tpu.memory_space<vmem>>, vector<1x16xf32>,
        %swap3A_778 = vector.shape_cast %swap3A_777 : vector<1x16xf32> to vector<16xf32>
        %swap3A_779 = vector.shape_cast %max3A_772 : vector<16xf32> to vector<1x16xf32>
        tpu.vector_store %arg12[%swap3A_775, %swap3A_776], %swap3A_779 {strides = array<i32>} : memref<40x128xf32, #tpu.memory_space<vmem>>, vector<1x16xf32>,
        %add3A_780 = arith.constant 1 : i32
        %add3A_781 = arith.addi %mul3A_483, %add3A_780 : i32
        %get3A_782 = arith.index_cast %add3A_781 : i32 to index
        %get3A_783 = arith.constant 80 : index
        %get3A_784 = tpu.vector_load %arg15[%get3A_782, %get3A_783] {strides = array<i32>} : memref<40x128xf32, #tpu.memory_space<vmem>>, vector<1x16xf32>,
        %get3A_785 = vector.shape_cast %get3A_784 : vector<1x16xf32> to vector<16xf32>
        %add3A_786 = arith.constant 1 : i32
        %add3A_787 = arith.addi %mul3A_483, %add3A_786 : i32
        %get3A_788 = arith.index_cast %add3A_787 : i32 to index
        %get3A_789 = arith.constant 80 : index
        %get3A_790 = tpu.vector_load %arg12[%get3A_788, %get3A_789] {strides = array<i32>} : memref<40x128xf32, #tpu.memory_space<vmem>>, vector<1x16xf32>,
        %get3A_791 = vector.shape_cast %get3A_790 : vector<1x16xf32> to vector<16xf32>
        %add3A_792 = arith.addf %get3A_785, %get3A_791 : vector<16xf32>
        %max3A_793 = arith.constant 0.000000e+00 : f32
        %max3A_794 = vector.broadcast %max3A_793 : f32 to vector<16xf32>
        %max3A_795 = arith.maximumf %add3A_792, %max3A_794 : vector<16xf32>
        %add3A_796 = arith.constant 1 : i32
        %add3A_797 = arith.addi %mul3A_483, %add3A_796 : i32
        %swap3A_798 = arith.index_cast %add3A_797 : i32 to index
        %swap3A_799 = arith.constant 80 : index
        %swap3A_800 = tpu.vector_load %arg12[%swap3A_798, %swap3A_799] {strides = array<i32>} : memref<40x128xf32, #tpu.memory_space<vmem>>, vector<1x16xf32>,
        %swap3A_801 = vector.shape_cast %swap3A_800 : vector<1x16xf32> to vector<16xf32>
        %swap3A_802 = vector.shape_cast %max3A_795 : vector<16xf32> to vector<1x16xf32>
        tpu.vector_store %arg12[%swap3A_798, %swap3A_799], %swap3A_802 {strides = array<i32>} : memref<40x128xf32, #tpu.memory_space<vmem>>, vector<1x16xf32>,
        %add3A_803 = arith.constant 1 : i32
        %add3A_804 = arith.addi %mul3A_483, %add3A_803 : i32
        %get3A_805 = arith.index_cast %add3A_804 : i32 to index
        %get3A_806 = arith.constant 96 : index
        %get3A_807 = tpu.vector_load %arg15[%get3A_805, %get3A_806] {strides = array<i32>} : memref<40x128xf32, #tpu.memory_space<vmem>>, vector<1x16xf32>,
        %get3A_808 = vector.shape_cast %get3A_807 : vector<1x16xf32> to vector<16xf32>
        %add3A_809 = arith.constant 1 : i32
        %add3A_810 = arith.addi %mul3A_483, %add3A_809 : i32
        %get3A_811 = arith.index_cast %add3A_810 : i32 to index
        %get3A_812 = arith.constant 96 : index
        %get3A_813 = tpu.vector_load %arg12[%get3A_811, %get3A_812] {strides = array<i32>} : memref<40x128xf32, #tpu.memory_space<vmem>>, vector<1x16xf32>,
        %get3A_814 = vector.shape_cast %get3A_813 : vector<1x16xf32> to vector<16xf32>
        %add3A_815 = arith.addf %get3A_808, %get3A_814 : vector<16xf32>
        %max3A_816 = arith.constant 0.000000e+00 : f32
        %max3A_817 = vector.broadcast %max3A_816 : f32 to vector<16xf32>
        %max3A_818 = arith.maximumf %add3A_815, %max3A_817 : vector<16xf32>
        %add3A_819 = arith.constant 1 : i32
        %add3A_820 = arith.addi %mul3A_483, %add3A_819 : i32
        %swap3A_821 = arith.index_cast %add3A_820 : i32 to index
        %swap3A_822 = arith.constant 96 : index
        %swap3A_823 = tpu.vector_load %arg12[%swap3A_821, %swap3A_822] {strides = array<i32>} : memref<40x128xf32, #tpu.memory_space<vmem>>, vector<1x16xf32>,
        %swap3A_824 = vector.shape_cast %swap3A_823 : vector<1x16xf32> to vector<16xf32>
        %swap3A_825 = vector.shape_cast %max3A_818 : vector<16xf32> to vector<1x16xf32>
        tpu.vector_store %arg12[%swap3A_821, %swap3A_822], %swap3A_825 {strides = array<i32>} : memref<40x128xf32, #tpu.memory_space<vmem>>, vector<1x16xf32>,
        %add3A_826 = arith.constant 1 : i32
        %add3A_827 = arith.addi %mul3A_483, %add3A_826 : i32
        %get3A_828 = arith.index_cast %add3A_827 : i32 to index
        %get3A_829 = arith.constant 112 : index
        %get3A_830 = tpu.vector_load %arg15[%get3A_828, %get3A_829] {strides = array<i32>} : memref<40x128xf32, #tpu.memory_space<vmem>>, vector<1x16xf32>,
        %get3A_831 = vector.shape_cast %get3A_830 : vector<1x16xf32> to vector<16xf32>
        %add3A_832 = arith.constant 1 : i32
        %add3A_833 = arith.addi %mul3A_483, %add3A_832 : i32
        %get3A_834 = arith.index_cast %add3A_833 : i32 to index
        %get3A_835 = arith.constant 112 : index
        %get3A_836 = tpu.vector_load %arg12[%get3A_834, %get3A_835] {strides = array<i32>} : memref<40x128xf32, #tpu.memory_space<vmem>>, vector<1x16xf32>,
        %get3A_837 = vector.shape_cast %get3A_836 : vector<1x16xf32> to vector<16xf32>
        %add3A_838 = arith.addf %get3A_831, %get3A_837 : vector<16xf32>
        %max3A_839 = arith.constant 0.000000e+00 : f32
        %max3A_840 = vector.broadcast %max3A_839 : f32 to vector<16xf32>
        %max3A_841 = arith.maximumf %add3A_838, %max3A_840 : vector<16xf32>
        %add3A_842 = arith.constant 1 : i32
        %add3A_843 = arith.addi %mul3A_483, %add3A_842 : i32
        %swap3A_844 = arith.index_cast %add3A_843 : i32 to index
        %swap3A_845 = arith.constant 112 : index
        %swap3A_846 = tpu.vector_load %arg12[%swap3A_844, %swap3A_845] {strides = array<i32>} : memref<40x128xf32, #tpu.memory_space<vmem>>, vector<1x16xf32>,
        %swap3A_847 = vector.shape_cast %swap3A_846 : vector<1x16xf32> to vector<16xf32>
        %swap3A_848 = vector.shape_cast %max3A_841 : vector<16xf32> to vector<1x16xf32>
        tpu.vector_store %arg12[%swap3A_844, %swap3A_845], %swap3A_848 {strides = array<i32>} : memref<40x128xf32, #tpu.memory_space<vmem>>, vector<1x16xf32>,
        %add3A_849 = arith.constant 2 : i32
        %add3A_850 = arith.addi %mul3A_483, %add3A_849 : i32
        %get3A_851 = arith.index_cast %add3A_850 : i32 to index
        %get3A_852 = arith.constant 0 : index
        %get3A_853 = tpu.vector_load %arg15[%get3A_851, %get3A_852] {strides = array<i32>} : memref<40x128xf32, #tpu.memory_space<vmem>>, vector<1x16xf32>,
        %get3A_854 = vector.shape_cast %get3A_853 : vector<1x16xf32> to vector<16xf32>
        %add3A_855 = arith.constant 2 : i32
        %add3A_856 = arith.addi %mul3A_483, %add3A_855 : i32
        %get3A_857 = arith.index_cast %add3A_856 : i32 to index
        %get3A_858 = arith.constant 0 : index
        %get3A_859 = tpu.vector_load %arg12[%get3A_857, %get3A_858] {strides = array<i32>} : memref<40x128xf32, #tpu.memory_space<vmem>>, vector<1x16xf32>,
        %get3A_860 = vector.shape_cast %get3A_859 : vector<1x16xf32> to vector<16xf32>
        %add3A_861 = arith.addf %get3A_854, %get3A_860 : vector<16xf32>
        %max3A_862 = arith.constant 0.000000e+00 : f32
        %max3A_863 = vector.broadcast %max3A_862 : f32 to vector<16xf32>
        %max3A_864 = arith.maximumf %add3A_861, %max3A_863 : vector<16xf32>
        %add3A_865 = arith.constant 2 : i32
        %add3A_866 = arith.addi %mul3A_483, %add3A_865 : i32
        %swap3A_867 = arith.index_cast %add3A_866 : i32 to index
        %swap3A_868 = arith.constant 0 : index
        %swap3A_869 = tpu.vector_load %arg12[%swap3A_867, %swap3A_868] {strides = array<i32>} : memref<40x128xf32, #tpu.memory_space<vmem>>, vector<1x16xf32>,
        %swap3A_870 = vector.shape_cast %swap3A_869 : vector<1x16xf32> to vector<16xf32>
        %swap3A_871 = vector.shape_cast %max3A_864 : vector<16xf32> to vector<1x16xf32>
        tpu.vector_store %arg12[%swap3A_867, %swap3A_868], %swap3A_871 {strides = array<i32>} : memref<40x128xf32, #tpu.memory_space<vmem>>, vector<1x16xf32>,
        %add3A_872 = arith.constant 2 : i32
        %add3A_873 = arith.addi %mul3A_483, %add3A_872 : i32
        %get3A_874 = arith.index_cast %add3A_873 : i32 to index
        %get3A_875 = arith.constant 16 : index
        %get3A_876 = tpu.vector_load %arg15[%get3A_874, %get3A_875] {strides = array<i32>} : memref<40x128xf32, #tpu.memory_space<vmem>>, vector<1x16xf32>,
        %get3A_877 = vector.shape_cast %get3A_876 : vector<1x16xf32> to vector<16xf32>
        %add3A_878 = arith.constant 2 : i32
        %add3A_879 = arith.addi %mul3A_483, %add3A_878 : i32
        %get3A_880 = arith.index_cast %add3A_879 : i32 to index
        %get3A_881 = arith.constant 16 : index
        %get3A_882 = tpu.vector_load %arg12[%get3A_880, %get3A_881] {strides = array<i32>} : memref<40x128xf32, #tpu.memory_space<vmem>>, vector<1x16xf32>,
        %get3A_883 = vector.shape_cast %get3A_882 : vector<1x16xf32> to vector<16xf32>
        %add3A_884 = arith.addf %get3A_877, %get3A_883 : vector<16xf32>
        %max3A_885 = arith.constant 0.000000e+00 : f32
        %max3A_886 = vector.broadcast %max3A_885 : f32 to vector<16xf32>
        %max3A_887 = arith.maximumf %add3A_884, %max3A_886 : vector<16xf32>
        %add3A_888 = arith.constant 2 : i32
        %add3A_889 = arith.addi %mul3A_483, %add3A_888 : i32
        %swap3A_890 = arith.index_cast %add3A_889 : i32 to index
        %swap3A_891 = arith.constant 16 : index
        %swap3A_892 = tpu.vector_load %arg12[%swap3A_890, %swap3A_891] {strides = array<i32>} : memref<40x128xf32, #tpu.memory_space<vmem>>, vector<1x16xf32>,
        %swap3A_893 = vector.shape_cast %swap3A_892 : vector<1x16xf32> to vector<16xf32>
        %swap3A_894 = vector.shape_cast %max3A_887 : vector<16xf32> to vector<1x16xf32>
        tpu.vector_store %arg12[%swap3A_890, %swap3A_891], %swap3A_894 {strides = array<i32>} : memref<40x128xf32, #tpu.memory_space<vmem>>, vector<1x16xf32>,
        %add3A_895 = arith.constant 2 : i32
        %add3A_896 = arith.addi %mul3A_483, %add3A_895 : i32
        %get3A_897 = arith.index_cast %add3A_896 : i32 to index
        %get3A_898 = arith.constant 32 : index
        %get3A_899 = tpu.vector_load %arg15[%get3A_897, %get3A_898] {strides = array<i32>} : memref<40x128xf32, #tpu.memory_space<vmem>>, vector<1x16xf32>,
        %get3A_900 = vector.shape_cast %get3A_899 : vector<1x16xf32> to vector<16xf32>
        %add3A_901 = arith.constant 2 : i32
        %add3A_902 = arith.addi %mul3A_483, %add3A_901 : i32
        %get3A_903 = arith.index_cast %add3A_902 : i32 to index
        %get3A_904 = arith.constant 32 : index
        %get3A_905 = tpu.vector_load %arg12[%get3A_903, %get3A_904] {strides = array<i32>} : memref<40x128xf32, #tpu.memory_space<vmem>>, vector<1x16xf32>,
        %get3A_906 = vector.shape_cast %get3A_905 : vector<1x16xf32> to vector<16xf32>
        %add3A_907 = arith.addf %get3A_900, %get3A_906 : vector<16xf32>
        %max3A_908 = arith.constant 0.000000e+00 : f32
        %max3A_909 = vector.broadcast %max3A_908 : f32 to vector<16xf32>
        %max3A_910 = arith.maximumf %add3A_907, %max3A_909 : vector<16xf32>
        %add3A_911 = arith.constant 2 : i32
        %add3A_912 = arith.addi %mul3A_483, %add3A_911 : i32
        %swap3A_913 = arith.index_cast %add3A_912 : i32 to index
        %swap3A_914 = arith.constant 32 : index
        %swap3A_915 = tpu.vector_load %arg12[%swap3A_913, %swap3A_914] {strides = array<i32>} : memref<40x128xf32, #tpu.memory_space<vmem>>, vector<1x16xf32>,
        %swap3A_916 = vector.shape_cast %swap3A_915 : vector<1x16xf32> to vector<16xf32>
        %swap3A_917 = vector.shape_cast %max3A_910 : vector<16xf32> to vector<1x16xf32>
        tpu.vector_store %arg12[%swap3A_913, %swap3A_914], %swap3A_917 {strides = array<i32>} : memref<40x128xf32, #tpu.memory_space<vmem>>, vector<1x16xf32>,
        %add3A_918 = arith.constant 2 : i32
        %add3A_919 = arith.addi %mul3A_483, %add3A_918 : i32
        %get3A_920 = arith.index_cast %add3A_919 : i32 to index
        %get3A_921 = arith.constant 48 : index
        %get3A_922 = tpu.vector_load %arg15[%get3A_920, %get3A_921] {strides = array<i32>} : memref<40x128xf32, #tpu.memory_space<vmem>>, vector<1x16xf32>,
        %get3A_923 = vector.shape_cast %get3A_922 : vector<1x16xf32> to vector<16xf32>
        %add3A_924 = arith.constant 2 : i32
        %add3A_925 = arith.addi %mul3A_483, %add3A_924 : i32
        %get3A_926 = arith.index_cast %add3A_925 : i32 to index
        %get3A_927 = arith.constant 48 : index
        %get3A_928 = tpu.vector_load %arg12[%get3A_926, %get3A_927] {strides = array<i32>} : memref<40x128xf32, #tpu.memory_space<vmem>>, vector<1x16xf32>,
        %get3A_929 = vector.shape_cast %get3A_928 : vector<1x16xf32> to vector<16xf32>
        %add3A_930 = arith.addf %get3A_923, %get3A_929 : vector<16xf32>
        %max3A_931 = arith.constant 0.000000e+00 : f32
        %max3A_932 = vector.broadcast %max3A_931 : f32 to vector<16xf32>
        %max3A_933 = arith.maximumf %add3A_930, %max3A_932 : vector<16xf32>
        %add3A_934 = arith.constant 2 : i32
        %add3A_935 = arith.addi %mul3A_483, %add3A_934 : i32
        %swap3A_936 = arith.index_cast %add3A_935 : i32 to index
        %swap3A_937 = arith.constant 48 : index
        %swap3A_938 = tpu.vector_load %arg12[%swap3A_936, %swap3A_937] {strides = array<i32>} : memref<40x128xf32, #tpu.memory_space<vmem>>, vector<1x16xf32>,
        %swap3A_939 = vector.shape_cast %swap3A_938 : vector<1x16xf32> to vector<16xf32>
        %swap3A_940 = vector.shape_cast %max3A_933 : vector<16xf32> to vector<1x16xf32>
        tpu.vector_store %arg12[%swap3A_936, %swap3A_937], %swap3A_940 {strides = array<i32>} : memref<40x128xf32, #tpu.memory_space<vmem>>, vector<1x16xf32>,
        %add3A_941 = arith.constant 2 : i32
        %add3A_942 = arith.addi %mul3A_483, %add3A_941 : i32
        %get3A_943 = arith.index_cast %add3A_942 : i32 to index
        %get3A_944 = arith.constant 64 : index
        %get3A_945 = tpu.vector_load %arg15[%get3A_943, %get3A_944] {strides = array<i32>} : memref<40x128xf32, #tpu.memory_space<vmem>>, vector<1x16xf32>,
        %get3A_946 = vector.shape_cast %get3A_945 : vector<1x16xf32> to vector<16xf32>
        %add3A_947 = arith.constant 2 : i32
        %add3A_948 = arith.addi %mul3A_483, %add3A_947 : i32
        %get3A_949 = arith.index_cast %add3A_948 : i32 to index
        %get3A_950 = arith.constant 64 : index
        %get3A_951 = tpu.vector_load %arg12[%get3A_949, %get3A_950] {strides = array<i32>} : memref<40x128xf32, #tpu.memory_space<vmem>>, vector<1x16xf32>,
        %get3A_952 = vector.shape_cast %get3A_951 : vector<1x16xf32> to vector<16xf32>
        %add3A_953 = arith.addf %get3A_946, %get3A_952 : vector<16xf32>
        %max3A_954 = arith.constant 0.000000e+00 : f32
        %max3A_955 = vector.broadcast %max3A_954 : f32 to vector<16xf32>
        %max3A_956 = arith.maximumf %add3A_953, %max3A_955 : vector<16xf32>
        %add3A_957 = arith.constant 2 : i32
        %add3A_958 = arith.addi %mul3A_483, %add3A_957 : i32
        %swap3A_959 = arith.index_cast %add3A_958 : i32 to index
        %swap3A_960 = arith.constant 64 : index
        %swap3A_961 = tpu.vector_load %arg12[%swap3A_959, %swap3A_960] {strides = array<i32>} : memref<40x128xf32, #tpu.memory_space<vmem>>, vector<1x16xf32>,
        %swap3A_962 = vector.shape_cast %swap3A_961 : vector<1x16xf32> to vector<16xf32>
        %swap3A_963 = vector.shape_cast %max3A_956 : vector<16xf32> to vector<1x16xf32>
        tpu.vector_store %arg12[%swap3A_959, %swap3A_960], %swap3A_963 {strides = array<i32>} : memref<40x128xf32, #tpu.memory_space<vmem>>, vector<1x16xf32>,
        %add3A_964 = arith.constant 2 : i32
        %add3A_965 = arith.addi %mul3A_483, %add3A_964 : i32
        %get3A_966 = arith.index_cast %add3A_965 : i32 to index
        %get3A_967 = arith.constant 80 : index
        %get3A_968 = tpu.vector_load %arg15[%get3A_966, %get3A_967] {strides = array<i32>} : memref<40x128xf32, #tpu.memory_space<vmem>>, vector<1x16xf32>,
        %get3A_969 = vector.shape_cast %get3A_968 : vector<1x16xf32> to vector<16xf32>
        %add3A_970 = arith.constant 2 : i32
        %add3A_971 = arith.addi %mul3A_483, %add3A_970 : i32
        %get3A_972 = arith.index_cast %add3A_971 : i32 to index
        %get3A_973 = arith.constant 80 : index
        %get3A_974 = tpu.vector_load %arg12[%get3A_972, %get3A_973] {strides = array<i32>} : memref<40x128xf32, #tpu.memory_space<vmem>>, vector<1x16xf32>,
        %get3A_975 = vector.shape_cast %get3A_974 : vector<1x16xf32> to vector<16xf32>
        %add3A_976 = arith.addf %get3A_969, %get3A_975 : vector<16xf32>
        %max3A_977 = arith.constant 0.000000e+00 : f32
        %max3A_978 = vector.broadcast %max3A_977 : f32 to vector<16xf32>
        %max3A_979 = arith.maximumf %add3A_976, %max3A_978 : vector<16xf32>
        %add3A_980 = arith.constant 2 : i32
        %add3A_981 = arith.addi %mul3A_483, %add3A_980 : i32
        %swap3A_982 = arith.index_cast %add3A_981 : i32 to index
        %swap3A_983 = arith.constant 80 : index
        %swap3A_984 = tpu.vector_load %arg12[%swap3A_982, %swap3A_983] {strides = array<i32>} : memref<40x128xf32, #tpu.memory_space<vmem>>, vector<1x16xf32>,
        %swap3A_985 = vector.shape_cast %swap3A_984 : vector<1x16xf32> to vector<16xf32>
        %swap3A_986 = vector.shape_cast %max3A_979 : vector<16xf32> to vector<1x16xf32>
        tpu.vector_store %arg12[%swap3A_982, %swap3A_983], %swap3A_986 {strides = array<i32>} : memref<40x128xf32, #tpu.memory_space<vmem>>, vector<1x16xf32>,
        %add3A_987 = arith.constant 2 : i32
        %add3A_988 = arith.addi %mul3A_483, %add3A_987 : i32
        %get3A_989 = arith.index_cast %add3A_988 : i32 to index
        %get3A_990 = arith.constant 96 : index
        %get3A_991 = tpu.vector_load %arg15[%get3A_989, %get3A_990] {strides = array<i32>} : memref<40x128xf32, #tpu.memory_space<vmem>>, vector<1x16xf32>,
        %get3A_992 = vector.shape_cast %get3A_991 : vector<1x16xf32> to vector<16xf32>
        %add3A_993 = arith.constant 2 : i32
        %add3A_994 = arith.addi %mul3A_483, %add3A_993 : i32
        %get3A_995 = arith.index_cast %add3A_994 : i32 to index
        %get3A_996 = arith.constant 96 : index
        %get3A_997 = tpu.vector_load %arg12[%get3A_995, %get3A_996] {strides = array<i32>} : memref<40x128xf32, #tpu.memory_space<vmem>>, vector<1x16xf32>,
        %get3A_998 = vector.shape_cast %get3A_997 : vector<1x16xf32> to vector<16xf32>
        %add3A_999 = arith.addf %get3A_992, %get3A_998 : vector<16xf32>
        %max3A_1000 = arith.constant 0.000000e+00 : f32
        %max3A_1001 = vector.broadcast %max3A_1000 : f32 to vector<16xf32>
        %max3A_1002 = arith.maximumf %add3A_999, %max3A_1001 : vector<16xf32>
        %add3A_1003 = arith.constant 2 : i32
        %add3A_1004 = arith.addi %mul3A_483, %add3A_1003 : i32
        %swap3A_1005 = arith.index_cast %add3A_1004 : i32 to index
        %swap3A_1006 = arith.constant 96 : index
        %swap3A_1007 = tpu.vector_load %arg12[%swap3A_1005, %swap3A_1006] {strides = array<i32>} : memref<40x128xf32, #tpu.memory_space<vmem>>, vector<1x16xf32>,
        %swap3A_1008 = vector.shape_cast %swap3A_1007 : vector<1x16xf32> to vector<16xf32>
        %swap3A_1009 = vector.shape_cast %max3A_1002 : vector<16xf32> to vector<1x16xf32>
        tpu.vector_store %arg12[%swap3A_1005, %swap3A_1006], %swap3A_1009 {strides = array<i32>} : memref<40x128xf32, #tpu.memory_space<vmem>>, vector<1x16xf32>,
        %add3A_1010 = arith.constant 2 : i32
        %add3A_1011 = arith.addi %mul3A_483, %add3A_1010 : i32
        %get3A_1012 = arith.index_cast %add3A_1011 : i32 to index
        %get3A_1013 = arith.constant 112 : index
        %get3A_1014 = tpu.vector_load %arg15[%get3A_1012, %get3A_1013] {strides = array<i32>} : memref<40x128xf32, #tpu.memory_space<vmem>>, vector<1x16xf32>,
        %get3A_1015 = vector.shape_cast %get3A_1014 : vector<1x16xf32> to vector<16xf32>
        %add3A_1016 = arith.constant 2 : i32
        %add3A_1017 = arith.addi %mul3A_483, %add3A_1016 : i32
        %get3A_1018 = arith.index_cast %add3A_1017 : i32 to index
        %get3A_1019 = arith.constant 112 : index
        %get3A_1020 = tpu.vector_load %arg12[%get3A_1018, %get3A_1019] {strides = array<i32>} : memref<40x128xf32, #tpu.memory_space<vmem>>, vector<1x16xf32>,
        %get3A_1021 = vector.shape_cast %get3A_1020 : vector<1x16xf32> to vector<16xf32>
        %add3A_1022 = arith.addf %get3A_1015, %get3A_1021 : vector<16xf32>
        %max3A_1023 = arith.constant 0.000000e+00 : f32
        %max3A_1024 = vector.broadcast %max3A_1023 : f32 to vector<16xf32>
        %max3A_1025 = arith.maximumf %add3A_1022, %max3A_1024 : vector<16xf32>
        %add3A_1026 = arith.constant 2 : i32
        %add3A_1027 = arith.addi %mul3A_483, %add3A_1026 : i32
        %swap3A_1028 = arith.index_cast %add3A_1027 : i32 to index
        %swap3A_1029 = arith.constant 112 : index
        %swap3A_1030 = tpu.vector_load %arg12[%swap3A_1028, %swap3A_1029] {strides = array<i32>} : memref<40x128xf32, #tpu.memory_space<vmem>>, vector<1x16xf32>,
        %swap3A_1031 = vector.shape_cast %swap3A_1030 : vector<1x16xf32> to vector<16xf32>
        %swap3A_1032 = vector.shape_cast %max3A_1025 : vector<16xf32> to vector<1x16xf32>
        tpu.vector_store %arg12[%swap3A_1028, %swap3A_1029], %swap3A_1032 {strides = array<i32>} : memref<40x128xf32, #tpu.memory_space<vmem>>, vector<1x16xf32>,
        %add3A_1033 = arith.constant 3 : i32
        %add3A_1034 = arith.addi %mul3A_483, %add3A_1033 : i32
        %get3A_1035 = arith.index_cast %add3A_1034 : i32 to index
        %get3A_1036 = arith.constant 0 : index
        %get3A_1037 = tpu.vector_load %arg15[%get3A_1035, %get3A_1036] {strides = array<i32>} : memref<40x128xf32, #tpu.memory_space<vmem>>, vector<1x16xf32>,
        %get3A_1038 = vector.shape_cast %get3A_1037 : vector<1x16xf32> to vector<16xf32>
        %add3A_1039 = arith.constant 3 : i32
        %add3A_1040 = arith.addi %mul3A_483, %add3A_1039 : i32
        %get3A_1041 = arith.index_cast %add3A_1040 : i32 to index
        %get3A_1042 = arith.constant 0 : index
        %get3A_1043 = tpu.vector_load %arg12[%get3A_1041, %get3A_1042] {strides = array<i32>} : memref<40x128xf32, #tpu.memory_space<vmem>>, vector<1x16xf32>,
        %get3A_1044 = vector.shape_cast %get3A_1043 : vector<1x16xf32> to vector<16xf32>
        %add3A_1045 = arith.addf %get3A_1038, %get3A_1044 : vector<16xf32>
        %max3A_1046 = arith.constant 0.000000e+00 : f32
        %max3A_1047 = vector.broadcast %max3A_1046 : f32 to vector<16xf32>
        %max3A_1048 = arith.maximumf %add3A_1045, %max3A_1047 : vector<16xf32>
        %add3A_1049 = arith.constant 3 : i32
        %add3A_1050 = arith.addi %mul3A_483, %add3A_1049 : i32
        %swap3A_1051 = arith.index_cast %add3A_1050 : i32 to index
        %swap3A_1052 = arith.constant 0 : index
        %swap3A_1053 = tpu.vector_load %arg12[%swap3A_1051, %swap3A_1052] {strides = array<i32>} : memref<40x128xf32, #tpu.memory_space<vmem>>, vector<1x16xf32>,
        %swap3A_1054 = vector.shape_cast %swap3A_1053 : vector<1x16xf32> to vector<16xf32>
        %swap3A_1055 = vector.shape_cast %max3A_1048 : vector<16xf32> to vector<1x16xf32>
        tpu.vector_store %arg12[%swap3A_1051, %swap3A_1052], %swap3A_1055 {strides = array<i32>} : memref<40x128xf32, #tpu.memory_space<vmem>>, vector<1x16xf32>,
        %add3A_1056 = arith.constant 3 : i32
        %add3A_1057 = arith.addi %mul3A_483, %add3A_1056 : i32
        %get3A_1058 = arith.index_cast %add3A_1057 : i32 to index
        %get3A_1059 = arith.constant 16 : index
        %get3A_1060 = tpu.vector_load %arg15[%get3A_1058, %get3A_1059] {strides = array<i32>} : memref<40x128xf32, #tpu.memory_space<vmem>>, vector<1x16xf32>,
        %get3A_1061 = vector.shape_cast %get3A_1060 : vector<1x16xf32> to vector<16xf32>
        %add3A_1062 = arith.constant 3 : i32
        %add3A_1063 = arith.addi %mul3A_483, %add3A_1062 : i32
        %get3A_1064 = arith.index_cast %add3A_1063 : i32 to index
        %get3A_1065 = arith.constant 16 : index
        %get3A_1066 = tpu.vector_load %arg12[%get3A_1064, %get3A_1065] {strides = array<i32>} : memref<40x128xf32, #tpu.memory_space<vmem>>, vector<1x16xf32>,
        %get3A_1067 = vector.shape_cast %get3A_1066 : vector<1x16xf32> to vector<16xf32>
        %add3A_1068 = arith.addf %get3A_1061, %get3A_1067 : vector<16xf32>
        %max3A_1069 = arith.constant 0.000000e+00 : f32
        %max3A_1070 = vector.broadcast %max3A_1069 : f32 to vector<16xf32>
        %max3A_1071 = arith.maximumf %add3A_1068, %max3A_1070 : vector<16xf32>
        %add3A_1072 = arith.constant 3 : i32
        %add3A_1073 = arith.addi %mul3A_483, %add3A_1072 : i32
        %swap3A_1074 = arith.index_cast %add3A_1073 : i32 to index
        %swap3A_1075 = arith.constant 16 : index
        %swap3A_1076 = tpu.vector_load %arg12[%swap3A_1074, %swap3A_1075] {strides = array<i32>} : memref<40x128xf32, #tpu.memory_space<vmem>>, vector<1x16xf32>,
        %swap3A_1077 = vector.shape_cast %swap3A_1076 : vector<1x16xf32> to vector<16xf32>
        %swap3A_1078 = vector.shape_cast %max3A_1071 : vector<16xf32> to vector<1x16xf32>
        tpu.vector_store %arg12[%swap3A_1074, %swap3A_1075], %swap3A_1078 {strides = array<i32>} : memref<40x128xf32, #tpu.memory_space<vmem>>, vector<1x16xf32>,
        %add3A_1079 = arith.constant 3 : i32
        %add3A_1080 = arith.addi %mul3A_483, %add3A_1079 : i32
        %get3A_1081 = arith.index_cast %add3A_1080 : i32 to index
        %get3A_1082 = arith.constant 32 : index
        %get3A_1083 = tpu.vector_load %arg15[%get3A_1081, %get3A_1082] {strides = array<i32>} : memref<40x128xf32, #tpu.memory_space<vmem>>, vector<1x16xf32>,
        %get3A_1084 = vector.shape_cast %get3A_1083 : vector<1x16xf32> to vector<16xf32>
        %add3A_1085 = arith.constant 3 : i32
        %add3A_1086 = arith.addi %mul3A_483, %add3A_1085 : i32
        %get3A_1087 = arith.index_cast %add3A_1086 : i32 to index
        %get3A_1088 = arith.constant 32 : index
        %get3A_1089 = tpu.vector_load %arg12[%get3A_1087, %get3A_1088] {strides = array<i32>} : memref<40x128xf32, #tpu.memory_space<vmem>>, vector<1x16xf32>,
        %get3A_1090 = vector.shape_cast %get3A_1089 : vector<1x16xf32> to vector<16xf32>
        %add3A_1091 = arith.addf %get3A_1084, %get3A_1090 : vector<16xf32>
        %max3A_1092 = arith.constant 0.000000e+00 : f32
        %max3A_1093 = vector.broadcast %max3A_1092 : f32 to vector<16xf32>
        %max3A_1094 = arith.maximumf %add3A_1091, %max3A_1093 : vector<16xf32>
        %add3A_1095 = arith.constant 3 : i32
        %add3A_1096 = arith.addi %mul3A_483, %add3A_1095 : i32
        %swap3A_1097 = arith.index_cast %add3A_1096 : i32 to index
        %swap3A_1098 = arith.constant 32 : index
        %swap3A_1099 = tpu.vector_load %arg12[%swap3A_1097, %swap3A_1098] {strides = array<i32>} : memref<40x128xf32, #tpu.memory_space<vmem>>, vector<1x16xf32>,
        %swap3A_1100 = vector.shape_cast %swap3A_1099 : vector<1x16xf32> to vector<16xf32>
        %swap3A_1101 = vector.shape_cast %max3A_1094 : vector<16xf32> to vector<1x16xf32>
        tpu.vector_store %arg12[%swap3A_1097, %swap3A_1098], %swap3A_1101 {strides = array<i32>} : memref<40x128xf32, #tpu.memory_space<vmem>>, vector<1x16xf32>,
        %add3A_1102 = arith.constant 3 : i32
        %add3A_1103 = arith.addi %mul3A_483, %add3A_1102 : i32
        %get3A_1104 = arith.index_cast %add3A_1103 : i32 to index
        %get3A_1105 = arith.constant 48 : index
        %get3A_1106 = tpu.vector_load %arg15[%get3A_1104, %get3A_1105] {strides = array<i32>} : memref<40x128xf32, #tpu.memory_space<vmem>>, vector<1x16xf32>,
        %get3A_1107 = vector.shape_cast %get3A_1106 : vector<1x16xf32> to vector<16xf32>
        %add3A_1108 = arith.constant 3 : i32
        %add3A_1109 = arith.addi %mul3A_483, %add3A_1108 : i32
        %get3A_1110 = arith.index_cast %add3A_1109 : i32 to index
        %get3A_1111 = arith.constant 48 : index
        %get3A_1112 = tpu.vector_load %arg12[%get3A_1110, %get3A_1111] {strides = array<i32>} : memref<40x128xf32, #tpu.memory_space<vmem>>, vector<1x16xf32>,
        %get3A_1113 = vector.shape_cast %get3A_1112 : vector<1x16xf32> to vector<16xf32>
        %add3A_1114 = arith.addf %get3A_1107, %get3A_1113 : vector<16xf32>
        %max3A_1115 = arith.constant 0.000000e+00 : f32
        %max3A_1116 = vector.broadcast %max3A_1115 : f32 to vector<16xf32>
        %max3A_1117 = arith.maximumf %add3A_1114, %max3A_1116 : vector<16xf32>
        %add3A_1118 = arith.constant 3 : i32
        %add3A_1119 = arith.addi %mul3A_483, %add3A_1118 : i32
        %swap3A_1120 = arith.index_cast %add3A_1119 : i32 to index
        %swap3A_1121 = arith.constant 48 : index
        %swap3A_1122 = tpu.vector_load %arg12[%swap3A_1120, %swap3A_1121] {strides = array<i32>} : memref<40x128xf32, #tpu.memory_space<vmem>>, vector<1x16xf32>,
        %swap3A_1123 = vector.shape_cast %swap3A_1122 : vector<1x16xf32> to vector<16xf32>
        %swap3A_1124 = vector.shape_cast %max3A_1117 : vector<16xf32> to vector<1x16xf32>
        tpu.vector_store %arg12[%swap3A_1120, %swap3A_1121], %swap3A_1124 {strides = array<i32>} : memref<40x128xf32, #tpu.memory_space<vmem>>, vector<1x16xf32>,
        %add3A_1125 = arith.constant 3 : i32
        %add3A_1126 = arith.addi %mul3A_483, %add3A_1125 : i32
        %get3A_1127 = arith.index_cast %add3A_1126 : i32 to index
        %get3A_1128 = arith.constant 64 : index
        %get3A_1129 = tpu.vector_load %arg15[%get3A_1127, %get3A_1128] {strides = array<i32>} : memref<40x128xf32, #tpu.memory_space<vmem>>, vector<1x16xf32>,
        %get3A_1130 = vector.shape_cast %get3A_1129 : vector<1x16xf32> to vector<16xf32>
        %add3A_1131 = arith.constant 3 : i32
        %add3A_1132 = arith.addi %mul3A_483, %add3A_1131 : i32
        %get3A_1133 = arith.index_cast %add3A_1132 : i32 to index
        %get3A_1134 = arith.constant 64 : index
        %get3A_1135 = tpu.vector_load %arg12[%get3A_1133, %get3A_1134] {strides = array<i32>} : memref<40x128xf32, #tpu.memory_space<vmem>>, vector<1x16xf32>,
        %get3A_1136 = vector.shape_cast %get3A_1135 : vector<1x16xf32> to vector<16xf32>
        %add3A_1137 = arith.addf %get3A_1130, %get3A_1136 : vector<16xf32>
        %max3A_1138 = arith.constant 0.000000e+00 : f32
        %max3A_1139 = vector.broadcast %max3A_1138 : f32 to vector<16xf32>
        %max3A_1140 = arith.maximumf %add3A_1137, %max3A_1139 : vector<16xf32>
        %add3A_1141 = arith.constant 3 : i32
        %add3A_1142 = arith.addi %mul3A_483, %add3A_1141 : i32
        %swap3A_1143 = arith.index_cast %add3A_1142 : i32 to index
        %swap3A_1144 = arith.constant 64 : index
        %swap3A_1145 = tpu.vector_load %arg12[%swap3A_1143, %swap3A_1144] {strides = array<i32>} : memref<40x128xf32, #tpu.memory_space<vmem>>, vector<1x16xf32>,
        %swap3A_1146 = vector.shape_cast %swap3A_1145 : vector<1x16xf32> to vector<16xf32>
        %swap3A_1147 = vector.shape_cast %max3A_1140 : vector<16xf32> to vector<1x16xf32>
        tpu.vector_store %arg12[%swap3A_1143, %swap3A_1144], %swap3A_1147 {strides = array<i32>} : memref<40x128xf32, #tpu.memory_space<vmem>>, vector<1x16xf32>,
        %add3A_1148 = arith.constant 3 : i32
        %add3A_1149 = arith.addi %mul3A_483, %add3A_1148 : i32
        %get3A_1150 = arith.index_cast %add3A_1149 : i32 to index
        %get3A_1151 = arith.constant 80 : index
        %get3A_1152 = tpu.vector_load %arg15[%get3A_1150, %get3A_1151] {strides = array<i32>} : memref<40x128xf32, #tpu.memory_space<vmem>>, vector<1x16xf32>,
        %get3A_1153 = vector.shape_cast %get3A_1152 : vector<1x16xf32> to vector<16xf32>
        %add3A_1154 = arith.constant 3 : i32
        %add3A_1155 = arith.addi %mul3A_483, %add3A_1154 : i32
        %get3A_1156 = arith.index_cast %add3A_1155 : i32 to index
        %get3A_1157 = arith.constant 80 : index
        %get3A_1158 = tpu.vector_load %arg12[%get3A_1156, %get3A_1157] {strides = array<i32>} : memref<40x128xf32, #tpu.memory_space<vmem>>, vector<1x16xf32>,
        %get3A_1159 = vector.shape_cast %get3A_1158 : vector<1x16xf32> to vector<16xf32>
        %add3A_1160 = arith.addf %get3A_1153, %get3A_1159 : vector<16xf32>
        %max3A_1161 = arith.constant 0.000000e+00 : f32
        %max3A_1162 = vector.broadcast %max3A_1161 : f32 to vector<16xf32>
        %max3A_1163 = arith.maximumf %add3A_1160, %max3A_1162 : vector<16xf32>
        %add3A_1164 = arith.constant 3 : i32
        %add3A_1165 = arith.addi %mul3A_483, %add3A_1164 : i32
        %swap3A_1166 = arith.index_cast %add3A_1165 : i32 to index
        %swap3A_1167 = arith.constant 80 : index
        %swap3A_1168 = tpu.vector_load %arg12[%swap3A_1166, %swap3A_1167] {strides = array<i32>} : memref<40x128xf32, #tpu.memory_space<vmem>>, vector<1x16xf32>,
        %swap3A_1169 = vector.shape_cast %swap3A_1168 : vector<1x16xf32> to vector<16xf32>
        %swap3A_1170 = vector.shape_cast %max3A_1163 : vector<16xf32> to vector<1x16xf32>
        tpu.vector_store %arg12[%swap3A_1166, %swap3A_1167], %swap3A_1170 {strides = array<i32>} : memref<40x128xf32, #tpu.memory_space<vmem>>, vector<1x16xf32>,
        %add3A_1171 = arith.constant 3 : i32
        %add3A_1172 = arith.addi %mul3A_483, %add3A_1171 : i32
        %get3A_1173 = arith.index_cast %add3A_1172 : i32 to index
        %get3A_1174 = arith.constant 96 : index
        %get3A_1175 = tpu.vector_load %arg15[%get3A_1173, %get3A_1174] {strides = array<i32>} : memref<40x128xf32, #tpu.memory_space<vmem>>, vector<1x16xf32>,
        %get3A_1176 = vector.shape_cast %get3A_1175 : vector<1x16xf32> to vector<16xf32>
        %add3A_1177 = arith.constant 3 : i32
        %add3A_1178 = arith.addi %mul3A_483, %add3A_1177 : i32
        %get3A_1179 = arith.index_cast %add3A_1178 : i32 to index
        %get3A_1180 = arith.constant 96 : index
        %get3A_1181 = tpu.vector_load %arg12[%get3A_1179, %get3A_1180] {strides = array<i32>} : memref<40x128xf32, #tpu.memory_space<vmem>>, vector<1x16xf32>,
        %get3A_1182 = vector.shape_cast %get3A_1181 : vector<1x16xf32> to vector<16xf32>
        %add3A_1183 = arith.addf %get3A_1176, %get3A_1182 : vector<16xf32>
        %max3A_1184 = arith.constant 0.000000e+00 : f32
        %max3A_1185 = vector.broadcast %max3A_1184 : f32 to vector<16xf32>
        %max3A_1186 = arith.maximumf %add3A_1183, %max3A_1185 : vector<16xf32>
        %add3A_1187 = arith.constant 3 : i32
        %add3A_1188 = arith.addi %mul3A_483, %add3A_1187 : i32
        %swap3A_1189 = arith.index_cast %add3A_1188 : i32 to index
        %swap3A_1190 = arith.constant 96 : index
        %swap3A_1191 = tpu.vector_load %arg12[%swap3A_1189, %swap3A_1190] {strides = array<i32>} : memref<40x128xf32, #tpu.memory_space<vmem>>, vector<1x16xf32>,
        %swap3A_1192 = vector.shape_cast %swap3A_1191 : vector<1x16xf32> to vector<16xf32>
        %swap3A_1193 = vector.shape_cast %max3A_1186 : vector<16xf32> to vector<1x16xf32>
        tpu.vector_store %arg12[%swap3A_1189, %swap3A_1190], %swap3A_1193 {strides = array<i32>} : memref<40x128xf32, #tpu.memory_space<vmem>>, vector<1x16xf32>,
        %add3A_1194 = arith.constant 3 : i32
        %add3A_1195 = arith.addi %mul3A_483, %add3A_1194 : i32
        %get3A_1196 = arith.index_cast %add3A_1195 : i32 to index
        %get3A_1197 = arith.constant 112 : index
        %get3A_1198 = tpu.vector_load %arg15[%get3A_1196, %get3A_1197] {strides = array<i32>} : memref<40x128xf32, #tpu.memory_space<vmem>>, vector<1x16xf32>,
        %get3A_1199 = vector.shape_cast %get3A_1198 : vector<1x16xf32> to vector<16xf32>
        %add3A_1200 = arith.constant 3 : i32
        %add3A_1201 = arith.addi %mul3A_483, %add3A_1200 : i32
        %get3A_1202 = arith.index_cast %add3A_1201 : i32 to index
        %get3A_1203 = arith.constant 112 : index
        %get3A_1204 = tpu.vector_load %arg12[%get3A_1202, %get3A_1203] {strides = array<i32>} : memref<40x128xf32, #tpu.memory_space<vmem>>, vector<1x16xf32>,
        %get3A_1205 = vector.shape_cast %get3A_1204 : vector<1x16xf32> to vector<16xf32>
        %add3A_1206 = arith.addf %get3A_1199, %get3A_1205 : vector<16xf32>
        %max3A_1207 = arith.constant 0.000000e+00 : f32
        %max3A_1208 = vector.broadcast %max3A_1207 : f32 to vector<16xf32>
        %max3A_1209 = arith.maximumf %add3A_1206, %max3A_1208 : vector<16xf32>
        %add3A_1210 = arith.constant 3 : i32
        %add3A_1211 = arith.addi %mul3A_483, %add3A_1210 : i32
        %swap3A_1212 = arith.index_cast %add3A_1211 : i32 to index
        %swap3A_1213 = arith.constant 112 : index
        %swap3A_1214 = tpu.vector_load %arg12[%swap3A_1212, %swap3A_1213] {strides = array<i32>} : memref<40x128xf32, #tpu.memory_space<vmem>>, vector<1x16xf32>,
        %swap3A_1215 = vector.shape_cast %swap3A_1214 : vector<1x16xf32> to vector<16xf32>
        %swap3A_1216 = vector.shape_cast %max3A_1209 : vector<16xf32> to vector<1x16xf32>
        tpu.vector_store %arg12[%swap3A_1212, %swap3A_1213], %swap3A_1216 {strides = array<i32>} : memref<40x128xf32, #tpu.memory_space<vmem>>, vector<1x16xf32>,
        %scan3A_1217 = arith.constant 0 : i32
        scf.yield %scan3A_1217 : i32
      }
      %scan3A_367 = arith.constant 10 : i32
      %sub3A = arith.constant 1 : i32
      %sub3A_368 = arith.subi %add3A_341, %sub3A : i32
      %mul3A_369 = arith.constant 40 : i32
      %mul3A_370 = arith.muli %sub3A_368, %mul3A_369 : i32
      %dma_wait3A_371 = tpu.memref_slice %arg7[%mul3A_370] : memref<10000xi32, #tpu.memory_space<vmem>> -> memref<40xi32, #tpu.memory_space<vmem>>
      %dma_wait3A_372 = arith.constant 0 : i32
      %dma_wait3A_373 = arith.constant 0 : i32
      %dma_wait3A_374 = tpu.memref_slice %arg6[%dma_wait3A_372, %dma_wait3A_373] : memref<10240x128xf32, #tpu.memory_space<vmem_shared>> -> memref<10240x128xf32, #tpu.memory_space<vmem_shared>>
      tpu.wait_indirect_dma semaphore(%arg27 : memref<!tpu.dma_semaphore, #tpu.memory_space<semaphore_mem>>) src(%arg11 : memref<40x128xf32, #tpu.memory_space<vmem>>) dst(%dma_wait3A_374 : memref<10240x128xf32, #tpu.memory_space<vmem_shared>>)
      %mul3A_375 = arith.constant 40 : i32
      %mul3A_376 = arith.muli %add3A_341, %mul3A_375 : i32
      %dma_start3A_377 = tpu.memref_slice %arg7[%mul3A_376] : memref<10000xi32, #tpu.memory_space<vmem>> -> memref<40xi32, #tpu.memory_space<vmem>>
      %dma_start3A_378 = arith.constant 0 : i32
      %dma_start3A_379 = arith.constant 0 : i32
      %dma_start3A_380 = tpu.memref_slice %arg6[%dma_start3A_378, %dma_start3A_379] : memref<10240x128xf32, #tpu.memory_space<vmem_shared>> -> memref<10240x128xf32, #tpu.memory_space<vmem_shared>>
      tpu.enqueue_indirect_dma source(%arg12 : memref<40x128xf32, #tpu.memory_space<vmem>>) target(%dma_start3A_380 : memref<10240x128xf32, #tpu.memory_space<vmem_shared>>) offsets(%dma_start3A_377 : memref<40xi32, #tpu.memory_space<vmem>>) semaphore(%arg28 : memref<!tpu.dma_semaphore, #tpu.memory_space<semaphore_mem>>) {add = true}
      %mul3A_381 = arith.constant 3 : i32
      %mul3A_382 = arith.muli %mul3A_381, %scan3A_334 : i32
      %add3A_383 = arith.constant 1 : i32
      %add3A_384 = arith.addi %add3A_383, %mul3A_382 : i32
      %add3A_385 = arith.constant 1 : i32
      %add3A_386 = arith.addi %add3A_384, %add3A_385 : i32
      %lt3A_387 = arith.constant 249 : i32
      %lt3A_388 = arith.cmpi slt, %add3A_386, %lt3A_387 : i32
      %convert_element_type3A_389 = arith.extui %lt3A_388 : i1 to i32
      %cond3A_390 = arith.constant 0 : i32
      %cond3A_391 = arith.cmpi ne, %convert_element_type3A_389, %cond3A_390 : i32
      scf.if %cond3A_391 {
        %add3A_480 = arith.constant 1 : i32
        %add3A_481 = arith.addi %add3A_386, %add3A_480 : i32
        %mul3A_482 = arith.constant 10000 : i32
        %mul3A_483 = arith.muli %add3A, %mul3A_482 : i32
        %mul3A_484 = arith.constant 40 : i32
        %mul3A_485 = arith.muli %add3A_481, %mul3A_484 : i32
        %add3A_486 = arith.addi %mul3A_483, %mul3A_485 : i32
        %dma_wait3A_487 = tpu.memref_slice %arg3[%add3A_486] : memref<640000xi32, #tpu.memory_space<hbm>> -> memref<40xi32, #tpu.memory_space<hbm>>
        %dma_wait3A_488 = tpu.memref_slice %arg3[%add3A_486] : memref<640000xi32, #tpu.memory_space<hbm>> -> memref<40xi32, #tpu.memory_space<hbm>>
        tpu.wait_dma2 semaphore(%arg18 : memref<!tpu.dma_semaphore, #tpu.memory_space<semaphore_mem>>) src(%dma_wait3A_488 : memref<40xi32, #tpu.memory_space<hbm>>) dst(%arg8 : memref<40xi32, #tpu.memory_space<vmem>>)
        %add3A_489 = arith.constant 1 : i32
        %add3A_490 = arith.addi %add3A_386, %add3A_489 : i32
        %mul3A_491 = arith.constant 10000 : i32
        %mul3A_492 = arith.muli %add3A, %mul3A_491 : i32
        %mul3A_493 = arith.constant 40 : i32
        %mul3A_494 = arith.muli %add3A_490, %mul3A_493 : i32
        %add3A_495 = arith.addi %mul3A_492, %mul3A_494 : i32
        %dma_start3A_496 = arith.constant 0 : i32
        %dma_start3A_497 = tpu.memref_slice %arg4[%add3A_495, %dma_start3A_496] : memref<320000x128xf32, #tpu.memory_space<hbm>> -> memref<40x128xf32, #tpu.memory_space<hbm>>
        %dma_start3A_498 = arith.constant 0 : i32
        %dma_start3A_499 = tpu.memref_slice %arg4[%add3A_495, %dma_start3A_498] : memref<320000x128xf32, #tpu.memory_space<hbm>> -> memref<40x128xf32, #tpu.memory_space<hbm>>
        tpu.enqueue_dma source(%dma_start3A_499 : memref<40x128xf32, #tpu.memory_space<hbm>>) target(%arg11 : memref<40x128xf32, #tpu.memory_space<vmem>>) target_semaphore(%arg21 : memref<!tpu.dma_semaphore, #tpu.memory_space<semaphore_mem>>)
        %dma_start3A_500 = arith.constant 0 : i32
        %dma_start3A_501 = arith.constant 0 : i32
        %dma_start3A_502 = tpu.memref_slice %arg2[%dma_start3A_500, %dma_start3A_501] : memref<10000x128xf32, #tpu.memory_space<hbm>> -> memref<10000x128xf32, #tpu.memory_space<hbm>>
        tpu.enqueue_indirect_dma source(%dma_start3A_502 : memref<10000x128xf32, #tpu.memory_space<hbm>>) target(%arg14 : memref<40x128xf32, #tpu.memory_space<vmem>>) offsets(%arg8 : memref<40xi32, #tpu.memory_space<vmem>>) semaphore(%arg24 : memref<!tpu.dma_semaphore, #tpu.memory_space<semaphore_mem>>)
      } else {
      }
      %lt3A_392 = arith.constant 248 : i32
      %lt3A_393 = arith.cmpi slt, %add3A_386, %lt3A_392 : i32
      %convert_element_type3A_394 = arith.extui %lt3A_393 : i1 to i32
      %cond3A_395 = arith.constant 0 : i32
      %cond3A_396 = arith.cmpi ne, %convert_element_type3A_394, %cond3A_395 : i32
      scf.if %cond3A_396 {
        %add3A_480 = arith.constant 2 : i32
        %add3A_481 = arith.addi %add3A_386, %add3A_480 : i32
        %mul3A_482 = arith.constant 10000 : i32
        %mul3A_483 = arith.muli %add3A, %mul3A_482 : i32
        %mul3A_484 = arith.constant 40 : i32
        %mul3A_485 = arith.muli %add3A_481, %mul3A_484 : i32
        %add3A_486 = arith.addi %mul3A_483, %mul3A_485 : i32
        %dma_start3A_487 = tpu.memref_slice %arg3[%add3A_486] : memref<640000xi32, #tpu.memory_space<hbm>> -> memref<40xi32, #tpu.memory_space<hbm>>
        %dma_start3A_488 = tpu.memref_slice %arg3[%add3A_486] : memref<640000xi32, #tpu.memory_space<hbm>> -> memref<40xi32, #tpu.memory_space<hbm>>
        tpu.enqueue_dma source(%dma_start3A_488 : memref<40xi32, #tpu.memory_space<hbm>>) target(%arg9 : memref<40xi32, #tpu.memory_space<vmem>>) target_semaphore(%arg19 : memref<!tpu.dma_semaphore, #tpu.memory_space<semaphore_mem>>)
      } else {
      }
      %mul3A_397 = arith.constant 10000 : i32
      %mul3A_398 = arith.muli %add3A, %mul3A_397 : i32
      %mul3A_399 = arith.constant 40 : i32
      %mul3A_400 = arith.muli %add3A_386, %mul3A_399 : i32
      %add3A_401 = arith.addi %mul3A_398, %mul3A_400 : i32
      %dma_wait3A_402 = arith.constant 0 : i32
      %dma_wait3A_403 = tpu.memref_slice %arg4[%add3A_401, %dma_wait3A_402] : memref<320000x128xf32, #tpu.memory_space<hbm>> -> memref<40x128xf32, #tpu.memory_space<hbm>>
      %dma_wait3A_404 = arith.constant 0 : i32
      %dma_wait3A_405 = tpu.memref_slice %arg4[%add3A_401, %dma_wait3A_404] : memref<320000x128xf32, #tpu.memory_space<hbm>> -> memref<40x128xf32, #tpu.memory_space<hbm>>
      tpu.wait_dma2 semaphore(%arg23 : memref<!tpu.dma_semaphore, #tpu.memory_space<semaphore_mem>>) src(%dma_wait3A_405 : memref<40x128xf32, #tpu.memory_space<hbm>>) dst(%arg13 : memref<40x128xf32, #tpu.memory_space<vmem>>)
      %dma_wait3A_406 = arith.constant 0 : i32
      %dma_wait3A_407 = arith.constant 0 : i32
      %dma_wait3A_408 = tpu.memref_slice %arg2[%dma_wait3A_406, %dma_wait3A_407] : memref<10000x128xf32, #tpu.memory_space<hbm>> -> memref<10000x128xf32, #tpu.memory_space<hbm>>
      tpu.wait_indirect_dma semaphore(%arg26 : memref<!tpu.dma_semaphore, #tpu.memory_space<semaphore_mem>>) src(%dma_wait3A_408 : memref<10000x128xf32, #tpu.memory_space<hbm>>) dst(%arg16 : memref<40x128xf32, #tpu.memory_space<vmem>>)
      %scan3A_409 = arith.constant 0 : i32
      %scan3A_410 = arith.constant 0 : i32
      %scan3A_411 = arith.constant 10 : i32
      %scan3A_412 = arith.addi %scan3A_410, %scan3A_411 : i32
      %scan3A_413 = arith.constant 1 : i32
      %scan3A_414 = scf.for %scan3A_480 = %scan3A_410 to %scan3A_412 step %scan3A_413 iter_args(%scan3A_481 = %scan3A_409) -> (i32)  : i32 {
        %mul3A_482 = arith.constant 4 : i32
        %mul3A_483 = arith.muli %scan3A_480, %mul3A_482 : i32
        %add3A_484 = arith.constant 0 : i32
        %add3A_485 = arith.addi %mul3A_483, %add3A_484 : i32
        %get3A = arith.index_cast %add3A_485 : i32 to index
        %get3A_486 = arith.constant 0 : index
        %get3A_487 = tpu.vector_load %arg16[%get3A, %get3A_486] {strides = array<i32>} : memref<40x128xf32, #tpu.memory_space<vmem>>, vector<1x16xf32>,
        %get3A_488 = vector.shape_cast %get3A_487 : vector<1x16xf32> to vector<16xf32>
        %add3A_489 = arith.constant 0 : i32
        %add3A_490 = arith.addi %mul3A_483, %add3A_489 : i32
        %get3A_491 = arith.index_cast %add3A_490 : i32 to index
        %get3A_492 = arith.constant 0 : index
        %get3A_493 = tpu.vector_load %arg13[%get3A_491, %get3A_492] {strides = array<i32>} : memref<40x128xf32, #tpu.memory_space<vmem>>, vector<1x16xf32>,
        %get3A_494 = vector.shape_cast %get3A_493 : vector<1x16xf32> to vector<16xf32>
        %add3A_495 = arith.addf %get3A_488, %get3A_494 : vector<16xf32>
        %max3A = arith.constant 0.000000e+00 : f32
        %max3A_496 = vector.broadcast %max3A : f32 to vector<16xf32>
        %max3A_497 = arith.maximumf %add3A_495, %max3A_496 : vector<16xf32>
        %add3A_498 = arith.constant 0 : i32
        %add3A_499 = arith.addi %mul3A_483, %add3A_498 : i32
        %swap3A = arith.index_cast %add3A_499 : i32 to index
        %swap3A_500 = arith.constant 0 : index
        %swap3A_501 = tpu.vector_load %arg13[%swap3A, %swap3A_500] {strides = array<i32>} : memref<40x128xf32, #tpu.memory_space<vmem>>, vector<1x16xf32>,
        %swap3A_502 = vector.shape_cast %swap3A_501 : vector<1x16xf32> to vector<16xf32>
        %swap3A_503 = vector.shape_cast %max3A_497 : vector<16xf32> to vector<1x16xf32>
        tpu.vector_store %arg13[%swap3A, %swap3A_500], %swap3A_503 {strides = array<i32>} : memref<40x128xf32, #tpu.memory_space<vmem>>, vector<1x16xf32>,
        %add3A_504 = arith.constant 0 : i32
        %add3A_505 = arith.addi %mul3A_483, %add3A_504 : i32
        %get3A_506 = arith.index_cast %add3A_505 : i32 to index
        %get3A_507 = arith.constant 16 : index
        %get3A_508 = tpu.vector_load %arg16[%get3A_506, %get3A_507] {strides = array<i32>} : memref<40x128xf32, #tpu.memory_space<vmem>>, vector<1x16xf32>,
        %get3A_509 = vector.shape_cast %get3A_508 : vector<1x16xf32> to vector<16xf32>
        %add3A_510 = arith.constant 0 : i32
        %add3A_511 = arith.addi %mul3A_483, %add3A_510 : i32
        %get3A_512 = arith.index_cast %add3A_511 : i32 to index
        %get3A_513 = arith.constant 16 : index
        %get3A_514 = tpu.vector_load %arg13[%get3A_512, %get3A_513] {strides = array<i32>} : memref<40x128xf32, #tpu.memory_space<vmem>>, vector<1x16xf32>,
        %get3A_515 = vector.shape_cast %get3A_514 : vector<1x16xf32> to vector<16xf32>
        %add3A_516 = arith.addf %get3A_509, %get3A_515 : vector<16xf32>
        %max3A_517 = arith.constant 0.000000e+00 : f32
        %max3A_518 = vector.broadcast %max3A_517 : f32 to vector<16xf32>
        %max3A_519 = arith.maximumf %add3A_516, %max3A_518 : vector<16xf32>
        %add3A_520 = arith.constant 0 : i32
        %add3A_521 = arith.addi %mul3A_483, %add3A_520 : i32
        %swap3A_522 = arith.index_cast %add3A_521 : i32 to index
        %swap3A_523 = arith.constant 16 : index
        %swap3A_524 = tpu.vector_load %arg13[%swap3A_522, %swap3A_523] {strides = array<i32>} : memref<40x128xf32, #tpu.memory_space<vmem>>, vector<1x16xf32>,
        %swap3A_525 = vector.shape_cast %swap3A_524 : vector<1x16xf32> to vector<16xf32>
        %swap3A_526 = vector.shape_cast %max3A_519 : vector<16xf32> to vector<1x16xf32>
        tpu.vector_store %arg13[%swap3A_522, %swap3A_523], %swap3A_526 {strides = array<i32>} : memref<40x128xf32, #tpu.memory_space<vmem>>, vector<1x16xf32>,
        %add3A_527 = arith.constant 0 : i32
        %add3A_528 = arith.addi %mul3A_483, %add3A_527 : i32
        %get3A_529 = arith.index_cast %add3A_528 : i32 to index
        %get3A_530 = arith.constant 32 : index
        %get3A_531 = tpu.vector_load %arg16[%get3A_529, %get3A_530] {strides = array<i32>} : memref<40x128xf32, #tpu.memory_space<vmem>>, vector<1x16xf32>,
        %get3A_532 = vector.shape_cast %get3A_531 : vector<1x16xf32> to vector<16xf32>
        %add3A_533 = arith.constant 0 : i32
        %add3A_534 = arith.addi %mul3A_483, %add3A_533 : i32
        %get3A_535 = arith.index_cast %add3A_534 : i32 to index
        %get3A_536 = arith.constant 32 : index
        %get3A_537 = tpu.vector_load %arg13[%get3A_535, %get3A_536] {strides = array<i32>} : memref<40x128xf32, #tpu.memory_space<vmem>>, vector<1x16xf32>,
        %get3A_538 = vector.shape_cast %get3A_537 : vector<1x16xf32> to vector<16xf32>
        %add3A_539 = arith.addf %get3A_532, %get3A_538 : vector<16xf32>
        %max3A_540 = arith.constant 0.000000e+00 : f32
        %max3A_541 = vector.broadcast %max3A_540 : f32 to vector<16xf32>
        %max3A_542 = arith.maximumf %add3A_539, %max3A_541 : vector<16xf32>
        %add3A_543 = arith.constant 0 : i32
        %add3A_544 = arith.addi %mul3A_483, %add3A_543 : i32
        %swap3A_545 = arith.index_cast %add3A_544 : i32 to index
        %swap3A_546 = arith.constant 32 : index
        %swap3A_547 = tpu.vector_load %arg13[%swap3A_545, %swap3A_546] {strides = array<i32>} : memref<40x128xf32, #tpu.memory_space<vmem>>, vector<1x16xf32>,
        %swap3A_548 = vector.shape_cast %swap3A_547 : vector<1x16xf32> to vector<16xf32>
        %swap3A_549 = vector.shape_cast %max3A_542 : vector<16xf32> to vector<1x16xf32>
        tpu.vector_store %arg13[%swap3A_545, %swap3A_546], %swap3A_549 {strides = array<i32>} : memref<40x128xf32, #tpu.memory_space<vmem>>, vector<1x16xf32>,
        %add3A_550 = arith.constant 0 : i32
        %add3A_551 = arith.addi %mul3A_483, %add3A_550 : i32
        %get3A_552 = arith.index_cast %add3A_551 : i32 to index
        %get3A_553 = arith.constant 48 : index
        %get3A_554 = tpu.vector_load %arg16[%get3A_552, %get3A_553] {strides = array<i32>} : memref<40x128xf32, #tpu.memory_space<vmem>>, vector<1x16xf32>,
        %get3A_555 = vector.shape_cast %get3A_554 : vector<1x16xf32> to vector<16xf32>
        %add3A_556 = arith.constant 0 : i32
        %add3A_557 = arith.addi %mul3A_483, %add3A_556 : i32
        %get3A_558 = arith.index_cast %add3A_557 : i32 to index
        %get3A_559 = arith.constant 48 : index
        %get3A_560 = tpu.vector_load %arg13[%get3A_558, %get3A_559] {strides = array<i32>} : memref<40x128xf32, #tpu.memory_space<vmem>>, vector<1x16xf32>,
        %get3A_561 = vector.shape_cast %get3A_560 : vector<1x16xf32> to vector<16xf32>
        %add3A_562 = arith.addf %get3A_555, %get3A_561 : vector<16xf32>
        %max3A_563 = arith.constant 0.000000e+00 : f32
        %max3A_564 = vector.broadcast %max3A_563 : f32 to vector<16xf32>
        %max3A_565 = arith.maximumf %add3A_562, %max3A_564 : vector<16xf32>
        %add3A_566 = arith.constant 0 : i32
        %add3A_567 = arith.addi %mul3A_483, %add3A_566 : i32
        %swap3A_568 = arith.index_cast %add3A_567 : i32 to index
        %swap3A_569 = arith.constant 48 : index
        %swap3A_570 = tpu.vector_load %arg13[%swap3A_568, %swap3A_569] {strides = array<i32>} : memref<40x128xf32, #tpu.memory_space<vmem>>, vector<1x16xf32>,
        %swap3A_571 = vector.shape_cast %swap3A_570 : vector<1x16xf32> to vector<16xf32>
        %swap3A_572 = vector.shape_cast %max3A_565 : vector<16xf32> to vector<1x16xf32>
        tpu.vector_store %arg13[%swap3A_568, %swap3A_569], %swap3A_572 {strides = array<i32>} : memref<40x128xf32, #tpu.memory_space<vmem>>, vector<1x16xf32>,
        %add3A_573 = arith.constant 0 : i32
        %add3A_574 = arith.addi %mul3A_483, %add3A_573 : i32
        %get3A_575 = arith.index_cast %add3A_574 : i32 to index
        %get3A_576 = arith.constant 64 : index
        %get3A_577 = tpu.vector_load %arg16[%get3A_575, %get3A_576] {strides = array<i32>} : memref<40x128xf32, #tpu.memory_space<vmem>>, vector<1x16xf32>,
        %get3A_578 = vector.shape_cast %get3A_577 : vector<1x16xf32> to vector<16xf32>
        %add3A_579 = arith.constant 0 : i32
        %add3A_580 = arith.addi %mul3A_483, %add3A_579 : i32
        %get3A_581 = arith.index_cast %add3A_580 : i32 to index
        %get3A_582 = arith.constant 64 : index
        %get3A_583 = tpu.vector_load %arg13[%get3A_581, %get3A_582] {strides = array<i32>} : memref<40x128xf32, #tpu.memory_space<vmem>>, vector<1x16xf32>,
        %get3A_584 = vector.shape_cast %get3A_583 : vector<1x16xf32> to vector<16xf32>
        %add3A_585 = arith.addf %get3A_578, %get3A_584 : vector<16xf32>
        %max3A_586 = arith.constant 0.000000e+00 : f32
        %max3A_587 = vector.broadcast %max3A_586 : f32 to vector<16xf32>
        %max3A_588 = arith.maximumf %add3A_585, %max3A_587 : vector<16xf32>
        %add3A_589 = arith.constant 0 : i32
        %add3A_590 = arith.addi %mul3A_483, %add3A_589 : i32
        %swap3A_591 = arith.index_cast %add3A_590 : i32 to index
        %swap3A_592 = arith.constant 64 : index
        %swap3A_593 = tpu.vector_load %arg13[%swap3A_591, %swap3A_592] {strides = array<i32>} : memref<40x128xf32, #tpu.memory_space<vmem>>, vector<1x16xf32>,
        %swap3A_594 = vector.shape_cast %swap3A_593 : vector<1x16xf32> to vector<16xf32>
        %swap3A_595 = vector.shape_cast %max3A_588 : vector<16xf32> to vector<1x16xf32>
        tpu.vector_store %arg13[%swap3A_591, %swap3A_592], %swap3A_595 {strides = array<i32>} : memref<40x128xf32, #tpu.memory_space<vmem>>, vector<1x16xf32>,
        %add3A_596 = arith.constant 0 : i32
        %add3A_597 = arith.addi %mul3A_483, %add3A_596 : i32
        %get3A_598 = arith.index_cast %add3A_597 : i32 to index
        %get3A_599 = arith.constant 80 : index
        %get3A_600 = tpu.vector_load %arg16[%get3A_598, %get3A_599] {strides = array<i32>} : memref<40x128xf32, #tpu.memory_space<vmem>>, vector<1x16xf32>,
        %get3A_601 = vector.shape_cast %get3A_600 : vector<1x16xf32> to vector<16xf32>
        %add3A_602 = arith.constant 0 : i32
        %add3A_603 = arith.addi %mul3A_483, %add3A_602 : i32
        %get3A_604 = arith.index_cast %add3A_603 : i32 to index
        %get3A_605 = arith.constant 80 : index
        %get3A_606 = tpu.vector_load %arg13[%get3A_604, %get3A_605] {strides = array<i32>} : memref<40x128xf32, #tpu.memory_space<vmem>>, vector<1x16xf32>,
        %get3A_607 = vector.shape_cast %get3A_606 : vector<1x16xf32> to vector<16xf32>
        %add3A_608 = arith.addf %get3A_601, %get3A_607 : vector<16xf32>
        %max3A_609 = arith.constant 0.000000e+00 : f32
        %max3A_610 = vector.broadcast %max3A_609 : f32 to vector<16xf32>
        %max3A_611 = arith.maximumf %add3A_608, %max3A_610 : vector<16xf32>
        %add3A_612 = arith.constant 0 : i32
        %add3A_613 = arith.addi %mul3A_483, %add3A_612 : i32
        %swap3A_614 = arith.index_cast %add3A_613 : i32 to index
        %swap3A_615 = arith.constant 80 : index
        %swap3A_616 = tpu.vector_load %arg13[%swap3A_614, %swap3A_615] {strides = array<i32>} : memref<40x128xf32, #tpu.memory_space<vmem>>, vector<1x16xf32>,
        %swap3A_617 = vector.shape_cast %swap3A_616 : vector<1x16xf32> to vector<16xf32>
        %swap3A_618 = vector.shape_cast %max3A_611 : vector<16xf32> to vector<1x16xf32>
        tpu.vector_store %arg13[%swap3A_614, %swap3A_615], %swap3A_618 {strides = array<i32>} : memref<40x128xf32, #tpu.memory_space<vmem>>, vector<1x16xf32>,
        %add3A_619 = arith.constant 0 : i32
        %add3A_620 = arith.addi %mul3A_483, %add3A_619 : i32
        %get3A_621 = arith.index_cast %add3A_620 : i32 to index
        %get3A_622 = arith.constant 96 : index
        %get3A_623 = tpu.vector_load %arg16[%get3A_621, %get3A_622] {strides = array<i32>} : memref<40x128xf32, #tpu.memory_space<vmem>>, vector<1x16xf32>,
        %get3A_624 = vector.shape_cast %get3A_623 : vector<1x16xf32> to vector<16xf32>
        %add3A_625 = arith.constant 0 : i32
        %add3A_626 = arith.addi %mul3A_483, %add3A_625 : i32
        %get3A_627 = arith.index_cast %add3A_626 : i32 to index
        %get3A_628 = arith.constant 96 : index
        %get3A_629 = tpu.vector_load %arg13[%get3A_627, %get3A_628] {strides = array<i32>} : memref<40x128xf32, #tpu.memory_space<vmem>>, vector<1x16xf32>,
        %get3A_630 = vector.shape_cast %get3A_629 : vector<1x16xf32> to vector<16xf32>
        %add3A_631 = arith.addf %get3A_624, %get3A_630 : vector<16xf32>
        %max3A_632 = arith.constant 0.000000e+00 : f32
        %max3A_633 = vector.broadcast %max3A_632 : f32 to vector<16xf32>
        %max3A_634 = arith.maximumf %add3A_631, %max3A_633 : vector<16xf32>
        %add3A_635 = arith.constant 0 : i32
        %add3A_636 = arith.addi %mul3A_483, %add3A_635 : i32
        %swap3A_637 = arith.index_cast %add3A_636 : i32 to index
        %swap3A_638 = arith.constant 96 : index
        %swap3A_639 = tpu.vector_load %arg13[%swap3A_637, %swap3A_638] {strides = array<i32>} : memref<40x128xf32, #tpu.memory_space<vmem>>, vector<1x16xf32>,
        %swap3A_640 = vector.shape_cast %swap3A_639 : vector<1x16xf32> to vector<16xf32>
        %swap3A_641 = vector.shape_cast %max3A_634 : vector<16xf32> to vector<1x16xf32>
        tpu.vector_store %arg13[%swap3A_637, %swap3A_638], %swap3A_641 {strides = array<i32>} : memref<40x128xf32, #tpu.memory_space<vmem>>, vector<1x16xf32>,
        %add3A_642 = arith.constant 0 : i32
        %add3A_643 = arith.addi %mul3A_483, %add3A_642 : i32
        %get3A_644 = arith.index_cast %add3A_643 : i32 to index
        %get3A_645 = arith.constant 112 : index
        %get3A_646 = tpu.vector_load %arg16[%get3A_644, %get3A_645] {strides = array<i32>} : memref<40x128xf32, #tpu.memory_space<vmem>>, vector<1x16xf32>,
        %get3A_647 = vector.shape_cast %get3A_646 : vector<1x16xf32> to vector<16xf32>
        %add3A_648 = arith.constant 0 : i32
        %add3A_649 = arith.addi %mul3A_483, %add3A_648 : i32
        %get3A_650 = arith.index_cast %add3A_649 : i32 to index
        %get3A_651 = arith.constant 112 : index
        %get3A_652 = tpu.vector_load %arg13[%get3A_650, %get3A_651] {strides = array<i32>} : memref<40x128xf32, #tpu.memory_space<vmem>>, vector<1x16xf32>,
        %get3A_653 = vector.shape_cast %get3A_652 : vector<1x16xf32> to vector<16xf32>
        %add3A_654 = arith.addf %get3A_647, %get3A_653 : vector<16xf32>
        %max3A_655 = arith.constant 0.000000e+00 : f32
        %max3A_656 = vector.broadcast %max3A_655 : f32 to vector<16xf32>
        %max3A_657 = arith.maximumf %add3A_654, %max3A_656 : vector<16xf32>
        %add3A_658 = arith.constant 0 : i32
        %add3A_659 = arith.addi %mul3A_483, %add3A_658 : i32
        %swap3A_660 = arith.index_cast %add3A_659 : i32 to index
        %swap3A_661 = arith.constant 112 : index
        %swap3A_662 = tpu.vector_load %arg13[%swap3A_660, %swap3A_661] {strides = array<i32>} : memref<40x128xf32, #tpu.memory_space<vmem>>, vector<1x16xf32>,
        %swap3A_663 = vector.shape_cast %swap3A_662 : vector<1x16xf32> to vector<16xf32>
        %swap3A_664 = vector.shape_cast %max3A_657 : vector<16xf32> to vector<1x16xf32>
        tpu.vector_store %arg13[%swap3A_660, %swap3A_661], %swap3A_664 {strides = array<i32>} : memref<40x128xf32, #tpu.memory_space<vmem>>, vector<1x16xf32>,
        %add3A_665 = arith.constant 1 : i32
        %add3A_666 = arith.addi %mul3A_483, %add3A_665 : i32
        %get3A_667 = arith.index_cast %add3A_666 : i32 to index
        %get3A_668 = arith.constant 0 : index
        %get3A_669 = tpu.vector_load %arg16[%get3A_667, %get3A_668] {strides = array<i32>} : memref<40x128xf32, #tpu.memory_space<vmem>>, vector<1x16xf32>,
        %get3A_670 = vector.shape_cast %get3A_669 : vector<1x16xf32> to vector<16xf32>
        %add3A_671 = arith.constant 1 : i32
        %add3A_672 = arith.addi %mul3A_483, %add3A_671 : i32
        %get3A_673 = arith.index_cast %add3A_672 : i32 to index
        %get3A_674 = arith.constant 0 : index
        %get3A_675 = tpu.vector_load %arg13[%get3A_673, %get3A_674] {strides = array<i32>} : memref<40x128xf32, #tpu.memory_space<vmem>>, vector<1x16xf32>,
        %get3A_676 = vector.shape_cast %get3A_675 : vector<1x16xf32> to vector<16xf32>
        %add3A_677 = arith.addf %get3A_670, %get3A_676 : vector<16xf32>
        %max3A_678 = arith.constant 0.000000e+00 : f32
        %max3A_679 = vector.broadcast %max3A_678 : f32 to vector<16xf32>
        %max3A_680 = arith.maximumf %add3A_677, %max3A_679 : vector<16xf32>
        %add3A_681 = arith.constant 1 : i32
        %add3A_682 = arith.addi %mul3A_483, %add3A_681 : i32
        %swap3A_683 = arith.index_cast %add3A_682 : i32 to index
        %swap3A_684 = arith.constant 0 : index
        %swap3A_685 = tpu.vector_load %arg13[%swap3A_683, %swap3A_684] {strides = array<i32>} : memref<40x128xf32, #tpu.memory_space<vmem>>, vector<1x16xf32>,
        %swap3A_686 = vector.shape_cast %swap3A_685 : vector<1x16xf32> to vector<16xf32>
        %swap3A_687 = vector.shape_cast %max3A_680 : vector<16xf32> to vector<1x16xf32>
        tpu.vector_store %arg13[%swap3A_683, %swap3A_684], %swap3A_687 {strides = array<i32>} : memref<40x128xf32, #tpu.memory_space<vmem>>, vector<1x16xf32>,
        %add3A_688 = arith.constant 1 : i32
        %add3A_689 = arith.addi %mul3A_483, %add3A_688 : i32
        %get3A_690 = arith.index_cast %add3A_689 : i32 to index
        %get3A_691 = arith.constant 16 : index
        %get3A_692 = tpu.vector_load %arg16[%get3A_690, %get3A_691] {strides = array<i32>} : memref<40x128xf32, #tpu.memory_space<vmem>>, vector<1x16xf32>,
        %get3A_693 = vector.shape_cast %get3A_692 : vector<1x16xf32> to vector<16xf32>
        %add3A_694 = arith.constant 1 : i32
        %add3A_695 = arith.addi %mul3A_483, %add3A_694 : i32
        %get3A_696 = arith.index_cast %add3A_695 : i32 to index
        %get3A_697 = arith.constant 16 : index
        %get3A_698 = tpu.vector_load %arg13[%get3A_696, %get3A_697] {strides = array<i32>} : memref<40x128xf32, #tpu.memory_space<vmem>>, vector<1x16xf32>,
        %get3A_699 = vector.shape_cast %get3A_698 : vector<1x16xf32> to vector<16xf32>
        %add3A_700 = arith.addf %get3A_693, %get3A_699 : vector<16xf32>
        %max3A_701 = arith.constant 0.000000e+00 : f32
        %max3A_702 = vector.broadcast %max3A_701 : f32 to vector<16xf32>
        %max3A_703 = arith.maximumf %add3A_700, %max3A_702 : vector<16xf32>
        %add3A_704 = arith.constant 1 : i32
        %add3A_705 = arith.addi %mul3A_483, %add3A_704 : i32
        %swap3A_706 = arith.index_cast %add3A_705 : i32 to index
        %swap3A_707 = arith.constant 16 : index
        %swap3A_708 = tpu.vector_load %arg13[%swap3A_706, %swap3A_707] {strides = array<i32>} : memref<40x128xf32, #tpu.memory_space<vmem>>, vector<1x16xf32>,
        %swap3A_709 = vector.shape_cast %swap3A_708 : vector<1x16xf32> to vector<16xf32>
        %swap3A_710 = vector.shape_cast %max3A_703 : vector<16xf32> to vector<1x16xf32>
        tpu.vector_store %arg13[%swap3A_706, %swap3A_707], %swap3A_710 {strides = array<i32>} : memref<40x128xf32, #tpu.memory_space<vmem>>, vector<1x16xf32>,
        %add3A_711 = arith.constant 1 : i32
        %add3A_712 = arith.addi %mul3A_483, %add3A_711 : i32
        %get3A_713 = arith.index_cast %add3A_712 : i32 to index
        %get3A_714 = arith.constant 32 : index
        %get3A_715 = tpu.vector_load %arg16[%get3A_713, %get3A_714] {strides = array<i32>} : memref<40x128xf32, #tpu.memory_space<vmem>>, vector<1x16xf32>,
        %get3A_716 = vector.shape_cast %get3A_715 : vector<1x16xf32> to vector<16xf32>
        %add3A_717 = arith.constant 1 : i32
        %add3A_718 = arith.addi %mul3A_483, %add3A_717 : i32
        %get3A_719 = arith.index_cast %add3A_718 : i32 to index
        %get3A_720 = arith.constant 32 : index
        %get3A_721 = tpu.vector_load %arg13[%get3A_719, %get3A_720] {strides = array<i32>} : memref<40x128xf32, #tpu.memory_space<vmem>>, vector<1x16xf32>,
        %get3A_722 = vector.shape_cast %get3A_721 : vector<1x16xf32> to vector<16xf32>
        %add3A_723 = arith.addf %get3A_716, %get3A_722 : vector<16xf32>
        %max3A_724 = arith.constant 0.000000e+00 : f32
        %max3A_725 = vector.broadcast %max3A_724 : f32 to vector<16xf32>
        %max3A_726 = arith.maximumf %add3A_723, %max3A_725 : vector<16xf32>
        %add3A_727 = arith.constant 1 : i32
        %add3A_728 = arith.addi %mul3A_483, %add3A_727 : i32
        %swap3A_729 = arith.index_cast %add3A_728 : i32 to index
        %swap3A_730 = arith.constant 32 : index
        %swap3A_731 = tpu.vector_load %arg13[%swap3A_729, %swap3A_730] {strides = array<i32>} : memref<40x128xf32, #tpu.memory_space<vmem>>, vector<1x16xf32>,
        %swap3A_732 = vector.shape_cast %swap3A_731 : vector<1x16xf32> to vector<16xf32>
        %swap3A_733 = vector.shape_cast %max3A_726 : vector<16xf32> to vector<1x16xf32>
        tpu.vector_store %arg13[%swap3A_729, %swap3A_730], %swap3A_733 {strides = array<i32>} : memref<40x128xf32, #tpu.memory_space<vmem>>, vector<1x16xf32>,
        %add3A_734 = arith.constant 1 : i32
        %add3A_735 = arith.addi %mul3A_483, %add3A_734 : i32
        %get3A_736 = arith.index_cast %add3A_735 : i32 to index
        %get3A_737 = arith.constant 48 : index
        %get3A_738 = tpu.vector_load %arg16[%get3A_736, %get3A_737] {strides = array<i32>} : memref<40x128xf32, #tpu.memory_space<vmem>>, vector<1x16xf32>,
        %get3A_739 = vector.shape_cast %get3A_738 : vector<1x16xf32> to vector<16xf32>
        %add3A_740 = arith.constant 1 : i32
        %add3A_741 = arith.addi %mul3A_483, %add3A_740 : i32
        %get3A_742 = arith.index_cast %add3A_741 : i32 to index
        %get3A_743 = arith.constant 48 : index
        %get3A_744 = tpu.vector_load %arg13[%get3A_742, %get3A_743] {strides = array<i32>} : memref<40x128xf32, #tpu.memory_space<vmem>>, vector<1x16xf32>,
        %get3A_745 = vector.shape_cast %get3A_744 : vector<1x16xf32> to vector<16xf32>
        %add3A_746 = arith.addf %get3A_739, %get3A_745 : vector<16xf32>
        %max3A_747 = arith.constant 0.000000e+00 : f32
        %max3A_748 = vector.broadcast %max3A_747 : f32 to vector<16xf32>
        %max3A_749 = arith.maximumf %add3A_746, %max3A_748 : vector<16xf32>
        %add3A_750 = arith.constant 1 : i32
        %add3A_751 = arith.addi %mul3A_483, %add3A_750 : i32
        %swap3A_752 = arith.index_cast %add3A_751 : i32 to index
        %swap3A_753 = arith.constant 48 : index
        %swap3A_754 = tpu.vector_load %arg13[%swap3A_752, %swap3A_753] {strides = array<i32>} : memref<40x128xf32, #tpu.memory_space<vmem>>, vector<1x16xf32>,
        %swap3A_755 = vector.shape_cast %swap3A_754 : vector<1x16xf32> to vector<16xf32>
        %swap3A_756 = vector.shape_cast %max3A_749 : vector<16xf32> to vector<1x16xf32>
        tpu.vector_store %arg13[%swap3A_752, %swap3A_753], %swap3A_756 {strides = array<i32>} : memref<40x128xf32, #tpu.memory_space<vmem>>, vector<1x16xf32>,
        %add3A_757 = arith.constant 1 : i32
        %add3A_758 = arith.addi %mul3A_483, %add3A_757 : i32
        %get3A_759 = arith.index_cast %add3A_758 : i32 to index
        %get3A_760 = arith.constant 64 : index
        %get3A_761 = tpu.vector_load %arg16[%get3A_759, %get3A_760] {strides = array<i32>} : memref<40x128xf32, #tpu.memory_space<vmem>>, vector<1x16xf32>,
        %get3A_762 = vector.shape_cast %get3A_761 : vector<1x16xf32> to vector<16xf32>
        %add3A_763 = arith.constant 1 : i32
        %add3A_764 = arith.addi %mul3A_483, %add3A_763 : i32
        %get3A_765 = arith.index_cast %add3A_764 : i32 to index
        %get3A_766 = arith.constant 64 : index
        %get3A_767 = tpu.vector_load %arg13[%get3A_765, %get3A_766] {strides = array<i32>} : memref<40x128xf32, #tpu.memory_space<vmem>>, vector<1x16xf32>,
        %get3A_768 = vector.shape_cast %get3A_767 : vector<1x16xf32> to vector<16xf32>
        %add3A_769 = arith.addf %get3A_762, %get3A_768 : vector<16xf32>
        %max3A_770 = arith.constant 0.000000e+00 : f32
        %max3A_771 = vector.broadcast %max3A_770 : f32 to vector<16xf32>
        %max3A_772 = arith.maximumf %add3A_769, %max3A_771 : vector<16xf32>
        %add3A_773 = arith.constant 1 : i32
        %add3A_774 = arith.addi %mul3A_483, %add3A_773 : i32
        %swap3A_775 = arith.index_cast %add3A_774 : i32 to index
        %swap3A_776 = arith.constant 64 : index
        %swap3A_777 = tpu.vector_load %arg13[%swap3A_775, %swap3A_776] {strides = array<i32>} : memref<40x128xf32, #tpu.memory_space<vmem>>, vector<1x16xf32>,
        %swap3A_778 = vector.shape_cast %swap3A_777 : vector<1x16xf32> to vector<16xf32>
        %swap3A_779 = vector.shape_cast %max3A_772 : vector<16xf32> to vector<1x16xf32>
        tpu.vector_store %arg13[%swap3A_775, %swap3A_776], %swap3A_779 {strides = array<i32>} : memref<40x128xf32, #tpu.memory_space<vmem>>, vector<1x16xf32>,
        %add3A_780 = arith.constant 1 : i32
        %add3A_781 = arith.addi %mul3A_483, %add3A_780 : i32
        %get3A_782 = arith.index_cast %add3A_781 : i32 to index
        %get3A_783 = arith.constant 80 : index
        %get3A_784 = tpu.vector_load %arg16[%get3A_782, %get3A_783] {strides = array<i32>} : memref<40x128xf32, #tpu.memory_space<vmem>>, vector<1x16xf32>,
        %get3A_785 = vector.shape_cast %get3A_784 : vector<1x16xf32> to vector<16xf32>
        %add3A_786 = arith.constant 1 : i32
        %add3A_787 = arith.addi %mul3A_483, %add3A_786 : i32
        %get3A_788 = arith.index_cast %add3A_787 : i32 to index
        %get3A_789 = arith.constant 80 : index
        %get3A_790 = tpu.vector_load %arg13[%get3A_788, %get3A_789] {strides = array<i32>} : memref<40x128xf32, #tpu.memory_space<vmem>>, vector<1x16xf32>,
        %get3A_791 = vector.shape_cast %get3A_790 : vector<1x16xf32> to vector<16xf32>
        %add3A_792 = arith.addf %get3A_785, %get3A_791 : vector<16xf32>
        %max3A_793 = arith.constant 0.000000e+00 : f32
        %max3A_794 = vector.broadcast %max3A_793 : f32 to vector<16xf32>
        %max3A_795 = arith.maximumf %add3A_792, %max3A_794 : vector<16xf32>
        %add3A_796 = arith.constant 1 : i32
        %add3A_797 = arith.addi %mul3A_483, %add3A_796 : i32
        %swap3A_798 = arith.index_cast %add3A_797 : i32 to index
        %swap3A_799 = arith.constant 80 : index
        %swap3A_800 = tpu.vector_load %arg13[%swap3A_798, %swap3A_799] {strides = array<i32>} : memref<40x128xf32, #tpu.memory_space<vmem>>, vector<1x16xf32>,
        %swap3A_801 = vector.shape_cast %swap3A_800 : vector<1x16xf32> to vector<16xf32>
        %swap3A_802 = vector.shape_cast %max3A_795 : vector<16xf32> to vector<1x16xf32>
        tpu.vector_store %arg13[%swap3A_798, %swap3A_799], %swap3A_802 {strides = array<i32>} : memref<40x128xf32, #tpu.memory_space<vmem>>, vector<1x16xf32>,
        %add3A_803 = arith.constant 1 : i32
        %add3A_804 = arith.addi %mul3A_483, %add3A_803 : i32
        %get3A_805 = arith.index_cast %add3A_804 : i32 to index
        %get3A_806 = arith.constant 96 : index
        %get3A_807 = tpu.vector_load %arg16[%get3A_805, %get3A_806] {strides = array<i32>} : memref<40x128xf32, #tpu.memory_space<vmem>>, vector<1x16xf32>,
        %get3A_808 = vector.shape_cast %get3A_807 : vector<1x16xf32> to vector<16xf32>
        %add3A_809 = arith.constant 1 : i32
        %add3A_810 = arith.addi %mul3A_483, %add3A_809 : i32
        %get3A_811 = arith.index_cast %add3A_810 : i32 to index
        %get3A_812 = arith.constant 96 : index
        %get3A_813 = tpu.vector_load %arg13[%get3A_811, %get3A_812] {strides = array<i32>} : memref<40x128xf32, #tpu.memory_space<vmem>>, vector<1x16xf32>,
        %get3A_814 = vector.shape_cast %get3A_813 : vector<1x16xf32> to vector<16xf32>
        %add3A_815 = arith.addf %get3A_808, %get3A_814 : vector<16xf32>
        %max3A_816 = arith.constant 0.000000e+00 : f32
        %max3A_817 = vector.broadcast %max3A_816 : f32 to vector<16xf32>
        %max3A_818 = arith.maximumf %add3A_815, %max3A_817 : vector<16xf32>
        %add3A_819 = arith.constant 1 : i32
        %add3A_820 = arith.addi %mul3A_483, %add3A_819 : i32
        %swap3A_821 = arith.index_cast %add3A_820 : i32 to index
        %swap3A_822 = arith.constant 96 : index
        %swap3A_823 = tpu.vector_load %arg13[%swap3A_821, %swap3A_822] {strides = array<i32>} : memref<40x128xf32, #tpu.memory_space<vmem>>, vector<1x16xf32>,
        %swap3A_824 = vector.shape_cast %swap3A_823 : vector<1x16xf32> to vector<16xf32>
        %swap3A_825 = vector.shape_cast %max3A_818 : vector<16xf32> to vector<1x16xf32>
        tpu.vector_store %arg13[%swap3A_821, %swap3A_822], %swap3A_825 {strides = array<i32>} : memref<40x128xf32, #tpu.memory_space<vmem>>, vector<1x16xf32>,
        %add3A_826 = arith.constant 1 : i32
        %add3A_827 = arith.addi %mul3A_483, %add3A_826 : i32
        %get3A_828 = arith.index_cast %add3A_827 : i32 to index
        %get3A_829 = arith.constant 112 : index
        %get3A_830 = tpu.vector_load %arg16[%get3A_828, %get3A_829] {strides = array<i32>} : memref<40x128xf32, #tpu.memory_space<vmem>>, vector<1x16xf32>,
        %get3A_831 = vector.shape_cast %get3A_830 : vector<1x16xf32> to vector<16xf32>
        %add3A_832 = arith.constant 1 : i32
        %add3A_833 = arith.addi %mul3A_483, %add3A_832 : i32
        %get3A_834 = arith.index_cast %add3A_833 : i32 to index
        %get3A_835 = arith.constant 112 : index
        %get3A_836 = tpu.vector_load %arg13[%get3A_834, %get3A_835] {strides = array<i32>} : memref<40x128xf32, #tpu.memory_space<vmem>>, vector<1x16xf32>,
        %get3A_837 = vector.shape_cast %get3A_836 : vector<1x16xf32> to vector<16xf32>
        %add3A_838 = arith.addf %get3A_831, %get3A_837 : vector<16xf32>
        %max3A_839 = arith.constant 0.000000e+00 : f32
        %max3A_840 = vector.broadcast %max3A_839 : f32 to vector<16xf32>
        %max3A_841 = arith.maximumf %add3A_838, %max3A_840 : vector<16xf32>
        %add3A_842 = arith.constant 1 : i32
        %add3A_843 = arith.addi %mul3A_483, %add3A_842 : i32
        %swap3A_844 = arith.index_cast %add3A_843 : i32 to index
        %swap3A_845 = arith.constant 112 : index
        %swap3A_846 = tpu.vector_load %arg13[%swap3A_844, %swap3A_845] {strides = array<i32>} : memref<40x128xf32, #tpu.memory_space<vmem>>, vector<1x16xf32>,
        %swap3A_847 = vector.shape_cast %swap3A_846 : vector<1x16xf32> to vector<16xf32>
        %swap3A_848 = vector.shape_cast %max3A_841 : vector<16xf32> to vector<1x16xf32>
        tpu.vector_store %arg13[%swap3A_844, %swap3A_845], %swap3A_848 {strides = array<i32>} : memref<40x128xf32, #tpu.memory_space<vmem>>, vector<1x16xf32>,
        %add3A_849 = arith.constant 2 : i32
        %add3A_850 = arith.addi %mul3A_483, %add3A_849 : i32
        %get3A_851 = arith.index_cast %add3A_850 : i32 to index
        %get3A_852 = arith.constant 0 : index
        %get3A_853 = tpu.vector_load %arg16[%get3A_851, %get3A_852] {strides = array<i32>} : memref<40x128xf32, #tpu.memory_space<vmem>>, vector<1x16xf32>,
        %get3A_854 = vector.shape_cast %get3A_853 : vector<1x16xf32> to vector<16xf32>
        %add3A_855 = arith.constant 2 : i32
        %add3A_856 = arith.addi %mul3A_483, %add3A_855 : i32
        %get3A_857 = arith.index_cast %add3A_856 : i32 to index
        %get3A_858 = arith.constant 0 : index
        %get3A_859 = tpu.vector_load %arg13[%get3A_857, %get3A_858] {strides = array<i32>} : memref<40x128xf32, #tpu.memory_space<vmem>>, vector<1x16xf32>,
        %get3A_860 = vector.shape_cast %get3A_859 : vector<1x16xf32> to vector<16xf32>
        %add3A_861 = arith.addf %get3A_854, %get3A_860 : vector<16xf32>
        %max3A_862 = arith.constant 0.000000e+00 : f32
        %max3A_863 = vector.broadcast %max3A_862 : f32 to vector<16xf32>
        %max3A_864 = arith.maximumf %add3A_861, %max3A_863 : vector<16xf32>
        %add3A_865 = arith.constant 2 : i32
        %add3A_866 = arith.addi %mul3A_483, %add3A_865 : i32
        %swap3A_867 = arith.index_cast %add3A_866 : i32 to index
        %swap3A_868 = arith.constant 0 : index
        %swap3A_869 = tpu.vector_load %arg13[%swap3A_867, %swap3A_868] {strides = array<i32>} : memref<40x128xf32, #tpu.memory_space<vmem>>, vector<1x16xf32>,
        %swap3A_870 = vector.shape_cast %swap3A_869 : vector<1x16xf32> to vector<16xf32>
        %swap3A_871 = vector.shape_cast %max3A_864 : vector<16xf32> to vector<1x16xf32>
        tpu.vector_store %arg13[%swap3A_867, %swap3A_868], %swap3A_871 {strides = array<i32>} : memref<40x128xf32, #tpu.memory_space<vmem>>, vector<1x16xf32>,
        %add3A_872 = arith.constant 2 : i32
        %add3A_873 = arith.addi %mul3A_483, %add3A_872 : i32
        %get3A_874 = arith.index_cast %add3A_873 : i32 to index
        %get3A_875 = arith.constant 16 : index
        %get3A_876 = tpu.vector_load %arg16[%get3A_874, %get3A_875] {strides = array<i32>} : memref<40x128xf32, #tpu.memory_space<vmem>>, vector<1x16xf32>,
        %get3A_877 = vector.shape_cast %get3A_876 : vector<1x16xf32> to vector<16xf32>
        %add3A_878 = arith.constant 2 : i32
        %add3A_879 = arith.addi %mul3A_483, %add3A_878 : i32
        %get3A_880 = arith.index_cast %add3A_879 : i32 to index
        %get3A_881 = arith.constant 16 : index
        %get3A_882 = tpu.vector_load %arg13[%get3A_880, %get3A_881] {strides = array<i32>} : memref<40x128xf32, #tpu.memory_space<vmem>>, vector<1x16xf32>,
        %get3A_883 = vector.shape_cast %get3A_882 : vector<1x16xf32> to vector<16xf32>
        %add3A_884 = arith.addf %get3A_877, %get3A_883 : vector<16xf32>
        %max3A_885 = arith.constant 0.000000e+00 : f32
        %max3A_886 = vector.broadcast %max3A_885 : f32 to vector<16xf32>
        %max3A_887 = arith.maximumf %add3A_884, %max3A_886 : vector<16xf32>
        %add3A_888 = arith.constant 2 : i32
        %add3A_889 = arith.addi %mul3A_483, %add3A_888 : i32
        %swap3A_890 = arith.index_cast %add3A_889 : i32 to index
        %swap3A_891 = arith.constant 16 : index
        %swap3A_892 = tpu.vector_load %arg13[%swap3A_890, %swap3A_891] {strides = array<i32>} : memref<40x128xf32, #tpu.memory_space<vmem>>, vector<1x16xf32>,
        %swap3A_893 = vector.shape_cast %swap3A_892 : vector<1x16xf32> to vector<16xf32>
        %swap3A_894 = vector.shape_cast %max3A_887 : vector<16xf32> to vector<1x16xf32>
        tpu.vector_store %arg13[%swap3A_890, %swap3A_891], %swap3A_894 {strides = array<i32>} : memref<40x128xf32, #tpu.memory_space<vmem>>, vector<1x16xf32>,
        %add3A_895 = arith.constant 2 : i32
        %add3A_896 = arith.addi %mul3A_483, %add3A_895 : i32
        %get3A_897 = arith.index_cast %add3A_896 : i32 to index
        %get3A_898 = arith.constant 32 : index
        %get3A_899 = tpu.vector_load %arg16[%get3A_897, %get3A_898] {strides = array<i32>} : memref<40x128xf32, #tpu.memory_space<vmem>>, vector<1x16xf32>,
        %get3A_900 = vector.shape_cast %get3A_899 : vector<1x16xf32> to vector<16xf32>
        %add3A_901 = arith.constant 2 : i32
        %add3A_902 = arith.addi %mul3A_483, %add3A_901 : i32
        %get3A_903 = arith.index_cast %add3A_902 : i32 to index
        %get3A_904 = arith.constant 32 : index
        %get3A_905 = tpu.vector_load %arg13[%get3A_903, %get3A_904] {strides = array<i32>} : memref<40x128xf32, #tpu.memory_space<vmem>>, vector<1x16xf32>,
        %get3A_906 = vector.shape_cast %get3A_905 : vector<1x16xf32> to vector<16xf32>
        %add3A_907 = arith.addf %get3A_900, %get3A_906 : vector<16xf32>
        %max3A_908 = arith.constant 0.000000e+00 : f32
        %max3A_909 = vector.broadcast %max3A_908 : f32 to vector<16xf32>
        %max3A_910 = arith.maximumf %add3A_907, %max3A_909 : vector<16xf32>
        %add3A_911 = arith.constant 2 : i32
        %add3A_912 = arith.addi %mul3A_483, %add3A_911 : i32
        %swap3A_913 = arith.index_cast %add3A_912 : i32 to index
        %swap3A_914 = arith.constant 32 : index
        %swap3A_915 = tpu.vector_load %arg13[%swap3A_913, %swap3A_914] {strides = array<i32>} : memref<40x128xf32, #tpu.memory_space<vmem>>, vector<1x16xf32>,
        %swap3A_916 = vector.shape_cast %swap3A_915 : vector<1x16xf32> to vector<16xf32>
        %swap3A_917 = vector.shape_cast %max3A_910 : vector<16xf32> to vector<1x16xf32>
        tpu.vector_store %arg13[%swap3A_913, %swap3A_914], %swap3A_917 {strides = array<i32>} : memref<40x128xf32, #tpu.memory_space<vmem>>, vector<1x16xf32>,
        %add3A_918 = arith.constant 2 : i32
        %add3A_919 = arith.addi %mul3A_483, %add3A_918 : i32
        %get3A_920 = arith.index_cast %add3A_919 : i32 to index
        %get3A_921 = arith.constant 48 : index
        %get3A_922 = tpu.vector_load %arg16[%get3A_920, %get3A_921] {strides = array<i32>} : memref<40x128xf32, #tpu.memory_space<vmem>>, vector<1x16xf32>,
        %get3A_923 = vector.shape_cast %get3A_922 : vector<1x16xf32> to vector<16xf32>
        %add3A_924 = arith.constant 2 : i32
        %add3A_925 = arith.addi %mul3A_483, %add3A_924 : i32
        %get3A_926 = arith.index_cast %add3A_925 : i32 to index
        %get3A_927 = arith.constant 48 : index
        %get3A_928 = tpu.vector_load %arg13[%get3A_926, %get3A_927] {strides = array<i32>} : memref<40x128xf32, #tpu.memory_space<vmem>>, vector<1x16xf32>,
        %get3A_929 = vector.shape_cast %get3A_928 : vector<1x16xf32> to vector<16xf32>
        %add3A_930 = arith.addf %get3A_923, %get3A_929 : vector<16xf32>
        %max3A_931 = arith.constant 0.000000e+00 : f32
        %max3A_932 = vector.broadcast %max3A_931 : f32 to vector<16xf32>
        %max3A_933 = arith.maximumf %add3A_930, %max3A_932 : vector<16xf32>
        %add3A_934 = arith.constant 2 : i32
        %add3A_935 = arith.addi %mul3A_483, %add3A_934 : i32
        %swap3A_936 = arith.index_cast %add3A_935 : i32 to index
        %swap3A_937 = arith.constant 48 : index
        %swap3A_938 = tpu.vector_load %arg13[%swap3A_936, %swap3A_937] {strides = array<i32>} : memref<40x128xf32, #tpu.memory_space<vmem>>, vector<1x16xf32>,
        %swap3A_939 = vector.shape_cast %swap3A_938 : vector<1x16xf32> to vector<16xf32>
        %swap3A_940 = vector.shape_cast %max3A_933 : vector<16xf32> to vector<1x16xf32>
        tpu.vector_store %arg13[%swap3A_936, %swap3A_937], %swap3A_940 {strides = array<i32>} : memref<40x128xf32, #tpu.memory_space<vmem>>, vector<1x16xf32>,
        %add3A_941 = arith.constant 2 : i32
        %add3A_942 = arith.addi %mul3A_483, %add3A_941 : i32
        %get3A_943 = arith.index_cast %add3A_942 : i32 to index
        %get3A_944 = arith.constant 64 : index
        %get3A_945 = tpu.vector_load %arg16[%get3A_943, %get3A_944] {strides = array<i32>} : memref<40x128xf32, #tpu.memory_space<vmem>>, vector<1x16xf32>,
        %get3A_946 = vector.shape_cast %get3A_945 : vector<1x16xf32> to vector<16xf32>
        %add3A_947 = arith.constant 2 : i32
        %add3A_948 = arith.addi %mul3A_483, %add3A_947 : i32
        %get3A_949 = arith.index_cast %add3A_948 : i32 to index
        %get3A_950 = arith.constant 64 : index
        %get3A_951 = tpu.vector_load %arg13[%get3A_949, %get3A_950] {strides = array<i32>} : memref<40x128xf32, #tpu.memory_space<vmem>>, vector<1x16xf32>,
        %get3A_952 = vector.shape_cast %get3A_951 : vector<1x16xf32> to vector<16xf32>
        %add3A_953 = arith.addf %get3A_946, %get3A_952 : vector<16xf32>
        %max3A_954 = arith.constant 0.000000e+00 : f32
        %max3A_955 = vector.broadcast %max3A_954 : f32 to vector<16xf32>
        %max3A_956 = arith.maximumf %add3A_953, %max3A_955 : vector<16xf32>
        %add3A_957 = arith.constant 2 : i32
        %add3A_958 = arith.addi %mul3A_483, %add3A_957 : i32
        %swap3A_959 = arith.index_cast %add3A_958 : i32 to index
        %swap3A_960 = arith.constant 64 : index
        %swap3A_961 = tpu.vector_load %arg13[%swap3A_959, %swap3A_960] {strides = array<i32>} : memref<40x128xf32, #tpu.memory_space<vmem>>, vector<1x16xf32>,
        %swap3A_962 = vector.shape_cast %swap3A_961 : vector<1x16xf32> to vector<16xf32>
        %swap3A_963 = vector.shape_cast %max3A_956 : vector<16xf32> to vector<1x16xf32>
        tpu.vector_store %arg13[%swap3A_959, %swap3A_960], %swap3A_963 {strides = array<i32>} : memref<40x128xf32, #tpu.memory_space<vmem>>, vector<1x16xf32>,
        %add3A_964 = arith.constant 2 : i32
        %add3A_965 = arith.addi %mul3A_483, %add3A_964 : i32
        %get3A_966 = arith.index_cast %add3A_965 : i32 to index
        %get3A_967 = arith.constant 80 : index
        %get3A_968 = tpu.vector_load %arg16[%get3A_966, %get3A_967] {strides = array<i32>} : memref<40x128xf32, #tpu.memory_space<vmem>>, vector<1x16xf32>,
        %get3A_969 = vector.shape_cast %get3A_968 : vector<1x16xf32> to vector<16xf32>
        %add3A_970 = arith.constant 2 : i32
        %add3A_971 = arith.addi %mul3A_483, %add3A_970 : i32
        %get3A_972 = arith.index_cast %add3A_971 : i32 to index
        %get3A_973 = arith.constant 80 : index
        %get3A_974 = tpu.vector_load %arg13[%get3A_972, %get3A_973] {strides = array<i32>} : memref<40x128xf32, #tpu.memory_space<vmem>>, vector<1x16xf32>,
        %get3A_975 = vector.shape_cast %get3A_974 : vector<1x16xf32> to vector<16xf32>
        %add3A_976 = arith.addf %get3A_969, %get3A_975 : vector<16xf32>
        %max3A_977 = arith.constant 0.000000e+00 : f32
        %max3A_978 = vector.broadcast %max3A_977 : f32 to vector<16xf32>
        %max3A_979 = arith.maximumf %add3A_976, %max3A_978 : vector<16xf32>
        %add3A_980 = arith.constant 2 : i32
        %add3A_981 = arith.addi %mul3A_483, %add3A_980 : i32
        %swap3A_982 = arith.index_cast %add3A_981 : i32 to index
        %swap3A_983 = arith.constant 80 : index
        %swap3A_984 = tpu.vector_load %arg13[%swap3A_982, %swap3A_983] {strides = array<i32>} : memref<40x128xf32, #tpu.memory_space<vmem>>, vector<1x16xf32>,
        %swap3A_985 = vector.shape_cast %swap3A_984 : vector<1x16xf32> to vector<16xf32>
        %swap3A_986 = vector.shape_cast %max3A_979 : vector<16xf32> to vector<1x16xf32>
        tpu.vector_store %arg13[%swap3A_982, %swap3A_983], %swap3A_986 {strides = array<i32>} : memref<40x128xf32, #tpu.memory_space<vmem>>, vector<1x16xf32>,
        %add3A_987 = arith.constant 2 : i32
        %add3A_988 = arith.addi %mul3A_483, %add3A_987 : i32
        %get3A_989 = arith.index_cast %add3A_988 : i32 to index
        %get3A_990 = arith.constant 96 : index
        %get3A_991 = tpu.vector_load %arg16[%get3A_989, %get3A_990] {strides = array<i32>} : memref<40x128xf32, #tpu.memory_space<vmem>>, vector<1x16xf32>,
        %get3A_992 = vector.shape_cast %get3A_991 : vector<1x16xf32> to vector<16xf32>
        %add3A_993 = arith.constant 2 : i32
        %add3A_994 = arith.addi %mul3A_483, %add3A_993 : i32
        %get3A_995 = arith.index_cast %add3A_994 : i32 to index
        %get3A_996 = arith.constant 96 : index
        %get3A_997 = tpu.vector_load %arg13[%get3A_995, %get3A_996] {strides = array<i32>} : memref<40x128xf32, #tpu.memory_space<vmem>>, vector<1x16xf32>,
        %get3A_998 = vector.shape_cast %get3A_997 : vector<1x16xf32> to vector<16xf32>
        %add3A_999 = arith.addf %get3A_992, %get3A_998 : vector<16xf32>
        %max3A_1000 = arith.constant 0.000000e+00 : f32
        %max3A_1001 = vector.broadcast %max3A_1000 : f32 to vector<16xf32>
        %max3A_1002 = arith.maximumf %add3A_999, %max3A_1001 : vector<16xf32>
        %add3A_1003 = arith.constant 2 : i32
        %add3A_1004 = arith.addi %mul3A_483, %add3A_1003 : i32
        %swap3A_1005 = arith.index_cast %add3A_1004 : i32 to index
        %swap3A_1006 = arith.constant 96 : index
        %swap3A_1007 = tpu.vector_load %arg13[%swap3A_1005, %swap3A_1006] {strides = array<i32>} : memref<40x128xf32, #tpu.memory_space<vmem>>, vector<1x16xf32>,
        %swap3A_1008 = vector.shape_cast %swap3A_1007 : vector<1x16xf32> to vector<16xf32>
        %swap3A_1009 = vector.shape_cast %max3A_1002 : vector<16xf32> to vector<1x16xf32>
        tpu.vector_store %arg13[%swap3A_1005, %swap3A_1006], %swap3A_1009 {strides = array<i32>} : memref<40x128xf32, #tpu.memory_space<vmem>>, vector<1x16xf32>,
        %add3A_1010 = arith.constant 2 : i32
        %add3A_1011 = arith.addi %mul3A_483, %add3A_1010 : i32
        %get3A_1012 = arith.index_cast %add3A_1011 : i32 to index
        %get3A_1013 = arith.constant 112 : index
        %get3A_1014 = tpu.vector_load %arg16[%get3A_1012, %get3A_1013] {strides = array<i32>} : memref<40x128xf32, #tpu.memory_space<vmem>>, vector<1x16xf32>,
        %get3A_1015 = vector.shape_cast %get3A_1014 : vector<1x16xf32> to vector<16xf32>
        %add3A_1016 = arith.constant 2 : i32
        %add3A_1017 = arith.addi %mul3A_483, %add3A_1016 : i32
        %get3A_1018 = arith.index_cast %add3A_1017 : i32 to index
        %get3A_1019 = arith.constant 112 : index
        %get3A_1020 = tpu.vector_load %arg13[%get3A_1018, %get3A_1019] {strides = array<i32>} : memref<40x128xf32, #tpu.memory_space<vmem>>, vector<1x16xf32>,
        %get3A_1021 = vector.shape_cast %get3A_1020 : vector<1x16xf32> to vector<16xf32>
        %add3A_1022 = arith.addf %get3A_1015, %get3A_1021 : vector<16xf32>
        %max3A_1023 = arith.constant 0.000000e+00 : f32
        %max3A_1024 = vector.broadcast %max3A_1023 : f32 to vector<16xf32>
        %max3A_1025 = arith.maximumf %add3A_1022, %max3A_1024 : vector<16xf32>
        %add3A_1026 = arith.constant 2 : i32
        %add3A_1027 = arith.addi %mul3A_483, %add3A_1026 : i32
        %swap3A_1028 = arith.index_cast %add3A_1027 : i32 to index
        %swap3A_1029 = arith.constant 112 : index
        %swap3A_1030 = tpu.vector_load %arg13[%swap3A_1028, %swap3A_1029] {strides = array<i32>} : memref<40x128xf32, #tpu.memory_space<vmem>>, vector<1x16xf32>,
        %swap3A_1031 = vector.shape_cast %swap3A_1030 : vector<1x16xf32> to vector<16xf32>
        %swap3A_1032 = vector.shape_cast %max3A_1025 : vector<16xf32> to vector<1x16xf32>
        tpu.vector_store %arg13[%swap3A_1028, %swap3A_1029], %swap3A_1032 {strides = array<i32>} : memref<40x128xf32, #tpu.memory_space<vmem>>, vector<1x16xf32>,
        %add3A_1033 = arith.constant 3 : i32
        %add3A_1034 = arith.addi %mul3A_483, %add3A_1033 : i32
        %get3A_1035 = arith.index_cast %add3A_1034 : i32 to index
        %get3A_1036 = arith.constant 0 : index
        %get3A_1037 = tpu.vector_load %arg16[%get3A_1035, %get3A_1036] {strides = array<i32>} : memref<40x128xf32, #tpu.memory_space<vmem>>, vector<1x16xf32>,
        %get3A_1038 = vector.shape_cast %get3A_1037 : vector<1x16xf32> to vector<16xf32>
        %add3A_1039 = arith.constant 3 : i32
        %add3A_1040 = arith.addi %mul3A_483, %add3A_1039 : i32
        %get3A_1041 = arith.index_cast %add3A_1040 : i32 to index
        %get3A_1042 = arith.constant 0 : index
        %get3A_1043 = tpu.vector_load %arg13[%get3A_1041, %get3A_1042] {strides = array<i32>} : memref<40x128xf32, #tpu.memory_space<vmem>>, vector<1x16xf32>,
        %get3A_1044 = vector.shape_cast %get3A_1043 : vector<1x16xf32> to vector<16xf32>
        %add3A_1045 = arith.addf %get3A_1038, %get3A_1044 : vector<16xf32>
        %max3A_1046 = arith.constant 0.000000e+00 : f32
        %max3A_1047 = vector.broadcast %max3A_1046 : f32 to vector<16xf32>
        %max3A_1048 = arith.maximumf %add3A_1045, %max3A_1047 : vector<16xf32>
        %add3A_1049 = arith.constant 3 : i32
        %add3A_1050 = arith.addi %mul3A_483, %add3A_1049 : i32
        %swap3A_1051 = arith.index_cast %add3A_1050 : i32 to index
        %swap3A_1052 = arith.constant 0 : index
        %swap3A_1053 = tpu.vector_load %arg13[%swap3A_1051, %swap3A_1052] {strides = array<i32>} : memref<40x128xf32, #tpu.memory_space<vmem>>, vector<1x16xf32>,
        %swap3A_1054 = vector.shape_cast %swap3A_1053 : vector<1x16xf32> to vector<16xf32>
        %swap3A_1055 = vector.shape_cast %max3A_1048 : vector<16xf32> to vector<1x16xf32>
        tpu.vector_store %arg13[%swap3A_1051, %swap3A_1052], %swap3A_1055 {strides = array<i32>} : memref<40x128xf32, #tpu.memory_space<vmem>>, vector<1x16xf32>,
        %add3A_1056 = arith.constant 3 : i32
        %add3A_1057 = arith.addi %mul3A_483, %add3A_1056 : i32
        %get3A_1058 = arith.index_cast %add3A_1057 : i32 to index
        %get3A_1059 = arith.constant 16 : index
        %get3A_1060 = tpu.vector_load %arg16[%get3A_1058, %get3A_1059] {strides = array<i32>} : memref<40x128xf32, #tpu.memory_space<vmem>>, vector<1x16xf32>,
        %get3A_1061 = vector.shape_cast %get3A_1060 : vector<1x16xf32> to vector<16xf32>
        %add3A_1062 = arith.constant 3 : i32
        %add3A_1063 = arith.addi %mul3A_483, %add3A_1062 : i32
        %get3A_1064 = arith.index_cast %add3A_1063 : i32 to index
        %get3A_1065 = arith.constant 16 : index
        %get3A_1066 = tpu.vector_load %arg13[%get3A_1064, %get3A_1065] {strides = array<i32>} : memref<40x128xf32, #tpu.memory_space<vmem>>, vector<1x16xf32>,
        %get3A_1067 = vector.shape_cast %get3A_1066 : vector<1x16xf32> to vector<16xf32>
        %add3A_1068 = arith.addf %get3A_1061, %get3A_1067 : vector<16xf32>
        %max3A_1069 = arith.constant 0.000000e+00 : f32
        %max3A_1070 = vector.broadcast %max3A_1069 : f32 to vector<16xf32>
        %max3A_1071 = arith.maximumf %add3A_1068, %max3A_1070 : vector<16xf32>
        %add3A_1072 = arith.constant 3 : i32
        %add3A_1073 = arith.addi %mul3A_483, %add3A_1072 : i32
        %swap3A_1074 = arith.index_cast %add3A_1073 : i32 to index
        %swap3A_1075 = arith.constant 16 : index
        %swap3A_1076 = tpu.vector_load %arg13[%swap3A_1074, %swap3A_1075] {strides = array<i32>} : memref<40x128xf32, #tpu.memory_space<vmem>>, vector<1x16xf32>,
        %swap3A_1077 = vector.shape_cast %swap3A_1076 : vector<1x16xf32> to vector<16xf32>
        %swap3A_1078 = vector.shape_cast %max3A_1071 : vector<16xf32> to vector<1x16xf32>
        tpu.vector_store %arg13[%swap3A_1074, %swap3A_1075], %swap3A_1078 {strides = array<i32>} : memref<40x128xf32, #tpu.memory_space<vmem>>, vector<1x16xf32>,
        %add3A_1079 = arith.constant 3 : i32
        %add3A_1080 = arith.addi %mul3A_483, %add3A_1079 : i32
        %get3A_1081 = arith.index_cast %add3A_1080 : i32 to index
        %get3A_1082 = arith.constant 32 : index
        %get3A_1083 = tpu.vector_load %arg16[%get3A_1081, %get3A_1082] {strides = array<i32>} : memref<40x128xf32, #tpu.memory_space<vmem>>, vector<1x16xf32>,
        %get3A_1084 = vector.shape_cast %get3A_1083 : vector<1x16xf32> to vector<16xf32>
        %add3A_1085 = arith.constant 3 : i32
        %add3A_1086 = arith.addi %mul3A_483, %add3A_1085 : i32
        %get3A_1087 = arith.index_cast %add3A_1086 : i32 to index
        %get3A_1088 = arith.constant 32 : index
        %get3A_1089 = tpu.vector_load %arg13[%get3A_1087, %get3A_1088] {strides = array<i32>} : memref<40x128xf32, #tpu.memory_space<vmem>>, vector<1x16xf32>,
        %get3A_1090 = vector.shape_cast %get3A_1089 : vector<1x16xf32> to vector<16xf32>
        %add3A_1091 = arith.addf %get3A_1084, %get3A_1090 : vector<16xf32>
        %max3A_1092 = arith.constant 0.000000e+00 : f32
        %max3A_1093 = vector.broadcast %max3A_1092 : f32 to vector<16xf32>
        %max3A_1094 = arith.maximumf %add3A_1091, %max3A_1093 : vector<16xf32>
        %add3A_1095 = arith.constant 3 : i32
        %add3A_1096 = arith.addi %mul3A_483, %add3A_1095 : i32
        %swap3A_1097 = arith.index_cast %add3A_1096 : i32 to index
        %swap3A_1098 = arith.constant 32 : index
        %swap3A_1099 = tpu.vector_load %arg13[%swap3A_1097, %swap3A_1098] {strides = array<i32>} : memref<40x128xf32, #tpu.memory_space<vmem>>, vector<1x16xf32>,
        %swap3A_1100 = vector.shape_cast %swap3A_1099 : vector<1x16xf32> to vector<16xf32>
        %swap3A_1101 = vector.shape_cast %max3A_1094 : vector<16xf32> to vector<1x16xf32>
        tpu.vector_store %arg13[%swap3A_1097, %swap3A_1098], %swap3A_1101 {strides = array<i32>} : memref<40x128xf32, #tpu.memory_space<vmem>>, vector<1x16xf32>,
        %add3A_1102 = arith.constant 3 : i32
        %add3A_1103 = arith.addi %mul3A_483, %add3A_1102 : i32
        %get3A_1104 = arith.index_cast %add3A_1103 : i32 to index
        %get3A_1105 = arith.constant 48 : index
        %get3A_1106 = tpu.vector_load %arg16[%get3A_1104, %get3A_1105] {strides = array<i32>} : memref<40x128xf32, #tpu.memory_space<vmem>>, vector<1x16xf32>,
        %get3A_1107 = vector.shape_cast %get3A_1106 : vector<1x16xf32> to vector<16xf32>
        %add3A_1108 = arith.constant 3 : i32
        %add3A_1109 = arith.addi %mul3A_483, %add3A_1108 : i32
        %get3A_1110 = arith.index_cast %add3A_1109 : i32 to index
        %get3A_1111 = arith.constant 48 : index
        %get3A_1112 = tpu.vector_load %arg13[%get3A_1110, %get3A_1111] {strides = array<i32>} : memref<40x128xf32, #tpu.memory_space<vmem>>, vector<1x16xf32>,
        %get3A_1113 = vector.shape_cast %get3A_1112 : vector<1x16xf32> to vector<16xf32>
        %add3A_1114 = arith.addf %get3A_1107, %get3A_1113 : vector<16xf32>
        %max3A_1115 = arith.constant 0.000000e+00 : f32
        %max3A_1116 = vector.broadcast %max3A_1115 : f32 to vector<16xf32>
        %max3A_1117 = arith.maximumf %add3A_1114, %max3A_1116 : vector<16xf32>
        %add3A_1118 = arith.constant 3 : i32
        %add3A_1119 = arith.addi %mul3A_483, %add3A_1118 : i32
        %swap3A_1120 = arith.index_cast %add3A_1119 : i32 to index
        %swap3A_1121 = arith.constant 48 : index
        %swap3A_1122 = tpu.vector_load %arg13[%swap3A_1120, %swap3A_1121] {strides = array<i32>} : memref<40x128xf32, #tpu.memory_space<vmem>>, vector<1x16xf32>,
        %swap3A_1123 = vector.shape_cast %swap3A_1122 : vector<1x16xf32> to vector<16xf32>
        %swap3A_1124 = vector.shape_cast %max3A_1117 : vector<16xf32> to vector<1x16xf32>
        tpu.vector_store %arg13[%swap3A_1120, %swap3A_1121], %swap3A_1124 {strides = array<i32>} : memref<40x128xf32, #tpu.memory_space<vmem>>, vector<1x16xf32>,
        %add3A_1125 = arith.constant 3 : i32
        %add3A_1126 = arith.addi %mul3A_483, %add3A_1125 : i32
        %get3A_1127 = arith.index_cast %add3A_1126 : i32 to index
        %get3A_1128 = arith.constant 64 : index
        %get3A_1129 = tpu.vector_load %arg16[%get3A_1127, %get3A_1128] {strides = array<i32>} : memref<40x128xf32, #tpu.memory_space<vmem>>, vector<1x16xf32>,
        %get3A_1130 = vector.shape_cast %get3A_1129 : vector<1x16xf32> to vector<16xf32>
        %add3A_1131 = arith.constant 3 : i32
        %add3A_1132 = arith.addi %mul3A_483, %add3A_1131 : i32
        %get3A_1133 = arith.index_cast %add3A_1132 : i32 to index
        %get3A_1134 = arith.constant 64 : index
        %get3A_1135 = tpu.vector_load %arg13[%get3A_1133, %get3A_1134] {strides = array<i32>} : memref<40x128xf32, #tpu.memory_space<vmem>>, vector<1x16xf32>,
        %get3A_1136 = vector.shape_cast %get3A_1135 : vector<1x16xf32> to vector<16xf32>
        %add3A_1137 = arith.addf %get3A_1130, %get3A_1136 : vector<16xf32>
        %max3A_1138 = arith.constant 0.000000e+00 : f32
        %max3A_1139 = vector.broadcast %max3A_1138 : f32 to vector<16xf32>
        %max3A_1140 = arith.maximumf %add3A_1137, %max3A_1139 : vector<16xf32>
        %add3A_1141 = arith.constant 3 : i32
        %add3A_1142 = arith.addi %mul3A_483, %add3A_1141 : i32
        %swap3A_1143 = arith.index_cast %add3A_1142 : i32 to index
        %swap3A_1144 = arith.constant 64 : index
        %swap3A_1145 = tpu.vector_load %arg13[%swap3A_1143, %swap3A_1144] {strides = array<i32>} : memref<40x128xf32, #tpu.memory_space<vmem>>, vector<1x16xf32>,
        %swap3A_1146 = vector.shape_cast %swap3A_1145 : vector<1x16xf32> to vector<16xf32>
        %swap3A_1147 = vector.shape_cast %max3A_1140 : vector<16xf32> to vector<1x16xf32>
        tpu.vector_store %arg13[%swap3A_1143, %swap3A_1144], %swap3A_1147 {strides = array<i32>} : memref<40x128xf32, #tpu.memory_space<vmem>>, vector<1x16xf32>,
        %add3A_1148 = arith.constant 3 : i32
        %add3A_1149 = arith.addi %mul3A_483, %add3A_1148 : i32
        %get3A_1150 = arith.index_cast %add3A_1149 : i32 to index
        %get3A_1151 = arith.constant 80 : index
        %get3A_1152 = tpu.vector_load %arg16[%get3A_1150, %get3A_1151] {strides = array<i32>} : memref<40x128xf32, #tpu.memory_space<vmem>>, vector<1x16xf32>,
        %get3A_1153 = vector.shape_cast %get3A_1152 : vector<1x16xf32> to vector<16xf32>
        %add3A_1154 = arith.constant 3 : i32
        %add3A_1155 = arith.addi %mul3A_483, %add3A_1154 : i32
        %get3A_1156 = arith.index_cast %add3A_1155 : i32 to index
        %get3A_1157 = arith.constant 80 : index
        %get3A_1158 = tpu.vector_load %arg13[%get3A_1156, %get3A_1157] {strides = array<i32>} : memref<40x128xf32, #tpu.memory_space<vmem>>, vector<1x16xf32>,
        %get3A_1159 = vector.shape_cast %get3A_1158 : vector<1x16xf32> to vector<16xf32>
        %add3A_1160 = arith.addf %get3A_1153, %get3A_1159 : vector<16xf32>
        %max3A_1161 = arith.constant 0.000000e+00 : f32
        %max3A_1162 = vector.broadcast %max3A_1161 : f32 to vector<16xf32>
        %max3A_1163 = arith.maximumf %add3A_1160, %max3A_1162 : vector<16xf32>
        %add3A_1164 = arith.constant 3 : i32
        %add3A_1165 = arith.addi %mul3A_483, %add3A_1164 : i32
        %swap3A_1166 = arith.index_cast %add3A_1165 : i32 to index
        %swap3A_1167 = arith.constant 80 : index
        %swap3A_1168 = tpu.vector_load %arg13[%swap3A_1166, %swap3A_1167] {strides = array<i32>} : memref<40x128xf32, #tpu.memory_space<vmem>>, vector<1x16xf32>,
        %swap3A_1169 = vector.shape_cast %swap3A_1168 : vector<1x16xf32> to vector<16xf32>
        %swap3A_1170 = vector.shape_cast %max3A_1163 : vector<16xf32> to vector<1x16xf32>
        tpu.vector_store %arg13[%swap3A_1166, %swap3A_1167], %swap3A_1170 {strides = array<i32>} : memref<40x128xf32, #tpu.memory_space<vmem>>, vector<1x16xf32>,
        %add3A_1171 = arith.constant 3 : i32
        %add3A_1172 = arith.addi %mul3A_483, %add3A_1171 : i32
        %get3A_1173 = arith.index_cast %add3A_1172 : i32 to index
        %get3A_1174 = arith.constant 96 : index
        %get3A_1175 = tpu.vector_load %arg16[%get3A_1173, %get3A_1174] {strides = array<i32>} : memref<40x128xf32, #tpu.memory_space<vmem>>, vector<1x16xf32>,
        %get3A_1176 = vector.shape_cast %get3A_1175 : vector<1x16xf32> to vector<16xf32>
        %add3A_1177 = arith.constant 3 : i32
        %add3A_1178 = arith.addi %mul3A_483, %add3A_1177 : i32
        %get3A_1179 = arith.index_cast %add3A_1178 : i32 to index
        %get3A_1180 = arith.constant 96 : index
        %get3A_1181 = tpu.vector_load %arg13[%get3A_1179, %get3A_1180] {strides = array<i32>} : memref<40x128xf32, #tpu.memory_space<vmem>>, vector<1x16xf32>,
        %get3A_1182 = vector.shape_cast %get3A_1181 : vector<1x16xf32> to vector<16xf32>
        %add3A_1183 = arith.addf %get3A_1176, %get3A_1182 : vector<16xf32>
        %max3A_1184 = arith.constant 0.000000e+00 : f32
        %max3A_1185 = vector.broadcast %max3A_1184 : f32 to vector<16xf32>
        %max3A_1186 = arith.maximumf %add3A_1183, %max3A_1185 : vector<16xf32>
        %add3A_1187 = arith.constant 3 : i32
        %add3A_1188 = arith.addi %mul3A_483, %add3A_1187 : i32
        %swap3A_1189 = arith.index_cast %add3A_1188 : i32 to index
        %swap3A_1190 = arith.constant 96 : index
        %swap3A_1191 = tpu.vector_load %arg13[%swap3A_1189, %swap3A_1190] {strides = array<i32>} : memref<40x128xf32, #tpu.memory_space<vmem>>, vector<1x16xf32>,
        %swap3A_1192 = vector.shape_cast %swap3A_1191 : vector<1x16xf32> to vector<16xf32>
        %swap3A_1193 = vector.shape_cast %max3A_1186 : vector<16xf32> to vector<1x16xf32>
        tpu.vector_store %arg13[%swap3A_1189, %swap3A_1190], %swap3A_1193 {strides = array<i32>} : memref<40x128xf32, #tpu.memory_space<vmem>>, vector<1x16xf32>,
        %add3A_1194 = arith.constant 3 : i32
        %add3A_1195 = arith.addi %mul3A_483, %add3A_1194 : i32
        %get3A_1196 = arith.index_cast %add3A_1195 : i32 to index
        %get3A_1197 = arith.constant 112 : index
        %get3A_1198 = tpu.vector_load %arg16[%get3A_1196, %get3A_1197] {strides = array<i32>} : memref<40x128xf32, #tpu.memory_space<vmem>>, vector<1x16xf32>,
        %get3A_1199 = vector.shape_cast %get3A_1198 : vector<1x16xf32> to vector<16xf32>
        %add3A_1200 = arith.constant 3 : i32
        %add3A_1201 = arith.addi %mul3A_483, %add3A_1200 : i32
        %get3A_1202 = arith.index_cast %add3A_1201 : i32 to index
        %get3A_1203 = arith.constant 112 : index
        %get3A_1204 = tpu.vector_load %arg13[%get3A_1202, %get3A_1203] {strides = array<i32>} : memref<40x128xf32, #tpu.memory_space<vmem>>, vector<1x16xf32>,
        %get3A_1205 = vector.shape_cast %get3A_1204 : vector<1x16xf32> to vector<16xf32>
        %add3A_1206 = arith.addf %get3A_1199, %get3A_1205 : vector<16xf32>
        %max3A_1207 = arith.constant 0.000000e+00 : f32
        %max3A_1208 = vector.broadcast %max3A_1207 : f32 to vector<16xf32>
        %max3A_1209 = arith.maximumf %add3A_1206, %max3A_1208 : vector<16xf32>
        %add3A_1210 = arith.constant 3 : i32
        %add3A_1211 = arith.addi %mul3A_483, %add3A_1210 : i32
        %swap3A_1212 = arith.index_cast %add3A_1211 : i32 to index
        %swap3A_1213 = arith.constant 112 : index
        %swap3A_1214 = tpu.vector_load %arg13[%swap3A_1212, %swap3A_1213] {strides = array<i32>} : memref<40x128xf32, #tpu.memory_space<vmem>>, vector<1x16xf32>,
        %swap3A_1215 = vector.shape_cast %swap3A_1214 : vector<1x16xf32> to vector<16xf32>
        %swap3A_1216 = vector.shape_cast %max3A_1209 : vector<16xf32> to vector<1x16xf32>
        tpu.vector_store %arg13[%swap3A_1212, %swap3A_1213], %swap3A_1216 {strides = array<i32>} : memref<40x128xf32, #tpu.memory_space<vmem>>, vector<1x16xf32>,
        %scan3A_1217 = arith.constant 0 : i32
        scf.yield %scan3A_1217 : i32
      }
      %scan3A_415 = arith.constant 10 : i32
      %sub3A_416 = arith.constant 1 : i32
      %sub3A_417 = arith.subi %add3A_386, %sub3A_416 : i32
      %mul3A_418 = arith.constant 40 : i32
      %mul3A_419 = arith.muli %sub3A_417, %mul3A_418 : i32
      %dma_wait3A_420 = tpu.memref_slice %arg7[%mul3A_419] : memref<10000xi32, #tpu.memory_space<vmem>> -> memref<40xi32, #tpu.memory_space<vmem>>
      %dma_wait3A_421 = arith.constant 0 : i32
      %dma_wait3A_422 = arith.constant 0 : i32
      %dma_wait3A_423 = tpu.memref_slice %arg6[%dma_wait3A_421, %dma_wait3A_422] : memref<10240x128xf32, #tpu.memory_space<vmem_shared>> -> memref<10240x128xf32, #tpu.memory_space<vmem_shared>>
      tpu.wait_indirect_dma semaphore(%arg28 : memref<!tpu.dma_semaphore, #tpu.memory_space<semaphore_mem>>) src(%arg12 : memref<40x128xf32, #tpu.memory_space<vmem>>) dst(%dma_wait3A_423 : memref<10240x128xf32, #tpu.memory_space<vmem_shared>>)
      %mul3A_424 = arith.constant 40 : i32
      %mul3A_425 = arith.muli %add3A_386, %mul3A_424 : i32
      %dma_start3A_426 = tpu.memref_slice %arg7[%mul3A_425] : memref<10000xi32, #tpu.memory_space<vmem>> -> memref<40xi32, #tpu.memory_space<vmem>>
      %dma_start3A_427 = arith.constant 0 : i32
      %dma_start3A_428 = arith.constant 0 : i32
      %dma_start3A_429 = tpu.memref_slice %arg6[%dma_start3A_427, %dma_start3A_428] : memref<10240x128xf32, #tpu.memory_space<vmem_shared>> -> memref<10240x128xf32, #tpu.memory_space<vmem_shared>>
      tpu.enqueue_indirect_dma source(%arg13 : memref<40x128xf32, #tpu.memory_space<vmem>>) target(%dma_start3A_429 : memref<10240x128xf32, #tpu.memory_space<vmem_shared>>) offsets(%dma_start3A_426 : memref<40xi32, #tpu.memory_space<vmem>>) semaphore(%arg29 : memref<!tpu.dma_semaphore, #tpu.memory_space<semaphore_mem>>) {add = true}
      %mul3A_430 = arith.constant 3 : i32
      %mul3A_431 = arith.muli %mul3A_430, %scan3A_334 : i32
      %add3A_432 = arith.constant 1 : i32
      %add3A_433 = arith.addi %add3A_432, %mul3A_431 : i32
      %add3A_434 = arith.constant 2 : i32
      %add3A_435 = arith.addi %add3A_433, %add3A_434 : i32
      %lt3A_436 = arith.constant 249 : i32
      %lt3A_437 = arith.cmpi slt, %add3A_435, %lt3A_436 : i32
      %convert_element_type3A_438 = arith.extui %lt3A_437 : i1 to i32
      %cond3A_439 = arith.constant 0 : i32
      %cond3A_440 = arith.cmpi ne, %convert_element_type3A_438, %cond3A_439 : i32
      scf.if %cond3A_440 {
        %add3A_480 = arith.constant 1 : i32
        %add3A_481 = arith.addi %add3A_435, %add3A_480 : i32
        %mul3A_482 = arith.constant 10000 : i32
        %mul3A_483 = arith.muli %add3A, %mul3A_482 : i32
        %mul3A_484 = arith.constant 40 : i32
        %mul3A_485 = arith.muli %add3A_481, %mul3A_484 : i32
        %add3A_486 = arith.addi %mul3A_483, %mul3A_485 : i32
        %dma_wait3A_487 = tpu.memref_slice %arg3[%add3A_486] : memref<640000xi32, #tpu.memory_space<hbm>> -> memref<40xi32, #tpu.memory_space<hbm>>
        %dma_wait3A_488 = tpu.memref_slice %arg3[%add3A_486] : memref<640000xi32, #tpu.memory_space<hbm>> -> memref<40xi32, #tpu.memory_space<hbm>>
        tpu.wait_dma2 semaphore(%arg19 : memref<!tpu.dma_semaphore, #tpu.memory_space<semaphore_mem>>) src(%dma_wait3A_488 : memref<40xi32, #tpu.memory_space<hbm>>) dst(%arg9 : memref<40xi32, #tpu.memory_space<vmem>>)
        %add3A_489 = arith.constant 1 : i32
        %add3A_490 = arith.addi %add3A_435, %add3A_489 : i32
        %mul3A_491 = arith.constant 10000 : i32
        %mul3A_492 = arith.muli %add3A, %mul3A_491 : i32
        %mul3A_493 = arith.constant 40 : i32
        %mul3A_494 = arith.muli %add3A_490, %mul3A_493 : i32
        %add3A_495 = arith.addi %mul3A_492, %mul3A_494 : i32
        %dma_start3A_496 = arith.constant 0 : i32
        %dma_start3A_497 = tpu.memref_slice %arg4[%add3A_495, %dma_start3A_496] : memref<320000x128xf32, #tpu.memory_space<hbm>> -> memref<40x128xf32, #tpu.memory_space<hbm>>
        %dma_start3A_498 = arith.constant 0 : i32
        %dma_start3A_499 = tpu.memref_slice %arg4[%add3A_495, %dma_start3A_498] : memref<320000x128xf32, #tpu.memory_space<hbm>> -> memref<40x128xf32, #tpu.memory_space<hbm>>
        tpu.enqueue_dma source(%dma_start3A_499 : memref<40x128xf32, #tpu.memory_space<hbm>>) target(%arg12 : memref<40x128xf32, #tpu.memory_space<vmem>>) target_semaphore(%arg22 : memref<!tpu.dma_semaphore, #tpu.memory_space<semaphore_mem>>)
        %dma_start3A_500 = arith.constant 0 : i32
        %dma_start3A_501 = arith.constant 0 : i32
        %dma_start3A_502 = tpu.memref_slice %arg2[%dma_start3A_500, %dma_start3A_501] : memref<10000x128xf32, #tpu.memory_space<hbm>> -> memref<10000x128xf32, #tpu.memory_space<hbm>>
        tpu.enqueue_indirect_dma source(%dma_start3A_502 : memref<10000x128xf32, #tpu.memory_space<hbm>>) target(%arg15 : memref<40x128xf32, #tpu.memory_space<vmem>>) offsets(%arg9 : memref<40xi32, #tpu.memory_space<vmem>>) semaphore(%arg25 : memref<!tpu.dma_semaphore, #tpu.memory_space<semaphore_mem>>)
      } else {
      }
      %lt3A_441 = arith.constant 248 : i32
      %lt3A_442 = arith.cmpi slt, %add3A_435, %lt3A_441 : i32
      %convert_element_type3A_443 = arith.extui %lt3A_442 : i1 to i32
      %cond3A_444 = arith.constant 0 : i32
      %cond3A_445 = arith.cmpi ne, %convert_element_type3A_443, %cond3A_444 : i32
      scf.if %cond3A_445 {
        %add3A_480 = arith.constant 2 : i32
        %add3A_481 = arith.addi %add3A_435, %add3A_480 : i32
        %mul3A_482 = arith.constant 10000 : i32
        %mul3A_483 = arith.muli %add3A, %mul3A_482 : i32
        %mul3A_484 = arith.constant 40 : i32
        %mul3A_485 = arith.muli %add3A_481, %mul3A_484 : i32
        %add3A_486 = arith.addi %mul3A_483, %mul3A_485 : i32
        %dma_start3A_487 = tpu.memref_slice %arg3[%add3A_486] : memref<640000xi32, #tpu.memory_space<hbm>> -> memref<40xi32, #tpu.memory_space<hbm>>
        %dma_start3A_488 = tpu.memref_slice %arg3[%add3A_486] : memref<640000xi32, #tpu.memory_space<hbm>> -> memref<40xi32, #tpu.memory_space<hbm>>
        tpu.enqueue_dma source(%dma_start3A_488 : memref<40xi32, #tpu.memory_space<hbm>>) target(%arg10 : memref<40xi32, #tpu.memory_space<vmem>>) target_semaphore(%arg20 : memref<!tpu.dma_semaphore, #tpu.memory_space<semaphore_mem>>)
      } else {
      }
      %mul3A_446 = arith.constant 10000 : i32
      %mul3A_447 = arith.muli %add3A, %mul3A_446 : i32
      %mul3A_448 = arith.constant 40 : i32
      %mul3A_449 = arith.muli %add3A_435, %mul3A_448 : i32
      %add3A_450 = arith.addi %mul3A_447, %mul3A_449 : i32
      %dma_wait3A_451 = arith.constant 0 : i32
      %dma_wait3A_452 = tpu.memref_slice %arg4[%add3A_450, %dma_wait3A_451] : memref<320000x128xf32, #tpu.memory_space<hbm>> -> memref<40x128xf32, #tpu.memory_space<hbm>>
      %dma_wait3A_453 = arith.constant 0 : i32
      %dma_wait3A_454 = tpu.memref_slice %arg4[%add3A_450, %dma_wait3A_453] : memref<320000x128xf32, #tpu.memory_space<hbm>> -> memref<40x128xf32, #tpu.memory_space<hbm>>
      tpu.wait_dma2 semaphore(%arg21 : memref<!tpu.dma_semaphore, #tpu.memory_space<semaphore_mem>>) src(%dma_wait3A_454 : memref<40x128xf32, #tpu.memory_space<hbm>>) dst(%arg11 : memref<40x128xf32, #tpu.memory_space<vmem>>)
      %dma_wait3A_455 = arith.constant 0 : i32
      %dma_wait3A_456 = arith.constant 0 : i32
      %dma_wait3A_457 = tpu.memref_slice %arg2[%dma_wait3A_455, %dma_wait3A_456] : memref<10000x128xf32, #tpu.memory_space<hbm>> -> memref<10000x128xf32, #tpu.memory_space<hbm>>
      tpu.wait_indirect_dma semaphore(%arg24 : memref<!tpu.dma_semaphore, #tpu.memory_space<semaphore_mem>>) src(%dma_wait3A_457 : memref<10000x128xf32, #tpu.memory_space<hbm>>) dst(%arg14 : memref<40x128xf32, #tpu.memory_space<vmem>>)
      %scan3A_458 = arith.constant 0 : i32
      %scan3A_459 = arith.constant 0 : i32
      %scan3A_460 = arith.constant 10 : i32
      %scan3A_461 = arith.addi %scan3A_459, %scan3A_460 : i32
      %scan3A_462 = arith.constant 1 : i32
      %scan3A_463 = scf.for %scan3A_480 = %scan3A_459 to %scan3A_461 step %scan3A_462 iter_args(%scan3A_481 = %scan3A_458) -> (i32)  : i32 {
        %mul3A_482 = arith.constant 4 : i32
        %mul3A_483 = arith.muli %scan3A_480, %mul3A_482 : i32
        %add3A_484 = arith.constant 0 : i32
        %add3A_485 = arith.addi %mul3A_483, %add3A_484 : i32
        %get3A = arith.index_cast %add3A_485 : i32 to index
        %get3A_486 = arith.constant 0 : index
        %get3A_487 = tpu.vector_load %arg14[%get3A, %get3A_486] {strides = array<i32>} : memref<40x128xf32, #tpu.memory_space<vmem>>, vector<1x16xf32>,
        %get3A_488 = vector.shape_cast %get3A_487 : vector<1x16xf32> to vector<16xf32>
        %add3A_489 = arith.constant 0 : i32
        %add3A_490 = arith.addi %mul3A_483, %add3A_489 : i32
        %get3A_491 = arith.index_cast %add3A_490 : i32 to index
        %get3A_492 = arith.constant 0 : index
        %get3A_493 = tpu.vector_load %arg11[%get3A_491, %get3A_492] {strides = array<i32>} : memref<40x128xf32, #tpu.memory_space<vmem>>, vector<1x16xf32>,
        %get3A_494 = vector.shape_cast %get3A_493 : vector<1x16xf32> to vector<16xf32>
        %add3A_495 = arith.addf %get3A_488, %get3A_494 : vector<16xf32>
        %max3A = arith.constant 0.000000e+00 : f32
        %max3A_496 = vector.broadcast %max3A : f32 to vector<16xf32>
        %max3A_497 = arith.maximumf %add3A_495, %max3A_496 : vector<16xf32>
        %add3A_498 = arith.constant 0 : i32
        %add3A_499 = arith.addi %mul3A_483, %add3A_498 : i32
        %swap3A = arith.index_cast %add3A_499 : i32 to index
        %swap3A_500 = arith.constant 0 : index
        %swap3A_501 = tpu.vector_load %arg11[%swap3A, %swap3A_500] {strides = array<i32>} : memref<40x128xf32, #tpu.memory_space<vmem>>, vector<1x16xf32>,
        %swap3A_502 = vector.shape_cast %swap3A_501 : vector<1x16xf32> to vector<16xf32>
        %swap3A_503 = vector.shape_cast %max3A_497 : vector<16xf32> to vector<1x16xf32>
        tpu.vector_store %arg11[%swap3A, %swap3A_500], %swap3A_503 {strides = array<i32>} : memref<40x128xf32, #tpu.memory_space<vmem>>, vector<1x16xf32>,
        %add3A_504 = arith.constant 0 : i32
        %add3A_505 = arith.addi %mul3A_483, %add3A_504 : i32
        %get3A_506 = arith.index_cast %add3A_505 : i32 to index
        %get3A_507 = arith.constant 16 : index
        %get3A_508 = tpu.vector_load %arg14[%get3A_506, %get3A_507] {strides = array<i32>} : memref<40x128xf32, #tpu.memory_space<vmem>>, vector<1x16xf32>,
        %get3A_509 = vector.shape_cast %get3A_508 : vector<1x16xf32> to vector<16xf32>
        %add3A_510 = arith.constant 0 : i32
        %add3A_511 = arith.addi %mul3A_483, %add3A_510 : i32
        %get3A_512 = arith.index_cast %add3A_511 : i32 to index
        %get3A_513 = arith.constant 16 : index
        %get3A_514 = tpu.vector_load %arg11[%get3A_512, %get3A_513] {strides = array<i32>} : memref<40x128xf32, #tpu.memory_space<vmem>>, vector<1x16xf32>,
        %get3A_515 = vector.shape_cast %get3A_514 : vector<1x16xf32> to vector<16xf32>
        %add3A_516 = arith.addf %get3A_509, %get3A_515 : vector<16xf32>
        %max3A_517 = arith.constant 0.000000e+00 : f32
        %max3A_518 = vector.broadcast %max3A_517 : f32 to vector<16xf32>
        %max3A_519 = arith.maximumf %add3A_516, %max3A_518 : vector<16xf32>
        %add3A_520 = arith.constant 0 : i32
        %add3A_521 = arith.addi %mul3A_483, %add3A_520 : i32
        %swap3A_522 = arith.index_cast %add3A_521 : i32 to index
        %swap3A_523 = arith.constant 16 : index
        %swap3A_524 = tpu.vector_load %arg11[%swap3A_522, %swap3A_523] {strides = array<i32>} : memref<40x128xf32, #tpu.memory_space<vmem>>, vector<1x16xf32>,
        %swap3A_525 = vector.shape_cast %swap3A_524 : vector<1x16xf32> to vector<16xf32>
        %swap3A_526 = vector.shape_cast %max3A_519 : vector<16xf32> to vector<1x16xf32>
        tpu.vector_store %arg11[%swap3A_522, %swap3A_523], %swap3A_526 {strides = array<i32>} : memref<40x128xf32, #tpu.memory_space<vmem>>, vector<1x16xf32>,
        %add3A_527 = arith.constant 0 : i32
        %add3A_528 = arith.addi %mul3A_483, %add3A_527 : i32
        %get3A_529 = arith.index_cast %add3A_528 : i32 to index
        %get3A_530 = arith.constant 32 : index
        %get3A_531 = tpu.vector_load %arg14[%get3A_529, %get3A_530] {strides = array<i32>} : memref<40x128xf32, #tpu.memory_space<vmem>>, vector<1x16xf32>,
        %get3A_532 = vector.shape_cast %get3A_531 : vector<1x16xf32> to vector<16xf32>
        %add3A_533 = arith.constant 0 : i32
        %add3A_534 = arith.addi %mul3A_483, %add3A_533 : i32
        %get3A_535 = arith.index_cast %add3A_534 : i32 to index
        %get3A_536 = arith.constant 32 : index
        %get3A_537 = tpu.vector_load %arg11[%get3A_535, %get3A_536] {strides = array<i32>} : memref<40x128xf32, #tpu.memory_space<vmem>>, vector<1x16xf32>,
        %get3A_538 = vector.shape_cast %get3A_537 : vector<1x16xf32> to vector<16xf32>
        %add3A_539 = arith.addf %get3A_532, %get3A_538 : vector<16xf32>
        %max3A_540 = arith.constant 0.000000e+00 : f32
        %max3A_541 = vector.broadcast %max3A_540 : f32 to vector<16xf32>
        %max3A_542 = arith.maximumf %add3A_539, %max3A_541 : vector<16xf32>
        %add3A_543 = arith.constant 0 : i32
        %add3A_544 = arith.addi %mul3A_483, %add3A_543 : i32
        %swap3A_545 = arith.index_cast %add3A_544 : i32 to index
        %swap3A_546 = arith.constant 32 : index
        %swap3A_547 = tpu.vector_load %arg11[%swap3A_545, %swap3A_546] {strides = array<i32>} : memref<40x128xf32, #tpu.memory_space<vmem>>, vector<1x16xf32>,
        %swap3A_548 = vector.shape_cast %swap3A_547 : vector<1x16xf32> to vector<16xf32>
        %swap3A_549 = vector.shape_cast %max3A_542 : vector<16xf32> to vector<1x16xf32>
        tpu.vector_store %arg11[%swap3A_545, %swap3A_546], %swap3A_549 {strides = array<i32>} : memref<40x128xf32, #tpu.memory_space<vmem>>, vector<1x16xf32>,
        %add3A_550 = arith.constant 0 : i32
        %add3A_551 = arith.addi %mul3A_483, %add3A_550 : i32
        %get3A_552 = arith.index_cast %add3A_551 : i32 to index
        %get3A_553 = arith.constant 48 : index
        %get3A_554 = tpu.vector_load %arg14[%get3A_552, %get3A_553] {strides = array<i32>} : memref<40x128xf32, #tpu.memory_space<vmem>>, vector<1x16xf32>,
        %get3A_555 = vector.shape_cast %get3A_554 : vector<1x16xf32> to vector<16xf32>
        %add3A_556 = arith.constant 0 : i32
        %add3A_557 = arith.addi %mul3A_483, %add3A_556 : i32
        %get3A_558 = arith.index_cast %add3A_557 : i32 to index
        %get3A_559 = arith.constant 48 : index
        %get3A_560 = tpu.vector_load %arg11[%get3A_558, %get3A_559] {strides = array<i32>} : memref<40x128xf32, #tpu.memory_space<vmem>>, vector<1x16xf32>,
        %get3A_561 = vector.shape_cast %get3A_560 : vector<1x16xf32> to vector<16xf32>
        %add3A_562 = arith.addf %get3A_555, %get3A_561 : vector<16xf32>
        %max3A_563 = arith.constant 0.000000e+00 : f32
        %max3A_564 = vector.broadcast %max3A_563 : f32 to vector<16xf32>
        %max3A_565 = arith.maximumf %add3A_562, %max3A_564 : vector<16xf32>
        %add3A_566 = arith.constant 0 : i32
        %add3A_567 = arith.addi %mul3A_483, %add3A_566 : i32
        %swap3A_568 = arith.index_cast %add3A_567 : i32 to index
        %swap3A_569 = arith.constant 48 : index
        %swap3A_570 = tpu.vector_load %arg11[%swap3A_568, %swap3A_569] {strides = array<i32>} : memref<40x128xf32, #tpu.memory_space<vmem>>, vector<1x16xf32>,
        %swap3A_571 = vector.shape_cast %swap3A_570 : vector<1x16xf32> to vector<16xf32>
        %swap3A_572 = vector.shape_cast %max3A_565 : vector<16xf32> to vector<1x16xf32>
        tpu.vector_store %arg11[%swap3A_568, %swap3A_569], %swap3A_572 {strides = array<i32>} : memref<40x128xf32, #tpu.memory_space<vmem>>, vector<1x16xf32>,
        %add3A_573 = arith.constant 0 : i32
        %add3A_574 = arith.addi %mul3A_483, %add3A_573 : i32
        %get3A_575 = arith.index_cast %add3A_574 : i32 to index
        %get3A_576 = arith.constant 64 : index
        %get3A_577 = tpu.vector_load %arg14[%get3A_575, %get3A_576] {strides = array<i32>} : memref<40x128xf32, #tpu.memory_space<vmem>>, vector<1x16xf32>,
        %get3A_578 = vector.shape_cast %get3A_577 : vector<1x16xf32> to vector<16xf32>
        %add3A_579 = arith.constant 0 : i32
        %add3A_580 = arith.addi %mul3A_483, %add3A_579 : i32
        %get3A_581 = arith.index_cast %add3A_580 : i32 to index
        %get3A_582 = arith.constant 64 : index
        %get3A_583 = tpu.vector_load %arg11[%get3A_581, %get3A_582] {strides = array<i32>} : memref<40x128xf32, #tpu.memory_space<vmem>>, vector<1x16xf32>,
        %get3A_584 = vector.shape_cast %get3A_583 : vector<1x16xf32> to vector<16xf32>
        %add3A_585 = arith.addf %get3A_578, %get3A_584 : vector<16xf32>
        %max3A_586 = arith.constant 0.000000e+00 : f32
        %max3A_587 = vector.broadcast %max3A_586 : f32 to vector<16xf32>
        %max3A_588 = arith.maximumf %add3A_585, %max3A_587 : vector<16xf32>
        %add3A_589 = arith.constant 0 : i32
        %add3A_590 = arith.addi %mul3A_483, %add3A_589 : i32
        %swap3A_591 = arith.index_cast %add3A_590 : i32 to index
        %swap3A_592 = arith.constant 64 : index
        %swap3A_593 = tpu.vector_load %arg11[%swap3A_591, %swap3A_592] {strides = array<i32>} : memref<40x128xf32, #tpu.memory_space<vmem>>, vector<1x16xf32>,
        %swap3A_594 = vector.shape_cast %swap3A_593 : vector<1x16xf32> to vector<16xf32>
        %swap3A_595 = vector.shape_cast %max3A_588 : vector<16xf32> to vector<1x16xf32>
        tpu.vector_store %arg11[%swap3A_591, %swap3A_592], %swap3A_595 {strides = array<i32>} : memref<40x128xf32, #tpu.memory_space<vmem>>, vector<1x16xf32>,
        %add3A_596 = arith.constant 0 : i32
        %add3A_597 = arith.addi %mul3A_483, %add3A_596 : i32
        %get3A_598 = arith.index_cast %add3A_597 : i32 to index
        %get3A_599 = arith.constant 80 : index
        %get3A_600 = tpu.vector_load %arg14[%get3A_598, %get3A_599] {strides = array<i32>} : memref<40x128xf32, #tpu.memory_space<vmem>>, vector<1x16xf32>,
        %get3A_601 = vector.shape_cast %get3A_600 : vector<1x16xf32> to vector<16xf32>
        %add3A_602 = arith.constant 0 : i32
        %add3A_603 = arith.addi %mul3A_483, %add3A_602 : i32
        %get3A_604 = arith.index_cast %add3A_603 : i32 to index
        %get3A_605 = arith.constant 80 : index
        %get3A_606 = tpu.vector_load %arg11[%get3A_604, %get3A_605] {strides = array<i32>} : memref<40x128xf32, #tpu.memory_space<vmem>>, vector<1x16xf32>,
        %get3A_607 = vector.shape_cast %get3A_606 : vector<1x16xf32> to vector<16xf32>
        %add3A_608 = arith.addf %get3A_601, %get3A_607 : vector<16xf32>
        %max3A_609 = arith.constant 0.000000e+00 : f32
        %max3A_610 = vector.broadcast %max3A_609 : f32 to vector<16xf32>
        %max3A_611 = arith.maximumf %add3A_608, %max3A_610 : vector<16xf32>
        %add3A_612 = arith.constant 0 : i32
        %add3A_613 = arith.addi %mul3A_483, %add3A_612 : i32
        %swap3A_614 = arith.index_cast %add3A_613 : i32 to index
        %swap3A_615 = arith.constant 80 : index
        %swap3A_616 = tpu.vector_load %arg11[%swap3A_614, %swap3A_615] {strides = array<i32>} : memref<40x128xf32, #tpu.memory_space<vmem>>, vector<1x16xf32>,
        %swap3A_617 = vector.shape_cast %swap3A_616 : vector<1x16xf32> to vector<16xf32>
        %swap3A_618 = vector.shape_cast %max3A_611 : vector<16xf32> to vector<1x16xf32>
        tpu.vector_store %arg11[%swap3A_614, %swap3A_615], %swap3A_618 {strides = array<i32>} : memref<40x128xf32, #tpu.memory_space<vmem>>, vector<1x16xf32>,
        %add3A_619 = arith.constant 0 : i32
        %add3A_620 = arith.addi %mul3A_483, %add3A_619 : i32
        %get3A_621 = arith.index_cast %add3A_620 : i32 to index
        %get3A_622 = arith.constant 96 : index
        %get3A_623 = tpu.vector_load %arg14[%get3A_621, %get3A_622] {strides = array<i32>} : memref<40x128xf32, #tpu.memory_space<vmem>>, vector<1x16xf32>,
        %get3A_624 = vector.shape_cast %get3A_623 : vector<1x16xf32> to vector<16xf32>
        %add3A_625 = arith.constant 0 : i32
        %add3A_626 = arith.addi %mul3A_483, %add3A_625 : i32
        %get3A_627 = arith.index_cast %add3A_626 : i32 to index
        %get3A_628 = arith.constant 96 : index
        %get3A_629 = tpu.vector_load %arg11[%get3A_627, %get3A_628] {strides = array<i32>} : memref<40x128xf32, #tpu.memory_space<vmem>>, vector<1x16xf32>,
        %get3A_630 = vector.shape_cast %get3A_629 : vector<1x16xf32> to vector<16xf32>
        %add3A_631 = arith.addf %get3A_624, %get3A_630 : vector<16xf32>
        %max3A_632 = arith.constant 0.000000e+00 : f32
        %max3A_633 = vector.broadcast %max3A_632 : f32 to vector<16xf32>
        %max3A_634 = arith.maximumf %add3A_631, %max3A_633 : vector<16xf32>
        %add3A_635 = arith.constant 0 : i32
        %add3A_636 = arith.addi %mul3A_483, %add3A_635 : i32
        %swap3A_637 = arith.index_cast %add3A_636 : i32 to index
        %swap3A_638 = arith.constant 96 : index
        %swap3A_639 = tpu.vector_load %arg11[%swap3A_637, %swap3A_638] {strides = array<i32>} : memref<40x128xf32, #tpu.memory_space<vmem>>, vector<1x16xf32>,
        %swap3A_640 = vector.shape_cast %swap3A_639 : vector<1x16xf32> to vector<16xf32>
        %swap3A_641 = vector.shape_cast %max3A_634 : vector<16xf32> to vector<1x16xf32>
        tpu.vector_store %arg11[%swap3A_637, %swap3A_638], %swap3A_641 {strides = array<i32>} : memref<40x128xf32, #tpu.memory_space<vmem>>, vector<1x16xf32>,
        %add3A_642 = arith.constant 0 : i32
        %add3A_643 = arith.addi %mul3A_483, %add3A_642 : i32
        %get3A_644 = arith.index_cast %add3A_643 : i32 to index
        %get3A_645 = arith.constant 112 : index
        %get3A_646 = tpu.vector_load %arg14[%get3A_644, %get3A_645] {strides = array<i32>} : memref<40x128xf32, #tpu.memory_space<vmem>>, vector<1x16xf32>,
        %get3A_647 = vector.shape_cast %get3A_646 : vector<1x16xf32> to vector<16xf32>
        %add3A_648 = arith.constant 0 : i32
        %add3A_649 = arith.addi %mul3A_483, %add3A_648 : i32
        %get3A_650 = arith.index_cast %add3A_649 : i32 to index
        %get3A_651 = arith.constant 112 : index
        %get3A_652 = tpu.vector_load %arg11[%get3A_650, %get3A_651] {strides = array<i32>} : memref<40x128xf32, #tpu.memory_space<vmem>>, vector<1x16xf32>,
        %get3A_653 = vector.shape_cast %get3A_652 : vector<1x16xf32> to vector<16xf32>
        %add3A_654 = arith.addf %get3A_647, %get3A_653 : vector<16xf32>
        %max3A_655 = arith.constant 0.000000e+00 : f32
        %max3A_656 = vector.broadcast %max3A_655 : f32 to vector<16xf32>
        %max3A_657 = arith.maximumf %add3A_654, %max3A_656 : vector<16xf32>
        %add3A_658 = arith.constant 0 : i32
        %add3A_659 = arith.addi %mul3A_483, %add3A_658 : i32
        %swap3A_660 = arith.index_cast %add3A_659 : i32 to index
        %swap3A_661 = arith.constant 112 : index
        %swap3A_662 = tpu.vector_load %arg11[%swap3A_660, %swap3A_661] {strides = array<i32>} : memref<40x128xf32, #tpu.memory_space<vmem>>, vector<1x16xf32>,
        %swap3A_663 = vector.shape_cast %swap3A_662 : vector<1x16xf32> to vector<16xf32>
        %swap3A_664 = vector.shape_cast %max3A_657 : vector<16xf32> to vector<1x16xf32>
        tpu.vector_store %arg11[%swap3A_660, %swap3A_661], %swap3A_664 {strides = array<i32>} : memref<40x128xf32, #tpu.memory_space<vmem>>, vector<1x16xf32>,
        %add3A_665 = arith.constant 1 : i32
        %add3A_666 = arith.addi %mul3A_483, %add3A_665 : i32
        %get3A_667 = arith.index_cast %add3A_666 : i32 to index
        %get3A_668 = arith.constant 0 : index
        %get3A_669 = tpu.vector_load %arg14[%get3A_667, %get3A_668] {strides = array<i32>} : memref<40x128xf32, #tpu.memory_space<vmem>>, vector<1x16xf32>,
        %get3A_670 = vector.shape_cast %get3A_669 : vector<1x16xf32> to vector<16xf32>
        %add3A_671 = arith.constant 1 : i32
        %add3A_672 = arith.addi %mul3A_483, %add3A_671 : i32
        %get3A_673 = arith.index_cast %add3A_672 : i32 to index
        %get3A_674 = arith.constant 0 : index
        %get3A_675 = tpu.vector_load %arg11[%get3A_673, %get3A_674] {strides = array<i32>} : memref<40x128xf32, #tpu.memory_space<vmem>>, vector<1x16xf32>,
        %get3A_676 = vector.shape_cast %get3A_675 : vector<1x16xf32> to vector<16xf32>
        %add3A_677 = arith.addf %get3A_670, %get3A_676 : vector<16xf32>
        %max3A_678 = arith.constant 0.000000e+00 : f32
        %max3A_679 = vector.broadcast %max3A_678 : f32 to vector<16xf32>
        %max3A_680 = arith.maximumf %add3A_677, %max3A_679 : vector<16xf32>
        %add3A_681 = arith.constant 1 : i32
        %add3A_682 = arith.addi %mul3A_483, %add3A_681 : i32
        %swap3A_683 = arith.index_cast %add3A_682 : i32 to index
        %swap3A_684 = arith.constant 0 : index
        %swap3A_685 = tpu.vector_load %arg11[%swap3A_683, %swap3A_684] {strides = array<i32>} : memref<40x128xf32, #tpu.memory_space<vmem>>, vector<1x16xf32>,
        %swap3A_686 = vector.shape_cast %swap3A_685 : vector<1x16xf32> to vector<16xf32>
        %swap3A_687 = vector.shape_cast %max3A_680 : vector<16xf32> to vector<1x16xf32>
        tpu.vector_store %arg11[%swap3A_683, %swap3A_684], %swap3A_687 {strides = array<i32>} : memref<40x128xf32, #tpu.memory_space<vmem>>, vector<1x16xf32>,
        %add3A_688 = arith.constant 1 : i32
        %add3A_689 = arith.addi %mul3A_483, %add3A_688 : i32
        %get3A_690 = arith.index_cast %add3A_689 : i32 to index
        %get3A_691 = arith.constant 16 : index
        %get3A_692 = tpu.vector_load %arg14[%get3A_690, %get3A_691] {strides = array<i32>} : memref<40x128xf32, #tpu.memory_space<vmem>>, vector<1x16xf32>,
        %get3A_693 = vector.shape_cast %get3A_692 : vector<1x16xf32> to vector<16xf32>
        %add3A_694 = arith.constant 1 : i32
        %add3A_695 = arith.addi %mul3A_483, %add3A_694 : i32
        %get3A_696 = arith.index_cast %add3A_695 : i32 to index
        %get3A_697 = arith.constant 16 : index
        %get3A_698 = tpu.vector_load %arg11[%get3A_696, %get3A_697] {strides = array<i32>} : memref<40x128xf32, #tpu.memory_space<vmem>>, vector<1x16xf32>,
        %get3A_699 = vector.shape_cast %get3A_698 : vector<1x16xf32> to vector<16xf32>
        %add3A_700 = arith.addf %get3A_693, %get3A_699 : vector<16xf32>
        %max3A_701 = arith.constant 0.000000e+00 : f32
        %max3A_702 = vector.broadcast %max3A_701 : f32 to vector<16xf32>
        %max3A_703 = arith.maximumf %add3A_700, %max3A_702 : vector<16xf32>
        %add3A_704 = arith.constant 1 : i32
        %add3A_705 = arith.addi %mul3A_483, %add3A_704 : i32
        %swap3A_706 = arith.index_cast %add3A_705 : i32 to index
        %swap3A_707 = arith.constant 16 : index
        %swap3A_708 = tpu.vector_load %arg11[%swap3A_706, %swap3A_707] {strides = array<i32>} : memref<40x128xf32, #tpu.memory_space<vmem>>, vector<1x16xf32>,
        %swap3A_709 = vector.shape_cast %swap3A_708 : vector<1x16xf32> to vector<16xf32>
        %swap3A_710 = vector.shape_cast %max3A_703 : vector<16xf32> to vector<1x16xf32>
        tpu.vector_store %arg11[%swap3A_706, %swap3A_707], %swap3A_710 {strides = array<i32>} : memref<40x128xf32, #tpu.memory_space<vmem>>, vector<1x16xf32>,
        %add3A_711 = arith.constant 1 : i32
        %add3A_712 = arith.addi %mul3A_483, %add3A_711 : i32
        %get3A_713 = arith.index_cast %add3A_712 : i32 to index
        %get3A_714 = arith.constant 32 : index
        %get3A_715 = tpu.vector_load %arg14[%get3A_713, %get3A_714] {strides = array<i32>} : memref<40x128xf32, #tpu.memory_space<vmem>>, vector<1x16xf32>,
        %get3A_716 = vector.shape_cast %get3A_715 : vector<1x16xf32> to vector<16xf32>
        %add3A_717 = arith.constant 1 : i32
        %add3A_718 = arith.addi %mul3A_483, %add3A_717 : i32
        %get3A_719 = arith.index_cast %add3A_718 : i32 to index
        %get3A_720 = arith.constant 32 : index
        %get3A_721 = tpu.vector_load %arg11[%get3A_719, %get3A_720] {strides = array<i32>} : memref<40x128xf32, #tpu.memory_space<vmem>>, vector<1x16xf32>,
        %get3A_722 = vector.shape_cast %get3A_721 : vector<1x16xf32> to vector<16xf32>
        %add3A_723 = arith.addf %get3A_716, %get3A_722 : vector<16xf32>
        %max3A_724 = arith.constant 0.000000e+00 : f32
        %max3A_725 = vector.broadcast %max3A_724 : f32 to vector<16xf32>
        %max3A_726 = arith.maximumf %add3A_723, %max3A_725 : vector<16xf32>
        %add3A_727 = arith.constant 1 : i32
        %add3A_728 = arith.addi %mul3A_483, %add3A_727 : i32
        %swap3A_729 = arith.index_cast %add3A_728 : i32 to index
        %swap3A_730 = arith.constant 32 : index
        %swap3A_731 = tpu.vector_load %arg11[%swap3A_729, %swap3A_730] {strides = array<i32>} : memref<40x128xf32, #tpu.memory_space<vmem>>, vector<1x16xf32>,
        %swap3A_732 = vector.shape_cast %swap3A_731 : vector<1x16xf32> to vector<16xf32>
        %swap3A_733 = vector.shape_cast %max3A_726 : vector<16xf32> to vector<1x16xf32>
        tpu.vector_store %arg11[%swap3A_729, %swap3A_730], %swap3A_733 {strides = array<i32>} : memref<40x128xf32, #tpu.memory_space<vmem>>, vector<1x16xf32>,
        %add3A_734 = arith.constant 1 : i32
        %add3A_735 = arith.addi %mul3A_483, %add3A_734 : i32
        %get3A_736 = arith.index_cast %add3A_735 : i32 to index
        %get3A_737 = arith.constant 48 : index
        %get3A_738 = tpu.vector_load %arg14[%get3A_736, %get3A_737] {strides = array<i32>} : memref<40x128xf32, #tpu.memory_space<vmem>>, vector<1x16xf32>,
        %get3A_739 = vector.shape_cast %get3A_738 : vector<1x16xf32> to vector<16xf32>
        %add3A_740 = arith.constant 1 : i32
        %add3A_741 = arith.addi %mul3A_483, %add3A_740 : i32
        %get3A_742 = arith.index_cast %add3A_741 : i32 to index
        %get3A_743 = arith.constant 48 : index
        %get3A_744 = tpu.vector_load %arg11[%get3A_742, %get3A_743] {strides = array<i32>} : memref<40x128xf32, #tpu.memory_space<vmem>>, vector<1x16xf32>,
        %get3A_745 = vector.shape_cast %get3A_744 : vector<1x16xf32> to vector<16xf32>
        %add3A_746 = arith.addf %get3A_739, %get3A_745 : vector<16xf32>
        %max3A_747 = arith.constant 0.000000e+00 : f32
        %max3A_748 = vector.broadcast %max3A_747 : f32 to vector<16xf32>
        %max3A_749 = arith.maximumf %add3A_746, %max3A_748 : vector<16xf32>
        %add3A_750 = arith.constant 1 : i32
        %add3A_751 = arith.addi %mul3A_483, %add3A_750 : i32
        %swap3A_752 = arith.index_cast %add3A_751 : i32 to index
        %swap3A_753 = arith.constant 48 : index
        %swap3A_754 = tpu.vector_load %arg11[%swap3A_752, %swap3A_753] {strides = array<i32>} : memref<40x128xf32, #tpu.memory_space<vmem>>, vector<1x16xf32>,
        %swap3A_755 = vector.shape_cast %swap3A_754 : vector<1x16xf32> to vector<16xf32>
        %swap3A_756 = vector.shape_cast %max3A_749 : vector<16xf32> to vector<1x16xf32>
        tpu.vector_store %arg11[%swap3A_752, %swap3A_753], %swap3A_756 {strides = array<i32>} : memref<40x128xf32, #tpu.memory_space<vmem>>, vector<1x16xf32>,
        %add3A_757 = arith.constant 1 : i32
        %add3A_758 = arith.addi %mul3A_483, %add3A_757 : i32
        %get3A_759 = arith.index_cast %add3A_758 : i32 to index
        %get3A_760 = arith.constant 64 : index
        %get3A_761 = tpu.vector_load %arg14[%get3A_759, %get3A_760] {strides = array<i32>} : memref<40x128xf32, #tpu.memory_space<vmem>>, vector<1x16xf32>,
        %get3A_762 = vector.shape_cast %get3A_761 : vector<1x16xf32> to vector<16xf32>
        %add3A_763 = arith.constant 1 : i32
        %add3A_764 = arith.addi %mul3A_483, %add3A_763 : i32
        %get3A_765 = arith.index_cast %add3A_764 : i32 to index
        %get3A_766 = arith.constant 64 : index
        %get3A_767 = tpu.vector_load %arg11[%get3A_765, %get3A_766] {strides = array<i32>} : memref<40x128xf32, #tpu.memory_space<vmem>>, vector<1x16xf32>,
        %get3A_768 = vector.shape_cast %get3A_767 : vector<1x16xf32> to vector<16xf32>
        %add3A_769 = arith.addf %get3A_762, %get3A_768 : vector<16xf32>
        %max3A_770 = arith.constant 0.000000e+00 : f32
        %max3A_771 = vector.broadcast %max3A_770 : f32 to vector<16xf32>
        %max3A_772 = arith.maximumf %add3A_769, %max3A_771 : vector<16xf32>
        %add3A_773 = arith.constant 1 : i32
        %add3A_774 = arith.addi %mul3A_483, %add3A_773 : i32
        %swap3A_775 = arith.index_cast %add3A_774 : i32 to index
        %swap3A_776 = arith.constant 64 : index
        %swap3A_777 = tpu.vector_load %arg11[%swap3A_775, %swap3A_776] {strides = array<i32>} : memref<40x128xf32, #tpu.memory_space<vmem>>, vector<1x16xf32>,
        %swap3A_778 = vector.shape_cast %swap3A_777 : vector<1x16xf32> to vector<16xf32>
        %swap3A_779 = vector.shape_cast %max3A_772 : vector<16xf32> to vector<1x16xf32>
        tpu.vector_store %arg11[%swap3A_775, %swap3A_776], %swap3A_779 {strides = array<i32>} : memref<40x128xf32, #tpu.memory_space<vmem>>, vector<1x16xf32>,
        %add3A_780 = arith.constant 1 : i32
        %add3A_781 = arith.addi %mul3A_483, %add3A_780 : i32
        %get3A_782 = arith.index_cast %add3A_781 : i32 to index
        %get3A_783 = arith.constant 80 : index
        %get3A_784 = tpu.vector_load %arg14[%get3A_782, %get3A_783] {strides = array<i32>} : memref<40x128xf32, #tpu.memory_space<vmem>>, vector<1x16xf32>,
        %get3A_785 = vector.shape_cast %get3A_784 : vector<1x16xf32> to vector<16xf32>
        %add3A_786 = arith.constant 1 : i32
        %add3A_787 = arith.addi %mul3A_483, %add3A_786 : i32
        %get3A_788 = arith.index_cast %add3A_787 : i32 to index
        %get3A_789 = arith.constant 80 : index
        %get3A_790 = tpu.vector_load %arg11[%get3A_788, %get3A_789] {strides = array<i32>} : memref<40x128xf32, #tpu.memory_space<vmem>>, vector<1x16xf32>,
        %get3A_791 = vector.shape_cast %get3A_790 : vector<1x16xf32> to vector<16xf32>
        %add3A_792 = arith.addf %get3A_785, %get3A_791 : vector<16xf32>
        %max3A_793 = arith.constant 0.000000e+00 : f32
        %max3A_794 = vector.broadcast %max3A_793 : f32 to vector<16xf32>
        %max3A_795 = arith.maximumf %add3A_792, %max3A_794 : vector<16xf32>
        %add3A_796 = arith.constant 1 : i32
        %add3A_797 = arith.addi %mul3A_483, %add3A_796 : i32
        %swap3A_798 = arith.index_cast %add3A_797 : i32 to index
        %swap3A_799 = arith.constant 80 : index
        %swap3A_800 = tpu.vector_load %arg11[%swap3A_798, %swap3A_799] {strides = array<i32>} : memref<40x128xf32, #tpu.memory_space<vmem>>, vector<1x16xf32>,
        %swap3A_801 = vector.shape_cast %swap3A_800 : vector<1x16xf32> to vector<16xf32>
        %swap3A_802 = vector.shape_cast %max3A_795 : vector<16xf32> to vector<1x16xf32>
        tpu.vector_store %arg11[%swap3A_798, %swap3A_799], %swap3A_802 {strides = array<i32>} : memref<40x128xf32, #tpu.memory_space<vmem>>, vector<1x16xf32>,
        %add3A_803 = arith.constant 1 : i32
        %add3A_804 = arith.addi %mul3A_483, %add3A_803 : i32
        %get3A_805 = arith.index_cast %add3A_804 : i32 to index
        %get3A_806 = arith.constant 96 : index
        %get3A_807 = tpu.vector_load %arg14[%get3A_805, %get3A_806] {strides = array<i32>} : memref<40x128xf32, #tpu.memory_space<vmem>>, vector<1x16xf32>,
        %get3A_808 = vector.shape_cast %get3A_807 : vector<1x16xf32> to vector<16xf32>
        %add3A_809 = arith.constant 1 : i32
        %add3A_810 = arith.addi %mul3A_483, %add3A_809 : i32
        %get3A_811 = arith.index_cast %add3A_810 : i32 to index
        %get3A_812 = arith.constant 96 : index
        %get3A_813 = tpu.vector_load %arg11[%get3A_811, %get3A_812] {strides = array<i32>} : memref<40x128xf32, #tpu.memory_space<vmem>>, vector<1x16xf32>,
        %get3A_814 = vector.shape_cast %get3A_813 : vector<1x16xf32> to vector<16xf32>
        %add3A_815 = arith.addf %get3A_808, %get3A_814 : vector<16xf32>
        %max3A_816 = arith.constant 0.000000e+00 : f32
        %max3A_817 = vector.broadcast %max3A_816 : f32 to vector<16xf32>
        %max3A_818 = arith.maximumf %add3A_815, %max3A_817 : vector<16xf32>
        %add3A_819 = arith.constant 1 : i32
        %add3A_820 = arith.addi %mul3A_483, %add3A_819 : i32
        %swap3A_821 = arith.index_cast %add3A_820 : i32 to index
        %swap3A_822 = arith.constant 96 : index
        %swap3A_823 = tpu.vector_load %arg11[%swap3A_821, %swap3A_822] {strides = array<i32>} : memref<40x128xf32, #tpu.memory_space<vmem>>, vector<1x16xf32>,
        %swap3A_824 = vector.shape_cast %swap3A_823 : vector<1x16xf32> to vector<16xf32>
        %swap3A_825 = vector.shape_cast %max3A_818 : vector<16xf32> to vector<1x16xf32>
        tpu.vector_store %arg11[%swap3A_821, %swap3A_822], %swap3A_825 {strides = array<i32>} : memref<40x128xf32, #tpu.memory_space<vmem>>, vector<1x16xf32>,
        %add3A_826 = arith.constant 1 : i32
        %add3A_827 = arith.addi %mul3A_483, %add3A_826 : i32
        %get3A_828 = arith.index_cast %add3A_827 : i32 to index
        %get3A_829 = arith.constant 112 : index
        %get3A_830 = tpu.vector_load %arg14[%get3A_828, %get3A_829] {strides = array<i32>} : memref<40x128xf32, #tpu.memory_space<vmem>>, vector<1x16xf32>,
        %get3A_831 = vector.shape_cast %get3A_830 : vector<1x16xf32> to vector<16xf32>
        %add3A_832 = arith.constant 1 : i32
        %add3A_833 = arith.addi %mul3A_483, %add3A_832 : i32
        %get3A_834 = arith.index_cast %add3A_833 : i32 to index
        %get3A_835 = arith.constant 112 : index
        %get3A_836 = tpu.vector_load %arg11[%get3A_834, %get3A_835] {strides = array<i32>} : memref<40x128xf32, #tpu.memory_space<vmem>>, vector<1x16xf32>,
        %get3A_837 = vector.shape_cast %get3A_836 : vector<1x16xf32> to vector<16xf32>
        %add3A_838 = arith.addf %get3A_831, %get3A_837 : vector<16xf32>
        %max3A_839 = arith.constant 0.000000e+00 : f32
        %max3A_840 = vector.broadcast %max3A_839 : f32 to vector<16xf32>
        %max3A_841 = arith.maximumf %add3A_838, %max3A_840 : vector<16xf32>
        %add3A_842 = arith.constant 1 : i32
        %add3A_843 = arith.addi %mul3A_483, %add3A_842 : i32
        %swap3A_844 = arith.index_cast %add3A_843 : i32 to index
        %swap3A_845 = arith.constant 112 : index
        %swap3A_846 = tpu.vector_load %arg11[%swap3A_844, %swap3A_845] {strides = array<i32>} : memref<40x128xf32, #tpu.memory_space<vmem>>, vector<1x16xf32>,
        %swap3A_847 = vector.shape_cast %swap3A_846 : vector<1x16xf32> to vector<16xf32>
        %swap3A_848 = vector.shape_cast %max3A_841 : vector<16xf32> to vector<1x16xf32>
        tpu.vector_store %arg11[%swap3A_844, %swap3A_845], %swap3A_848 {strides = array<i32>} : memref<40x128xf32, #tpu.memory_space<vmem>>, vector<1x16xf32>,
        %add3A_849 = arith.constant 2 : i32
        %add3A_850 = arith.addi %mul3A_483, %add3A_849 : i32
        %get3A_851 = arith.index_cast %add3A_850 : i32 to index
        %get3A_852 = arith.constant 0 : index
        %get3A_853 = tpu.vector_load %arg14[%get3A_851, %get3A_852] {strides = array<i32>} : memref<40x128xf32, #tpu.memory_space<vmem>>, vector<1x16xf32>,
        %get3A_854 = vector.shape_cast %get3A_853 : vector<1x16xf32> to vector<16xf32>
        %add3A_855 = arith.constant 2 : i32
        %add3A_856 = arith.addi %mul3A_483, %add3A_855 : i32
        %get3A_857 = arith.index_cast %add3A_856 : i32 to index
        %get3A_858 = arith.constant 0 : index
        %get3A_859 = tpu.vector_load %arg11[%get3A_857, %get3A_858] {strides = array<i32>} : memref<40x128xf32, #tpu.memory_space<vmem>>, vector<1x16xf32>,
        %get3A_860 = vector.shape_cast %get3A_859 : vector<1x16xf32> to vector<16xf32>
        %add3A_861 = arith.addf %get3A_854, %get3A_860 : vector<16xf32>
        %max3A_862 = arith.constant 0.000000e+00 : f32
        %max3A_863 = vector.broadcast %max3A_862 : f32 to vector<16xf32>
        %max3A_864 = arith.maximumf %add3A_861, %max3A_863 : vector<16xf32>
        %add3A_865 = arith.constant 2 : i32
        %add3A_866 = arith.addi %mul3A_483, %add3A_865 : i32
        %swap3A_867 = arith.index_cast %add3A_866 : i32 to index
        %swap3A_868 = arith.constant 0 : index
        %swap3A_869 = tpu.vector_load %arg11[%swap3A_867, %swap3A_868] {strides = array<i32>} : memref<40x128xf32, #tpu.memory_space<vmem>>, vector<1x16xf32>,
        %swap3A_870 = vector.shape_cast %swap3A_869 : vector<1x16xf32> to vector<16xf32>
        %swap3A_871 = vector.shape_cast %max3A_864 : vector<16xf32> to vector<1x16xf32>
        tpu.vector_store %arg11[%swap3A_867, %swap3A_868], %swap3A_871 {strides = array<i32>} : memref<40x128xf32, #tpu.memory_space<vmem>>, vector<1x16xf32>,
        %add3A_872 = arith.constant 2 : i32
        %add3A_873 = arith.addi %mul3A_483, %add3A_872 : i32
        %get3A_874 = arith.index_cast %add3A_873 : i32 to index
        %get3A_875 = arith.constant 16 : index
        %get3A_876 = tpu.vector_load %arg14[%get3A_874, %get3A_875] {strides = array<i32>} : memref<40x128xf32, #tpu.memory_space<vmem>>, vector<1x16xf32>,
        %get3A_877 = vector.shape_cast %get3A_876 : vector<1x16xf32> to vector<16xf32>
        %add3A_878 = arith.constant 2 : i32
        %add3A_879 = arith.addi %mul3A_483, %add3A_878 : i32
        %get3A_880 = arith.index_cast %add3A_879 : i32 to index
        %get3A_881 = arith.constant 16 : index
        %get3A_882 = tpu.vector_load %arg11[%get3A_880, %get3A_881] {strides = array<i32>} : memref<40x128xf32, #tpu.memory_space<vmem>>, vector<1x16xf32>,
        %get3A_883 = vector.shape_cast %get3A_882 : vector<1x16xf32> to vector<16xf32>
        %add3A_884 = arith.addf %get3A_877, %get3A_883 : vector<16xf32>
        %max3A_885 = arith.constant 0.000000e+00 : f32
        %max3A_886 = vector.broadcast %max3A_885 : f32 to vector<16xf32>
        %max3A_887 = arith.maximumf %add3A_884, %max3A_886 : vector<16xf32>
        %add3A_888 = arith.constant 2 : i32
        %add3A_889 = arith.addi %mul3A_483, %add3A_888 : i32
        %swap3A_890 = arith.index_cast %add3A_889 : i32 to index
        %swap3A_891 = arith.constant 16 : index
        %swap3A_892 = tpu.vector_load %arg11[%swap3A_890, %swap3A_891] {strides = array<i32>} : memref<40x128xf32, #tpu.memory_space<vmem>>, vector<1x16xf32>,
        %swap3A_893 = vector.shape_cast %swap3A_892 : vector<1x16xf32> to vector<16xf32>
        %swap3A_894 = vector.shape_cast %max3A_887 : vector<16xf32> to vector<1x16xf32>
        tpu.vector_store %arg11[%swap3A_890, %swap3A_891], %swap3A_894 {strides = array<i32>} : memref<40x128xf32, #tpu.memory_space<vmem>>, vector<1x16xf32>,
        %add3A_895 = arith.constant 2 : i32
        %add3A_896 = arith.addi %mul3A_483, %add3A_895 : i32
        %get3A_897 = arith.index_cast %add3A_896 : i32 to index
        %get3A_898 = arith.constant 32 : index
        %get3A_899 = tpu.vector_load %arg14[%get3A_897, %get3A_898] {strides = array<i32>} : memref<40x128xf32, #tpu.memory_space<vmem>>, vector<1x16xf32>,
        %get3A_900 = vector.shape_cast %get3A_899 : vector<1x16xf32> to vector<16xf32>
        %add3A_901 = arith.constant 2 : i32
        %add3A_902 = arith.addi %mul3A_483, %add3A_901 : i32
        %get3A_903 = arith.index_cast %add3A_902 : i32 to index
        %get3A_904 = arith.constant 32 : index
        %get3A_905 = tpu.vector_load %arg11[%get3A_903, %get3A_904] {strides = array<i32>} : memref<40x128xf32, #tpu.memory_space<vmem>>, vector<1x16xf32>,
        %get3A_906 = vector.shape_cast %get3A_905 : vector<1x16xf32> to vector<16xf32>
        %add3A_907 = arith.addf %get3A_900, %get3A_906 : vector<16xf32>
        %max3A_908 = arith.constant 0.000000e+00 : f32
        %max3A_909 = vector.broadcast %max3A_908 : f32 to vector<16xf32>
        %max3A_910 = arith.maximumf %add3A_907, %max3A_909 : vector<16xf32>
        %add3A_911 = arith.constant 2 : i32
        %add3A_912 = arith.addi %mul3A_483, %add3A_911 : i32
        %swap3A_913 = arith.index_cast %add3A_912 : i32 to index
        %swap3A_914 = arith.constant 32 : index
        %swap3A_915 = tpu.vector_load %arg11[%swap3A_913, %swap3A_914] {strides = array<i32>} : memref<40x128xf32, #tpu.memory_space<vmem>>, vector<1x16xf32>,
        %swap3A_916 = vector.shape_cast %swap3A_915 : vector<1x16xf32> to vector<16xf32>
        %swap3A_917 = vector.shape_cast %max3A_910 : vector<16xf32> to vector<1x16xf32>
        tpu.vector_store %arg11[%swap3A_913, %swap3A_914], %swap3A_917 {strides = array<i32>} : memref<40x128xf32, #tpu.memory_space<vmem>>, vector<1x16xf32>,
        %add3A_918 = arith.constant 2 : i32
        %add3A_919 = arith.addi %mul3A_483, %add3A_918 : i32
        %get3A_920 = arith.index_cast %add3A_919 : i32 to index
        %get3A_921 = arith.constant 48 : index
        %get3A_922 = tpu.vector_load %arg14[%get3A_920, %get3A_921] {strides = array<i32>} : memref<40x128xf32, #tpu.memory_space<vmem>>, vector<1x16xf32>,
        %get3A_923 = vector.shape_cast %get3A_922 : vector<1x16xf32> to vector<16xf32>
        %add3A_924 = arith.constant 2 : i32
        %add3A_925 = arith.addi %mul3A_483, %add3A_924 : i32
        %get3A_926 = arith.index_cast %add3A_925 : i32 to index
        %get3A_927 = arith.constant 48 : index
        %get3A_928 = tpu.vector_load %arg11[%get3A_926, %get3A_927] {strides = array<i32>} : memref<40x128xf32, #tpu.memory_space<vmem>>, vector<1x16xf32>,
        %get3A_929 = vector.shape_cast %get3A_928 : vector<1x16xf32> to vector<16xf32>
        %add3A_930 = arith.addf %get3A_923, %get3A_929 : vector<16xf32>
        %max3A_931 = arith.constant 0.000000e+00 : f32
        %max3A_932 = vector.broadcast %max3A_931 : f32 to vector<16xf32>
        %max3A_933 = arith.maximumf %add3A_930, %max3A_932 : vector<16xf32>
        %add3A_934 = arith.constant 2 : i32
        %add3A_935 = arith.addi %mul3A_483, %add3A_934 : i32
        %swap3A_936 = arith.index_cast %add3A_935 : i32 to index
        %swap3A_937 = arith.constant 48 : index
        %swap3A_938 = tpu.vector_load %arg11[%swap3A_936, %swap3A_937] {strides = array<i32>} : memref<40x128xf32, #tpu.memory_space<vmem>>, vector<1x16xf32>,
        %swap3A_939 = vector.shape_cast %swap3A_938 : vector<1x16xf32> to vector<16xf32>
        %swap3A_940 = vector.shape_cast %max3A_933 : vector<16xf32> to vector<1x16xf32>
        tpu.vector_store %arg11[%swap3A_936, %swap3A_937], %swap3A_940 {strides = array<i32>} : memref<40x128xf32, #tpu.memory_space<vmem>>, vector<1x16xf32>,
        %add3A_941 = arith.constant 2 : i32
        %add3A_942 = arith.addi %mul3A_483, %add3A_941 : i32
        %get3A_943 = arith.index_cast %add3A_942 : i32 to index
        %get3A_944 = arith.constant 64 : index
        %get3A_945 = tpu.vector_load %arg14[%get3A_943, %get3A_944] {strides = array<i32>} : memref<40x128xf32, #tpu.memory_space<vmem>>, vector<1x16xf32>,
        %get3A_946 = vector.shape_cast %get3A_945 : vector<1x16xf32> to vector<16xf32>
        %add3A_947 = arith.constant 2 : i32
        %add3A_948 = arith.addi %mul3A_483, %add3A_947 : i32
        %get3A_949 = arith.index_cast %add3A_948 : i32 to index
        %get3A_950 = arith.constant 64 : index
        %get3A_951 = tpu.vector_load %arg11[%get3A_949, %get3A_950] {strides = array<i32>} : memref<40x128xf32, #tpu.memory_space<vmem>>, vector<1x16xf32>,
        %get3A_952 = vector.shape_cast %get3A_951 : vector<1x16xf32> to vector<16xf32>
        %add3A_953 = arith.addf %get3A_946, %get3A_952 : vector<16xf32>
        %max3A_954 = arith.constant 0.000000e+00 : f32
        %max3A_955 = vector.broadcast %max3A_954 : f32 to vector<16xf32>
        %max3A_956 = arith.maximumf %add3A_953, %max3A_955 : vector<16xf32>
        %add3A_957 = arith.constant 2 : i32
        %add3A_958 = arith.addi %mul3A_483, %add3A_957 : i32
        %swap3A_959 = arith.index_cast %add3A_958 : i32 to index
        %swap3A_960 = arith.constant 64 : index
        %swap3A_961 = tpu.vector_load %arg11[%swap3A_959, %swap3A_960] {strides = array<i32>} : memref<40x128xf32, #tpu.memory_space<vmem>>, vector<1x16xf32>,
        %swap3A_962 = vector.shape_cast %swap3A_961 : vector<1x16xf32> to vector<16xf32>
        %swap3A_963 = vector.shape_cast %max3A_956 : vector<16xf32> to vector<1x16xf32>
        tpu.vector_store %arg11[%swap3A_959, %swap3A_960], %swap3A_963 {strides = array<i32>} : memref<40x128xf32, #tpu.memory_space<vmem>>, vector<1x16xf32>,
        %add3A_964 = arith.constant 2 : i32
        %add3A_965 = arith.addi %mul3A_483, %add3A_964 : i32
        %get3A_966 = arith.index_cast %add3A_965 : i32 to index
        %get3A_967 = arith.constant 80 : index
        %get3A_968 = tpu.vector_load %arg14[%get3A_966, %get3A_967] {strides = array<i32>} : memref<40x128xf32, #tpu.memory_space<vmem>>, vector<1x16xf32>,
        %get3A_969 = vector.shape_cast %get3A_968 : vector<1x16xf32> to vector<16xf32>
        %add3A_970 = arith.constant 2 : i32
        %add3A_971 = arith.addi %mul3A_483, %add3A_970 : i32
        %get3A_972 = arith.index_cast %add3A_971 : i32 to index
        %get3A_973 = arith.constant 80 : index
        %get3A_974 = tpu.vector_load %arg11[%get3A_972, %get3A_973] {strides = array<i32>} : memref<40x128xf32, #tpu.memory_space<vmem>>, vector<1x16xf32>,
        %get3A_975 = vector.shape_cast %get3A_974 : vector<1x16xf32> to vector<16xf32>
        %add3A_976 = arith.addf %get3A_969, %get3A_975 : vector<16xf32>
        %max3A_977 = arith.constant 0.000000e+00 : f32
        %max3A_978 = vector.broadcast %max3A_977 : f32 to vector<16xf32>
        %max3A_979 = arith.maximumf %add3A_976, %max3A_978 : vector<16xf32>
        %add3A_980 = arith.constant 2 : i32
        %add3A_981 = arith.addi %mul3A_483, %add3A_980 : i32
        %swap3A_982 = arith.index_cast %add3A_981 : i32 to index
        %swap3A_983 = arith.constant 80 : index
        %swap3A_984 = tpu.vector_load %arg11[%swap3A_982, %swap3A_983] {strides = array<i32>} : memref<40x128xf32, #tpu.memory_space<vmem>>, vector<1x16xf32>,
        %swap3A_985 = vector.shape_cast %swap3A_984 : vector<1x16xf32> to vector<16xf32>
        %swap3A_986 = vector.shape_cast %max3A_979 : vector<16xf32> to vector<1x16xf32>
        tpu.vector_store %arg11[%swap3A_982, %swap3A_983], %swap3A_986 {strides = array<i32>} : memref<40x128xf32, #tpu.memory_space<vmem>>, vector<1x16xf32>,
        %add3A_987 = arith.constant 2 : i32
        %add3A_988 = arith.addi %mul3A_483, %add3A_987 : i32
        %get3A_989 = arith.index_cast %add3A_988 : i32 to index
        %get3A_990 = arith.constant 96 : index
        %get3A_991 = tpu.vector_load %arg14[%get3A_989, %get3A_990] {strides = array<i32>} : memref<40x128xf32, #tpu.memory_space<vmem>>, vector<1x16xf32>,
        %get3A_992 = vector.shape_cast %get3A_991 : vector<1x16xf32> to vector<16xf32>
        %add3A_993 = arith.constant 2 : i32
        %add3A_994 = arith.addi %mul3A_483, %add3A_993 : i32
        %get3A_995 = arith.index_cast %add3A_994 : i32 to index
        %get3A_996 = arith.constant 96 : index
        %get3A_997 = tpu.vector_load %arg11[%get3A_995, %get3A_996] {strides = array<i32>} : memref<40x128xf32, #tpu.memory_space<vmem>>, vector<1x16xf32>,
        %get3A_998 = vector.shape_cast %get3A_997 : vector<1x16xf32> to vector<16xf32>
        %add3A_999 = arith.addf %get3A_992, %get3A_998 : vector<16xf32>
        %max3A_1000 = arith.constant 0.000000e+00 : f32
        %max3A_1001 = vector.broadcast %max3A_1000 : f32 to vector<16xf32>
        %max3A_1002 = arith.maximumf %add3A_999, %max3A_1001 : vector<16xf32>
        %add3A_1003 = arith.constant 2 : i32
        %add3A_1004 = arith.addi %mul3A_483, %add3A_1003 : i32
        %swap3A_1005 = arith.index_cast %add3A_1004 : i32 to index
        %swap3A_1006 = arith.constant 96 : index
        %swap3A_1007 = tpu.vector_load %arg11[%swap3A_1005, %swap3A_1006] {strides = array<i32>} : memref<40x128xf32, #tpu.memory_space<vmem>>, vector<1x16xf32>,
        %swap3A_1008 = vector.shape_cast %swap3A_1007 : vector<1x16xf32> to vector<16xf32>
        %swap3A_1009 = vector.shape_cast %max3A_1002 : vector<16xf32> to vector<1x16xf32>
        tpu.vector_store %arg11[%swap3A_1005, %swap3A_1006], %swap3A_1009 {strides = array<i32>} : memref<40x128xf32, #tpu.memory_space<vmem>>, vector<1x16xf32>,
        %add3A_1010 = arith.constant 2 : i32
        %add3A_1011 = arith.addi %mul3A_483, %add3A_1010 : i32
        %get3A_1012 = arith.index_cast %add3A_1011 : i32 to index
        %get3A_1013 = arith.constant 112 : index
        %get3A_1014 = tpu.vector_load %arg14[%get3A_1012, %get3A_1013] {strides = array<i32>} : memref<40x128xf32, #tpu.memory_space<vmem>>, vector<1x16xf32>,
        %get3A_1015 = vector.shape_cast %get3A_1014 : vector<1x16xf32> to vector<16xf32>
        %add3A_1016 = arith.constant 2 : i32
        %add3A_1017 = arith.addi %mul3A_483, %add3A_1016 : i32
        %get3A_1018 = arith.index_cast %add3A_1017 : i32 to index
        %get3A_1019 = arith.constant 112 : index
        %get3A_1020 = tpu.vector_load %arg11[%get3A_1018, %get3A_1019] {strides = array<i32>} : memref<40x128xf32, #tpu.memory_space<vmem>>, vector<1x16xf32>,
        %get3A_1021 = vector.shape_cast %get3A_1020 : vector<1x16xf32> to vector<16xf32>
        %add3A_1022 = arith.addf %get3A_1015, %get3A_1021 : vector<16xf32>
        %max3A_1023 = arith.constant 0.000000e+00 : f32
        %max3A_1024 = vector.broadcast %max3A_1023 : f32 to vector<16xf32>
        %max3A_1025 = arith.maximumf %add3A_1022, %max3A_1024 : vector<16xf32>
        %add3A_1026 = arith.constant 2 : i32
        %add3A_1027 = arith.addi %mul3A_483, %add3A_1026 : i32
        %swap3A_1028 = arith.index_cast %add3A_1027 : i32 to index
        %swap3A_1029 = arith.constant 112 : index
        %swap3A_1030 = tpu.vector_load %arg11[%swap3A_1028, %swap3A_1029] {strides = array<i32>} : memref<40x128xf32, #tpu.memory_space<vmem>>, vector<1x16xf32>,
        %swap3A_1031 = vector.shape_cast %swap3A_1030 : vector<1x16xf32> to vector<16xf32>
        %swap3A_1032 = vector.shape_cast %max3A_1025 : vector<16xf32> to vector<1x16xf32>
        tpu.vector_store %arg11[%swap3A_1028, %swap3A_1029], %swap3A_1032 {strides = array<i32>} : memref<40x128xf32, #tpu.memory_space<vmem>>, vector<1x16xf32>,
        %add3A_1033 = arith.constant 3 : i32
        %add3A_1034 = arith.addi %mul3A_483, %add3A_1033 : i32
        %get3A_1035 = arith.index_cast %add3A_1034 : i32 to index
        %get3A_1036 = arith.constant 0 : index
        %get3A_1037 = tpu.vector_load %arg14[%get3A_1035, %get3A_1036] {strides = array<i32>} : memref<40x128xf32, #tpu.memory_space<vmem>>, vector<1x16xf32>,
        %get3A_1038 = vector.shape_cast %get3A_1037 : vector<1x16xf32> to vector<16xf32>
        %add3A_1039 = arith.constant 3 : i32
        %add3A_1040 = arith.addi %mul3A_483, %add3A_1039 : i32
        %get3A_1041 = arith.index_cast %add3A_1040 : i32 to index
        %get3A_1042 = arith.constant 0 : index
        %get3A_1043 = tpu.vector_load %arg11[%get3A_1041, %get3A_1042] {strides = array<i32>} : memref<40x128xf32, #tpu.memory_space<vmem>>, vector<1x16xf32>,
        %get3A_1044 = vector.shape_cast %get3A_1043 : vector<1x16xf32> to vector<16xf32>
        %add3A_1045 = arith.addf %get3A_1038, %get3A_1044 : vector<16xf32>
        %max3A_1046 = arith.constant 0.000000e+00 : f32
        %max3A_1047 = vector.broadcast %max3A_1046 : f32 to vector<16xf32>
        %max3A_1048 = arith.maximumf %add3A_1045, %max3A_1047 : vector<16xf32>
        %add3A_1049 = arith.constant 3 : i32
        %add3A_1050 = arith.addi %mul3A_483, %add3A_1049 : i32
        %swap3A_1051 = arith.index_cast %add3A_1050 : i32 to index
        %swap3A_1052 = arith.constant 0 : index
        %swap3A_1053 = tpu.vector_load %arg11[%swap3A_1051, %swap3A_1052] {strides = array<i32>} : memref<40x128xf32, #tpu.memory_space<vmem>>, vector<1x16xf32>,
        %swap3A_1054 = vector.shape_cast %swap3A_1053 : vector<1x16xf32> to vector<16xf32>
        %swap3A_1055 = vector.shape_cast %max3A_1048 : vector<16xf32> to vector<1x16xf32>
        tpu.vector_store %arg11[%swap3A_1051, %swap3A_1052], %swap3A_1055 {strides = array<i32>} : memref<40x128xf32, #tpu.memory_space<vmem>>, vector<1x16xf32>,
        %add3A_1056 = arith.constant 3 : i32
        %add3A_1057 = arith.addi %mul3A_483, %add3A_1056 : i32
        %get3A_1058 = arith.index_cast %add3A_1057 : i32 to index
        %get3A_1059 = arith.constant 16 : index
        %get3A_1060 = tpu.vector_load %arg14[%get3A_1058, %get3A_1059] {strides = array<i32>} : memref<40x128xf32, #tpu.memory_space<vmem>>, vector<1x16xf32>,
        %get3A_1061 = vector.shape_cast %get3A_1060 : vector<1x16xf32> to vector<16xf32>
        %add3A_1062 = arith.constant 3 : i32
        %add3A_1063 = arith.addi %mul3A_483, %add3A_1062 : i32
        %get3A_1064 = arith.index_cast %add3A_1063 : i32 to index
        %get3A_1065 = arith.constant 16 : index
        %get3A_1066 = tpu.vector_load %arg11[%get3A_1064, %get3A_1065] {strides = array<i32>} : memref<40x128xf32, #tpu.memory_space<vmem>>, vector<1x16xf32>,
        %get3A_1067 = vector.shape_cast %get3A_1066 : vector<1x16xf32> to vector<16xf32>
        %add3A_1068 = arith.addf %get3A_1061, %get3A_1067 : vector<16xf32>
        %max3A_1069 = arith.constant 0.000000e+00 : f32
        %max3A_1070 = vector.broadcast %max3A_1069 : f32 to vector<16xf32>
        %max3A_1071 = arith.maximumf %add3A_1068, %max3A_1070 : vector<16xf32>
        %add3A_1072 = arith.constant 3 : i32
        %add3A_1073 = arith.addi %mul3A_483, %add3A_1072 : i32
        %swap3A_1074 = arith.index_cast %add3A_1073 : i32 to index
        %swap3A_1075 = arith.constant 16 : index
        %swap3A_1076 = tpu.vector_load %arg11[%swap3A_1074, %swap3A_1075] {strides = array<i32>} : memref<40x128xf32, #tpu.memory_space<vmem>>, vector<1x16xf32>,
        %swap3A_1077 = vector.shape_cast %swap3A_1076 : vector<1x16xf32> to vector<16xf32>
        %swap3A_1078 = vector.shape_cast %max3A_1071 : vector<16xf32> to vector<1x16xf32>
        tpu.vector_store %arg11[%swap3A_1074, %swap3A_1075], %swap3A_1078 {strides = array<i32>} : memref<40x128xf32, #tpu.memory_space<vmem>>, vector<1x16xf32>,
        %add3A_1079 = arith.constant 3 : i32
        %add3A_1080 = arith.addi %mul3A_483, %add3A_1079 : i32
        %get3A_1081 = arith.index_cast %add3A_1080 : i32 to index
        %get3A_1082 = arith.constant 32 : index
        %get3A_1083 = tpu.vector_load %arg14[%get3A_1081, %get3A_1082] {strides = array<i32>} : memref<40x128xf32, #tpu.memory_space<vmem>>, vector<1x16xf32>,
        %get3A_1084 = vector.shape_cast %get3A_1083 : vector<1x16xf32> to vector<16xf32>
        %add3A_1085 = arith.constant 3 : i32
        %add3A_1086 = arith.addi %mul3A_483, %add3A_1085 : i32
        %get3A_1087 = arith.index_cast %add3A_1086 : i32 to index
        %get3A_1088 = arith.constant 32 : index
        %get3A_1089 = tpu.vector_load %arg11[%get3A_1087, %get3A_1088] {strides = array<i32>} : memref<40x128xf32, #tpu.memory_space<vmem>>, vector<1x16xf32>,
        %get3A_1090 = vector.shape_cast %get3A_1089 : vector<1x16xf32> to vector<16xf32>
        %add3A_1091 = arith.addf %get3A_1084, %get3A_1090 : vector<16xf32>
        %max3A_1092 = arith.constant 0.000000e+00 : f32
        %max3A_1093 = vector.broadcast %max3A_1092 : f32 to vector<16xf32>
        %max3A_1094 = arith.maximumf %add3A_1091, %max3A_1093 : vector<16xf32>
        %add3A_1095 = arith.constant 3 : i32
        %add3A_1096 = arith.addi %mul3A_483, %add3A_1095 : i32
        %swap3A_1097 = arith.index_cast %add3A_1096 : i32 to index
        %swap3A_1098 = arith.constant 32 : index
        %swap3A_1099 = tpu.vector_load %arg11[%swap3A_1097, %swap3A_1098] {strides = array<i32>} : memref<40x128xf32, #tpu.memory_space<vmem>>, vector<1x16xf32>,
        %swap3A_1100 = vector.shape_cast %swap3A_1099 : vector<1x16xf32> to vector<16xf32>
        %swap3A_1101 = vector.shape_cast %max3A_1094 : vector<16xf32> to vector<1x16xf32>
        tpu.vector_store %arg11[%swap3A_1097, %swap3A_1098], %swap3A_1101 {strides = array<i32>} : memref<40x128xf32, #tpu.memory_space<vmem>>, vector<1x16xf32>,
        %add3A_1102 = arith.constant 3 : i32
        %add3A_1103 = arith.addi %mul3A_483, %add3A_1102 : i32
        %get3A_1104 = arith.index_cast %add3A_1103 : i32 to index
        %get3A_1105 = arith.constant 48 : index
        %get3A_1106 = tpu.vector_load %arg14[%get3A_1104, %get3A_1105] {strides = array<i32>} : memref<40x128xf32, #tpu.memory_space<vmem>>, vector<1x16xf32>,
        %get3A_1107 = vector.shape_cast %get3A_1106 : vector<1x16xf32> to vector<16xf32>
        %add3A_1108 = arith.constant 3 : i32
        %add3A_1109 = arith.addi %mul3A_483, %add3A_1108 : i32
        %get3A_1110 = arith.index_cast %add3A_1109 : i32 to index
        %get3A_1111 = arith.constant 48 : index
        %get3A_1112 = tpu.vector_load %arg11[%get3A_1110, %get3A_1111] {strides = array<i32>} : memref<40x128xf32, #tpu.memory_space<vmem>>, vector<1x16xf32>,
        %get3A_1113 = vector.shape_cast %get3A_1112 : vector<1x16xf32> to vector<16xf32>
        %add3A_1114 = arith.addf %get3A_1107, %get3A_1113 : vector<16xf32>
        %max3A_1115 = arith.constant 0.000000e+00 : f32
        %max3A_1116 = vector.broadcast %max3A_1115 : f32 to vector<16xf32>
        %max3A_1117 = arith.maximumf %add3A_1114, %max3A_1116 : vector<16xf32>
        %add3A_1118 = arith.constant 3 : i32
        %add3A_1119 = arith.addi %mul3A_483, %add3A_1118 : i32
        %swap3A_1120 = arith.index_cast %add3A_1119 : i32 to index
        %swap3A_1121 = arith.constant 48 : index
        %swap3A_1122 = tpu.vector_load %arg11[%swap3A_1120, %swap3A_1121] {strides = array<i32>} : memref<40x128xf32, #tpu.memory_space<vmem>>, vector<1x16xf32>,
        %swap3A_1123 = vector.shape_cast %swap3A_1122 : vector<1x16xf32> to vector<16xf32>
        %swap3A_1124 = vector.shape_cast %max3A_1117 : vector<16xf32> to vector<1x16xf32>
        tpu.vector_store %arg11[%swap3A_1120, %swap3A_1121], %swap3A_1124 {strides = array<i32>} : memref<40x128xf32, #tpu.memory_space<vmem>>, vector<1x16xf32>,
        %add3A_1125 = arith.constant 3 : i32
        %add3A_1126 = arith.addi %mul3A_483, %add3A_1125 : i32
        %get3A_1127 = arith.index_cast %add3A_1126 : i32 to index
        %get3A_1128 = arith.constant 64 : index
        %get3A_1129 = tpu.vector_load %arg14[%get3A_1127, %get3A_1128] {strides = array<i32>} : memref<40x128xf32, #tpu.memory_space<vmem>>, vector<1x16xf32>,
        %get3A_1130 = vector.shape_cast %get3A_1129 : vector<1x16xf32> to vector<16xf32>
        %add3A_1131 = arith.constant 3 : i32
        %add3A_1132 = arith.addi %mul3A_483, %add3A_1131 : i32
        %get3A_1133 = arith.index_cast %add3A_1132 : i32 to index
        %get3A_1134 = arith.constant 64 : index
        %get3A_1135 = tpu.vector_load %arg11[%get3A_1133, %get3A_1134] {strides = array<i32>} : memref<40x128xf32, #tpu.memory_space<vmem>>, vector<1x16xf32>,
        %get3A_1136 = vector.shape_cast %get3A_1135 : vector<1x16xf32> to vector<16xf32>
        %add3A_1137 = arith.addf %get3A_1130, %get3A_1136 : vector<16xf32>
        %max3A_1138 = arith.constant 0.000000e+00 : f32
        %max3A_1139 = vector.broadcast %max3A_1138 : f32 to vector<16xf32>
        %max3A_1140 = arith.maximumf %add3A_1137, %max3A_1139 : vector<16xf32>
        %add3A_1141 = arith.constant 3 : i32
        %add3A_1142 = arith.addi %mul3A_483, %add3A_1141 : i32
        %swap3A_1143 = arith.index_cast %add3A_1142 : i32 to index
        %swap3A_1144 = arith.constant 64 : index
        %swap3A_1145 = tpu.vector_load %arg11[%swap3A_1143, %swap3A_1144] {strides = array<i32>} : memref<40x128xf32, #tpu.memory_space<vmem>>, vector<1x16xf32>,
        %swap3A_1146 = vector.shape_cast %swap3A_1145 : vector<1x16xf32> to vector<16xf32>
        %swap3A_1147 = vector.shape_cast %max3A_1140 : vector<16xf32> to vector<1x16xf32>
        tpu.vector_store %arg11[%swap3A_1143, %swap3A_1144], %swap3A_1147 {strides = array<i32>} : memref<40x128xf32, #tpu.memory_space<vmem>>, vector<1x16xf32>,
        %add3A_1148 = arith.constant 3 : i32
        %add3A_1149 = arith.addi %mul3A_483, %add3A_1148 : i32
        %get3A_1150 = arith.index_cast %add3A_1149 : i32 to index
        %get3A_1151 = arith.constant 80 : index
        %get3A_1152 = tpu.vector_load %arg14[%get3A_1150, %get3A_1151] {strides = array<i32>} : memref<40x128xf32, #tpu.memory_space<vmem>>, vector<1x16xf32>,
        %get3A_1153 = vector.shape_cast %get3A_1152 : vector<1x16xf32> to vector<16xf32>
        %add3A_1154 = arith.constant 3 : i32
        %add3A_1155 = arith.addi %mul3A_483, %add3A_1154 : i32
        %get3A_1156 = arith.index_cast %add3A_1155 : i32 to index
        %get3A_1157 = arith.constant 80 : index
        %get3A_1158 = tpu.vector_load %arg11[%get3A_1156, %get3A_1157] {strides = array<i32>} : memref<40x128xf32, #tpu.memory_space<vmem>>, vector<1x16xf32>,
        %get3A_1159 = vector.shape_cast %get3A_1158 : vector<1x16xf32> to vector<16xf32>
        %add3A_1160 = arith.addf %get3A_1153, %get3A_1159 : vector<16xf32>
        %max3A_1161 = arith.constant 0.000000e+00 : f32
        %max3A_1162 = vector.broadcast %max3A_1161 : f32 to vector<16xf32>
        %max3A_1163 = arith.maximumf %add3A_1160, %max3A_1162 : vector<16xf32>
        %add3A_1164 = arith.constant 3 : i32
        %add3A_1165 = arith.addi %mul3A_483, %add3A_1164 : i32
        %swap3A_1166 = arith.index_cast %add3A_1165 : i32 to index
        %swap3A_1167 = arith.constant 80 : index
        %swap3A_1168 = tpu.vector_load %arg11[%swap3A_1166, %swap3A_1167] {strides = array<i32>} : memref<40x128xf32, #tpu.memory_space<vmem>>, vector<1x16xf32>,
        %swap3A_1169 = vector.shape_cast %swap3A_1168 : vector<1x16xf32> to vector<16xf32>
        %swap3A_1170 = vector.shape_cast %max3A_1163 : vector<16xf32> to vector<1x16xf32>
        tpu.vector_store %arg11[%swap3A_1166, %swap3A_1167], %swap3A_1170 {strides = array<i32>} : memref<40x128xf32, #tpu.memory_space<vmem>>, vector<1x16xf32>,
        %add3A_1171 = arith.constant 3 : i32
        %add3A_1172 = arith.addi %mul3A_483, %add3A_1171 : i32
        %get3A_1173 = arith.index_cast %add3A_1172 : i32 to index
        %get3A_1174 = arith.constant 96 : index
        %get3A_1175 = tpu.vector_load %arg14[%get3A_1173, %get3A_1174] {strides = array<i32>} : memref<40x128xf32, #tpu.memory_space<vmem>>, vector<1x16xf32>,
        %get3A_1176 = vector.shape_cast %get3A_1175 : vector<1x16xf32> to vector<16xf32>
        %add3A_1177 = arith.constant 3 : i32
        %add3A_1178 = arith.addi %mul3A_483, %add3A_1177 : i32
        %get3A_1179 = arith.index_cast %add3A_1178 : i32 to index
        %get3A_1180 = arith.constant 96 : index
        %get3A_1181 = tpu.vector_load %arg11[%get3A_1179, %get3A_1180] {strides = array<i32>} : memref<40x128xf32, #tpu.memory_space<vmem>>, vector<1x16xf32>,
        %get3A_1182 = vector.shape_cast %get3A_1181 : vector<1x16xf32> to vector<16xf32>
        %add3A_1183 = arith.addf %get3A_1176, %get3A_1182 : vector<16xf32>
        %max3A_1184 = arith.constant 0.000000e+00 : f32
        %max3A_1185 = vector.broadcast %max3A_1184 : f32 to vector<16xf32>
        %max3A_1186 = arith.maximumf %add3A_1183, %max3A_1185 : vector<16xf32>
        %add3A_1187 = arith.constant 3 : i32
        %add3A_1188 = arith.addi %mul3A_483, %add3A_1187 : i32
        %swap3A_1189 = arith.index_cast %add3A_1188 : i32 to index
        %swap3A_1190 = arith.constant 96 : index
        %swap3A_1191 = tpu.vector_load %arg11[%swap3A_1189, %swap3A_1190] {strides = array<i32>} : memref<40x128xf32, #tpu.memory_space<vmem>>, vector<1x16xf32>,
        %swap3A_1192 = vector.shape_cast %swap3A_1191 : vector<1x16xf32> to vector<16xf32>
        %swap3A_1193 = vector.shape_cast %max3A_1186 : vector<16xf32> to vector<1x16xf32>
        tpu.vector_store %arg11[%swap3A_1189, %swap3A_1190], %swap3A_1193 {strides = array<i32>} : memref<40x128xf32, #tpu.memory_space<vmem>>, vector<1x16xf32>,
        %add3A_1194 = arith.constant 3 : i32
        %add3A_1195 = arith.addi %mul3A_483, %add3A_1194 : i32
        %get3A_1196 = arith.index_cast %add3A_1195 : i32 to index
        %get3A_1197 = arith.constant 112 : index
        %get3A_1198 = tpu.vector_load %arg14[%get3A_1196, %get3A_1197] {strides = array<i32>} : memref<40x128xf32, #tpu.memory_space<vmem>>, vector<1x16xf32>,
        %get3A_1199 = vector.shape_cast %get3A_1198 : vector<1x16xf32> to vector<16xf32>
        %add3A_1200 = arith.constant 3 : i32
        %add3A_1201 = arith.addi %mul3A_483, %add3A_1200 : i32
        %get3A_1202 = arith.index_cast %add3A_1201 : i32 to index
        %get3A_1203 = arith.constant 112 : index
        %get3A_1204 = tpu.vector_load %arg11[%get3A_1202, %get3A_1203] {strides = array<i32>} : memref<40x128xf32, #tpu.memory_space<vmem>>, vector<1x16xf32>,
        %get3A_1205 = vector.shape_cast %get3A_1204 : vector<1x16xf32> to vector<16xf32>
        %add3A_1206 = arith.addf %get3A_1199, %get3A_1205 : vector<16xf32>
        %max3A_1207 = arith.constant 0.000000e+00 : f32
        %max3A_1208 = vector.broadcast %max3A_1207 : f32 to vector<16xf32>
        %max3A_1209 = arith.maximumf %add3A_1206, %max3A_1208 : vector<16xf32>
        %add3A_1210 = arith.constant 3 : i32
        %add3A_1211 = arith.addi %mul3A_483, %add3A_1210 : i32
        %swap3A_1212 = arith.index_cast %add3A_1211 : i32 to index
        %swap3A_1213 = arith.constant 112 : index
        %swap3A_1214 = tpu.vector_load %arg11[%swap3A_1212, %swap3A_1213] {strides = array<i32>} : memref<40x128xf32, #tpu.memory_space<vmem>>, vector<1x16xf32>,
        %swap3A_1215 = vector.shape_cast %swap3A_1214 : vector<1x16xf32> to vector<16xf32>
        %swap3A_1216 = vector.shape_cast %max3A_1209 : vector<16xf32> to vector<1x16xf32>
        tpu.vector_store %arg11[%swap3A_1212, %swap3A_1213], %swap3A_1216 {strides = array<i32>} : memref<40x128xf32, #tpu.memory_space<vmem>>, vector<1x16xf32>,
        %scan3A_1217 = arith.constant 0 : i32
        scf.yield %scan3A_1217 : i32
      }
      %scan3A_464 = arith.constant 10 : i32
      %sub3A_465 = arith.constant 1 : i32
      %sub3A_466 = arith.subi %add3A_435, %sub3A_465 : i32
      %mul3A_467 = arith.constant 40 : i32
      %mul3A_468 = arith.muli %sub3A_466, %mul3A_467 : i32
      %dma_wait3A_469 = tpu.memref_slice %arg7[%mul3A_468] : memref<10000xi32, #tpu.memory_space<vmem>> -> memref<40xi32, #tpu.memory_space<vmem>>
      %dma_wait3A_470 = arith.constant 0 : i32
      %dma_wait3A_471 = arith.constant 0 : i32
      %dma_wait3A_472 = tpu.memref_slice %arg6[%dma_wait3A_470, %dma_wait3A_471] : memref<10240x128xf32, #tpu.memory_space<vmem_shared>> -> memref<10240x128xf32, #tpu.memory_space<vmem_shared>>
      tpu.wait_indirect_dma semaphore(%arg29 : memref<!tpu.dma_semaphore, #tpu.memory_space<semaphore_mem>>) src(%arg13 : memref<40x128xf32, #tpu.memory_space<vmem>>) dst(%dma_wait3A_472 : memref<10240x128xf32, #tpu.memory_space<vmem_shared>>)
      %mul3A_473 = arith.constant 40 : i32
      %mul3A_474 = arith.muli %add3A_435, %mul3A_473 : i32
      %dma_start3A_475 = tpu.memref_slice %arg7[%mul3A_474] : memref<10000xi32, #tpu.memory_space<vmem>> -> memref<40xi32, #tpu.memory_space<vmem>>
      %dma_start3A_476 = arith.constant 0 : i32
      %dma_start3A_477 = arith.constant 0 : i32
      %dma_start3A_478 = tpu.memref_slice %arg6[%dma_start3A_476, %dma_start3A_477] : memref<10240x128xf32, #tpu.memory_space<vmem_shared>> -> memref<10240x128xf32, #tpu.memory_space<vmem_shared>>
      tpu.enqueue_indirect_dma source(%arg11 : memref<40x128xf32, #tpu.memory_space<vmem>>) target(%dma_start3A_478 : memref<10240x128xf32, #tpu.memory_space<vmem_shared>>) offsets(%dma_start3A_475 : memref<40xi32, #tpu.memory_space<vmem>>) semaphore(%arg27 : memref<!tpu.dma_semaphore, #tpu.memory_space<semaphore_mem>>) {add = true}
      %scan3A_479 = arith.constant 0 : i32
      scf.yield %scan3A_479 : i32
    }
    %scan3A_325 = arith.constant 83 : i32
    %dma_wait3A_326 = arith.constant 9960 : i32
    %dma_wait3A_327 = tpu.memref_slice %arg7[%dma_wait3A_326] : memref<10000xi32, #tpu.memory_space<vmem>> -> memref<40xi32, #tpu.memory_space<vmem>>
    %dma_wait3A_328 = arith.constant 0 : i32
    %dma_wait3A_329 = arith.constant 0 : i32
    %dma_wait3A_330 = tpu.memref_slice %arg6[%dma_wait3A_328, %dma_wait3A_329] : memref<10240x128xf32, #tpu.memory_space<vmem_shared>> -> memref<10240x128xf32, #tpu.memory_space<vmem_shared>>
    tpu.wait_indirect_dma semaphore(%arg27 : memref<!tpu.dma_semaphore, #tpu.memory_space<semaphore_mem>>) src(%arg11 : memref<40x128xf32, #tpu.memory_space<vmem>>) dst(%dma_wait3A_330 : memref<10240x128xf32, #tpu.memory_space<vmem_shared>>)
    %barrier3A_331 = arith.constant 0 : index
    tpu.barrier barrier_id(%barrier3A_331)
    %mul3A_332 = arith.constant 640 : i32
    %mul3A_333 = arith.muli %arg1, %mul3A_332 : i32
    "tpu.region"() ({
      %run_scoped3A = tpu.sem_alloc : memref<!tpu.dma_semaphore, #tpu.memory_space<semaphore_mem>>
      %dma_start3A_334 = arith.constant 0 : i32
      %dma_start3A_335 = tpu.memref_slice %arg5[%arg0, %mul3A_333, %dma_start3A_334] : memref<2x10240x128xf32, #tpu.memory_space<hbm>> -> memref<1x640x128xf32, #tpu.memory_space<hbm>>
      %dma_start3A_336 = tpu.memref_squeeze %dma_start3A_335 : memref<1x640x128xf32, #tpu.memory_space<hbm>> -> memref<640x128xf32, #tpu.memory_space<hbm>>
      %dma_start3A_337 = arith.constant 0 : i32
      %dma_start3A_338 = tpu.memref_slice %arg6[%mul3A_333, %dma_start3A_337] : memref<10240x128xf32, #tpu.memory_space<vmem_shared>> -> memref<640x128xf32, #tpu.memory_space<vmem_shared>>
      tpu.enqueue_dma source(%dma_start3A_338 : memref<640x128xf32, #tpu.memory_space<vmem_shared>>) target(%dma_start3A_336 : memref<640x128xf32, #tpu.memory_space<hbm>>) target_semaphore(%run_scoped3A : memref<!tpu.dma_semaphore, #tpu.memory_space<semaphore_mem>>)
      %dma_wait3A_339 = arith.constant 0 : i32
      %dma_wait3A_340 = tpu.memref_slice %arg5[%arg0, %mul3A_333, %dma_wait3A_339] : memref<2x10240x128xf32, #tpu.memory_space<hbm>> -> memref<1x640x128xf32, #tpu.memory_space<hbm>>
      %dma_wait3A_341 = tpu.memref_squeeze %dma_wait3A_340 : memref<1x640x128xf32, #tpu.memory_space<hbm>> -> memref<640x128xf32, #tpu.memory_space<hbm>>
      %dma_wait3A_342 = arith.constant 0 : i32
      %dma_wait3A_343 = tpu.memref_slice %arg6[%mul3A_333, %dma_wait3A_342] : memref<10240x128xf32, #tpu.memory_space<vmem_shared>> -> memref<640x128xf32, #tpu.memory_space<vmem_shared>>
      tpu.wait_dma2 semaphore(%run_scoped3A : memref<!tpu.dma_semaphore, #tpu.memory_space<semaphore_mem>>) src(%dma_wait3A_343 : memref<640x128xf32, #tpu.memory_space<vmem_shared>>) dst(%dma_wait3A_341 : memref<640x128xf32, #tpu.memory_space<hbm>>)
      tpu.yield
    }) : () -> ()
    return
  }
}

module attributes {stable_mosaic.version = 14 : i64} {
  func.func @_combine_body(%arg0: i32, %arg1: memref<1xf32, #tpu.memory_space<smem>>, %arg2: memref<2000x128xf32, #tpu.memory_space<vmem>>, %arg3: memref<1x2000x128xf32, #tpu.memory_space<vmem>>, %arg4: memref<1x2000x128xf32, #tpu.memory_space<vmem>>, %arg5: memref<2000x128xf32, #tpu.memory_space<vmem>>) attributes {dimension_semantics = [#tpu.dimension_semantics<arbitrary>], iteration_bounds = array<i64: 5>, scalar_prefetch = 0 : i64, scratch_operands = 0 : i64, tpu.core_type = #tpu.core_type<tc>, window_params = [{transform_indices = @transform_0, window_bounds = array<i64: 1>}, {transform_indices = @transform_1, window_bounds = array<i64: 2000, 128>}, {transform_indices = @transform_2, window_bounds = array<i64: 1, 2000, 128>}, {transform_indices = @transform_3, window_bounds = array<i64: 1, 2000, 128>}, {transform_indices = @transform_4, window_bounds = array<i64: 2000, 128>}]} {
    %get3A = arith.constant 0 : index
    %get3A_0 = memref.load %arg1[%get3A] : memref<1xf32, #tpu.memory_space<smem>>
    %add3A = arith.constant 1.000000e+00 : f32
    %add3A_1 = arith.addf %add3A, %get3A_0 : f32
    %get3A_2 = arith.constant 0 : index
    %get3A_3 = arith.constant 0 : index
    %get3A_4 = vector.load %arg2[%get3A_2, %get3A_3] : memref<2000x128xf32, #tpu.memory_space<vmem>>, vector<2000x128xf32>
    %mul3A = vector.broadcast %add3A_1 : f32 to vector<2000x128xf32>
    %mul3A_5 = arith.mulf %mul3A, %get3A_4 : vector<2000x128xf32>
    %get3A_6 = arith.constant 0 : index
    %get3A_7 = arith.constant 0 : index
    %get3A_8 = arith.constant 0 : index
    %get3A_9 = vector.load %arg3[%get3A_6, %get3A_7, %get3A_8] : memref<1x2000x128xf32, #tpu.memory_space<vmem>>, vector<1x2000x128xf32>
    %get3A_10 = vector.shape_cast %get3A_9 : vector<1x2000x128xf32> to vector<2000x128xf32>
    %add3A_11 = arith.addf %mul3A_5, %get3A_10 : vector<2000x128xf32>
    %get3A_12 = arith.constant 0 : index
    %get3A_13 = arith.constant 0 : index
    %get3A_14 = arith.constant 0 : index
    %get3A_15 = vector.load %arg4[%get3A_12, %get3A_13, %get3A_14] : memref<1x2000x128xf32, #tpu.memory_space<vmem>>, vector<1x2000x128xf32>
    %get3A_16 = vector.shape_cast %get3A_15 : vector<1x2000x128xf32> to vector<2000x128xf32>
    %add3A_17 = arith.addf %add3A_11, %get3A_16 : vector<2000x128xf32>
    %swap3A = arith.constant 0 : index
    %swap3A_18 = arith.constant 0 : index
    %swap3A_19 = vector.load %arg5[%swap3A, %swap3A_18] : memref<2000x128xf32, #tpu.memory_space<vmem>>, vector<2000x128xf32>
    tpu.vector_store %arg5[%swap3A, %swap3A_18], %add3A_17 {strides = array<i32>} : memref<2000x128xf32, #tpu.memory_space<vmem>>, vector<2000x128xf32>,
    return
  }
  func.func @transform_0(%arg0: i32) -> i32 {
    %c0_i32 = arith.constant 0 : i32
    %c0_i32_0 = arith.constant 0 : i32
    return %c0_i32 : i32
  }
  func.func @transform_1(%arg0: i32) -> (i32, i32) {
    %c0_i32 = arith.constant 0 : i32
    %c0_i32_0 = arith.constant 0 : i32
    return %arg0, %c0_i32 : i32, i32
  }
  func.func @transform_2(%arg0: i32) -> (i32, i32, i32) {
    %c0_i32 = arith.constant 0 : i32
    %c0_i32_0 = arith.constant 0 : i32
    %c0_i32_1 = arith.constant 0 : i32
    return %c0_i32, %arg0, %c0_i32_0 : i32, i32, i32
  }
  func.func @transform_3(%arg0: i32) -> (i32, i32, i32) {
    %c1_i32 = arith.constant 1 : i32
    %c0_i32 = arith.constant 0 : i32
    %c0_i32_0 = arith.constant 0 : i32
    return %c1_i32, %arg0, %c0_i32 : i32, i32, i32
  }
  func.func @transform_4(%arg0: i32) -> (i32, i32) {
    %c0_i32 = arith.constant 0 : i32
    %c0_i32_0 = arith.constant 0 : i32
    return %arg0, %c0_i32 : i32, i32
  }
}

</mosaic_0001>

<sc_bundles>
// kernel: kernel.4.cloned.1.call-start
scs
__scs_entry_jumppad:
0x0: {  	(pc) =	sbr.rel $0x88, $3  }
0x1: {  	(tag) =	ssettag $0x0;
	lr =	simm.s32 $0x1  }
0x2: {  	[smem:$0x3F9D] =	sst lr;
	_ =	strace $0xD0000000  }
0x3: {  	_ = 	snop  }
0x4: {  	_ = 	snop  }
0x5: {  	_ = 	snop  }
0x6: {  	_ = 	snop  }
0x7: {  	_ = 	snop  }
__scs_overlays_trampoline_lowered:
0x8: {  	[smem:$0x3FAC] =	sst s0  }
0x9: {  	[smem:$0x3FAD] =	sst s1  }
0xa: {  	[smem:$0x3FAE] =	sst s2  }
0xb: {  	[smem:$0x3FAF] =	sst s3  }
0xc: {  	[smem:$0x3FB0] =	sst s4  }
0xd: {  	[smem:$0x3FB1] =	sst s5  }
0xe: {  	[smem:$0x3FB2] =	sst s6  }
0xf: {  	[smem:$0x3FB3] =	sst s7  }
0x10: {  	[smem:$0x3FB4] =	sst s8  }
0x11: {  	[smem:$0x3FB5] =	sst s9;
	s0 =	simm.s32 @!p0 $0x0  }
0x12: {  	s1 =	sld [smem:$0x3F9B];
	s0 =	simm.s32 @p0 $0x1  }
0x13: {  	[smem:$0x3FB6] =	sst s0;
	s0 =	simm.s32 @!p1 $0x0  }
0x14: {  	s2 =	sld [smem:$0x3F9A];
	s0 =	simm.s32 @p1 $0x1  }
0x15: {  	[smem:$0x3FB7] =	sst s0;
	s0 =	simm.s32 @!p2 $0x0  }
0x16: {  	s3 =	sld [smem:$0x3FDB];
	s0 =	simm.s32 @p2 $0x1  }
0x17: {  	s4 =	simm.s32 $0x1BF5;
	[smem:$0x3FB9] =	sst s0  }
0x18: {  	s0 =	sld [smem:$0x3F9C];
	_ =	swait.ge [sflag:s4], $0x0  }
0x19: {  	s7 =	sld [smem:$0x3F9D]  }
0x1a: {  	s8 =	sadd.s32 $0xFFFFE003, lr  }
0x1b: {  	s9 =	sadd.s32 $0xFFFFFEF7, lr;
	s5 =	simm.s32 $0xFFFFFFFF;
	p2 =	slt.u32 s8, $0xFFFFF086  }
0x1c: {  	p1 =	slt.u32 s9, $0xF7A;
	s5 =	simm.s32 @!p2 $0x0  }
0x1d: {  	s5 =	simm.s32 @p1 $0x1;
	p0 =	seq.s32 s7, s2  }
0x1e: {  	s7 =	smul.u32 @!p0 $0xF7A, s2;
	p2 =	seq.s32 @!p0 s5, $0x0  }
0x1f: {  	s9 =	smul.u32 $0xF7A, s1;
	s8 =	simm.s32 @!p0 $0x1BF5;
	p2 =	por !p2, p0  }
0x20: {  	[sflag:s8] =	ssyncset.s32 @!p0 $0xFFFFF086;
	s6 =	sadd.s32 @!p0 s3, s7;
	s7 =	simm.s32 @!p0 $0x108  }
0x21: {  	s3 =	sadd.s32 s3, s9;
	s6 =	sadd.s32 @!p0 $0x88, s6;
	s7 =	simm.s32 @p2 $0x1082  }
0x22: {  	[simem:s7], [sflag:s8] =	dma.local @!p0 [hbm:s6], $0xF7A  }
0x23: {  	s9 =	sor.u32 $0xD0000000, s2;
	s6 =	simm.s32 $0x108;
	_ =	swait.ge @!p0 [sflag:s8], $0x0  }
0x24: {  	s3 =	sadd.s32 $0x88, s3;
	s6 =	simm.s32 @!p1 $0x1082;
	[sflag:s4] =	ssyncset.s32 $0xFFFFF086  }
0x25: {  	[simem:s6], [sflag:s4] =	dma.local [hbm:s3], $0xF7A  }
0x26: {  	[smem:$0x3F9D] =	sst s1;
	(tag) =	ssettag s2;
	_ =	strace s9  }
0x27: {  	s1 =	sld [smem:$0x3FAD]  }
0x28: {  	s2 =	sld [smem:$0x3FAE]  }
0x29: {  	s4 =	sld [smem:$0x3FB0]  }
0x2a: {  	p0 =	seq.s32 s5, $0x0;
	s5 =	sld [smem:$0x3FB1]  }
0x2b: {  	s6 =	sld [smem:$0x3FB2]  }
0x2c: {  	s7 =	sld [smem:$0x3FB3]  }
0x2d: {  	s3 =	simm.s32 $0x108;
	s8 =	sld [smem:$0x3FB4]  }
0x2e: {  	s3 =	simm.s32 @!p0 $0x1082;
	s9 =	sld [smem:$0x3FB5]  }
0x2f: {  	lr =	sadd.s32 s0, s3;
	s0 =	sld [smem:$0x3FAC]  }
0x30: {  	s3 =	sld [smem:$0x3FAF]  }
0x31: {  	[smem:$0x3FB8] =	sst s10  }
0x32: {  	s10 =	sld [smem:$0x3FB6];
	_ =	sdelay $0x3  }
0x33: {  	p0 =	seq.s32 s10, $0x1;
	s10 =	sld [smem:$0x3FB8];
	_ =	sdelay $0x3  }
0x34: {  	[smem:$0x3FB8] =	sst s10  }
0x35: {  	s10 =	sld [smem:$0x3FB7];
	_ =	sdelay $0x3  }
0x36: {  	p1 =	seq.s32 s10, $0x1;
	s10 =	sld [smem:$0x3FB8];
	_ =	sdelay $0x3  }
0x37: {  	[smem:$0x3FB8] =	sst s10  }
0x38: {  	s10 =	sld [smem:$0x3FB9]  }
0x39: {  	_ = 	snop;
	(pc) =	sbr.ind lr, $3  }
0x3a: {  	_ = 	snop  }
0x3b: {  	_ = 	snop  }
0x3c: {  	p2 =	seq.s32 s10, $0x1;
	s10 =	sld [smem:$0x3FB8]  }
0x3d: {  	_ =	shalt  }
0x3e: {  	_ =	shalt  }
0x3f: {  	_ =	shalt  }
0x40: {  	_ =	shalt  }
0x41: {  	_ =	shalt  }
0x42: {  	_ =	shalt  }
0x43: {  	_ =	shalt  }
0x44: {  	_ =	shalt  }
0x45: {  	_ =	shalt  }
0x46: {  	_ =	shalt  }
0x47: {  	_ =	shalt  }
0x48: {  	_ =	shalt  }
0x49: {  	_ =	shalt  }
0x4a: {  	_ =	shalt  }
0x4b: {  	_ =	shalt  }
0x4c: {  	_ =	shalt  }
0x4d: {  	_ =	shalt  }
0x4e: {  	_ =	shalt  }
0x4f: {  	_ =	shalt  }
0x50: {  	_ =	shalt  }
0x51: {  	_ =	shalt  }
0x52: {  	_ =	shalt  }
0x53: {  	_ =	shalt  }
0x54: {  	_ =	shalt  }
0x55: {  	_ =	shalt  }
0x56: {  	_ =	shalt  }
0x57: {  	_ =	shalt  }
0x58: {  	_ =	shalt  }
0x59: {  	_ =	shalt  }
0x5a: {  	_ =	shalt  }
0x5b: {  	_ =	shalt  }
0x5c: {  	_ =	shalt  }
0x5d: {  	_ =	shalt  }
0x5e: {  	_ =	shalt  }
0x5f: {  	_ =	shalt  }
0x60: {  	_ =	shalt  }
0x61: {  	_ =	shalt  }
0x62: {  	_ =	shalt  }
0x63: {  	_ =	shalt  }
0x64: {  	_ =	shalt  }
0x65: {  	_ =	shalt  }
0x66: {  	_ =	shalt  }
0x67: {  	_ =	shalt  }
0x68: {  	_ =	shalt  }
0x69: {  	_ =	shalt  }
0x6a: {  	_ =	shalt  }
0x6b: {  	_ =	shalt  }
0x6c: {  	_ =	shalt  }
0x6d: {  	_ =	shalt  }
0x6e: {  	_ =	shalt  }
0x6f: {  	_ =	shalt  }
0x70: {  	_ =	shalt  }
0x71: {  	_ =	shalt  }
0x72: {  	_ =	shalt  }
0x73: {  	_ =	shalt  }
0x74: {  	_ =	shalt  }
0x75: {  	_ =	shalt  }
0x76: {  	_ =	shalt  }
0x77: {  	_ =	shalt  }
0x78: {  	_ =	shalt  }
0x79: {  	_ =	shalt  }
0x7a: {  	_ =	shalt  }
0x7b: {  	_ =	shalt  }
0x7c: {  	_ =	shalt  }
0x7d: {  	_ =	shalt  }
0x7e: {  	_ =	shalt  }
0x7f: {  	_ =	shalt  }
0x80: {  	_ =	shalt  }
0x81: {  	_ =	shalt  }
0x82: {  	_ =	shalt  }
0x83: {  	_ =	shalt  }
0x84: {  	_ =	shalt  }
0x85: {  	_ =	shalt  }
0x86: {  	_ =	shalt  }
0x87: {  	_ =	shalt  }
.Lfunc_end0:
.L_simem_size_0:
called_computation_lowered:
.L_overlay_start_0:
0x88: {  	s2 =	sld [smem:$0x3FD9]  }
0x89: {  	s3 =	sld [smem:$0x3FFE];
	_ =	sdelay $0x1  }
0x8a: {  	s1 =	srdreg.scid  }
0x8b: {  	s0 =	sand.u32 $0x1, s1  }
0x8c: {  	s17 =	sshll.u32 s0, $0xA;
	s2 =	sadd.s32 s3, s2  }
0x8d: {  	s2 =	sadd.s32 s2, s17  }
0x8e: {  	[smem:$0x3FC4] =	sst s2  }
0x8f: {  	_ = 	snop  }
0x90: {  	s2 =	sld [smem:$0x3FC9]  }
0x91: {  	s18 =	sld [smem:$0x3FC7]  }
0x92: {  	s4 =	sld [smem:$0x3FD0];
	(tm) =	ssettm $0x1  }
0x93: {  	s5 =	sld [smem:$0x3FFB];
	_ =	sdelay $0x3  }
0x94: {  	_ =	strace s5  }
0x95: {  	s5 =	sld [smem:$0x3FFC];
	_ =	sdelay $0x3  }
0x96: {  	_ =	strace s5  }
0x97: {  	s5 =	sld [smem:$0x3FFD];
	_ =	sdelay $0x3  }
0x98: {  	_ =	strace s5  }
0x99: {  	_ =	strace $0x8FFFFFFF  }
0x9a: {  	s19 =	sld [smem:$0x3FDB];
	_ =	sdelay $0x1  }
0x9b: {  	s6 =	simm.s32 $_scs_section_size  }
0x9c: {  	s7 =	simm.s32 $_size__tile_overlayer_lowered;
	s8 =	simm.s32 $_tile_overlayer_lowered  }
0x9d: {  	s22 =	simm.s32 $0x1BFF;
	s21 =	sshll.u32 s8, $0x1;
	s5 =	sadd.s32 s6, s19  }
0x9e: {  	s9 =	simm.s32 $0x0;
	s20 =	sshll.u32 s7, $0x1;
	s7 =	sadd.s32 s21, s5  }
0x9f: {  	[timem:s9], [sflag:s22] =	dma.local [hbm:s7], s20  }
0xa0: {  	_ =	swait.ge [sflag:s22], s20  }
0xa1: {  	s6 =	ssub.s32 $0x0, s20;
	[sflag:s22] =	ssyncset.done $0x0  }
0xa2: {  	[sflag:s22] =	ssyncadd.s32 s6;
	_ =	sdelay $0x1  }
0xa3: {  	s23 =	simm.s32 $0x1B8B  }
0xa4: {  	_ =	swait.ge [sflag:s23], $0x1  }
0xa5: {  	[sflag:s23] =	ssyncset.done $0x0  }
0xa6: {  	s25 =	simm.s32 $0x1B8E;
	s24 =	sld [smem:$0x3FFE];
	[sflag:s23] =	ssyncadd.s32 $0xFFFFFFFF  }
0xa7: {  	s26 =	simm.s32 $execute0_lowered;
	[smem:$0x3FD2] =	sst s25  }
0xa8: {  	s7 =	sshll.u32 s26, $0x1;
	_ =	strace $0x80000046;
	[dreg:$0x1] =	wrdreg $0xFFFFFFFF  }
0xa9: {  	s28 =	simm.s32 $_size_execute0_lowered;
	s5 =	sadd.s32 s5, s7;
	[dreg:$0x0] =	wrdreg $0x0  }
0xaa: {  	s7 =	sshll.u32 s28, $0x1;
	[dreg:$0x2] =	wrdreg s5  }
0xab: {  	[dreg:$0x3] =	wrdreg s7  }
0xac: {  	[dreg:$0x4] =	wrdreg $0xC0  }
0xad: {  	_ =	task [dreg:s9], $0x5FFFF  }
0xae: {  	[dreg:$0x1] =	wrdreg $0xFFFFFFFF  }
0xaf: {  	[dreg:$0x0] =	wrdreg $0x60  }
0xb0: {  	[dreg:$0x2] =	wrdreg s2  }
0xb1: {  	[dreg:$0x3] =	wrdreg s4  }
0xb2: {  	[dreg:$0x4] =	wrdreg s18  }
0xb3: {  	[dreg:$0x5] =	wrdreg s24  }
0xb4: {  	[dreg:$0x6] =	wrdreg $0x0  }
0xb5: {  	[dreg:$0x7] =	wrdreg $0x9  }
0xb6: {  	_ =	task.clear_ibuf [dreg:s9], $0x8FFFF;
	_ =	strace $0x90000046  }
0xb7: {  	s29 =	simm.s32 $0x9;
	_ =	strace $0x80000048  }
0xb8: {  	_ =	swait.ge [sflag:s29], $0x1  }
0xb9: {  	[sflag:s29] =	ssyncadd.s32 $0xFFFFFFFF  }
0xba: {  	_ =	strace $0x90000048  }
0xbb: {  	_ =	sfence  }
0xbc: {  	s30 =	sld [smem:$0x0];
	_ =	sdelay $0x2  }
0xbd: {  	s31 =	sshll.u32 s1, $0xD;
	s1 =	sshrl.u32 s1, $0x2  }
0xbe: {  	s3 =	sand.u32 $0x4000, s31;
	s1 =	sadd.s32 s1, s30  }
0xbf: {  	s0 =	sor.u32 s3, s0;
	s1 =	sshll.u32 s1, $0x11  }
0xc0: {  	s0 =	sor.u32 s1, s0  }
0xc1: {  	s0 =	sadd.s32 $0x8F2B, s0  }
0xc2: {  	[sflag:s0] =	ssyncadd.remote.s32 $0x1  }
0xc3: {  	_ =	sfence.sel $0xFFFF  }
0xc4: {  	[dreg:$0x0] =	wrdreg $0xFFFFFFFF;
	(pc) =	sbr.abs _section_cstart, $3  }
0xc5: {  	[dreg:$0x1] =	wrdreg $0xFFFFFFFF  }
0xc6: {  	_ =	task.clear_ibuf [dreg:s9], $0x2FFFF;
	_ =	strace $0x9FFFFFFF  }
0xc7: {  	(tm) =	ssettm $0x7FFFFFFF  }
tec
execute0_lowered:
.L_overlay_start_1:
0x0: {  	(tag) =	ssettag $0x1  }
0x1: {  	s0 =	rddreg [dreg:$0x0]  }
0x2: {  	s1 =	rddreg [dreg:$0x1]  }
0x3: {  	s3 =	rddreg [dreg:$0x2];
	s2 =	srdreg.scid  }
0x4: {  	s4 =	rddreg [dreg:$0x3];
	s9 =	stileid.u32  }
0x5: {  	s5 =	rddreg [dreg:$0x4];
	s10 =	simm.s32 $0x0;
	s31 =	simm.s32 $0x4  }
0x6: {  	s28 =	simm.s32 $0xC;
	s2 =	sand.u32 $0x1, s2;
	s7 =	smul.u32 $0x14000, s9  }
0x7: {  	s8 =	sshll.u32 s9, $0x1;
	[smem:$0x7FF] =	sst s10;
	s9 =	smul.u32 $0x50000, s9  }
0x8: {  	s6 =	smul.u32 $0x140000, s2;
	s8 =	sor.u32 s2, s8;
	_ =	strace $0x80000047  }
0x9: {  	s2 =	ssub.s32 $0x2, s2;
	s18 =	smul.u32 $0x2710, s8;
	s21 =	sshrl.u32 s9, $0x2  }
0xa: {  	s20 =	sshrl.u32 s2, $0x1;
	s24 =	smul.u32 $0x27100, s8;
	s10 =	sadd.s32 s21, s5  }
0xb: {  	s6 =	sadd.s32 s7, s6;
	s23 =	sadd.s32 $0x2000, s10;
	[dreg:$0x8] =	wrdreg s10  }
0xc: {  	s2 =	ssub.s32 s2, s20;
	s25 =	sadd.s32 $0x3000, s10;
	[dreg:$0xa] =	wrdreg s23  }
0xd: {  	s7 =	simm.s32 $0xB;
	s26 =	sadd.s32 $0x4000, s10;
	[dreg:$0xb] =	wrdreg s25  }
0xe: {  	s6 =	sshrl.u32 s6, $0x3;
	s29 =	sadd.s32 $0x5000, s10;
	[dreg:$0xc] =	wrdreg s26  }
0xf: {  	s19 =	sshrl.u32 s18, $0x3;
	s30 =	sadd.s32 $0x6000, s10;
	[dreg:$0xd] =	wrdreg s29  }
0x10: {  	s8 =	sadd.s32 $0x28, s18;
	s2 =	smax.u32 s2, $0x1;
	[dreg:$0xe] =	wrdreg s30  }
0x11: {  	s17 =	sadd.s32 $0x50, s18;
	s12 =	sadd.s32 $0x7000, s10;
	[dreg:$0x14] =	wrdreg s2  }
0x12: {  	s21 =	sadd.s32 $0x78, s18;
	s13 =	sadd.s32 $0x8000, s10;
	[dreg:$0x15] =	wrdreg s12  }
0x13: {  	s14 =	sadd.s32 $0x9000, s10;
	s15 =	sadd.s32 $0xA000, s10;
	[dreg:$0x16] =	wrdreg s13  }
0x14: {  	s16 =	sadd.s32 $0xB000, s10;
	s20 =	sadd.s32 $0xE000, s10;
	[dreg:$0x17] =	wrdreg s14  }
0x15: {  	s4 =	sadd.s32 s6, s4;
	s11 =	sadd.s32 s1, s19;
	[dreg:$0x18] =	wrdreg s15  }
0x16: {  	s6 =	sadd.s32 $0x1000, s10;
	s9 =	sshrl.u32 s8, $0x3;
	[dreg:$0x19] =	wrdreg s16  }
0x17: {  	s23 =	sadd.s32 $0xC8, s18;
	s19 =	sadd.s32 $0xD000, s10;
	[dreg:$0x1c] =	wrdreg s20  }
0x18: {  	s25 =	sadd.s32 $0x10000, s10;
	s26 =	sadd.s32 $0x11000, s10;
	[dreg:$0x6] =	wrdreg s11  }
0x19: {  	s29 =	sadd.s32 $0x12000, s10;
	s30 =	sadd.s32 $0x13000, s10;
	[dreg:$0x9] =	wrdreg s6  }
0x1a: {  	s15 =	simm.s32 $0x14000;
	s16 =	simm.s32 $0x1;
	[dreg:$0x1b] =	wrdreg s19  }
0x1b: {  	s20 =	simm.s32 $0xD;
	s2 =	simm.s32 $0x3;
	[dreg:$0x1e] =	wrdreg s25  }
0x1c: {  	s12 =	simm.s32 $0x8;
	s13 =	simm.s32 $0x6;
	[dreg:$0x1f] =	wrdreg s26  }
0x1d: {  	s14 =	simm.s32 $0x9;
	s22 =	sadd.s32 $0x9C40, s11;
	[smem:$0x7FC] =	sst s29  }
0x1e: {  	s6 =	sadd.s32 s3, s24;
	s11 =	sshrl.u32 s17, $0x3;
	[smem:$0x7FD] =	sst s30  }
0x1f: {  	s4 =	sadd.s32 $0x800, s4;
	s24 =	sadd.s32 $0xF000, s10;
	[dreg:$0x7] =	wrdreg s22  }
0x20: {  	s19 =	simm.s32 $0x16780;
	s25 =	simm.s32 $0x28;
	[dreg:$0xf] =	wrdreg s6  }
0x21: {  	s6 =	sshll.u32 s8, $0x4;
	s8 =	sadd.s32 s1, s9;
	[dreg:$0x13] =	wrdreg s4  }
0x22: {  	s22 =	sadd.s32 $0xA0, s18;
	s18 =	sadd.s32 $0xC000, s10;
	[dreg:$0x1d] =	wrdreg s24  }
0x23: {  	s24 =	simm.s32 $0x16900;
	s4 =	simm.s32 $0x7;
	[dreg:$0x10] =	wrdreg s8  }
0x24: {  	s9 =	simm.s32 $0x0;
	s6 =	sadd.s32 s3, s6;
	[dreg:$0x1a] =	wrdreg s18  }
0x25: {  	s18 =	simm.s32 $0xA;
	[dreg:$0x11] =	wrdreg s6;
	s6 =	sadd.s32 s1, s11  }
0x26: {  	v0 =	vimm.f32 $0.0e+00;
	s8 =	simm.s32 $0x19100;
	s11 =	simm.s32 $0x5;
	[dreg:$0x12] =	wrdreg s6  }
.LBB2_1:
0x27: {  	s6 =	simm.s32 $0x0;
	s30 =	rddreg [dreg:$0x7]  }
0x28: {  	[tilespmem:s15], [sflag:$0xA] =	stream.linear.gather [hbm4b:s30+s6], $0x2710, $0x38;
	[tilespmem:$0x1F100] =	vst v63  }
0x29: {  	[smem:$0x7FB] =	sst s9;
	s9 =	simm.s32 $0x200;
	s6 =	simm.s32 $0x0  }
.LBB2_2:
0x2a: {  	p0 =	sne.s32 s9, $0x3E00;
	[tilespmem:s6+$0x1E170] =	vst v0  }
0x2b: {  	[tilespmem:s6+$0x1E100] =	vst v0  }
0x2c: {  	[tilespmem:s6+$0x1E110] =	vst v0  }
.Ltmp0:
0x2d: {  	[tilespmem:s6+$0x1E120] =	vst v0;
	(pc) =	sbr.rel @p0 .LBB2_2-.Ltmp0, $4  }
0x2e: {  	[tilespmem:s6+$0x1E130] =	vst v0  }
0x2f: {  	[tilespmem:s6+$0x1E140] =	vst v0  }
0x30: {  	[tilespmem:s6+$0x1E150] =	vst v0  }
0x31: {  	[tilespmem:s6+$0x1E160] =	vst v0;
	s6 =	sshra.s32 s9, $0x2;
	s9 =	sadd.s32 $0x200, s9  }
0x32: {  	[tilespmem:s6+$0x1E170] =	vst v0  }
0x33: {  	[tilespmem:s6+$0x1E100] =	vst v0  }
0x34: {  	[tilespmem:s6+$0x1E110] =	vst v0  }
0x35: {  	[tilespmem:s6+$0x1E120] =	vst v0  }
0x36: {  	[tilespmem:s6+$0x1E130] =	vst v0  }
0x37: {  	[tilespmem:s6+$0x1E140] =	vst v0  }
0x38: {  	[tilespmem:s6+$0x1E150] =	vst v0  }
0x39: {  	[tilespmem:s6+$0x1E160] =	vst v0;
	s9 =	simm.s32 $0x1E100;
	s30 =	rddreg [dreg:$0x9]  }
0x3a: {  	[spmem:s10] =	stream.linear.scatter [tilespmem:s9], [sflag:$0x1], $0x1000, $0x38;
	[tilespmem:$0x1F100] =	vst v63  }
0x3b: {  	s26 =	rddreg [dreg:$0xb]  }
0x3c: {  	[spmem:s30] =	stream.linear.scatter [tilespmem:s9], [sflag:$0x1], $0x1000, $0x38;
	[tilespmem:$0x1F100] =	vst v63  }
0x3d: {  	s10 =	rddreg [dreg:$0xa]  }
0x3e: {  	[spmem:s10] =	stream.linear.scatter [tilespmem:s9], [sflag:$0x1], $0x1000, $0x38;
	[tilespmem:$0x1F100] =	vst v63  }
0x3f: {  	s29 =	rddreg [dreg:$0xc]  }
0x40: {  	[spmem:s26] =	stream.linear.scatter [tilespmem:s9], [sflag:$0x1], $0x1000, $0x38;
	[tilespmem:$0x1F100] =	vst v63  }
0x41: {  	s30 =	rddreg [dreg:$0xd]  }
0x42: {  	[spmem:s29] =	stream.linear.scatter [tilespmem:s9], [sflag:$0x1], $0x1000, $0x38;
	[tilespmem:$0x1F100] =	vst v63  }
0x43: {  	s10 =	rddreg [dreg:$0xe]  }
0x44: {  	[spmem:s30] =	stream.linear.scatter [tilespmem:s9], [sflag:$0x1], $0x1000, $0x38;
	[tilespmem:$0x1F100] =	vst v63  }
0x45: {  	s26 =	rddreg [dreg:$0x15]  }
0x46: {  	[spmem:s10] =	stream.linear.scatter [tilespmem:s9], [sflag:$0x1], $0x1000, $0x38;
	[tilespmem:$0x1F100] =	vst v63  }
0x47: {  	s29 =	rddreg [dreg:$0x16]  }
0x48: {  	[spmem:s26] =	stream.linear.scatter [tilespmem:s9], [sflag:$0x1], $0x1000, $0x38;
	[tilespmem:$0x1F100] =	vst v63  }
0x49: {  	s30 =	rddreg [dreg:$0x17]  }
0x4a: {  	[spmem:s29] =	stream.linear.scatter [tilespmem:s9], [sflag:$0x1], $0x1000, $0x38;
	[tilespmem:$0x1F100] =	vst v63  }
0x4b: {  	s10 =	rddreg [dreg:$0x18]  }
0x4c: {  	[spmem:s30] =	stream.linear.scatter [tilespmem:s9], [sflag:$0x1], $0x1000, $0x38;
	[tilespmem:$0x1F100] =	vst v63  }
0x4d: {  	s26 =	rddreg [dreg:$0x19]  }
0x4e: {  	[spmem:s10] =	stream.linear.scatter [tilespmem:s9], [sflag:$0x1], $0x1000, $0x38;
	[tilespmem:$0x1F100] =	vst v63  }
0x4f: {  	s29 =	rddreg [dreg:$0x1a]  }
0x50: {  	[spmem:s26] =	stream.linear.scatter [tilespmem:s9], [sflag:$0x1], $0x1000, $0x38;
	[tilespmem:$0x1F100] =	vst v63  }
0x51: {  	s30 =	rddreg [dreg:$0x1b]  }
0x52: {  	[spmem:s29] =	stream.linear.scatter [tilespmem:s9], [sflag:$0x1], $0x1000, $0x38;
	[tilespmem:$0x1F100] =	vst v63  }
0x53: {  	s10 =	rddreg [dreg:$0x1c]  }
0x54: {  	[spmem:s30] =	stream.linear.scatter [tilespmem:s9], [sflag:$0x1], $0x1000, $0x38;
	[tilespmem:$0x1F100] =	vst v63  }
0x55: {  	s26 =	rddreg [dreg:$0x1d]  }
0x56: {  	[spmem:s10] =	stream.linear.scatter [tilespmem:s9], [sflag:$0x1], $0x1000, $0x38;
	[tilespmem:$0x1F100] =	vst v63  }
0x57: {  	s29 =	rddreg [dreg:$0x1e]  }
0x58: {  	[spmem:s26] =	stream.linear.scatter [tilespmem:s9], [sflag:$0x1], $0x1000, $0x38;
	[tilespmem:$0x1F100] =	vst v63  }
0x59: {  	s30 =	rddreg [dreg:$0x1f]  }
0x5a: {  	[spmem:s29] =	stream.linear.scatter [tilespmem:s9], [sflag:$0x1], $0x1000, $0x38;
	[tilespmem:$0x1F100] =	vst v63  }
0x5b: {  	s10 =	sld [smem:$0x7FC]  }
0x5c: {  	[spmem:s30] =	stream.linear.scatter [tilespmem:s9], [sflag:$0x1], $0x1000, $0x38;
	[tilespmem:$0x1F100] =	vst v63  }
0x5d: {  	s26 =	sld [smem:$0x7FD]  }
0x5e: {  	[spmem:s10] =	stream.linear.scatter [tilespmem:s9], [sflag:$0x1], $0x1000, $0x38;
	[tilespmem:$0x1F100] =	vst v63  }
0x5f: {  	_ = 	snop  }
0x60: {  	[spmem:s26] =	stream.linear.scatter [tilespmem:s9], [sflag:$0x1], $0x1000, $0x38;
	[tilespmem:$0x1F100] =	vst v63  }
0x61: {  	_ =	swait.ge [sflag:s16], $0x1000  }
0x62: {  	[sflag:s16] =	ssyncset.done $0x0  }
0x63: {  	[sflag:s16] =	ssyncadd.s32 $0xFFFFF000  }
0x64: {  	_ =	swait.ge [sflag:s16], $0x1000  }
0x65: {  	[sflag:s16] =	ssyncset.done $0x0  }
0x66: {  	[sflag:s16] =	ssyncadd.s32 $0xFFFFF000  }
0x67: {  	_ =	swait.ge [sflag:s16], $0x1000  }
0x68: {  	[sflag:s16] =	ssyncset.done $0x0  }
0x69: {  	[sflag:s16] =	ssyncadd.s32 $0xFFFFF000  }
0x6a: {  	_ =	swait.ge [sflag:s16], $0x1000  }
0x6b: {  	[sflag:s16] =	ssyncset.done $0x0  }
0x6c: {  	[sflag:s16] =	ssyncadd.s32 $0xFFFFF000  }
0x6d: {  	_ =	swait.ge [sflag:s16], $0x1000  }
0x6e: {  	[sflag:s16] =	ssyncset.done $0x0  }
0x6f: {  	[sflag:s16] =	ssyncadd.s32 $0xFFFFF000  }
0x70: {  	_ =	swait.ge [sflag:s16], $0x1000  }
0x71: {  	[sflag:s16] =	ssyncset.done $0x0  }
0x72: {  	[sflag:s16] =	ssyncadd.s32 $0xFFFFF000  }
0x73: {  	_ =	swait.ge [sflag:s16], $0x1000  }
0x74: {  	[sflag:s16] =	ssyncset.done $0x0  }
0x75: {  	[sflag:s16] =	ssyncadd.s32 $0xFFFFF000  }
0x76: {  	_ =	swait.ge [sflag:s16], $0x1000  }
0x77: {  	[sflag:s16] =	ssyncset.done $0x0  }
0x78: {  	[sflag:s16] =	ssyncadd.s32 $0xFFFFF000  }
0x79: {  	_ =	swait.ge [sflag:s16], $0x1000  }
0x7a: {  	[sflag:s16] =	ssyncset.done $0x0  }
0x7b: {  	[sflag:s16] =	ssyncadd.s32 $0xFFFFF000  }
0x7c: {  	_ =	swait.ge [sflag:s16], $0x1000  }
0x7d: {  	[sflag:s16] =	ssyncset.done $0x0  }
0x7e: {  	[sflag:s16] =	ssyncadd.s32 $0xFFFFF000  }
0x7f: {  	_ =	swait.ge [sflag:s16], $0x1000  }
0x80: {  	[sflag:s16] =	ssyncset.done $0x0  }
0x81: {  	[sflag:s16] =	ssyncadd.s32 $0xFFFFF000  }
0x82: {  	_ =	swait.ge [sflag:s16], $0x1000  }
0x83: {  	[sflag:s16] =	ssyncset.done $0x0  }
0x84: {  	[sflag:s16] =	ssyncadd.s32 $0xFFFFF000  }
0x85: {  	_ =	swait.ge [sflag:s16], $0x1000  }
0x86: {  	[sflag:s16] =	ssyncset.done $0x0  }
0x87: {  	[sflag:s16] =	ssyncadd.s32 $0xFFFFF000  }
0x88: {  	_ =	swait.ge [sflag:s16], $0x1000  }
0x89: {  	[sflag:s16] =	ssyncset.done $0x0  }
0x8a: {  	[sflag:s16] =	ssyncadd.s32 $0xFFFFF000  }
0x8b: {  	_ =	swait.ge [sflag:s16], $0x1000  }
0x8c: {  	[sflag:s16] =	ssyncset.done $0x0  }
0x8d: {  	[sflag:s16] =	ssyncadd.s32 $0xFFFFF000  }
0x8e: {  	_ =	swait.ge [sflag:s16], $0x1000  }
0x8f: {  	[sflag:s16] =	ssyncset.done $0x0  }
0x90: {  	[sflag:s16] =	ssyncadd.s32 $0xFFFFF000  }
0x91: {  	_ =	swait.ge [sflag:s16], $0x1000  }
0x92: {  	[sflag:s16] =	ssyncset.done $0x0  }
0x93: {  	[sflag:s16] =	ssyncadd.s32 $0xFFFFF000  }
0x94: {  	_ =	swait.ge [sflag:s16], $0x1000  }
0x95: {  	[sflag:s16] =	ssyncset.done $0x0  }
0x96: {  	[sflag:s16] =	ssyncadd.s32 $0xFFFFF000  }
0x97: {  	_ =	swait.ge [sflag:s16], $0x1000  }
0x98: {  	[sflag:s16] =	ssyncset.done $0x0  }
0x99: {  	[sflag:s16] =	ssyncadd.s32 $0xFFFFF000  }
0x9a: {  	_ =	swait.ge [sflag:s16], $0x1000  }
0x9b: {  	[sflag:s16] =	ssyncset.done $0x0  }
0x9c: {  	[sflag:s16] =	ssyncadd.s32 $0xFFFFF000  }
0x9d: {  	_ =	swait.ge [sflag:s18], $0x2710  }
0x9e: {  	[sflag:s18] =	ssyncset.done $0x0  }
0x9f: {  	[sflag:s18] =	ssyncadd.s32 $0xFFFFD8F0  }
0xa0: {  	[bflag:$0x0] =	sbarrier.arrive $0xFFFF  }
0xa1: {  	s6 =	simm.s32 $0x0;
	s29 =	rddreg [dreg:$0x6]  }
0xa2: {  	[tilespmem:s19], [sflag:$0xD] =	stream.linear.gather [hbm4b:s29+s6], $0x28, $0x38;
	[tilespmem:$0x1F100] =	vst v63  }
0xa3: {  	_ =	swait.ge [sflag:s20], $0x28  }
0xa4: {  	[sflag:s20] =	ssyncset.done $0x0  }
0xa5: {  	s30 =	rddreg [dreg:$0xf];
	[sflag:s20] =	ssyncadd.s32 $0xFFFFFFD8  }
0xa6: {  	[tilespmem:s24], [sflag:$0x4] =	stream.linear.gather [hbm4b:s30+s6], $0x1400, $0x38;
	[tilespmem:$0x1F100] =	vst v63  }
0xa7: {  	s10 =	simm.s32 $0x1A500  }
0xa8: {  	[tilespmem:s10], [sflag:$0x7] =	stream.indirect.gather [hbm4b:s0+s25], $0x80, s19, s25, $0xb8;
	[tilespmem:$0x1F100] =	vst v63  }
0xa9: {  	s26 =	simm.s32 $0x2;
	s20 =	rddreg [dreg:$0x10];
	s10 =	simm.s32 $0x16800  }
0xaa: {  	[tilespmem:s10], [sflag:$0x2] =	stream.linear.gather [hbm4b:s20+s6], $0x28, $0x38;
	[tilespmem:$0x1F100] =	vst v63  }
0xab: {  	_ =	swait.ge [sflag:s26], $0x28  }
0xac: {  	[sflag:s26] =	ssyncset.done $0x0  }
0xad: {  	s30 =	simm.s32 $0x17D00;
	s29 =	rddreg [dreg:$0x11];
	[sflag:s26] =	ssyncadd.s32 $0xFFFFFFD8  }
0xae: {  	[tilespmem:s30], [sflag:$0x5] =	stream.linear.gather [hbm4b:s29+s6], $0x1400, $0x38;
	[tilespmem:$0x1F100] =	vst v63  }
0xaf: {  	s26 =	simm.s32 $0x1B900  }
0xb0: {  	[tilespmem:s26], [sflag:$0x8] =	stream.indirect.gather [hbm4b:s0+s25], $0x80, s10, s25, $0xb8;
	[tilespmem:$0x1F100] =	vst v63  }
0xb1: {  	s29 =	rddreg [dreg:$0x12];
	s30 =	simm.s32 $0x16880  }
0xb2: {  	[tilespmem:s30], [sflag:$0x3] =	stream.linear.gather [hbm4b:s29+s6], $0x28, $0x38;
	[tilespmem:$0x1F100] =	vst v63  }
0xb3: {  	_ =	swait.ge [sflag:s31], $0x1400  }
0xb4: {  	[sflag:s31] =	ssyncset.done $0x0  }
0xb5: {  	[sflag:s31] =	ssyncadd.s32 $0xFFFFEC00  }
0xb6: {  	_ =	swait.ge [sflag:s4], $0x1400  }
0xb7: {  	[sflag:s4] =	ssyncset.done $0x0  }
0xb8: {  	s6 =	simm.s32 $0x0;
	[sflag:s4] =	ssyncadd.s32 $0xFFFFEC00  }
0xb9: {  	v7 =	vld [tilespmem:s6+$0x1A500]  }
0xba: {  	v8 =	vld [tilespmem:s6+$0x1A510]  }
0xbb: {  	v9 =	vld [tilespmem:s6+$0x1A520]  }
0xbc: {  	v10 =	vld [tilespmem:s6+$0x1A530]  }
0xbd: {  	v11 =	vld [tilespmem:s6+$0x1A540]  }
0xbe: {  	v12 =	vld [tilespmem:s6+$0x1A550]  }
0xbf: {  	v13 =	vld [tilespmem:s6+$0x1A560]  }
0xc0: {  	v14 =	vld [tilespmem:s6+$0x1A570]  }
0xc1: {  	v15 =	vld [tilespmem:s6+$0x1A580]  }
0xc2: {  	v16 =	vld [tilespmem:s6+$0x1A590]  }
0xc3: {  	v17 =	vld [tilespmem:s6+$0x1A5A0]  }
0xc4: {  	v18 =	vld [tilespmem:s6+$0x1A5B0]  }
0xc5: {  	v19 =	vld [tilespmem:s6+$0x1A5C0]  }
0xc6: {  	v20 =	vld [tilespmem:s6+$0x1A5D0]  }
0xc7: {  	v21 =	vld [tilespmem:s6+$0x1A5E0]  }
0xc8: {  	v22 =	vld [tilespmem:s6+$0x1A5F0]  }
0xc9: {  	v23 =	vld [tilespmem:s6+$0x1A600]  }
0xca: {  	v24 =	vld [tilespmem:s6+$0x1A610]  }
0xcb: {  	v25 =	vld [tilespmem:s6+$0x1A620]  }
0xcc: {  	v26 =	vld [tilespmem:s6+$0x1A630]  }
0xcd: {  	v27 =	vld [tilespmem:s6+$0x1A640]  }
0xce: {  	v33 =	vld [tilespmem:s6+$0x16900]  }
0xcf: {  	v28 =	vld [tilespmem:s6+$0x1A650]  }
0xd0: {  	v34 =	vld [tilespmem:s6+$0x16910]  }
0xd1: {  	v35 =	vld [tilespmem:s6+$0x16920]  }
0xd2: {  	v29 =	vld [tilespmem:s6+$0x1A660]  }
0xd3: {  	v36 =	vld [tilespmem:s6+$0x16930];
	v7 =	vadd.f32 v33, v7  }
0xd4: {  	v37 =	vld [tilespmem:s6+$0x16940]  }
0xd5: {  	v30 =	vld [tilespmem:s6+$0x1A670];
	v8 =	vadd.f32 v34, v8;
	v7 =	vmax.f32 v7, $0.0e+00  }
0xd6: {  	v61 =	vld [tilespmem:s6+$0x16950];
	[tilespmem:s6+$0x16900] =	vst v7;
	v7 =	vadd.f32 v35, v9  }
0xd7: {  	v38 =	vld [tilespmem:s6+$0x16960];
	v8 =	vmax.f32 v8, $0.0e+00  }
0xd8: {  	v31 =	vld [tilespmem:s6+$0x1A680];
	[tilespmem:s6+$0x16910] =	vst v8;
	v8 =	vadd.f32 v36, v10;
	v7 =	vmax.f32 v7, $0.0e+00  }
0xd9: {  	v62 =	vld [tilespmem:s6+$0x16970];
	[tilespmem:s6+$0x16920] =	vst v7;
	v7 =	vadd.f32 v37, v11  }
0xda: {  	v9 =	vld [tilespmem:s6+$0x16980];
	v8 =	vmax.f32 v8, $0.0e+00  }
0xdb: {  	v32 =	vld [tilespmem:s6+$0x1A690];
	[tilespmem:s6+$0x16930] =	vst v8;
	v8 =	vadd.f32 v61, v12;
	v7 =	vmax.f32 v7, $0.0e+00  }
0xdc: {  	v10 =	vld [tilespmem:s6+$0x16990];
	[tilespmem:s6+$0x16940] =	vst v7;
	v7 =	vadd.f32 v38, v13  }
0xdd: {  	v11 =	vld [tilespmem:s6+$0x169A0];
	v8 =	vmax.f32 v8, $0.0e+00  }
0xde: {  	v6 =	vld [tilespmem:s6+$0x1A6A0];
	[tilespmem:s6+$0x16950] =	vst v8;
	v8 =	vadd.f32 v62, v14;
	v7 =	vmax.f32 v7, $0.0e+00  }
0xdf: {  	v12 =	vld [tilespmem:s6+$0x169B0];
	[tilespmem:s6+$0x16960] =	vst v7;
	v7 =	vadd.f32 v9, v15  }
0xe0: {  	v13 =	vld [tilespmem:s6+$0x169C0];
	v8 =	vmax.f32 v8, $0.0e+00  }
0xe1: {  	v5 =	vld [tilespmem:s6+$0x1A6B0];
	[tilespmem:s6+$0x16970] =	vst v8;
	v8 =	vadd.f32 v10, v16;
	v7 =	vmax.f32 v7, $0.0e+00  }
0xe2: {  	v14 =	vld [tilespmem:s6+$0x169D0];
	[tilespmem:s6+$0x16980] =	vst v7;
	v7 =	vadd.f32 v11, v17  }
0xe3: {  	v9 =	vld [tilespmem:s6+$0x169E0];
	v8 =	vmax.f32 v8, $0.0e+00  }
0xe4: {  	v4 =	vld [tilespmem:s6+$0x1A6C0];
	[tilespmem:s6+$0x16990] =	vst v8;
	v8 =	vadd.f32 v12, v18;
	v7 =	vmax.f32 v7, $0.0e+00  }
0xe5: {  	v10 =	vld [tilespmem:s6+$0x169F0];
	[tilespmem:s6+$0x169A0] =	vst v7;
	v7 =	vadd.f32 v13, v19  }
0xe6: {  	v11 =	vld [tilespmem:s6+$0x16A00];
	v8 =	vmax.f32 v8, $0.0e+00  }
0xe7: {  	v3 =	vld [tilespmem:s6+$0x1A6D0];
	[tilespmem:s6+$0x169B0] =	vst v8;
	v8 =	vadd.f32 v14, v20;
	v7 =	vmax.f32 v7, $0.0e+00  }
0xe8: {  	v12 =	vld [tilespmem:s6+$0x16A10];
	[tilespmem:s6+$0x169C0] =	vst v7;
	v7 =	vadd.f32 v9, v21  }
0xe9: {  	v13 =	vld [tilespmem:s6+$0x16A20];
	v8 =	vmax.f32 v8, $0.0e+00  }
0xea: {  	v2 =	vld [tilespmem:s6+$0x1A6E0];
	[tilespmem:s6+$0x169D0] =	vst v8;
	v8 =	vadd.f32 v10, v22;
	v7 =	vmax.f32 v7, $0.0e+00  }
0xeb: {  	v14 =	vld [tilespmem:s6+$0x16A30];
	[tilespmem:s6+$0x169E0] =	vst v7;
	v7 =	vadd.f32 v11, v23  }
0xec: {  	v9 =	vld [tilespmem:s6+$0x16A40];
	v8 =	vmax.f32 v8, $0.0e+00  }
0xed: {  	v1 =	vld [tilespmem:s6+$0x1A6F0];
	[tilespmem:s6+$0x169F0] =	vst v8;
	v8 =	vadd.f32 v12, v24;
	v7 =	vmax.f32 v7, $0.0e+00  }
0xee: {  	v10 =	vld [tilespmem:s6+$0x16A50];
	[tilespmem:s6+$0x16A00] =	vst v7;
	v7 =	vadd.f32 v13, v25  }
0xef: {  	v15 =	vld [tilespmem:s6+$0x16A60];
	v8 =	vmax.f32 v8, $0.0e+00  }
0xf0: {  	v12 =	vld [tilespmem:s6+$0x16A70];
	[tilespmem:s6+$0x16A10] =	vst v8;
	v8 =	vadd.f32 v14, v26;
	v7 =	vmax.f32 v7, $0.0e+00  }
0xf1: {  	v13 =	vld [tilespmem:s6+$0x16A80];
	[tilespmem:s6+$0x16A20] =	vst v7;
	v7 =	vadd.f32 v9, v27  }
0xf2: {  	v63 =	vld [tilespmem:s6+$0x16A90];
	v8 =	vmax.f32 v8, $0.0e+00  }
0xf3: {  	v11 =	vld [tilespmem:s6+$0x16AA0];
	[tilespmem:s6+$0x16A30] =	vst v8;
	v8 =	vadd.f32 v10, v28;
	v7 =	vmax.f32 v7, $0.0e+00  }
0xf4: {  	v10 =	vld [tilespmem:s6+$0x16AB0];
	[tilespmem:s6+$0x16A40] =	vst v7;
	v7 =	vadd.f32 v15, v29  }
0xf5: {  	v12 =	vadd.f32 v12, v30;
	v9 =	vld [tilespmem:s6+$0x16AC0];
	v8 =	vmax.f32 v8, $0.0e+00  }
0xf6: {  	v13 =	vadd.f32 v13, v31;
	[tilespmem:s6+$0x16A50] =	vst v8;
	v8 =	vld [tilespmem:s6+$0x16AD0];
	v7 =	vmax.f32 v7, $0.0e+00  }
0xf7: {  	s9 =	simm.s32 $0x800;
	v14 =	vmax.f32 v12, $0.0e+00;
	v12 =	vadd.f32 v63, v32;
	[tilespmem:s6+$0x16A60] =	vst v7;
	v7 =	vld [tilespmem:s6+$0x16AE0]  }
.LBB2_4:
0xf8: {  	s10 =	sshra.s32 s9, $0x2;
	p0 =	sne.s32 s9, $0x4800;
	[tilespmem:s6+$0x16A70] =	vst v14;
	v13 =	vmax.f32 v13, $0.0e+00;
	v6 =	vadd.f32 v11, v6;
	v11 =	vld [tilespmem:s6+$0x16AF0]  }
0xf9: {  	v14 =	vld [tilespmem:s10+$0x1A500];
	[tilespmem:s6+$0x16A80] =	vst v13;
	v12 =	vmax.f32 v12, $0.0e+00;
	v5 =	vadd.f32 v10, v5  }
0xfa: {  	v13 =	vld [tilespmem:s10+$0x1A510];
	[tilespmem:s6+$0x16A90] =	vst v12;
	v6 =	vmax.f32 v6, $0.0e+00;
	v4 =	vadd.f32 v9, v4  }
0xfb: {  	v15 =	vld [tilespmem:s10+$0x1A520];
	[tilespmem:s6+$0x16AA0] =	vst v6;
	v5 =	vmax.f32 v5, $0.0e+00;
	v3 =	vadd.f32 v8, v3  }
0xfc: {  	v16 =	vld [tilespmem:s10+$0x1A530];
	[tilespmem:s6+$0x16AB0] =	vst v5;
	v4 =	vmax.f32 v4, $0.0e+00;
	v2 =	vadd.f32 v7, v2  }
0xfd: {  	v17 =	vld [tilespmem:s10+$0x1A540];
	[tilespmem:s6+$0x16AC0] =	vst v4;
	v3 =	vmax.f32 v3, $0.0e+00;
	v1 =	vadd.f32 v11, v1  }
0xfe: {  	v18 =	vld [tilespmem:s10+$0x1A550];
	[tilespmem:s6+$0x16AD0] =	vst v3;
	v2 =	vmax.f32 v2, $0.0e+00  }
0xff: {  	v19 =	vld [tilespmem:s10+$0x1A560];
	[tilespmem:s6+$0x16AE0] =	vst v2;
	v1 =	vmax.f32 v1, $0.0e+00  }
0x100: {  	v20 =	vld [tilespmem:s10+$0x1A570];
	[tilespmem:s6+$0x16AF0] =	vst v1;
	s6 =	smov.u32 s10  }
0x101: {  	v21 =	vld [tilespmem:s6+$0x1A580]  }
0x102: {  	v22 =	vld [tilespmem:s6+$0x1A590]  }
0x103: {  	v23 =	vld [tilespmem:s6+$0x1A5A0]  }
0x104: {  	v24 =	vld [tilespmem:s6+$0x1A5B0]  }
0x105: {  	v25 =	vld [tilespmem:s6+$0x1A5C0]  }
0x106: {  	v26 =	vld [tilespmem:s6+$0x1A5D0]  }
0x107: {  	v27 =	vld [tilespmem:s6+$0x1A5E0]  }
0x108: {  	v28 =	vld [tilespmem:s6+$0x1A5F0]  }
0x109: {  	v29 =	vld [tilespmem:s6+$0x1A600]  }
0x10a: {  	v30 =	vld [tilespmem:s6+$0x1A610]  }
0x10b: {  	v31 =	vld [tilespmem:s6+$0x1A620]  }
0x10c: {  	v32 =	vld [tilespmem:s6+$0x1A630]  }
0x10d: {  	v12 =	vld [tilespmem:s6+$0x1A640]  }
0x10e: {  	v11 =	vld [tilespmem:s6+$0x1A650]  }
0x10f: {  	v10 =	vld [tilespmem:s6+$0x1A660]  }
0x110: {  	v9 =	vld [tilespmem:s6+$0x1A670]  }
0x111: {  	v8 =	vld [tilespmem:s6+$0x1A680]  }
0x112: {  	v7 =	vld [tilespmem:s6+$0x1A690]  }
0x113: {  	v6 =	vld [tilespmem:s6+$0x1A6A0]  }
0x114: {  	v5 =	vld [tilespmem:s6+$0x1A6B0]  }
0x115: {  	v4 =	vld [tilespmem:s6+$0x1A6C0]  }
0x116: {  	v3 =	vld [tilespmem:s6+$0x1A6D0]  }
0x117: {  	v2 =	vld [tilespmem:s6+$0x1A6E0]  }
0x118: {  	v1 =	vld [tilespmem:s6+$0x1A6F0]  }
0x119: {  	v33 =	vld [tilespmem:s6+$0x16900]  }
0x11a: {  	v34 =	vld [tilespmem:s6+$0x16910]  }
0x11b: {  	v35 =	vld [tilespmem:s6+$0x16920]  }
0x11c: {  	v36 =	vld [tilespmem:s6+$0x16930]  }
0x11d: {  	v37 =	vld [tilespmem:s6+$0x16940]  }
0x11e: {  	v14 =	vadd.f32 v33, v14;
	v33 =	vld [tilespmem:s6+$0x16950]  }
0x11f: {  	v13 =	vadd.f32 v34, v13;
	v34 =	vld [tilespmem:s6+$0x16960]  }
0x120: {  	v14 =	vmax.f32 v14, $0.0e+00;
	v15 =	vadd.f32 v35, v15;
	v35 =	vld [tilespmem:s6+$0x16970]  }
0x121: {  	[tilespmem:s6+$0x16900] =	vst v14;
	v13 =	vmax.f32 v13, $0.0e+00;
	v14 =	vadd.f32 v36, v16;
	v16 =	vld [tilespmem:s6+$0x16980]  }
0x122: {  	[tilespmem:s6+$0x16910] =	vst v13;
	v13 =	vmax.f32 v15, $0.0e+00;
	v15 =	vadd.f32 v37, v17;
	v17 =	vld [tilespmem:s6+$0x16990]  }
0x123: {  	[tilespmem:s6+$0x16920] =	vst v13;
	v13 =	vmax.f32 v14, $0.0e+00;
	v14 =	vadd.f32 v33, v18;
	v18 =	vld [tilespmem:s6+$0x169A0]  }
0x124: {  	[tilespmem:s6+$0x16930] =	vst v13;
	v13 =	vmax.f32 v15, $0.0e+00;
	v15 =	vadd.f32 v34, v19;
	v19 =	vld [tilespmem:s6+$0x169B0]  }
0x125: {  	[tilespmem:s6+$0x16940] =	vst v13;
	v13 =	vmax.f32 v14, $0.0e+00;
	v14 =	vadd.f32 v35, v20;
	v20 =	vld [tilespmem:s6+$0x169C0]  }
0x126: {  	[tilespmem:s6+$0x16950] =	vst v13;
	v13 =	vmax.f32 v15, $0.0e+00;
	v15 =	vadd.f32 v16, v21;
	v16 =	vld [tilespmem:s6+$0x169D0]  }
0x127: {  	[tilespmem:s6+$0x16960] =	vst v13;
	v13 =	vmax.f32 v14, $0.0e+00;
	v14 =	vadd.f32 v17, v22;
	v17 =	vld [tilespmem:s6+$0x169E0]  }
0x128: {  	[tilespmem:s6+$0x16970] =	vst v13;
	v13 =	vmax.f32 v15, $0.0e+00;
	v15 =	vadd.f32 v18, v23;
	v18 =	vld [tilespmem:s6+$0x169F0]  }
0x129: {  	[tilespmem:s6+$0x16980] =	vst v13;
	v13 =	vmax.f32 v14, $0.0e+00;
	v14 =	vadd.f32 v19, v24;
	v19 =	vld [tilespmem:s6+$0x16A00]  }
0x12a: {  	[tilespmem:s6+$0x16990] =	vst v13;
	v13 =	vmax.f32 v15, $0.0e+00;
	v15 =	vadd.f32 v20, v25;
	v20 =	vld [tilespmem:s6+$0x16A10]  }
0x12b: {  	[tilespmem:s6+$0x169A0] =	vst v13;
	v13 =	vmax.f32 v14, $0.0e+00;
	v14 =	vadd.f32 v16, v26;
	v16 =	vld [tilespmem:s6+$0x16A20]  }
0x12c: {  	[tilespmem:s6+$0x169B0] =	vst v13;
	v13 =	vmax.f32 v15, $0.0e+00;
	v15 =	vadd.f32 v17, v27;
	v17 =	vld [tilespmem:s6+$0x16A30]  }
0x12d: {  	[tilespmem:s6+$0x169C0] =	vst v13;
	v13 =	vmax.f32 v14, $0.0e+00;
	v14 =	vadd.f32 v18, v28;
	v18 =	vld [tilespmem:s6+$0x16A40]  }
0x12e: {  	[tilespmem:s6+$0x169D0] =	vst v13;
	v13 =	vmax.f32 v15, $0.0e+00;
	v15 =	vadd.f32 v19, v29;
	v19 =	vld [tilespmem:s6+$0x16A50]  }
0x12f: {  	[tilespmem:s6+$0x169E0] =	vst v13;
	v13 =	vmax.f32 v14, $0.0e+00;
	v14 =	vadd.f32 v20, v30;
	v20 =	vld [tilespmem:s6+$0x16A60]  }
0x130: {  	[tilespmem:s6+$0x169F0] =	vst v13;
	v13 =	vmax.f32 v15, $0.0e+00;
	v15 =	vadd.f32 v16, v31;
	v16 =	vld [tilespmem:s6+$0x16A70]  }
0x131: {  	[tilespmem:s6+$0x16A00] =	vst v13;
	v13 =	vmax.f32 v14, $0.0e+00;
	v14 =	vadd.f32 v17, v32;
	v17 =	vld [tilespmem:s6+$0x16A80]  }
0x132: {  	[tilespmem:s6+$0x16A10] =	vst v13;
	v13 =	vmax.f32 v15, $0.0e+00;
	v12 =	vadd.f32 v18, v12;
	v15 =	vld [tilespmem:s6+$0x16A90]  }
.Ltmp1:
0x133: {  	[tilespmem:s6+$0x16A20] =	vst v13;
	v13 =	vmax.f32 v14, $0.0e+00;
	v14 =	vadd.f32 v19, v11;
	v11 =	vld [tilespmem:s6+$0x16AA0];
	(pc) =	sbr.rel @p0 .LBB2_4-.Ltmp1, $4  }
0x134: {  	[tilespmem:s6+$0x16A30] =	vst v13;
	v12 =	vmax.f32 v12, $0.0e+00;
	v13 =	vadd.f32 v20, v10;
	v10 =	vld [tilespmem:s6+$0x16AB0]  }
0x135: {  	[tilespmem:s6+$0x16A40] =	vst v12;
	v12 =	vmax.f32 v14, $0.0e+00;
	v14 =	vadd.f32 v16, v9;
	v9 =	vld [tilespmem:s6+$0x16AC0]  }
0x136: {  	[tilespmem:s6+$0x16A50] =	vst v12;
	v12 =	vmax.f32 v13, $0.0e+00;
	v13 =	vadd.f32 v17, v8;
	v8 =	vld [tilespmem:s6+$0x16AD0]  }
0x137: {  	s9 =	sadd.s32 $0x800, s9;
	[tilespmem:s6+$0x16A60] =	vst v12;
	v14 =	vmax.f32 v14, $0.0e+00;
	v12 =	vadd.f32 v15, v7;
	v7 =	vld [tilespmem:s6+$0x16AE0]  }
0x138: {  	[tilespmem:s6+$0x16A70] =	vst v14;
	v13 =	vmax.f32 v13, $0.0e+00;
	v6 =	vadd.f32 v11, v6;
	v63 =	vld [tilespmem:s6+$0x16AF0]  }
0x139: {  	[tilespmem:s6+$0x16A80] =	vst v13;
	v12 =	vmax.f32 v12, $0.0e+00;
	v5 =	vadd.f32 v10, v5  }
0x13a: {  	[tilespmem:s6+$0x16A90] =	vst v12;
	v6 =	vmax.f32 v6, $0.0e+00;
	v4 =	vadd.f32 v9, v4  }
0x13b: {  	[tilespmem:s6+$0x16AA0] =	vst v6;
	v5 =	vmax.f32 v5, $0.0e+00;
	v3 =	vadd.f32 v8, v3  }
0x13c: {  	[tilespmem:s6+$0x16AB0] =	vst v5;
	v4 =	vmax.f32 v4, $0.0e+00;
	v2 =	vadd.f32 v7, v2  }
0x13d: {  	[tilespmem:s6+$0x16AC0] =	vst v4;
	v3 =	vmax.f32 v3, $0.0e+00;
	v1 =	vadd.f32 v63, v1  }
0x13e: {  	[tilespmem:s6+$0x16AD0] =	vst v3;
	v2 =	vmax.f32 v2, $0.0e+00  }
0x13f: {  	[tilespmem:s6+$0x16AE0] =	vst v2;
	v1 =	vmax.f32 v1, $0.0e+00  }
0x140: {  	s20 =	simm.s32 $0x0;
	s9 =	simm.s32 $0x0;
	[tilespmem:s6+$0x16AF0] =	vst v1  }
0x141: {  	[spmem:s5] =	stream.indirect.scatter.add.f32 [tilespmem:s24], [sflag:$0xA], $0x80, s15, s25, $0xb8;
	[tilespmem:$0x1F100] =	vst v63  }
.LBB2_6:
0x142: {  	s15 =	smul.u32 $0x78, s9;
	_ =	sdelay $0x1  }
0x143: {  	_ =	swait.ge [sflag:s2], $0x28;
	s6 =	sadd.s32 s15, s17  }
0x144: {  	[sflag:s2] =	ssyncset.done $0x0;
	s6 =	sshll.u32 s6, $0x4  }
0x145: {  	[sflag:s2] =	ssyncadd.s32 $0xFFFFFFD8;
	s6 =	sadd.s32 s3, s6  }
0x146: {  	[tilespmem:s8], [sflag:$0x6] =	stream.linear.gather [hbm4b:s6+s20], $0x1400, $0x38;
	[tilespmem:$0x1F100] =	vst v63  }
0x147: {  	s29 =	simm.s32 $0x16880;
	s10 =	simm.s32 $0x1CD00  }
0x148: {  	[tilespmem:s10], [sflag:$0x9] =	stream.indirect.gather [hbm4b:s0+s25], $0x80, s29, s25, $0xb8;
	[tilespmem:$0x1F100] =	vst v63  }
0x149: {  	s10 =	sadd.s32 s15, s21  }
0x14a: {  	s30 =	sshrl.u32 s10, $0x3  }
0x14b: {  	s6 =	sadd.s32 s1, s30  }
0x14c: {  	[tilespmem:s19], [sflag:$0x1] =	stream.linear.gather [hbm4b:s6+s20], $0x28, $0x38;
	[tilespmem:$0x1F100] =	vst v63  }
0x14d: {  	_ =	swait.ge [sflag:s11], $0x1400  }
0x14e: {  	[sflag:s11] =	ssyncset.done $0x0  }
0x14f: {  	[sflag:s11] =	ssyncadd.s32 $0xFFFFEC00  }
0x150: {  	_ =	swait.ge [sflag:s12], $0x1400  }
0x151: {  	[sflag:s12] =	ssyncset.done $0x0  }
0x152: {  	s6 =	simm.s32 $0x0;
	[sflag:s12] =	ssyncadd.s32 $0xFFFFEC00  }
0x153: {  	v7 =	vld [tilespmem:s6+$0x1B900]  }
0x154: {  	v8 =	vld [tilespmem:s6+$0x1B910]  }
0x155: {  	v9 =	vld [tilespmem:s6+$0x1B920]  }
0x156: {  	v10 =	vld [tilespmem:s6+$0x1B930]  }
0x157: {  	v11 =	vld [tilespmem:s6+$0x1B940]  }
0x158: {  	v12 =	vld [tilespmem:s6+$0x1B950]  }
0x159: {  	v13 =	vld [tilespmem:s6+$0x1B960]  }
0x15a: {  	v14 =	vld [tilespmem:s6+$0x1B970]  }
0x15b: {  	v15 =	vld [tilespmem:s6+$0x1B980]  }
0x15c: {  	v16 =	vld [tilespmem:s6+$0x1B990]  }
0x15d: {  	v17 =	vld [tilespmem:s6+$0x1B9A0]  }
0x15e: {  	v18 =	vld [tilespmem:s6+$0x1B9B0]  }
0x15f: {  	v19 =	vld [tilespmem:s6+$0x1B9C0]  }
0x160: {  	v20 =	vld [tilespmem:s6+$0x1B9D0]  }
0x161: {  	v21 =	vld [tilespmem:s6+$0x1B9E0]  }
0x162: {  	v22 =	vld [tilespmem:s6+$0x1B9F0]  }
0x163: {  	v23 =	vld [tilespmem:s6+$0x1BA00]  }
0x164: {  	v24 =	vld [tilespmem:s6+$0x1BA10]  }
0x165: {  	v25 =	vld [tilespmem:s6+$0x1BA20]  }
0x166: {  	v26 =	vld [tilespmem:s6+$0x1BA30]  }
0x167: {  	v27 =	vld [tilespmem:s6+$0x1BA40]  }
0x168: {  	v33 =	vld [tilespmem:s6+$0x17D00]  }
0x169: {  	v28 =	vld [tilespmem:s6+$0x1BA50]  }
0x16a: {  	v34 =	vld [tilespmem:s6+$0x17D10]  }
0x16b: {  	v35 =	vld [tilespmem:s6+$0x17D20]  }
0x16c: {  	v29 =	vld [tilespmem:s6+$0x1BA60]  }
0x16d: {  	v36 =	vld [tilespmem:s6+$0x17D30];
	v7 =	vadd.f32 v33, v7  }
0x16e: {  	v37 =	vld [tilespmem:s6+$0x17D40]  }
0x16f: {  	v30 =	vld [tilespmem:s6+$0x1BA70];
	v8 =	vadd.f32 v34, v8;
	v7 =	vmax.f32 v7, $0.0e+00  }
0x170: {  	v61 =	vld [tilespmem:s6+$0x17D50];
	[tilespmem:s6+$0x17D00] =	vst v7;
	v7 =	vadd.f32 v35, v9  }
0x171: {  	v38 =	vld [tilespmem:s6+$0x17D60];
	v8 =	vmax.f32 v8, $0.0e+00  }
0x172: {  	v31 =	vld [tilespmem:s6+$0x1BA80];
	[tilespmem:s6+$0x17D10] =	vst v8;
	v8 =	vadd.f32 v36, v10;
	v7 =	vmax.f32 v7, $0.0e+00  }
0x173: {  	v62 =	vld [tilespmem:s6+$0x17D70];
	[tilespmem:s6+$0x17D20] =	vst v7;
	v7 =	vadd.f32 v37, v11  }
0x174: {  	v9 =	vld [tilespmem:s6+$0x17D80];
	v8 =	vmax.f32 v8, $0.0e+00  }
0x175: {  	v32 =	vld [tilespmem:s6+$0x1BA90];
	[tilespmem:s6+$0x17D30] =	vst v8;
	v8 =	vadd.f32 v61, v12;
	v7 =	vmax.f32 v7, $0.0e+00  }
0x176: {  	v10 =	vld [tilespmem:s6+$0x17D90];
	[tilespmem:s6+$0x17D40] =	vst v7;
	v7 =	vadd.f32 v38, v13  }
0x177: {  	v11 =	vld [tilespmem:s6+$0x17DA0];
	v8 =	vmax.f32 v8, $0.0e+00  }
0x178: {  	v6 =	vld [tilespmem:s6+$0x1BAA0];
	[tilespmem:s6+$0x17D50] =	vst v8;
	v8 =	vadd.f32 v62, v14;
	v7 =	vmax.f32 v7, $0.0e+00  }
0x179: {  	v12 =	vld [tilespmem:s6+$0x17DB0];
	[tilespmem:s6+$0x17D60] =	vst v7;
	v7 =	vadd.f32 v9, v15  }
0x17a: {  	v13 =	vld [tilespmem:s6+$0x17DC0];
	v8 =	vmax.f32 v8, $0.0e+00  }
0x17b: {  	v5 =	vld [tilespmem:s6+$0x1BAB0];
	[tilespmem:s6+$0x17D70] =	vst v8;
	v8 =	vadd.f32 v10, v16;
	v7 =	vmax.f32 v7, $0.0e+00  }
0x17c: {  	v14 =	vld [tilespmem:s6+$0x17DD0];
	[tilespmem:s6+$0x17D80] =	vst v7;
	v7 =	vadd.f32 v11, v17  }
0x17d: {  	v9 =	vld [tilespmem:s6+$0x17DE0];
	v8 =	vmax.f32 v8, $0.0e+00  }
0x17e: {  	v4 =	vld [tilespmem:s6+$0x1BAC0];
	[tilespmem:s6+$0x17D90] =	vst v8;
	v8 =	vadd.f32 v12, v18;
	v7 =	vmax.f32 v7, $0.0e+00  }
0x17f: {  	v10 =	vld [tilespmem:s6+$0x17DF0];
	[tilespmem:s6+$0x17DA0] =	vst v7;
	v7 =	vadd.f32 v13, v19  }
0x180: {  	v11 =	vld [tilespmem:s6+$0x17E00];
	v8 =	vmax.f32 v8, $0.0e+00  }
0x181: {  	v3 =	vld [tilespmem:s6+$0x1BAD0];
	[tilespmem:s6+$0x17DB0] =	vst v8;
	v8 =	vadd.f32 v14, v20;
	v7 =	vmax.f32 v7, $0.0e+00  }
0x182: {  	v12 =	vld [tilespmem:s6+$0x17E10];
	[tilespmem:s6+$0x17DC0] =	vst v7;
	v7 =	vadd.f32 v9, v21  }
0x183: {  	v13 =	vld [tilespmem:s6+$0x17E20];
	v8 =	vmax.f32 v8, $0.0e+00  }
0x184: {  	v2 =	vld [tilespmem:s6+$0x1BAE0];
	[tilespmem:s6+$0x17DD0] =	vst v8;
	v8 =	vadd.f32 v10, v22;
	v7 =	vmax.f32 v7, $0.0e+00  }
0x185: {  	v14 =	vld [tilespmem:s6+$0x17E30];
	[tilespmem:s6+$0x17DE0] =	vst v7;
	v7 =	vadd.f32 v11, v23  }
0x186: {  	v9 =	vld [tilespmem:s6+$0x17E40];
	v8 =	vmax.f32 v8, $0.0e+00  }
0x187: {  	v1 =	vld [tilespmem:s6+$0x1BAF0];
	[tilespmem:s6+$0x17DF0] =	vst v8;
	v8 =	vadd.f32 v12, v24;
	v7 =	vmax.f32 v7, $0.0e+00  }
0x188: {  	v10 =	vld [tilespmem:s6+$0x17E50];
	[tilespmem:s6+$0x17E00] =	vst v7;
	v7 =	vadd.f32 v13, v25  }
0x189: {  	v15 =	vld [tilespmem:s6+$0x17E60];
	v8 =	vmax.f32 v8, $0.0e+00  }
0x18a: {  	v12 =	vld [tilespmem:s6+$0x17E70];
	[tilespmem:s6+$0x17E10] =	vst v8;
	v8 =	vadd.f32 v14, v26;
	v7 =	vmax.f32 v7, $0.0e+00  }
0x18b: {  	v13 =	vld [tilespmem:s6+$0x17E80];
	[tilespmem:s6+$0x17E20] =	vst v7;
	v7 =	vadd.f32 v9, v27  }
0x18c: {  	v63 =	vld [tilespmem:s6+$0x17E90];
	v8 =	vmax.f32 v8, $0.0e+00  }
0x18d: {  	v11 =	vld [tilespmem:s6+$0x17EA0];
	[tilespmem:s6+$0x17E30] =	vst v8;
	v8 =	vadd.f32 v10, v28;
	v7 =	vmax.f32 v7, $0.0e+00  }
0x18e: {  	v10 =	vld [tilespmem:s6+$0x17EB0];
	[tilespmem:s6+$0x17E40] =	vst v7;
	v7 =	vadd.f32 v15, v29  }
0x18f: {  	v12 =	vadd.f32 v12, v30;
	v9 =	vld [tilespmem:s6+$0x17EC0];
	v8 =	vmax.f32 v8, $0.0e+00  }
0x190: {  	v13 =	vadd.f32 v13, v31;
	[tilespmem:s6+$0x17E50] =	vst v8;
	v8 =	vld [tilespmem:s6+$0x17ED0];
	v7 =	vmax.f32 v7, $0.0e+00  }
0x191: {  	s26 =	simm.s32 $0x800;
	v14 =	vmax.f32 v12, $0.0e+00;
	v12 =	vadd.f32 v63, v32;
	[tilespmem:s6+$0x17E60] =	vst v7;
	v7 =	vld [tilespmem:s6+$0x17EE0]  }
.LBB2_7:
0x192: {  	s29 =	sshra.s32 s26, $0x2;
	p0 =	sne.s32 s26, $0x4800;
	[tilespmem:s6+$0x17E70] =	vst v14;
	v13 =	vmax.f32 v13, $0.0e+00;
	v6 =	vadd.f32 v11, v6;
	v11 =	vld [tilespmem:s6+$0x17EF0]  }
0x193: {  	v14 =	vld [tilespmem:s29+$0x1B900];
	[tilespmem:s6+$0x17E80] =	vst v13;
	v12 =	vmax.f32 v12, $0.0e+00;
	v5 =	vadd.f32 v10, v5  }
0x194: {  	v13 =	vld [tilespmem:s29+$0x1B910];
	[tilespmem:s6+$0x17E90] =	vst v12;
	v6 =	vmax.f32 v6, $0.0e+00;
	v4 =	vadd.f32 v9, v4  }
0x195: {  	v15 =	vld [tilespmem:s29+$0x1B920];
	[tilespmem:s6+$0x17EA0] =	vst v6;
	v5 =	vmax.f32 v5, $0.0e+00;
	v3 =	vadd.f32 v8, v3  }
0x196: {  	v16 =	vld [tilespmem:s29+$0x1B930];
	[tilespmem:s6+$0x17EB0] =	vst v5;
	v4 =	vmax.f32 v4, $0.0e+00;
	v2 =	vadd.f32 v7, v2  }
0x197: {  	v17 =	vld [tilespmem:s29+$0x1B940];
	[tilespmem:s6+$0x17EC0] =	vst v4;
	v3 =	vmax.f32 v3, $0.0e+00;
	v1 =	vadd.f32 v11, v1  }
0x198: {  	v18 =	vld [tilespmem:s29+$0x1B950];
	[tilespmem:s6+$0x17ED0] =	vst v3;
	v2 =	vmax.f32 v2, $0.0e+00  }
0x199: {  	v19 =	vld [tilespmem:s29+$0x1B960];
	[tilespmem:s6+$0x17EE0] =	vst v2;
	v1 =	vmax.f32 v1, $0.0e+00  }
0x19a: {  	v20 =	vld [tilespmem:s29+$0x1B970];
	[tilespmem:s6+$0x17EF0] =	vst v1;
	s6 =	smov.u32 s29  }
0x19b: {  	v21 =	vld [tilespmem:s6+$0x1B980]  }
0x19c: {  	v22 =	vld [tilespmem:s6+$0x1B990]  }
0x19d: {  	v23 =	vld [tilespmem:s6+$0x1B9A0]  }
0x19e: {  	v24 =	vld [tilespmem:s6+$0x1B9B0]  }
0x19f: {  	v25 =	vld [tilespmem:s6+$0x1B9C0]  }
0x1a0: {  	v26 =	vld [tilespmem:s6+$0x1B9D0]  }
0x1a1: {  	v27 =	vld [tilespmem:s6+$0x1B9E0]  }
0x1a2: {  	v28 =	vld [tilespmem:s6+$0x1B9F0]  }
0x1a3: {  	v29 =	vld [tilespmem:s6+$0x1BA00]  }
0x1a4: {  	v30 =	vld [tilespmem:s6+$0x1BA10]  }
0x1a5: {  	v31 =	vld [tilespmem:s6+$0x1BA20]  }
0x1a6: {  	v32 =	vld [tilespmem:s6+$0x1BA30]  }
0x1a7: {  	v12 =	vld [tilespmem:s6+$0x1BA40]  }
0x1a8: {  	v11 =	vld [tilespmem:s6+$0x1BA50]  }
0x1a9: {  	v10 =	vld [tilespmem:s6+$0x1BA60]  }
0x1aa: {  	v9 =	vld [tilespmem:s6+$0x1BA70]  }
0x1ab: {  	v8 =	vld [tilespmem:s6+$0x1BA80]  }
0x1ac: {  	v7 =	vld [tilespmem:s6+$0x1BA90]  }
0x1ad: {  	v6 =	vld [tilespmem:s6+$0x1BAA0]  }
0x1ae: {  	v5 =	vld [tilespmem:s6+$0x1BAB0]  }
0x1af: {  	v4 =	vld [tilespmem:s6+$0x1BAC0]  }
0x1b0: {  	v3 =	vld [tilespmem:s6+$0x1BAD0]  }
0x1b1: {  	v2 =	vld [tilespmem:s6+$0x1BAE0]  }
0x1b2: {  	v1 =	vld [tilespmem:s6+$0x1BAF0]  }
0x1b3: {  	v33 =	vld [tilespmem:s6+$0x17D00]  }
0x1b4: {  	v34 =	vld [tilespmem:s6+$0x17D10]  }
0x1b5: {  	v35 =	vld [tilespmem:s6+$0x17D20]  }
0x1b6: {  	v36 =	vld [tilespmem:s6+$0x17D30]  }
0x1b7: {  	v37 =	vld [tilespmem:s6+$0x17D40]  }
0x1b8: {  	v14 =	vadd.f32 v33, v14;
	v33 =	vld [tilespmem:s6+$0x17D50]  }
0x1b9: {  	v13 =	vadd.f32 v34, v13;
	v34 =	vld [tilespmem:s6+$0x17D60]  }
0x1ba: {  	v14 =	vmax.f32 v14, $0.0e+00;
	v15 =	vadd.f32 v35, v15;
	v35 =	vld [tilespmem:s6+$0x17D70]  }
0x1bb: {  	[tilespmem:s6+$0x17D00] =	vst v14;
	v13 =	vmax.f32 v13, $0.0e+00;
	v14 =	vadd.f32 v36, v16;
	v16 =	vld [tilespmem:s6+$0x17D80]  }
0x1bc: {  	[tilespmem:s6+$0x17D10] =	vst v13;
	v13 =	vmax.f32 v15, $0.0e+00;
	v15 =	vadd.f32 v37, v17;
	v17 =	vld [tilespmem:s6+$0x17D90]  }
0x1bd: {  	[tilespmem:s6+$0x17D20] =	vst v13;
	v13 =	vmax.f32 v14, $0.0e+00;
	v14 =	vadd.f32 v33, v18;
	v18 =	vld [tilespmem:s6+$0x17DA0]  }
0x1be: {  	[tilespmem:s6+$0x17D30] =	vst v13;
	v13 =	vmax.f32 v15, $0.0e+00;
	v15 =	vadd.f32 v34, v19;
	v19 =	vld [tilespmem:s6+$0x17DB0]  }
0x1bf: {  	[tilespmem:s6+$0x17D40] =	vst v13;
	v13 =	vmax.f32 v14, $0.0e+00;
	v14 =	vadd.f32 v35, v20;
	v20 =	vld [tilespmem:s6+$0x17DC0]  }
0x1c0: {  	[tilespmem:s6+$0x17D50] =	vst v13;
	v13 =	vmax.f32 v15, $0.0e+00;
	v15 =	vadd.f32 v16, v21;
	v16 =	vld [tilespmem:s6+$0x17DD0]  }
0x1c1: {  	[tilespmem:s6+$0x17D60] =	vst v13;
	v13 =	vmax.f32 v14, $0.0e+00;
	v14 =	vadd.f32 v17, v22;
	v17 =	vld [tilespmem:s6+$0x17DE0]  }
0x1c2: {  	[tilespmem:s6+$0x17D70] =	vst v13;
	v13 =	vmax.f32 v15, $0.0e+00;
	v15 =	vadd.f32 v18, v23;
	v18 =	vld [tilespmem:s6+$0x17DF0]  }
0x1c3: {  	[tilespmem:s6+$0x17D80] =	vst v13;
	v13 =	vmax.f32 v14, $0.0e+00;
	v14 =	vadd.f32 v19, v24;
	v19 =	vld [tilespmem:s6+$0x17E00]  }
0x1c4: {  	[tilespmem:s6+$0x17D90] =	vst v13;
	v13 =	vmax.f32 v15, $0.0e+00;
	v15 =	vadd.f32 v20, v25;
	v20 =	vld [tilespmem:s6+$0x17E10]  }
0x1c5: {  	[tilespmem:s6+$0x17DA0] =	vst v13;
	v13 =	vmax.f32 v14, $0.0e+00;
	v14 =	vadd.f32 v16, v26;
	v16 =	vld [tilespmem:s6+$0x17E20]  }
0x1c6: {  	[tilespmem:s6+$0x17DB0] =	vst v13;
	v13 =	vmax.f32 v15, $0.0e+00;
	v15 =	vadd.f32 v17, v27;
	v17 =	vld [tilespmem:s6+$0x17E30]  }
0x1c7: {  	[tilespmem:s6+$0x17DC0] =	vst v13;
	v13 =	vmax.f32 v14, $0.0e+00;
	v14 =	vadd.f32 v18, v28;
	v18 =	vld [tilespmem:s6+$0x17E40]  }
0x1c8: {  	[tilespmem:s6+$0x17DD0] =	vst v13;
	v13 =	vmax.f32 v15, $0.0e+00;
	v15 =	vadd.f32 v19, v29;
	v19 =	vld [tilespmem:s6+$0x17E50]  }
0x1c9: {  	[tilespmem:s6+$0x17DE0] =	vst v13;
	v13 =	vmax.f32 v14, $0.0e+00;
	v14 =	vadd.f32 v20, v30;
	v20 =	vld [tilespmem:s6+$0x17E60]  }
0x1ca: {  	[tilespmem:s6+$0x17DF0] =	vst v13;
	v13 =	vmax.f32 v15, $0.0e+00;
	v15 =	vadd.f32 v16, v31;
	v16 =	vld [tilespmem:s6+$0x17E70]  }
0x1cb: {  	[tilespmem:s6+$0x17E00] =	vst v13;
	v13 =	vmax.f32 v14, $0.0e+00;
	v14 =	vadd.f32 v17, v32;
	v17 =	vld [tilespmem:s6+$0x17E80]  }
0x1cc: {  	[tilespmem:s6+$0x17E10] =	vst v13;
	v13 =	vmax.f32 v15, $0.0e+00;
	v12 =	vadd.f32 v18, v12;
	v15 =	vld [tilespmem:s6+$0x17E90]  }
.Ltmp2:
0x1cd: {  	[tilespmem:s6+$0x17E20] =	vst v13;
	v13 =	vmax.f32 v14, $0.0e+00;
	v14 =	vadd.f32 v19, v11;
	v11 =	vld [tilespmem:s6+$0x17EA0];
	(pc) =	sbr.rel @p0 .LBB2_7-.Ltmp2, $4  }
0x1ce: {  	[tilespmem:s6+$0x17E30] =	vst v13;
	v12 =	vmax.f32 v12, $0.0e+00;
	v13 =	vadd.f32 v20, v10;
	v10 =	vld [tilespmem:s6+$0x17EB0]  }
0x1cf: {  	[tilespmem:s6+$0x17E40] =	vst v12;
	v12 =	vmax.f32 v14, $0.0e+00;
	v14 =	vadd.f32 v16, v9;
	v9 =	vld [tilespmem:s6+$0x17EC0]  }
0x1d0: {  	[tilespmem:s6+$0x17E50] =	vst v12;
	v12 =	vmax.f32 v13, $0.0e+00;
	v13 =	vadd.f32 v17, v8;
	v8 =	vld [tilespmem:s6+$0x17ED0]  }
0x1d1: {  	s26 =	sadd.s32 $0x800, s26;
	[tilespmem:s6+$0x17E60] =	vst v12;
	v14 =	vmax.f32 v14, $0.0e+00;
	v12 =	vadd.f32 v15, v7;
	v7 =	vld [tilespmem:s6+$0x17EE0]  }
0x1d2: {  	[tilespmem:s6+$0x17E70] =	vst v14;
	v13 =	vmax.f32 v13, $0.0e+00;
	v6 =	vadd.f32 v11, v6;
	v11 =	vld [tilespmem:s6+$0x17EF0]  }
0x1d3: {  	[tilespmem:s6+$0x17E80] =	vst v13;
	v12 =	vmax.f32 v12, $0.0e+00;
	v5 =	vadd.f32 v10, v5  }
0x1d4: {  	[tilespmem:s6+$0x17E90] =	vst v12;
	v6 =	vmax.f32 v6, $0.0e+00;
	v4 =	vadd.f32 v9, v4  }
0x1d5: {  	[tilespmem:s6+$0x17EA0] =	vst v6;
	v5 =	vmax.f32 v5, $0.0e+00;
	v3 =	vadd.f32 v8, v3  }
0x1d6: {  	[tilespmem:s6+$0x17EB0] =	vst v5;
	v4 =	vmax.f32 v4, $0.0e+00;
	v2 =	vadd.f32 v7, v2  }
0x1d7: {  	[tilespmem:s6+$0x17EC0] =	vst v4;
	v3 =	vmax.f32 v3, $0.0e+00;
	v1 =	vadd.f32 v11, v1  }
0x1d8: {  	[tilespmem:s6+$0x17ED0] =	vst v3;
	v2 =	vmax.f32 v2, $0.0e+00  }
0x1d9: {  	[tilespmem:s6+$0x17EE0] =	vst v2;
	v1 =	vmax.f32 v1, $0.0e+00  }
0x1da: {  	s26 =	smul.u32 $0x1E0, s9;
	[tilespmem:s6+$0x17EF0] =	vst v1  }
0x1db: {  	_ =	swait.ge [sflag:s18], $0x1400  }
0x1dc: {  	s6 =	sshra.s32 s26, $0x2;
	[sflag:s18] =	ssyncset.done $0x0  }
0x1dd: {  	s29 =	simm.s32 $0x17D00;
	s26 =	sadd.s32 $0x14028, s6;
	[sflag:s18] =	ssyncadd.s32 $0xFFFFEC00  }
0x1de: {  	[spmem:s5] =	stream.indirect.scatter.add.f32 [tilespmem:s29], [sflag:$0xB], $0x80, s26, s25, $0xb8;
	[tilespmem:$0x1F100] =	vst v63  }
0x1df: {  	_ =	swait.ge [sflag:s16], $0x28  }
0x1e0: {  	s10 =	sshll.u32 s10, $0x4;
	s30 =	simm.s32 $0x0;
	[sflag:s16] =	ssyncset.done $0x0  }
0x1e1: {  	p0 =	seq.s32 s9, $0x52;
	s10 =	sadd.s32 s3, s10;
	[sflag:s16] =	ssyncadd.s32 $0xFFFFFFD8  }
0x1e2: {  	[tilespmem:s24], [sflag:$0x4] =	stream.linear.gather [hbm4b:s10+s30], $0x1400, $0x38;
	[tilespmem:$0x1F100] =	vst v63  }
0x1e3: {  	s10 =	sadd.s32 @!p0 s15, s22  }
0x1e4: {  	s30 =	simm.s32 $0x1A500;
	s26 =	sshrl.u32 @!p0 s10, $0x3  }
0x1e5: {  	[tilespmem:s30], [sflag:$0x7] =	stream.indirect.gather [hbm4b:s0+s25], $0x80, s19, s25, $0xb8;
	[tilespmem:$0x1F100] =	vst v63  }
0x1e6: {  	s29 =	simm.s32 @!p0 $0x0;
	s26 =	sadd.s32 @!p0 s1, s26;
	s30 =	simm.s32 @!p0 $0x16800  }
0x1e7: {  	[tilespmem:s30], [sflag:$0x2] =	stream.linear.gather @!p0 [hbm4b:s26+s29], $0x28, $0x38;
	[tilespmem:$0x1F100] =	vst v63  }
0x1e8: {  	_ =	swait.ge [sflag:s13], $0x1400  }
0x1e9: {  	[sflag:s13] =	ssyncset.done $0x0  }
0x1ea: {  	[sflag:s13] =	ssyncadd.s32 $0xFFFFEC00  }
0x1eb: {  	_ =	swait.ge [sflag:s14], $0x1400  }
0x1ec: {  	[sflag:s14] =	ssyncset.done $0x0  }
0x1ed: {  	s26 =	simm.s32 $0x0;
	[sflag:s14] =	ssyncadd.s32 $0xFFFFEC00  }
0x1ee: {  	v7 =	vld [tilespmem:s26+$0x1CD00]  }
0x1ef: {  	v8 =	vld [tilespmem:s26+$0x1CD10]  }
0x1f0: {  	v9 =	vld [tilespmem:s26+$0x1CD20]  }
0x1f1: {  	v10 =	vld [tilespmem:s26+$0x1CD30]  }
0x1f2: {  	v11 =	vld [tilespmem:s26+$0x1CD40]  }
0x1f3: {  	v12 =	vld [tilespmem:s26+$0x1CD50]  }
0x1f4: {  	v13 =	vld [tilespmem:s26+$0x1CD60]  }
0x1f5: {  	v14 =	vld [tilespmem:s26+$0x1CD70]  }
0x1f6: {  	v15 =	vld [tilespmem:s26+$0x1CD80]  }
0x1f7: {  	v16 =	vld [tilespmem:s26+$0x1CD90]  }
0x1f8: {  	v17 =	vld [tilespmem:s26+$0x1CDA0]  }
0x1f9: {  	v18 =	vld [tilespmem:s26+$0x1CDB0]  }
0x1fa: {  	v19 =	vld [tilespmem:s26+$0x1CDC0]  }
0x1fb: {  	v20 =	vld [tilespmem:s26+$0x1CDD0]  }
0x1fc: {  	v21 =	vld [tilespmem:s26+$0x1CDE0]  }
0x1fd: {  	v22 =	vld [tilespmem:s26+$0x1CDF0]  }
0x1fe: {  	v23 =	vld [tilespmem:s26+$0x1CE00]  }
0x1ff: {  	v24 =	vld [tilespmem:s26+$0x1CE10]  }
0x200: {  	v25 =	vld [tilespmem:s26+$0x1CE20]  }
0x201: {  	v26 =	vld [tilespmem:s26+$0x1CE30]  }
0x202: {  	v27 =	vld [tilespmem:s26+$0x1CE40]  }
0x203: {  	v33 =	vld [tilespmem:s26+$0x19100]  }
0x204: {  	v28 =	vld [tilespmem:s26+$0x1CE50]  }
0x205: {  	v34 =	vld [tilespmem:s26+$0x19110]  }
0x206: {  	v35 =	vld [tilespmem:s26+$0x19120]  }
0x207: {  	v29 =	vld [tilespmem:s26+$0x1CE60]  }
0x208: {  	v36 =	vld [tilespmem:s26+$0x19130];
	v7 =	vadd.f32 v33, v7  }
0x209: {  	v37 =	vld [tilespmem:s26+$0x19140]  }
0x20a: {  	v30 =	vld [tilespmem:s26+$0x1CE70];
	v8 =	vadd.f32 v34, v8;
	v7 =	vmax.f32 v7, $0.0e+00  }
0x20b: {  	v61 =	vld [tilespmem:s26+$0x19150];
	[tilespmem:s26+$0x19100] =	vst v7;
	v7 =	vadd.f32 v35, v9  }
0x20c: {  	v38 =	vld [tilespmem:s26+$0x19160];
	v8 =	vmax.f32 v8, $0.0e+00  }
0x20d: {  	v31 =	vld [tilespmem:s26+$0x1CE80];
	[tilespmem:s26+$0x19110] =	vst v8;
	v8 =	vadd.f32 v36, v10;
	v7 =	vmax.f32 v7, $0.0e+00  }
0x20e: {  	v62 =	vld [tilespmem:s26+$0x19170];
	[tilespmem:s26+$0x19120] =	vst v7;
	v7 =	vadd.f32 v37, v11  }
0x20f: {  	v9 =	vld [tilespmem:s26+$0x19180];
	v8 =	vmax.f32 v8, $0.0e+00  }
0x210: {  	v32 =	vld [tilespmem:s26+$0x1CE90];
	[tilespmem:s26+$0x19130] =	vst v8;
	v8 =	vadd.f32 v61, v12;
	v7 =	vmax.f32 v7, $0.0e+00  }
0x211: {  	v10 =	vld [tilespmem:s26+$0x19190];
	[tilespmem:s26+$0x19140] =	vst v7;
	v7 =	vadd.f32 v38, v13  }
0x212: {  	v11 =	vld [tilespmem:s26+$0x191A0];
	v8 =	vmax.f32 v8, $0.0e+00  }
0x213: {  	v6 =	vld [tilespmem:s26+$0x1CEA0];
	[tilespmem:s26+$0x19150] =	vst v8;
	v8 =	vadd.f32 v62, v14;
	v7 =	vmax.f32 v7, $0.0e+00  }
0x214: {  	v12 =	vld [tilespmem:s26+$0x191B0];
	[tilespmem:s26+$0x19160] =	vst v7;
	v7 =	vadd.f32 v9, v15  }
0x215: {  	v13 =	vld [tilespmem:s26+$0x191C0];
	v8 =	vmax.f32 v8, $0.0e+00  }
0x216: {  	v5 =	vld [tilespmem:s26+$0x1CEB0];
	[tilespmem:s26+$0x19170] =	vst v8;
	v8 =	vadd.f32 v10, v16;
	v7 =	vmax.f32 v7, $0.0e+00  }
0x217: {  	v14 =	vld [tilespmem:s26+$0x191D0];
	[tilespmem:s26+$0x19180] =	vst v7;
	v7 =	vadd.f32 v11, v17  }
0x218: {  	v9 =	vld [tilespmem:s26+$0x191E0];
	v8 =	vmax.f32 v8, $0.0e+00  }
0x219: {  	v4 =	vld [tilespmem:s26+$0x1CEC0];
	[tilespmem:s26+$0x19190] =	vst v8;
	v8 =	vadd.f32 v12, v18;
	v7 =	vmax.f32 v7, $0.0e+00  }
0x21a: {  	v10 =	vld [tilespmem:s26+$0x191F0];
	[tilespmem:s26+$0x191A0] =	vst v7;
	v7 =	vadd.f32 v13, v19  }
0x21b: {  	v11 =	vld [tilespmem:s26+$0x19200];
	v8 =	vmax.f32 v8, $0.0e+00  }
0x21c: {  	v3 =	vld [tilespmem:s26+$0x1CED0];
	[tilespmem:s26+$0x191B0] =	vst v8;
	v8 =	vadd.f32 v14, v20;
	v7 =	vmax.f32 v7, $0.0e+00  }
0x21d: {  	v12 =	vld [tilespmem:s26+$0x19210];
	[tilespmem:s26+$0x191C0] =	vst v7;
	v7 =	vadd.f32 v9, v21  }
0x21e: {  	v13 =	vld [tilespmem:s26+$0x19220];
	v8 =	vmax.f32 v8, $0.0e+00  }
0x21f: {  	v2 =	vld [tilespmem:s26+$0x1CEE0];
	[tilespmem:s26+$0x191D0] =	vst v8;
	v8 =	vadd.f32 v10, v22;
	v7 =	vmax.f32 v7, $0.0e+00  }
0x220: {  	v14 =	vld [tilespmem:s26+$0x19230];
	[tilespmem:s26+$0x191E0] =	vst v7;
	v7 =	vadd.f32 v11, v23  }
0x221: {  	v9 =	vld [tilespmem:s26+$0x19240];
	v8 =	vmax.f32 v8, $0.0e+00  }
0x222: {  	v1 =	vld [tilespmem:s26+$0x1CEF0];
	[tilespmem:s26+$0x191F0] =	vst v8;
	v8 =	vadd.f32 v12, v24;
	v7 =	vmax.f32 v7, $0.0e+00  }
0x223: {  	v10 =	vld [tilespmem:s26+$0x19250];
	[tilespmem:s26+$0x19200] =	vst v7;
	v7 =	vadd.f32 v13, v25  }
0x224: {  	v15 =	vld [tilespmem:s26+$0x19260];
	v8 =	vmax.f32 v8, $0.0e+00  }
0x225: {  	v12 =	vld [tilespmem:s26+$0x19270];
	[tilespmem:s26+$0x19210] =	vst v8;
	v8 =	vadd.f32 v14, v26;
	v7 =	vmax.f32 v7, $0.0e+00  }
0x226: {  	v13 =	vld [tilespmem:s26+$0x19280];
	[tilespmem:s26+$0x19220] =	vst v7;
	v7 =	vadd.f32 v9, v27  }
0x227: {  	v63 =	vld [tilespmem:s26+$0x19290];
	v8 =	vmax.f32 v8, $0.0e+00  }
0x228: {  	v11 =	vld [tilespmem:s26+$0x192A0];
	[tilespmem:s26+$0x19230] =	vst v8;
	v8 =	vadd.f32 v10, v28;
	v7 =	vmax.f32 v7, $0.0e+00  }
0x229: {  	v10 =	vld [tilespmem:s26+$0x192B0];
	[tilespmem:s26+$0x19240] =	vst v7;
	v7 =	vadd.f32 v15, v29  }
0x22a: {  	v12 =	vadd.f32 v12, v30;
	v9 =	vld [tilespmem:s26+$0x192C0];
	v8 =	vmax.f32 v8, $0.0e+00  }
0x22b: {  	v13 =	vadd.f32 v13, v31;
	[tilespmem:s26+$0x19250] =	vst v8;
	v8 =	vld [tilespmem:s26+$0x192D0];
	v7 =	vmax.f32 v7, $0.0e+00  }
0x22c: {  	s29 =	simm.s32 $0x800;
	v14 =	vmax.f32 v12, $0.0e+00;
	v12 =	vadd.f32 v63, v32;
	[tilespmem:s26+$0x19260] =	vst v7;
	v7 =	vld [tilespmem:s26+$0x192E0]  }
.LBB2_9:
0x22d: {  	s30 =	sshra.s32 s29, $0x2;
	p1 =	sne.s32 s29, $0x4800;
	[tilespmem:s26+$0x19270] =	vst v14;
	v13 =	vmax.f32 v13, $0.0e+00;
	v6 =	vadd.f32 v11, v6;
	v11 =	vld [tilespmem:s26+$0x192F0]  }
0x22e: {  	v14 =	vld [tilespmem:s30+$0x1CD00];
	[tilespmem:s26+$0x19280] =	vst v13;
	v12 =	vmax.f32 v12, $0.0e+00;
	v5 =	vadd.f32 v10, v5  }
0x22f: {  	v13 =	vld [tilespmem:s30+$0x1CD10];
	[tilespmem:s26+$0x19290] =	vst v12;
	v6 =	vmax.f32 v6, $0.0e+00;
	v4 =	vadd.f32 v9, v4  }
0x230: {  	v15 =	vld [tilespmem:s30+$0x1CD20];
	[tilespmem:s26+$0x192A0] =	vst v6;
	v5 =	vmax.f32 v5, $0.0e+00;
	v3 =	vadd.f32 v8, v3  }
0x231: {  	v16 =	vld [tilespmem:s30+$0x1CD30];
	[tilespmem:s26+$0x192B0] =	vst v5;
	v4 =	vmax.f32 v4, $0.0e+00;
	v2 =	vadd.f32 v7, v2  }
0x232: {  	v17 =	vld [tilespmem:s30+$0x1CD40];
	[tilespmem:s26+$0x192C0] =	vst v4;
	v3 =	vmax.f32 v3, $0.0e+00;
	v1 =	vadd.f32 v11, v1  }
0x233: {  	v18 =	vld [tilespmem:s30+$0x1CD50];
	[tilespmem:s26+$0x192D0] =	vst v3;
	v2 =	vmax.f32 v2, $0.0e+00  }
0x234: {  	v19 =	vld [tilespmem:s30+$0x1CD60];
	[tilespmem:s26+$0x192E0] =	vst v2;
	v1 =	vmax.f32 v1, $0.0e+00  }
0x235: {  	v20 =	vld [tilespmem:s30+$0x1CD70];
	[tilespmem:s26+$0x192F0] =	vst v1;
	s26 =	smov.u32 s30  }
0x236: {  	v21 =	vld [tilespmem:s26+$0x1CD80]  }
0x237: {  	v22 =	vld [tilespmem:s26+$0x1CD90]  }
0x238: {  	v23 =	vld [tilespmem:s26+$0x1CDA0]  }
0x239: {  	v24 =	vld [tilespmem:s26+$0x1CDB0]  }
0x23a: {  	v25 =	vld [tilespmem:s26+$0x1CDC0]  }
0x23b: {  	v26 =	vld [tilespmem:s26+$0x1CDD0]  }
0x23c: {  	v27 =	vld [tilespmem:s26+$0x1CDE0]  }
0x23d: {  	v28 =	vld [tilespmem:s26+$0x1CDF0]  }
0x23e: {  	v29 =	vld [tilespmem:s26+$0x1CE00]  }
0x23f: {  	v30 =	vld [tilespmem:s26+$0x1CE10]  }
0x240: {  	v31 =	vld [tilespmem:s26+$0x1CE20]  }
0x241: {  	v32 =	vld [tilespmem:s26+$0x1CE30]  }
0x242: {  	v12 =	vld [tilespmem:s26+$0x1CE40]  }
0x243: {  	v11 =	vld [tilespmem:s26+$0x1CE50]  }
0x244: {  	v10 =	vld [tilespmem:s26+$0x1CE60]  }
0x245: {  	v9 =	vld [tilespmem:s26+$0x1CE70]  }
0x246: {  	v8 =	vld [tilespmem:s26+$0x1CE80]  }
0x247: {  	v7 =	vld [tilespmem:s26+$0x1CE90]  }
0x248: {  	v6 =	vld [tilespmem:s26+$0x1CEA0]  }
0x249: {  	v5 =	vld [tilespmem:s26+$0x1CEB0]  }
0x24a: {  	v4 =	vld [tilespmem:s26+$0x1CEC0]  }
0x24b: {  	v3 =	vld [tilespmem:s26+$0x1CED0]  }
0x24c: {  	v2 =	vld [tilespmem:s26+$0x1CEE0]  }
0x24d: {  	v1 =	vld [tilespmem:s26+$0x1CEF0]  }
0x24e: {  	v33 =	vld [tilespmem:s26+$0x19100]  }
0x24f: {  	v34 =	vld [tilespmem:s26+$0x19110]  }
0x250: {  	v35 =	vld [tilespmem:s26+$0x19120]  }
0x251: {  	v36 =	vld [tilespmem:s26+$0x19130]  }
0x252: {  	v37 =	vld [tilespmem:s26+$0x19140]  }
0x253: {  	v14 =	vadd.f32 v33, v14;
	v33 =	vld [tilespmem:s26+$0x19150]  }
0x254: {  	v13 =	vadd.f32 v34, v13;
	v34 =	vld [tilespmem:s26+$0x19160]  }
0x255: {  	v14 =	vmax.f32 v14, $0.0e+00;
	v15 =	vadd.f32 v35, v15;
	v35 =	vld [tilespmem:s26+$0x19170]  }
0x256: {  	[tilespmem:s26+$0x19100] =	vst v14;
	v13 =	vmax.f32 v13, $0.0e+00;
	v14 =	vadd.f32 v36, v16;
	v16 =	vld [tilespmem:s26+$0x19180]  }
0x257: {  	[tilespmem:s26+$0x19110] =	vst v13;
	v13 =	vmax.f32 v15, $0.0e+00;
	v15 =	vadd.f32 v37, v17;
	v17 =	vld [tilespmem:s26+$0x19190]  }
0x258: {  	[tilespmem:s26+$0x19120] =	vst v13;
	v13 =	vmax.f32 v14, $0.0e+00;
	v14 =	vadd.f32 v33, v18;
	v18 =	vld [tilespmem:s26+$0x191A0]  }
0x259: {  	[tilespmem:s26+$0x19130] =	vst v13;
	v13 =	vmax.f32 v15, $0.0e+00;
	v15 =	vadd.f32 v34, v19;
	v19 =	vld [tilespmem:s26+$0x191B0]  }
0x25a: {  	[tilespmem:s26+$0x19140] =	vst v13;
	v13 =	vmax.f32 v14, $0.0e+00;
	v14 =	vadd.f32 v35, v20;
	v20 =	vld [tilespmem:s26+$0x191C0]  }
0x25b: {  	[tilespmem:s26+$0x19150] =	vst v13;
	v13 =	vmax.f32 v15, $0.0e+00;
	v15 =	vadd.f32 v16, v21;
	v16 =	vld [tilespmem:s26+$0x191D0]  }
0x25c: {  	[tilespmem:s26+$0x19160] =	vst v13;
	v13 =	vmax.f32 v14, $0.0e+00;
	v14 =	vadd.f32 v17, v22;
	v17 =	vld [tilespmem:s26+$0x191E0]  }
0x25d: {  	[tilespmem:s26+$0x19170] =	vst v13;
	v13 =	vmax.f32 v15, $0.0e+00;
	v15 =	vadd.f32 v18, v23;
	v18 =	vld [tilespmem:s26+$0x191F0]  }
0x25e: {  	[tilespmem:s26+$0x19180] =	vst v13;
	v13 =	vmax.f32 v14, $0.0e+00;
	v14 =	vadd.f32 v19, v24;
	v19 =	vld [tilespmem:s26+$0x19200]  }
0x25f: {  	[tilespmem:s26+$0x19190] =	vst v13;
	v13 =	vmax.f32 v15, $0.0e+00;
	v15 =	vadd.f32 v20, v25;
	v20 =	vld [tilespmem:s26+$0x19210]  }
0x260: {  	[tilespmem:s26+$0x191A0] =	vst v13;
	v13 =	vmax.f32 v14, $0.0e+00;
	v14 =	vadd.f32 v16, v26;
	v16 =	vld [tilespmem:s26+$0x19220]  }
0x261: {  	[tilespmem:s26+$0x191B0] =	vst v13;
	v13 =	vmax.f32 v15, $0.0e+00;
	v15 =	vadd.f32 v17, v27;
	v17 =	vld [tilespmem:s26+$0x19230]  }
0x262: {  	[tilespmem:s26+$0x191C0] =	vst v13;
	v13 =	vmax.f32 v14, $0.0e+00;
	v14 =	vadd.f32 v18, v28;
	v18 =	vld [tilespmem:s26+$0x19240]  }
0x263: {  	[tilespmem:s26+$0x191D0] =	vst v13;
	v13 =	vmax.f32 v15, $0.0e+00;
	v15 =	vadd.f32 v19, v29;
	v19 =	vld [tilespmem:s26+$0x19250]  }
0x264: {  	[tilespmem:s26+$0x191E0] =	vst v13;
	v13 =	vmax.f32 v14, $0.0e+00;
	v14 =	vadd.f32 v20, v30;
	v20 =	vld [tilespmem:s26+$0x19260]  }
0x265: {  	[tilespmem:s26+$0x191F0] =	vst v13;
	v13 =	vmax.f32 v15, $0.0e+00;
	v15 =	vadd.f32 v16, v31;
	v16 =	vld [tilespmem:s26+$0x19270]  }
0x266: {  	[tilespmem:s26+$0x19200] =	vst v13;
	v13 =	vmax.f32 v14, $0.0e+00;
	v14 =	vadd.f32 v17, v32;
	v17 =	vld [tilespmem:s26+$0x19280]  }
0x267: {  	[tilespmem:s26+$0x19210] =	vst v13;
	v13 =	vmax.f32 v15, $0.0e+00;
	v12 =	vadd.f32 v18, v12;
	v15 =	vld [tilespmem:s26+$0x19290]  }
.Ltmp3:
0x268: {  	[tilespmem:s26+$0x19220] =	vst v13;
	v13 =	vmax.f32 v14, $0.0e+00;
	v14 =	vadd.f32 v19, v11;
	v11 =	vld [tilespmem:s26+$0x192A0];
	(pc) =	sbr.rel @p1 .LBB2_9-.Ltmp3, $4  }
0x269: {  	[tilespmem:s26+$0x19230] =	vst v13;
	v12 =	vmax.f32 v12, $0.0e+00;
	v13 =	vadd.f32 v20, v10;
	v10 =	vld [tilespmem:s26+$0x192B0]  }
0x26a: {  	[tilespmem:s26+$0x19240] =	vst v12;
	v12 =	vmax.f32 v14, $0.0e+00;
	v14 =	vadd.f32 v16, v9;
	v9 =	vld [tilespmem:s26+$0x192C0]  }
0x26b: {  	[tilespmem:s26+$0x19250] =	vst v12;
	v12 =	vmax.f32 v13, $0.0e+00;
	v13 =	vadd.f32 v17, v8;
	v8 =	vld [tilespmem:s26+$0x192D0]  }
0x26c: {  	s29 =	sadd.s32 $0x800, s29;
	[tilespmem:s26+$0x19260] =	vst v12;
	v14 =	vmax.f32 v14, $0.0e+00;
	v12 =	vadd.f32 v15, v7;
	v7 =	vld [tilespmem:s26+$0x192E0]  }
0x26d: {  	[tilespmem:s26+$0x19270] =	vst v14;
	v13 =	vmax.f32 v13, $0.0e+00;
	v6 =	vadd.f32 v11, v6;
	v11 =	vld [tilespmem:s26+$0x192F0]  }
0x26e: {  	[tilespmem:s26+$0x19280] =	vst v13;
	v12 =	vmax.f32 v12, $0.0e+00;
	v5 =	vadd.f32 v10, v5  }
0x26f: {  	[tilespmem:s26+$0x19290] =	vst v12;
	v6 =	vmax.f32 v6, $0.0e+00;
	v4 =	vadd.f32 v9, v4  }
0x270: {  	[tilespmem:s26+$0x192A0] =	vst v6;
	v5 =	vmax.f32 v5, $0.0e+00;
	v3 =	vadd.f32 v8, v3  }
0x271: {  	[tilespmem:s26+$0x192B0] =	vst v5;
	v4 =	vmax.f32 v4, $0.0e+00;
	v2 =	vadd.f32 v7, v2  }
0x272: {  	[tilespmem:s26+$0x192C0] =	vst v4;
	v3 =	vmax.f32 v3, $0.0e+00;
	v1 =	vadd.f32 v11, v1  }
0x273: {  	[tilespmem:s26+$0x192D0] =	vst v3;
	v2 =	vmax.f32 v2, $0.0e+00  }
0x274: {  	[tilespmem:s26+$0x192E0] =	vst v2;
	v1 =	vmax.f32 v1, $0.0e+00  }
0x275: {  	[tilespmem:s26+$0x192F0] =	vst v1  }
0x276: {  	_ =	swait.ge [sflag:s7], $0x1400  }
0x277: {  	[sflag:s7] =	ssyncset.done $0x0  }
0x278: {  	s30 =	sadd.s32 $0x14050, s6;
	s26 =	simm.s32 @!p0 $0x2;
	[sflag:s7] =	ssyncadd.s32 $0xFFFFEC00  }
0x279: {  	[spmem:s5] =	stream.indirect.scatter.add.f32 [tilespmem:s8], [sflag:$0xC], $0x80, s30, s25, $0xb8;
	[tilespmem:$0x1F100] =	vst v63  }
0x27a: {  	_ =	swait.ge @!p0 [sflag:s26], $0x28  }
0x27b: {  	s10 =	sshll.u32 @!p0 s10, $0x4;
	s29 =	simm.s32 @!p0 $0x17D00;
	[sflag:s26] =	ssyncset.done @!p0 $0x0  }
0x27c: {  	s10 =	sadd.s32 @!p0 s3, s10;
	[sflag:s26] =	ssyncadd.s32 @!p0 $0xFFFFFFD8;
	s26 =	simm.s32 @!p0 $0x0  }
0x27d: {  	[tilespmem:s29], [sflag:$0x5] =	stream.linear.gather @!p0 [hbm4b:s10+s26], $0x1400, $0x38;
	[tilespmem:$0x1F100] =	vst v63  }
0x27e: {  	s30 =	simm.s32 @!p0 $0x1B900;
	s10 =	simm.s32 @!p0 $0x28;
	s29 =	simm.s32 @!p0 $0x16800  }
0x27f: {  	[tilespmem:s30], [sflag:$0x8] =	stream.indirect.gather @!p0 [hbm4b:s0+s10], $0x80, s29, s10, $0xb8;
	[tilespmem:$0x1F100] =	vst v63  }
0x280: {  	s10 =	sadd.s32 @!p0 s15, s23  }
0x281: {  	s10 =	sshrl.u32 @!p0 s10, $0x3  }
0x282: {  	s15 =	simm.s32 @!p0 $0x16880;
	s10 =	sadd.s32 @!p0 s1, s10  }
0x283: {  	[tilespmem:s15], [sflag:$0x3] =	stream.linear.gather @!p0 [hbm4b:s10+s26], $0x28, $0x38;
	[tilespmem:$0x1F100] =	vst v63  }
0x284: {  	_ =	swait.ge [sflag:s31], $0x1400  }
0x285: {  	[sflag:s31] =	ssyncset.done $0x0  }
0x286: {  	[sflag:s31] =	ssyncadd.s32 $0xFFFFEC00  }
0x287: {  	_ =	swait.ge [sflag:s4], $0x1400  }
0x288: {  	[sflag:s4] =	ssyncset.done $0x0  }
0x289: {  	s10 =	simm.s32 $0x0;
	[sflag:s4] =	ssyncadd.s32 $0xFFFFEC00  }
0x28a: {  	v7 =	vld [tilespmem:s10+$0x1A500]  }
0x28b: {  	v8 =	vld [tilespmem:s10+$0x1A510]  }
0x28c: {  	v9 =	vld [tilespmem:s10+$0x1A520]  }
0x28d: {  	v10 =	vld [tilespmem:s10+$0x1A530]  }
0x28e: {  	v11 =	vld [tilespmem:s10+$0x1A540]  }
0x28f: {  	v12 =	vld [tilespmem:s10+$0x1A550]  }
0x290: {  	v13 =	vld [tilespmem:s10+$0x1A560]  }
0x291: {  	v14 =	vld [tilespmem:s10+$0x1A570]  }
0x292: {  	v15 =	vld [tilespmem:s10+$0x1A580]  }
0x293: {  	v16 =	vld [tilespmem:s10+$0x1A590]  }
0x294: {  	v17 =	vld [tilespmem:s10+$0x1A5A0]  }
0x295: {  	v18 =	vld [tilespmem:s10+$0x1A5B0]  }
0x296: {  	v19 =	vld [tilespmem:s10+$0x1A5C0]  }
0x297: {  	v20 =	vld [tilespmem:s10+$0x1A5D0]  }
0x298: {  	v21 =	vld [tilespmem:s10+$0x1A5E0]  }
0x299: {  	v22 =	vld [tilespmem:s10+$0x1A5F0]  }
0x29a: {  	v23 =	vld [tilespmem:s10+$0x1A600]  }
0x29b: {  	v24 =	vld [tilespmem:s10+$0x1A610]  }
0x29c: {  	v25 =	vld [tilespmem:s10+$0x1A620]  }
0x29d: {  	v26 =	vld [tilespmem:s10+$0x1A630]  }
0x29e: {  	v27 =	vld [tilespmem:s10+$0x1A640]  }
0x29f: {  	v33 =	vld [tilespmem:s10+$0x16900]  }
0x2a0: {  	v28 =	vld [tilespmem:s10+$0x1A650]  }
0x2a1: {  	v34 =	vld [tilespmem:s10+$0x16910]  }
0x2a2: {  	v35 =	vld [tilespmem:s10+$0x16920]  }
0x2a3: {  	v29 =	vld [tilespmem:s10+$0x1A660]  }
0x2a4: {  	v36 =	vld [tilespmem:s10+$0x16930];
	v7 =	vadd.f32 v33, v7  }
0x2a5: {  	v37 =	vld [tilespmem:s10+$0x16940]  }
0x2a6: {  	v30 =	vld [tilespmem:s10+$0x1A670];
	v8 =	vadd.f32 v34, v8;
	v7 =	vmax.f32 v7, $0.0e+00  }
0x2a7: {  	v61 =	vld [tilespmem:s10+$0x16950];
	[tilespmem:s10+$0x16900] =	vst v7;
	v7 =	vadd.f32 v35, v9  }
0x2a8: {  	v38 =	vld [tilespmem:s10+$0x16960];
	v8 =	vmax.f32 v8, $0.0e+00  }
0x2a9: {  	v31 =	vld [tilespmem:s10+$0x1A680];
	[tilespmem:s10+$0x16910] =	vst v8;
	v8 =	vadd.f32 v36, v10;
	v7 =	vmax.f32 v7, $0.0e+00  }
0x2aa: {  	v62 =	vld [tilespmem:s10+$0x16970];
	[tilespmem:s10+$0x16920] =	vst v7;
	v7 =	vadd.f32 v37, v11  }
0x2ab: {  	v9 =	vld [tilespmem:s10+$0x16980];
	v8 =	vmax.f32 v8, $0.0e+00  }
0x2ac: {  	v32 =	vld [tilespmem:s10+$0x1A690];
	[tilespmem:s10+$0x16930] =	vst v8;
	v8 =	vadd.f32 v61, v12;
	v7 =	vmax.f32 v7, $0.0e+00  }
0x2ad: {  	v10 =	vld [tilespmem:s10+$0x16990];
	[tilespmem:s10+$0x16940] =	vst v7;
	v7 =	vadd.f32 v38, v13  }
0x2ae: {  	v11 =	vld [tilespmem:s10+$0x169A0];
	v8 =	vmax.f32 v8, $0.0e+00  }
0x2af: {  	v6 =	vld [tilespmem:s10+$0x1A6A0];
	[tilespmem:s10+$0x16950] =	vst v8;
	v8 =	vadd.f32 v62, v14;
	v7 =	vmax.f32 v7, $0.0e+00  }
0x2b0: {  	v12 =	vld [tilespmem:s10+$0x169B0];
	[tilespmem:s10+$0x16960] =	vst v7;
	v7 =	vadd.f32 v9, v15  }
0x2b1: {  	v13 =	vld [tilespmem:s10+$0x169C0];
	v8 =	vmax.f32 v8, $0.0e+00  }
0x2b2: {  	v5 =	vld [tilespmem:s10+$0x1A6B0];
	[tilespmem:s10+$0x16970] =	vst v8;
	v8 =	vadd.f32 v10, v16;
	v7 =	vmax.f32 v7, $0.0e+00  }
0x2b3: {  	v14 =	vld [tilespmem:s10+$0x169D0];
	[tilespmem:s10+$0x16980] =	vst v7;
	v7 =	vadd.f32 v11, v17  }
0x2b4: {  	v9 =	vld [tilespmem:s10+$0x169E0];
	v8 =	vmax.f32 v8, $0.0e+00  }
0x2b5: {  	v4 =	vld [tilespmem:s10+$0x1A6C0];
	[tilespmem:s10+$0x16990] =	vst v8;
	v8 =	vadd.f32 v12, v18;
	v7 =	vmax.f32 v7, $0.0e+00  }
0x2b6: {  	v10 =	vld [tilespmem:s10+$0x169F0];
	[tilespmem:s10+$0x169A0] =	vst v7;
	v7 =	vadd.f32 v13, v19  }
0x2b7: {  	v11 =	vld [tilespmem:s10+$0x16A00];
	v8 =	vmax.f32 v8, $0.0e+00  }
0x2b8: {  	v3 =	vld [tilespmem:s10+$0x1A6D0];
	[tilespmem:s10+$0x169B0] =	vst v8;
	v8 =	vadd.f32 v14, v20;
	v7 =	vmax.f32 v7, $0.0e+00  }
0x2b9: {  	v12 =	vld [tilespmem:s10+$0x16A10];
	[tilespmem:s10+$0x169C0] =	vst v7;
	v7 =	vadd.f32 v9, v21  }
0x2ba: {  	v13 =	vld [tilespmem:s10+$0x16A20];
	v8 =	vmax.f32 v8, $0.0e+00  }
0x2bb: {  	v2 =	vld [tilespmem:s10+$0x1A6E0];
	[tilespmem:s10+$0x169D0] =	vst v8;
	v8 =	vadd.f32 v10, v22;
	v7 =	vmax.f32 v7, $0.0e+00  }
0x2bc: {  	v14 =	vld [tilespmem:s10+$0x16A30];
	[tilespmem:s10+$0x169E0] =	vst v7;
	v7 =	vadd.f32 v11, v23  }
0x2bd: {  	v9 =	vld [tilespmem:s10+$0x16A40];
	v8 =	vmax.f32 v8, $0.0e+00  }
0x2be: {  	v1 =	vld [tilespmem:s10+$0x1A6F0];
	[tilespmem:s10+$0x169F0] =	vst v8;
	v8 =	vadd.f32 v12, v24;
	v7 =	vmax.f32 v7, $0.0e+00  }
0x2bf: {  	v10 =	vld [tilespmem:s10+$0x16A50];
	[tilespmem:s10+$0x16A00] =	vst v7;
	v7 =	vadd.f32 v13, v25  }
0x2c0: {  	v15 =	vld [tilespmem:s10+$0x16A60];
	v8 =	vmax.f32 v8, $0.0e+00  }
0x2c1: {  	v12 =	vld [tilespmem:s10+$0x16A70];
	[tilespmem:s10+$0x16A10] =	vst v8;
	v8 =	vadd.f32 v14, v26;
	v7 =	vmax.f32 v7, $0.0e+00  }
0x2c2: {  	v13 =	vld [tilespmem:s10+$0x16A80];
	[tilespmem:s10+$0x16A20] =	vst v7;
	v7 =	vadd.f32 v9, v27  }
0x2c3: {  	v63 =	vld [tilespmem:s10+$0x16A90];
	v8 =	vmax.f32 v8, $0.0e+00  }
0x2c4: {  	v11 =	vld [tilespmem:s10+$0x16AA0];
	[tilespmem:s10+$0x16A30] =	vst v8;
	v8 =	vadd.f32 v10, v28;
	v7 =	vmax.f32 v7, $0.0e+00  }
0x2c5: {  	v10 =	vld [tilespmem:s10+$0x16AB0];
	[tilespmem:s10+$0x16A40] =	vst v7;
	v7 =	vadd.f32 v15, v29  }
0x2c6: {  	v12 =	vadd.f32 v12, v30;
	v9 =	vld [tilespmem:s10+$0x16AC0];
	v8 =	vmax.f32 v8, $0.0e+00  }
0x2c7: {  	v13 =	vadd.f32 v13, v31;
	[tilespmem:s10+$0x16A50] =	vst v8;
	v8 =	vld [tilespmem:s10+$0x16AD0];
	v7 =	vmax.f32 v7, $0.0e+00  }
0x2c8: {  	s15 =	simm.s32 $0x800;
	v14 =	vmax.f32 v12, $0.0e+00;
	v12 =	vadd.f32 v63, v32;
	[tilespmem:s10+$0x16A60] =	vst v7;
	v7 =	vld [tilespmem:s10+$0x16AE0]  }
.LBB2_11:
0x2c9: {  	s26 =	sshra.s32 s15, $0x2;
	p0 =	sne.s32 s15, $0x4800;
	[tilespmem:s10+$0x16A70] =	vst v14;
	v13 =	vmax.f32 v13, $0.0e+00;
	v6 =	vadd.f32 v11, v6;
	v11 =	vld [tilespmem:s10+$0x16AF0]  }
0x2ca: {  	v14 =	vld [tilespmem:s26+$0x1A500];
	[tilespmem:s10+$0x16A80] =	vst v13;
	v12 =	vmax.f32 v12, $0.0e+00;
	v5 =	vadd.f32 v10, v5  }
0x2cb: {  	v13 =	vld [tilespmem:s26+$0x1A510];
	[tilespmem:s10+$0x16A90] =	vst v12;
	v6 =	vmax.f32 v6, $0.0e+00;
	v4 =	vadd.f32 v9, v4  }
0x2cc: {  	v15 =	vld [tilespmem:s26+$0x1A520];
	[tilespmem:s10+$0x16AA0] =	vst v6;
	v5 =	vmax.f32 v5, $0.0e+00;
	v3 =	vadd.f32 v8, v3  }
0x2cd: {  	v16 =	vld [tilespmem:s26+$0x1A530];
	[tilespmem:s10+$0x16AB0] =	vst v5;
	v4 =	vmax.f32 v4, $0.0e+00;
	v2 =	vadd.f32 v7, v2  }
0x2ce: {  	v17 =	vld [tilespmem:s26+$0x1A540];
	[tilespmem:s10+$0x16AC0] =	vst v4;
	v3 =	vmax.f32 v3, $0.0e+00;
	v1 =	vadd.f32 v11, v1  }
0x2cf: {  	v18 =	vld [tilespmem:s26+$0x1A550];
	[tilespmem:s10+$0x16AD0] =	vst v3;
	v2 =	vmax.f32 v2, $0.0e+00  }
0x2d0: {  	v19 =	vld [tilespmem:s26+$0x1A560];
	[tilespmem:s10+$0x16AE0] =	vst v2;
	v1 =	vmax.f32 v1, $0.0e+00  }
0x2d1: {  	v20 =	vld [tilespmem:s26+$0x1A570];
	[tilespmem:s10+$0x16AF0] =	vst v1;
	s10 =	smov.u32 s26  }
0x2d2: {  	v21 =	vld [tilespmem:s10+$0x1A580]  }
0x2d3: {  	v22 =	vld [tilespmem:s10+$0x1A590]  }
0x2d4: {  	v23 =	vld [tilespmem:s10+$0x1A5A0]  }
0x2d5: {  	v24 =	vld [tilespmem:s10+$0x1A5B0]  }
0x2d6: {  	v25 =	vld [tilespmem:s10+$0x1A5C0]  }
0x2d7: {  	v26 =	vld [tilespmem:s10+$0x1A5D0]  }
0x2d8: {  	v27 =	vld [tilespmem:s10+$0x1A5E0]  }
0x2d9: {  	v28 =	vld [tilespmem:s10+$0x1A5F0]  }
0x2da: {  	v29 =	vld [tilespmem:s10+$0x1A600]  }
0x2db: {  	v30 =	vld [tilespmem:s10+$0x1A610]  }
0x2dc: {  	v31 =	vld [tilespmem:s10+$0x1A620]  }
0x2dd: {  	v32 =	vld [tilespmem:s10+$0x1A630]  }
0x2de: {  	v12 =	vld [tilespmem:s10+$0x1A640]  }
0x2df: {  	v11 =	vld [tilespmem:s10+$0x1A650]  }
0x2e0: {  	v10 =	vld [tilespmem:s10+$0x1A660]  }
0x2e1: {  	v9 =	vld [tilespmem:s10+$0x1A670]  }
0x2e2: {  	v8 =	vld [tilespmem:s10+$0x1A680]  }
0x2e3: {  	v7 =	vld [tilespmem:s10+$0x1A690]  }
0x2e4: {  	v6 =	vld [tilespmem:s10+$0x1A6A0]  }
0x2e5: {  	v5 =	vld [tilespmem:s10+$0x1A6B0]  }
0x2e6: {  	v4 =	vld [tilespmem:s10+$0x1A6C0]  }
0x2e7: {  	v3 =	vld [tilespmem:s10+$0x1A6D0]  }
0x2e8: {  	v2 =	vld [tilespmem:s10+$0x1A6E0]  }
0x2e9: {  	v1 =	vld [tilespmem:s10+$0x1A6F0]  }
0x2ea: {  	v33 =	vld [tilespmem:s10+$0x16900]  }
0x2eb: {  	v34 =	vld [tilespmem:s10+$0x16910]  }
0x2ec: {  	v35 =	vld [tilespmem:s10+$0x16920]  }
0x2ed: {  	v36 =	vld [tilespmem:s10+$0x16930]  }
0x2ee: {  	v37 =	vld [tilespmem:s10+$0x16940]  }
0x2ef: {  	v14 =	vadd.f32 v33, v14;
	v33 =	vld [tilespmem:s10+$0x16950]  }
0x2f0: {  	v13 =	vadd.f32 v34, v13;
	v34 =	vld [tilespmem:s10+$0x16960]  }
0x2f1: {  	v14 =	vmax.f32 v14, $0.0e+00;
	v15 =	vadd.f32 v35, v15;
	v35 =	vld [tilespmem:s10+$0x16970]  }
0x2f2: {  	[tilespmem:s10+$0x16900] =	vst v14;
	v13 =	vmax.f32 v13, $0.0e+00;
	v14 =	vadd.f32 v36, v16;
	v16 =	vld [tilespmem:s10+$0x16980]  }
0x2f3: {  	[tilespmem:s10+$0x16910] =	vst v13;
	v13 =	vmax.f32 v15, $0.0e+00;
	v15 =	vadd.f32 v37, v17;
	v17 =	vld [tilespmem:s10+$0x16990]  }
0x2f4: {  	[tilespmem:s10+$0x16920] =	vst v13;
	v13 =	vmax.f32 v14, $0.0e+00;
	v14 =	vadd.f32 v33, v18;
	v18 =	vld [tilespmem:s10+$0x169A0]  }
0x2f5: {  	[tilespmem:s10+$0x16930] =	vst v13;
	v13 =	vmax.f32 v15, $0.0e+00;
	v15 =	vadd.f32 v34, v19;
	v19 =	vld [tilespmem:s10+$0x169B0]  }
0x2f6: {  	[tilespmem:s10+$0x16940] =	vst v13;
	v13 =	vmax.f32 v14, $0.0e+00;
	v14 =	vadd.f32 v35, v20;
	v20 =	vld [tilespmem:s10+$0x169C0]  }
0x2f7: {  	[tilespmem:s10+$0x16950] =	vst v13;
	v13 =	vmax.f32 v15, $0.0e+00;
	v15 =	vadd.f32 v16, v21;
	v16 =	vld [tilespmem:s10+$0x169D0]  }
0x2f8: {  	[tilespmem:s10+$0x16960] =	vst v13;
	v13 =	vmax.f32 v14, $0.0e+00;
	v14 =	vadd.f32 v17, v22;
	v17 =	vld [tilespmem:s10+$0x169E0]  }
0x2f9: {  	[tilespmem:s10+$0x16970] =	vst v13;
	v13 =	vmax.f32 v15, $0.0e+00;
	v15 =	vadd.f32 v18, v23;
	v18 =	vld [tilespmem:s10+$0x169F0]  }
0x2fa: {  	[tilespmem:s10+$0x16980] =	vst v13;
	v13 =	vmax.f32 v14, $0.0e+00;
	v14 =	vadd.f32 v19, v24;
	v19 =	vld [tilespmem:s10+$0x16A00]  }
0x2fb: {  	[tilespmem:s10+$0x16990] =	vst v13;
	v13 =	vmax.f32 v15, $0.0e+00;
	v15 =	vadd.f32 v20, v25;
	v20 =	vld [tilespmem:s10+$0x16A10]  }
0x2fc: {  	[tilespmem:s10+$0x169A0] =	vst v13;
	v13 =	vmax.f32 v14, $0.0e+00;
	v14 =	vadd.f32 v16, v26;
	v16 =	vld [tilespmem:s10+$0x16A20]  }
0x2fd: {  	[tilespmem:s10+$0x169B0] =	vst v13;
	v13 =	vmax.f32 v15, $0.0e+00;
	v15 =	vadd.f32 v17, v27;
	v17 =	vld [tilespmem:s10+$0x16A30]  }
0x2fe: {  	[tilespmem:s10+$0x169C0] =	vst v13;
	v13 =	vmax.f32 v14, $0.0e+00;
	v14 =	vadd.f32 v18, v28;
	v18 =	vld [tilespmem:s10+$0x16A40]  }
0x2ff: {  	[tilespmem:s10+$0x169D0] =	vst v13;
	v13 =	vmax.f32 v15, $0.0e+00;
	v15 =	vadd.f32 v19, v29;
	v19 =	vld [tilespmem:s10+$0x16A50]  }
0x300: {  	[tilespmem:s10+$0x169E0] =	vst v13;
	v13 =	vmax.f32 v14, $0.0e+00;
	v14 =	vadd.f32 v20, v30;
	v20 =	vld [tilespmem:s10+$0x16A60]  }
0x301: {  	[tilespmem:s10+$0x169F0] =	vst v13;
	v13 =	vmax.f32 v15, $0.0e+00;
	v15 =	vadd.f32 v16, v31;
	v16 =	vld [tilespmem:s10+$0x16A70]  }
0x302: {  	[tilespmem:s10+$0x16A00] =	vst v13;
	v13 =	vmax.f32 v14, $0.0e+00;
	v14 =	vadd.f32 v17, v32;
	v17 =	vld [tilespmem:s10+$0x16A80]  }
0x303: {  	[tilespmem:s10+$0x16A10] =	vst v13;
	v13 =	vmax.f32 v15, $0.0e+00;
	v12 =	vadd.f32 v18, v12;
	v15 =	vld [tilespmem:s10+$0x16A90]  }
.Ltmp4:
0x304: {  	[tilespmem:s10+$0x16A20] =	vst v13;
	v13 =	vmax.f32 v14, $0.0e+00;
	v14 =	vadd.f32 v19, v11;
	v11 =	vld [tilespmem:s10+$0x16AA0];
	(pc) =	sbr.rel @p0 .LBB2_11-.Ltmp4, $4  }
0x305: {  	[tilespmem:s10+$0x16A30] =	vst v13;
	v12 =	vmax.f32 v12, $0.0e+00;
	v13 =	vadd.f32 v20, v10;
	v10 =	vld [tilespmem:s10+$0x16AB0]  }
0x306: {  	[tilespmem:s10+$0x16A40] =	vst v12;
	v12 =	vmax.f32 v14, $0.0e+00;
	v14 =	vadd.f32 v16, v9;
	v9 =	vld [tilespmem:s10+$0x16AC0]  }
0x307: {  	[tilespmem:s10+$0x16A50] =	vst v12;
	v12 =	vmax.f32 v13, $0.0e+00;
	v13 =	vadd.f32 v17, v8;
	v8 =	vld [tilespmem:s10+$0x16AD0]  }
0x308: {  	s15 =	sadd.s32 $0x800, s15;
	[tilespmem:s10+$0x16A60] =	vst v12;
	v14 =	vmax.f32 v14, $0.0e+00;
	v12 =	vadd.f32 v15, v7;
	v7 =	vld [tilespmem:s10+$0x16AE0]  }
0x309: {  	[tilespmem:s10+$0x16A70] =	vst v14;
	v13 =	vmax.f32 v13, $0.0e+00;
	v6 =	vadd.f32 v11, v6;
	v63 =	vld [tilespmem:s10+$0x16AF0]  }
0x30a: {  	[tilespmem:s10+$0x16A80] =	vst v13;
	v12 =	vmax.f32 v12, $0.0e+00;
	v5 =	vadd.f32 v10, v5  }
0x30b: {  	[tilespmem:s10+$0x16A90] =	vst v12;
	v6 =	vmax.f32 v6, $0.0e+00;
	v4 =	vadd.f32 v9, v4  }
0x30c: {  	[tilespmem:s10+$0x16AA0] =	vst v6;
	v5 =	vmax.f32 v5, $0.0e+00;
	v3 =	vadd.f32 v8, v3  }
0x30d: {  	[tilespmem:s10+$0x16AB0] =	vst v5;
	v4 =	vmax.f32 v4, $0.0e+00;
	v2 =	vadd.f32 v7, v2  }
0x30e: {  	[tilespmem:s10+$0x16AC0] =	vst v4;
	v3 =	vmax.f32 v3, $0.0e+00;
	v1 =	vadd.f32 v63, v1  }
0x30f: {  	s9 =	sadd.s32 $0x1, s9;
	[tilespmem:s10+$0x16AD0] =	vst v3;
	v2 =	vmax.f32 v2, $0.0e+00  }
0x310: {  	p0 =	sne.s32 s9, $0x53;
	[tilespmem:s10+$0x16AE0] =	vst v2;
	v1 =	vmax.f32 v1, $0.0e+00  }
.Ltmp5:
0x311: {  	[tilespmem:s10+$0x16AF0] =	vst v1;
	(pc) =	sbr.rel @p0 .LBB2_6-.Ltmp5, $4  }
0x312: {  	_ =	swait.ge [sflag:s28], $0x1400  }
0x313: {  	[sflag:s28] =	ssyncset.done $0x0  }
0x314: {  	s6 =	sadd.s32 $0x14078, s6;
	[sflag:s28] =	ssyncadd.s32 $0xFFFFEC00  }
0x315: {  	[spmem:s5] =	stream.indirect.scatter.add.f32 [tilespmem:s24], [sflag:$0xA], $0x80, s6, s25, $0xb8;
	[tilespmem:$0x1F100] =	vst v63  }
0x316: {  	_ =	swait.ge [sflag:s18], $0x1400  }
0x317: {  	[sflag:s18] =	ssyncset.done $0x0  }
0x318: {  	[sflag:s18] =	ssyncadd.s32 $0xFFFFEC00  }
0x319: {  	s6 =	stileid.u32;
	[bflag:$0x0] =	sbarrier.arrive $0xFFFF  }
0x31a: {  	s20 =	simm.s32 $0xD;
	s6 =	sshll.u32 s6, $0x6;
	s10 =	rddreg [dreg:$0x8]  }
0x31b: {  	s6 =	sor.u32 $0x1C0D, s6;
	s15 =	rddreg [dreg:$0x13];
	s9 =	sshrl.u32 s10, $0x3  }
0x31c: {  	[hbm:s15], [sflag:s6] =	dma.local [spmem:s9], $0x2800  }
0x31d: {  	_ =	swait.ge [sflag:s20], $0x2800  }
0x31e: {  	s29 =	sld [smem:$0x7FB];
	_ =	sdelay $0x2  }
0x31f: {  	s30 =	rddreg [dreg:$0x14];
	s9 =	sadd.s32 $0x1, s29  }
0x320: {  	p0 =	sne.s32 s9, s30  }
.Ltmp6:
0x321: {  	_ = 	snop;
	(pc) =	sbr.rel @p0 .LBB2_1-.Ltmp6, $3  }
0x322: {  	_ =	sdelay $0x1  }
0x323: {  	[sflag:s20] =	ssyncset.done $0x0  }
0x324: {  	s15 =	simm.s32 $0x14000;
	[sflag:s20] =	ssyncadd.s32 $0xFFFFD800  }
0x325: {  	_ =	sfence.sel $0x180000  }
0x326: {  	[bflag:$0x0] =	sbarrier.arrive $0xFFFF  }
0x327: {  	_ =	strace $0x90000047  }
0x328: {  	s0 =	stileid.u32;
	[bflag:$0x2] =	sbarrier.arrive $0xFFFF  }
0x329: {  	p0 =	sne.s32 s0, $0x0;
	s0 =	rddreg [dreg:$0x5]  }
0x32a: {  	s0 =	sadd.s32 @!p0 $0x100000, s0  }
0x32b: {  	[sflag:s0] =	ssyncadd.tile.s32 @!p0 $0x1;
	_ =	shalt  }
.Lfunc_end2:
_tile_overlayer_lowered:
.L_overlay_start_2:
0x32c: {  	(tag) =	ssettag $0x2  }
0x32d: {  	s0 =	rddreg [dreg:$0x0];
	s2 =	stileid.u32  }
0x32e: {  	s1 =	rddreg [dreg:$0x1];
	p0 =	sne.s32 s2, $0x0  }
0x32f: {  	s3 =	rddreg [dreg:$0x2];
	[bflag:$0x3] =	sbarrier.arrive $0xFFFF;
	s2 =	simm.s32 @!p0 $0x1C0D  }
0x330: {  	[timem:s3], [sflag:s2] =	dma.local @!p0 [hbm:s0], s1  }
0x331: {  	s0 =	simm.s32 @!p0 $0xD  }
0x332: {  	_ =	swait.ge @!p0 [sflag:s0], s1  }
0x333: {  	s1 =	ssub.s32 @!p0 $0x0, s1;
	[sflag:s0] =	ssyncset.done @!p0 $0x0  }
0x334: {  	[sflag:s0] =	ssyncadd.s32 @!p0 s1  }
0x335: {  	[bflag:$0x3] =	sbarrier.arrive $0xFFFF  }
0x336: {  	_ =	shalt  }

</sc_bundles>
